<compile_context>
chip_gen: v7x
topology: tpu7x:2x2x1
jax: 0.10.2.dev20260603
libtpu: 0.0.44.dev20260713+nightly
codegen_flags: <defaults>
</compile_context>

<pallas_src>
import functools

import jax
import jax.numpy as jnp
from jax import lax
from jax.experimental import pallas as pl
from jax.experimental.pallas import tpu as pltpu
from jax.experimental.pallas import tpu_sc as plsc

NC = 2
NS = 16
L = 16
NW = NC * NS
IDX_CHUNK = 128
OUT_BLK = 184
N_OBLKS = 17
W_ROWS = OUT_BLK * N_OBLKS


def _sc_decode(table, idx3, latent, slope1):
    V, D = table.shape
    n_chunks = idx3.shape[1]
    b_per_w = n_chunks * IDX_CHUNK
    B = NW * b_per_w
    sg_total = V // 8
    mesh = plsc.VectorSubcoreMesh(core_axis_name="c", subcore_axis_name="s")

    @functools.partial(
        pl.kernel,
        mesh=mesh,
        compiler_params=pltpu.CompilerParams(needs_layout_passes=False),
        out_type=(
            jax.ShapeDtypeStruct((B, D), jnp.float32),
            jax.ShapeDtypeStruct((V, D), jnp.float32),
        ),
        scratch_types=[
            pltpu.VMEM((n_chunks, IDX_CHUNK), jnp.int32),
            pltpu.VMEM((b_per_w, D), jnp.float32),
            pltpu.VMEM((D,), jnp.float32),
            pltpu.VMEM((W_ROWS,), jnp.float32),
            pltpu.VMEM((2, OUT_BLK, D), jnp.float32),
            pltpu.SemaphoreType.DMA,
            pltpu.SemaphoreType.DMA,
            pltpu.SemaphoreType.DMA,
            pltpu.SemaphoreType.DMA,
        ],
    )
    def k(table_hbm, idx_hbm, latent_hbm, slope_hbm, height_hbm, overall_hbm,
          idx_v, rows_v, lat_v, slope_v, obuf_v, gsem, wsem0, wsem1, ssem):
        wid = lax.axis_index("s") * NC + lax.axis_index("c")
        hbase = wid * b_per_w
        obase = pl.multiple_of(((wid * sg_total) // NW) * 8, 8)
        pltpu.sync_copy(idx_hbm.at[wid], idx_v)
        gathers = [
            pltpu.async_copy(
                table_hbm.at[idx_v.at[t]],
                rows_v.at[pl.ds(t * IDX_CHUNK, IDX_CHUNK)],
                gsem,
            )
            for t in range(n_chunks)
        ]
        lcopy = pltpu.async_copy(latent_hbm, lat_v, ssem)
        scopy = pltpu.async_copy(slope_hbm.at[pl.ds(obase, W_ROWS)], slope_v,
                                 ssem)
        lcopy.wait()
        scopy.wait()
        lat = [lat_v[pl.ds(j * L, L)] for j in range(D // L)]

        wsems = (wsem0, wsem1)
        pending = [None, None]
        for blk in range(N_OBLKS):
            par = blk % 2
            if pending[par] is not None:
                pending[par].wait()

            @plsc.parallel_loop(0, OUT_BLK, unroll=4)
            def obody(i, _blk=blk, _par=par):
                bi = jnp.broadcast_to(_blk * OUT_BLK + i, (L,))
                s = plsc.load_gather(slope_v, [bi])
                for j in range(D // L):
                    obuf_v[_par, i, pl.ds(j * L, L)] = s * lat[j]

            pending[par] = pltpu.async_copy(
                obuf_v.at[par],
                overall_hbm.at[pl.ds(obase + blk * OUT_BLK, OUT_BLK)],
                wsems[par],
            )

        for g in gathers:
            g.wait()

        @plsc.parallel_loop(0, b_per_w, unroll=4)
        def sbody(i):
            for j in range(D // L):
                rows_v[i, pl.ds(j * L, L)] = rows_v[i, pl.ds(j * L, L)] * lat[j]

        pltpu.sync_copy(rows_v, height_hbm.at[pl.ds(hbase, b_per_w)])
        for p in pending:
            if p is not None:
                p.wait()

    return k(table, idx3, latent, slope1)


def kernel(latent, genes_oi, height_slope_weight, overall_slope_weight):
    B = genes_oi.shape[0]
    V, _, D = height_slope_weight.shape
    n_chunks = B // (NW * IDX_CHUNK)
    gathered, overall = _sc_decode(
        height_slope_weight.reshape(V, D),
        genes_oi.reshape(NW, n_chunks, IDX_CHUNK),
        latent,
        overall_slope_weight.reshape(V),
    )
    return (gathered.reshape(B, 1, D), overall)

# --- scband reference (transcript-rebuilt; emitter-appended) ---
"""Pipeline reference for scband-decoding-33019708572164 (READ-ONLY COPY).

The authoritative reference and input builder live on the scoring server;
editing this copy changes nothing except your own understanding.
"""

import jax, jax.numpy as jnp
import numpy as np

N_GENES = 100000
N_OUT = 128
B = 16384


def setup_inputs(seed: int = 0) -> dict:
    key = jax.random.key(seed)
    k1, k2, k3, k4 = jax.random.split(key, 4)
    # forward args
    latent = jax.random.normal(k1, (N_OUT,), dtype=jnp.float32)
    genes_oi = jax.random.randint(k2, (B,), 0, N_GENES, dtype=jnp.int32)
    # learned parameters (EmbeddingTensor weights). The torch module zero-inits
    # these; we use small random values so outputs/grads are non-degenerate.
    height_slope_weight = (jax.random.normal(k3, (N_GENES, 1, N_OUT), dtype=jnp.float32) * 0.02)
    overall_slope_weight = (jax.random.normal(k4, (N_GENES, 1), dtype=jnp.float32) * 0.02)
    return {
        "latent": latent,
        "genes_oi": genes_oi,
        "height_slope_weight": height_slope_weight,
        "overall_slope_weight": overall_slope_weight,
    }


def reference(latent, genes_oi, height_slope_weight, overall_slope_weight):
    # height_slope = self.height_slope(genes_oi)  -> embedding lookup [B, 1, K]
    height_slope = jnp.take(height_slope_weight, genes_oi, axis=0)
    # overall_slope = self.overall_slope.get_full_weight() -> full table [N_GENES, 1]
    overall_slope = overall_slope_weight
    # height = height_slope * latent : [B,1,K] * [K] -> [B,1,K]
    height = height_slope * latent
    # overall = overall_slope * latent : [N_GENES,1] * [K] -> [N_GENES,K]
    overall = overall_slope * latent
    return (height, overall)

if __name__ == "__main__":
    import jax
    _d = setup_inputs()
    print(jax.jit(kernel)(*tuple(_d.values())))

</pallas_src>

<mosaic_0001>
#map = affine_map<(d0, d1) -> (0, 0)>
#map1 = affine_map<(d0, d1) -> (0, 0, 0)>
#map2 = affine_map<(d0, d1) -> (0)>
module attributes {stable_mosaic.version = 14 : i64} {
  func.func @k(%arg0: i32, %arg1: i32, %arg2: memref<100000x128xf32, #tpu.memory_space<hbm>>, %arg3: memref<32x4x128xi32, #tpu.memory_space<hbm>>, %arg4: memref<128xf32, #tpu.memory_space<hbm>>, %arg5: memref<100000xf32, #tpu.memory_space<hbm>>, %arg6: memref<16384x128xf32, #tpu.memory_space<hbm>>, %arg7: memref<100000x128xf32, #tpu.memory_space<hbm>>, %arg8: memref<4x128xi32, #tpu.memory_space<vmem>>, %arg9: memref<512x128xf32, #tpu.memory_space<vmem>>, %arg10: memref<128xf32, #tpu.memory_space<vmem>>, %arg11: memref<3128xf32, #tpu.memory_space<vmem>>, %arg12: memref<2x184x128xf32, #tpu.memory_space<vmem>>, %arg13: memref<!tpu.dma_semaphore, #tpu.memory_space<semaphore_mem>>, %arg14: memref<!tpu.dma_semaphore, #tpu.memory_space<semaphore_mem>>, %arg15: memref<!tpu.dma_semaphore, #tpu.memory_space<semaphore_mem>>, %arg16: memref<!tpu.dma_semaphore, #tpu.memory_space<semaphore_mem>>) attributes {dimension_semantics = [#tpu.dimension_semantics<core_parallel>, #tpu.dimension_semantics<subcore_parallel>], iteration_bounds = array<i64: 2, 16>, scalar_prefetch = 0 : i64, scratch_operands = 9 : i64, tpu.core_type = #tpu.core_type<sc_vector_subcore>, window_params = [{transform_indices = #map}, {transform_indices = #map1}, {transform_indices = #map2}, {transform_indices = #map2}, {transform_indices = #map}, {transform_indices = #map}]} {
    %mul3A = arith.constant 2 : i32
    %mul3A_0 = arith.muli %arg1, %mul3A : i32
    %add3A = arith.addi %mul3A_0, %arg0 : i32
    %mul3A_1 = arith.constant 512 : i32
    %mul3A_2 = arith.muli %add3A, %mul3A_1 : i32
    %mul3A_3 = arith.constant 12500 : i32
    %mul3A_4 = arith.muli %add3A, %mul3A_3 : i32
    %jit3A = arith.constant 32 : i32
    %div3A = arith.divsi %mul3A_4, %jit3A : i32
    %sign3A = arith.constant 0 : i32
    %sign3A_5 = arith.cmpi sgt, %mul3A_4, %sign3A : i32
    %sign3A_6 = arith.extui %sign3A_5 : i1 to i32
    %sign3A_7 = arith.constant 0 : i32
    %sign3A_8 = arith.cmpi slt, %mul3A_4, %sign3A_7 : i32
    %sign3A_9 = arith.extui %sign3A_8 : i1 to i32
    %sign3A_10 = arith.subi %sign3A_6, %sign3A_9 : i32
    %sign3A_11 = arith.constant 0 : i32
    %sign3A_12 = arith.cmpi sgt, %jit3A, %sign3A_11 : i32
    %sign3A_13 = arith.extui %sign3A_12 : i1 to i32
    %sign3A_14 = arith.constant 0 : i32
    %sign3A_15 = arith.cmpi slt, %jit3A, %sign3A_14 : i32
    %sign3A_16 = arith.extui %sign3A_15 : i1 to i32
    %sign3A_17 = arith.subi %sign3A_13, %sign3A_16 : i32
    %ne3A = arith.cmpi ne, %sign3A_10, %sign3A_17 : i32
    %rem3A = arith.remsi %mul3A_4, %jit3A : i32
    %ne3A_18 = arith.constant 0 : i32
    %ne3A_19 = arith.cmpi ne, %rem3A, %ne3A_18 : i32
    %and3A = arith.andi %ne3A, %ne3A_19 : i1
    %sub3A = arith.constant 1 : i32
    %sub3A_20 = arith.subi %div3A, %sub3A : i32
    %select_n3A = arith.select %and3A, %sub3A_20, %div3A : i32
    %mul3A_21 = arith.constant 8 : i32
    %mul3A_22 = arith.muli %select_n3A, %mul3A_21 : i32
    %multiple_of3A = tpu.assume_multiple %mul3A_22, 8 : i32
    "tpu.region"() ({
      %run_scoped3A = tpu.sem_alloc : memref<!tpu.dma_semaphore, #tpu.memory_space<semaphore_mem>>
      %dma_start3A_649 = arith.constant 0 : i32
      %dma_start3A_650 = arith.constant 0 : i32
      %dma_start3A_651 = tpu.memref_slice %arg3[%add3A, %dma_start3A_649, %dma_start3A_650] : memref<32x4x128xi32, #tpu.memory_space<hbm>> -> memref<1x4x128xi32, #tpu.memory_space<hbm>>
      %dma_start3A_652 = tpu.memref_squeeze %dma_start3A_651 : memref<1x4x128xi32, #tpu.memory_space<hbm>> -> memref<4x128xi32, #tpu.memory_space<hbm>>
      %dma_start3A_653 = arith.constant 0 : i32
      %dma_start3A_654 = arith.constant 0 : i32
      %dma_start3A_655 = tpu.memref_slice %arg3[%add3A, %dma_start3A_653, %dma_start3A_654] : memref<32x4x128xi32, #tpu.memory_space<hbm>> -> memref<1x4x128xi32, #tpu.memory_space<hbm>>
      %dma_start3A_656 = tpu.memref_squeeze %dma_start3A_655 : memref<1x4x128xi32, #tpu.memory_space<hbm>> -> memref<4x128xi32, #tpu.memory_space<hbm>>
      tpu.enqueue_dma source(%dma_start3A_656 : memref<4x128xi32, #tpu.memory_space<hbm>>) target(%arg8 : memref<4x128xi32, #tpu.memory_space<vmem>>) target_semaphore(%run_scoped3A : memref<!tpu.dma_semaphore, #tpu.memory_space<semaphore_mem>>)
      %dma_wait3A_657 = arith.constant 0 : i32
      %dma_wait3A_658 = arith.constant 0 : i32
      %dma_wait3A_659 = tpu.memref_slice %arg3[%add3A, %dma_wait3A_657, %dma_wait3A_658] : memref<32x4x128xi32, #tpu.memory_space<hbm>> -> memref<1x4x128xi32, #tpu.memory_space<hbm>>
      %dma_wait3A_660 = tpu.memref_squeeze %dma_wait3A_659 : memref<1x4x128xi32, #tpu.memory_space<hbm>> -> memref<4x128xi32, #tpu.memory_space<hbm>>
      %dma_wait3A_661 = arith.constant 0 : i32
      %dma_wait3A_662 = arith.constant 0 : i32
      %dma_wait3A_663 = tpu.memref_slice %arg3[%add3A, %dma_wait3A_661, %dma_wait3A_662] : memref<32x4x128xi32, #tpu.memory_space<hbm>> -> memref<1x4x128xi32, #tpu.memory_space<hbm>>
      %dma_wait3A_664 = tpu.memref_squeeze %dma_wait3A_663 : memref<1x4x128xi32, #tpu.memory_space<hbm>> -> memref<4x128xi32, #tpu.memory_space<hbm>>
      tpu.wait_dma2 semaphore(%run_scoped3A : memref<!tpu.dma_semaphore, #tpu.memory_space<semaphore_mem>>) src(%dma_wait3A_664 : memref<4x128xi32, #tpu.memory_space<hbm>>) dst(%arg8 : memref<4x128xi32, #tpu.memory_space<vmem>>)
      tpu.yield
    }) : () -> ()
    %dma_start3A = arith.constant 0 : i32
    %dma_start3A_23 = arith.constant 0 : i32
    %dma_start3A_24 = arith.constant 0 : i32
    %dma_start3A_25 = tpu.memref_slice %arg9[%dma_start3A_23, %dma_start3A_24] : memref<512x128xf32, #tpu.memory_space<vmem>> -> memref<128x128xf32, #tpu.memory_space<vmem>>
    %dma_start3A_26 = arith.constant 0 : i32
    %dma_start3A_27 = tpu.memref_slice %arg8[%dma_start3A, %dma_start3A_26] : memref<4x128xi32, #tpu.memory_space<vmem>> -> memref<1x128xi32, #tpu.memory_space<vmem>>
    %dma_start3A_28 = tpu.memref_squeeze %dma_start3A_27 : memref<1x128xi32, #tpu.memory_space<vmem>> -> memref<128xi32, #tpu.memory_space<vmem>>
    %dma_start3A_29 = arith.constant 0 : i32
    %dma_start3A_30 = arith.constant 0 : i32
    %dma_start3A_31 = tpu.memref_slice %arg2[%dma_start3A_29, %dma_start3A_30] : memref<100000x128xf32, #tpu.memory_space<hbm>> -> memref<100000x128xf32, #tpu.memory_space<hbm>>
    tpu.enqueue_indirect_dma source(%dma_start3A_31 : memref<100000x128xf32, #tpu.memory_space<hbm>>) target(%dma_start3A_25 : memref<128x128xf32, #tpu.memory_space<vmem>>) offsets(%dma_start3A_28 : memref<128xi32, #tpu.memory_space<vmem>>) semaphore(%arg13 : memref<!tpu.dma_semaphore, #tpu.memory_space<semaphore_mem>>)
    %dma_start3A_32 = arith.constant 1 : i32
    %dma_start3A_33 = arith.constant 128 : i32
    %dma_start3A_34 = arith.constant 0 : i32
    %dma_start3A_35 = tpu.memref_slice %arg9[%dma_start3A_33, %dma_start3A_34] : memref<512x128xf32, #tpu.memory_space<vmem>> -> memref<128x128xf32, #tpu.memory_space<vmem>>
    %dma_start3A_36 = arith.constant 0 : i32
    %dma_start3A_37 = tpu.memref_slice %arg8[%dma_start3A_32, %dma_start3A_36] : memref<4x128xi32, #tpu.memory_space<vmem>> -> memref<1x128xi32, #tpu.memory_space<vmem>>
    %dma_start3A_38 = tpu.memref_squeeze %dma_start3A_37 : memref<1x128xi32, #tpu.memory_space<vmem>> -> memref<128xi32, #tpu.memory_space<vmem>>
    %dma_start3A_39 = arith.constant 0 : i32
    %dma_start3A_40 = arith.constant 0 : i32
    %dma_start3A_41 = tpu.memref_slice %arg2[%dma_start3A_39, %dma_start3A_40] : memref<100000x128xf32, #tpu.memory_space<hbm>> -> memref<100000x128xf32, #tpu.memory_space<hbm>>
    tpu.enqueue_indirect_dma source(%dma_start3A_41 : memref<100000x128xf32, #tpu.memory_space<hbm>>) target(%dma_start3A_35 : memref<128x128xf32, #tpu.memory_space<vmem>>) offsets(%dma_start3A_38 : memref<128xi32, #tpu.memory_space<vmem>>) semaphore(%arg13 : memref<!tpu.dma_semaphore, #tpu.memory_space<semaphore_mem>>)
    %dma_start3A_42 = arith.constant 2 : i32
    %dma_start3A_43 = arith.constant 256 : i32
    %dma_start3A_44 = arith.constant 0 : i32
    %dma_start3A_45 = tpu.memref_slice %arg9[%dma_start3A_43, %dma_start3A_44] : memref<512x128xf32, #tpu.memory_space<vmem>> -> memref<128x128xf32, #tpu.memory_space<vmem>>
    %dma_start3A_46 = arith.constant 0 : i32
    %dma_start3A_47 = tpu.memref_slice %arg8[%dma_start3A_42, %dma_start3A_46] : memref<4x128xi32, #tpu.memory_space<vmem>> -> memref<1x128xi32, #tpu.memory_space<vmem>>
    %dma_start3A_48 = tpu.memref_squeeze %dma_start3A_47 : memref<1x128xi32, #tpu.memory_space<vmem>> -> memref<128xi32, #tpu.memory_space<vmem>>
    %dma_start3A_49 = arith.constant 0 : i32
    %dma_start3A_50 = arith.constant 0 : i32
    %dma_start3A_51 = tpu.memref_slice %arg2[%dma_start3A_49, %dma_start3A_50] : memref<100000x128xf32, #tpu.memory_space<hbm>> -> memref<100000x128xf32, #tpu.memory_space<hbm>>
    tpu.enqueue_indirect_dma source(%dma_start3A_51 : memref<100000x128xf32, #tpu.memory_space<hbm>>) target(%dma_start3A_45 : memref<128x128xf32, #tpu.memory_space<vmem>>) offsets(%dma_start3A_48 : memref<128xi32, #tpu.memory_space<vmem>>) semaphore(%arg13 : memref<!tpu.dma_semaphore, #tpu.memory_space<semaphore_mem>>)
    %dma_start3A_52 = arith.constant 3 : i32
    %dma_start3A_53 = arith.constant 384 : i32
    %dma_start3A_54 = arith.constant 0 : i32
    %dma_start3A_55 = tpu.memref_slice %arg9[%dma_start3A_53, %dma_start3A_54] : memref<512x128xf32, #tpu.memory_space<vmem>> -> memref<128x128xf32, #tpu.memory_space<vmem>>
    %dma_start3A_56 = arith.constant 0 : i32
    %dma_start3A_57 = tpu.memref_slice %arg8[%dma_start3A_52, %dma_start3A_56] : memref<4x128xi32, #tpu.memory_space<vmem>> -> memref<1x128xi32, #tpu.memory_space<vmem>>
    %dma_start3A_58 = tpu.memref_squeeze %dma_start3A_57 : memref<1x128xi32, #tpu.memory_space<vmem>> -> memref<128xi32, #tpu.memory_space<vmem>>
    %dma_start3A_59 = arith.constant 0 : i32
    %dma_start3A_60 = arith.constant 0 : i32
    %dma_start3A_61 = tpu.memref_slice %arg2[%dma_start3A_59, %dma_start3A_60] : memref<100000x128xf32, #tpu.memory_space<hbm>> -> memref<100000x128xf32, #tpu.memory_space<hbm>>
    tpu.enqueue_indirect_dma source(%dma_start3A_61 : memref<100000x128xf32, #tpu.memory_space<hbm>>) target(%dma_start3A_55 : memref<128x128xf32, #tpu.memory_space<vmem>>) offsets(%dma_start3A_58 : memref<128xi32, #tpu.memory_space<vmem>>) semaphore(%arg13 : memref<!tpu.dma_semaphore, #tpu.memory_space<semaphore_mem>>)
    tpu.enqueue_dma source(%arg4 : memref<128xf32, #tpu.memory_space<hbm>>) target(%arg10 : memref<128xf32, #tpu.memory_space<vmem>>) target_semaphore(%arg16 : memref<!tpu.dma_semaphore, #tpu.memory_space<semaphore_mem>>)
    %dma_start3A_62 = tpu.memref_slice %arg5[%multiple_of3A] : memref<100000xf32, #tpu.memory_space<hbm>> -> memref<3128xf32, #tpu.memory_space<hbm>>
    %dma_start3A_63 = tpu.memref_slice %arg5[%multiple_of3A] : memref<100000xf32, #tpu.memory_space<hbm>> -> memref<3128xf32, #tpu.memory_space<hbm>>
    tpu.enqueue_dma source(%dma_start3A_63 : memref<3128xf32, #tpu.memory_space<hbm>>) target(%arg11 : memref<3128xf32, #tpu.memory_space<vmem>>) target_semaphore(%arg16 : memref<!tpu.dma_semaphore, #tpu.memory_space<semaphore_mem>>)
    tpu.wait_dma2 semaphore(%arg16 : memref<!tpu.dma_semaphore, #tpu.memory_space<semaphore_mem>>) src(%arg4 : memref<128xf32, #tpu.memory_space<hbm>>) dst(%arg10 : memref<128xf32, #tpu.memory_space<vmem>>)
    %dma_wait3A = tpu.memref_slice %arg5[%multiple_of3A] : memref<100000xf32, #tpu.memory_space<hbm>> -> memref<3128xf32, #tpu.memory_space<hbm>>
    %dma_wait3A_64 = tpu.memref_slice %arg5[%multiple_of3A] : memref<100000xf32, #tpu.memory_space<hbm>> -> memref<3128xf32, #tpu.memory_space<hbm>>
    tpu.wait_dma2 semaphore(%arg16 : memref<!tpu.dma_semaphore, #tpu.memory_space<semaphore_mem>>) src(%dma_wait3A_64 : memref<3128xf32, #tpu.memory_space<hbm>>) dst(%arg11 : memref<3128xf32, #tpu.memory_space<vmem>>)
    %get3A = arith.constant 0 : index
    %get3A_65 = tpu.vector_load %arg10[%get3A] {strides = array<i32>} : memref<128xf32, #tpu.memory_space<vmem>>, vector<16xf32>,
    %get3A_66 = arith.constant 16 : index
    %get3A_67 = tpu.vector_load %arg10[%get3A_66] {strides = array<i32>} : memref<128xf32, #tpu.memory_space<vmem>>, vector<16xf32>,
    %get3A_68 = arith.constant 32 : index
    %get3A_69 = tpu.vector_load %arg10[%get3A_68] {strides = array<i32>} : memref<128xf32, #tpu.memory_space<vmem>>, vector<16xf32>,
    %get3A_70 = arith.constant 48 : index
    %get3A_71 = tpu.vector_load %arg10[%get3A_70] {strides = array<i32>} : memref<128xf32, #tpu.memory_space<vmem>>, vector<16xf32>,
    %get3A_72 = arith.constant 64 : index
    %get3A_73 = tpu.vector_load %arg10[%get3A_72] {strides = array<i32>} : memref<128xf32, #tpu.memory_space<vmem>>, vector<16xf32>,
    %get3A_74 = arith.constant 80 : index
    %get3A_75 = tpu.vector_load %arg10[%get3A_74] {strides = array<i32>} : memref<128xf32, #tpu.memory_space<vmem>>, vector<16xf32>,
    %get3A_76 = arith.constant 96 : index
    %get3A_77 = tpu.vector_load %arg10[%get3A_76] {strides = array<i32>} : memref<128xf32, #tpu.memory_space<vmem>>, vector<16xf32>,
    %get3A_78 = arith.constant 112 : index
    %get3A_79 = tpu.vector_load %arg10[%get3A_78] {strides = array<i32>} : memref<128xf32, #tpu.memory_space<vmem>>, vector<16xf32>,
    %parallel_loop3A = arith.constant 0 : i32
    %parallel_loop3A_80 = arith.constant 184 : i32
    %parallel_loop3A_81 = arith.constant 1 : i32
    scf.for %parallel_loop3A_649 = %parallel_loop3A to %parallel_loop3A_80 step %parallel_loop3A_81  : i32 {
      %parallel_loop3A_650 = arith.constant 0 : i32
      %parallel_loop3A_651 = arith.addi %parallel_loop3A_650, %parallel_loop3A_649 : i32
      %parallel_loop3A_652 = vector.broadcast %parallel_loop3A_651 : i32 to vector<16xi32>
      %parallel_loop3A_653 = tpu.vector_load_idx %arg11[%parallel_loop3A_652] : memref<3128xf32, #tpu.memory_space<vmem>>[vector<16xi32>], vector<16xf32>,
      %parallel_loop3A_654 = arith.mulf %parallel_loop3A_653, %get3A_65 : vector<16xf32>
      %parallel_loop3A_655 = arith.constant 0 : i32
      %parallel_loop3A_656 = arith.index_cast %parallel_loop3A_655 : i32 to index
      %parallel_loop3A_657 = arith.index_cast %parallel_loop3A_649 : i32 to index
      %parallel_loop3A_658 = arith.constant 0 : index
      %parallel_loop3A_659 = tpu.vector_load %arg12[%parallel_loop3A_656, %parallel_loop3A_657, %parallel_loop3A_658] {strides = array<i32>} : memref<2x184x128xf32, #tpu.memory_space<vmem>>, vector<16xf32>,
      tpu.vector_store %arg12[%parallel_loop3A_656, %parallel_loop3A_657, %parallel_loop3A_658], %parallel_loop3A_654 {strides = array<i32>} : memref<2x184x128xf32, #tpu.memory_space<vmem>>, vector<16xf32>,
      %parallel_loop3A_660 = arith.mulf %parallel_loop3A_653, %get3A_67 : vector<16xf32>
      %parallel_loop3A_661 = arith.constant 0 : i32
      %parallel_loop3A_662 = arith.index_cast %parallel_loop3A_661 : i32 to index
      %parallel_loop3A_663 = arith.index_cast %parallel_loop3A_649 : i32 to index
      %parallel_loop3A_664 = arith.constant 16 : index
      %parallel_loop3A_665 = tpu.vector_load %arg12[%parallel_loop3A_662, %parallel_loop3A_663, %parallel_loop3A_664] {strides = array<i32>} : memref<2x184x128xf32, #tpu.memory_space<vmem>>, vector<16xf32>,
      tpu.vector_store %arg12[%parallel_loop3A_662, %parallel_loop3A_663, %parallel_loop3A_664], %parallel_loop3A_660 {strides = array<i32>} : memref<2x184x128xf32, #tpu.memory_space<vmem>>, vector<16xf32>,
      %parallel_loop3A_666 = arith.mulf %parallel_loop3A_653, %get3A_69 : vector<16xf32>
      %parallel_loop3A_667 = arith.constant 0 : i32
      %parallel_loop3A_668 = arith.index_cast %parallel_loop3A_667 : i32 to index
      %parallel_loop3A_669 = arith.index_cast %parallel_loop3A_649 : i32 to index
      %parallel_loop3A_670 = arith.constant 32 : index
      %parallel_loop3A_671 = tpu.vector_load %arg12[%parallel_loop3A_668, %parallel_loop3A_669, %parallel_loop3A_670] {strides = array<i32>} : memref<2x184x128xf32, #tpu.memory_space<vmem>>, vector<16xf32>,
      tpu.vector_store %arg12[%parallel_loop3A_668, %parallel_loop3A_669, %parallel_loop3A_670], %parallel_loop3A_666 {strides = array<i32>} : memref<2x184x128xf32, #tpu.memory_space<vmem>>, vector<16xf32>,
      %parallel_loop3A_672 = arith.mulf %parallel_loop3A_653, %get3A_71 : vector<16xf32>
      %parallel_loop3A_673 = arith.constant 0 : i32
      %parallel_loop3A_674 = arith.index_cast %parallel_loop3A_673 : i32 to index
      %parallel_loop3A_675 = arith.index_cast %parallel_loop3A_649 : i32 to index
      %parallel_loop3A_676 = arith.constant 48 : index
      %parallel_loop3A_677 = tpu.vector_load %arg12[%parallel_loop3A_674, %parallel_loop3A_675, %parallel_loop3A_676] {strides = array<i32>} : memref<2x184x128xf32, #tpu.memory_space<vmem>>, vector<16xf32>,
      tpu.vector_store %arg12[%parallel_loop3A_674, %parallel_loop3A_675, %parallel_loop3A_676], %parallel_loop3A_672 {strides = array<i32>} : memref<2x184x128xf32, #tpu.memory_space<vmem>>, vector<16xf32>,
      %parallel_loop3A_678 = arith.mulf %parallel_loop3A_653, %get3A_73 : vector<16xf32>
      %parallel_loop3A_679 = arith.constant 0 : i32
      %parallel_loop3A_680 = arith.index_cast %parallel_loop3A_679 : i32 to index
      %parallel_loop3A_681 = arith.index_cast %parallel_loop3A_649 : i32 to index
      %parallel_loop3A_682 = arith.constant 64 : index
      %parallel_loop3A_683 = tpu.vector_load %arg12[%parallel_loop3A_680, %parallel_loop3A_681, %parallel_loop3A_682] {strides = array<i32>} : memref<2x184x128xf32, #tpu.memory_space<vmem>>, vector<16xf32>,
      tpu.vector_store %arg12[%parallel_loop3A_680, %parallel_loop3A_681, %parallel_loop3A_682], %parallel_loop3A_678 {strides = array<i32>} : memref<2x184x128xf32, #tpu.memory_space<vmem>>, vector<16xf32>,
      %parallel_loop3A_684 = arith.mulf %parallel_loop3A_653, %get3A_75 : vector<16xf32>
      %parallel_loop3A_685 = arith.constant 0 : i32
      %parallel_loop3A_686 = arith.index_cast %parallel_loop3A_685 : i32 to index
      %parallel_loop3A_687 = arith.index_cast %parallel_loop3A_649 : i32 to index
      %parallel_loop3A_688 = arith.constant 80 : index
      %parallel_loop3A_689 = tpu.vector_load %arg12[%parallel_loop3A_686, %parallel_loop3A_687, %parallel_loop3A_688] {strides = array<i32>} : memref<2x184x128xf32, #tpu.memory_space<vmem>>, vector<16xf32>,
      tpu.vector_store %arg12[%parallel_loop3A_686, %parallel_loop3A_687, %parallel_loop3A_688], %parallel_loop3A_684 {strides = array<i32>} : memref<2x184x128xf32, #tpu.memory_space<vmem>>, vector<16xf32>,
      %parallel_loop3A_690 = arith.mulf %parallel_loop3A_653, %get3A_77 : vector<16xf32>
      %parallel_loop3A_691 = arith.constant 0 : i32
      %parallel_loop3A_692 = arith.index_cast %parallel_loop3A_691 : i32 to index
      %parallel_loop3A_693 = arith.index_cast %parallel_loop3A_649 : i32 to index
      %parallel_loop3A_694 = arith.constant 96 : index
      %parallel_loop3A_695 = tpu.vector_load %arg12[%parallel_loop3A_692, %parallel_loop3A_693, %parallel_loop3A_694] {strides = array<i32>} : memref<2x184x128xf32, #tpu.memory_space<vmem>>, vector<16xf32>,
      tpu.vector_store %arg12[%parallel_loop3A_692, %parallel_loop3A_693, %parallel_loop3A_694], %parallel_loop3A_690 {strides = array<i32>} : memref<2x184x128xf32, #tpu.memory_space<vmem>>, vector<16xf32>,
      %parallel_loop3A_696 = arith.mulf %parallel_loop3A_653, %get3A_79 : vector<16xf32>
      %parallel_loop3A_697 = arith.constant 0 : i32
      %parallel_loop3A_698 = arith.index_cast %parallel_loop3A_697 : i32 to index
      %parallel_loop3A_699 = arith.index_cast %parallel_loop3A_649 : i32 to index
      %parallel_loop3A_700 = arith.constant 112 : index
      %parallel_loop3A_701 = tpu.vector_load %arg12[%parallel_loop3A_698, %parallel_loop3A_699, %parallel_loop3A_700] {strides = array<i32>} : memref<2x184x128xf32, #tpu.memory_space<vmem>>, vector<16xf32>,
      tpu.vector_store %arg12[%parallel_loop3A_698, %parallel_loop3A_699, %parallel_loop3A_700], %parallel_loop3A_696 {strides = array<i32>} : memref<2x184x128xf32, #tpu.memory_space<vmem>>, vector<16xf32>,
    } {sc.loop_unroll_factor = 4 : i64, sc.parallel_access}
    %add3A_82 = arith.constant 0 : i32
    %add3A_83 = arith.addi %multiple_of3A, %add3A_82 : i32
    %dma_start3A_84 = arith.constant 0 : i32
    %dma_start3A_85 = arith.constant 0 : i32
    %dma_start3A_86 = arith.constant 0 : i32
    %dma_start3A_87 = tpu.memref_slice %arg12[%dma_start3A_84, %dma_start3A_85, %dma_start3A_86] : memref<2x184x128xf32, #tpu.memory_space<vmem>> -> memref<1x184x128xf32, #tpu.memory_space<vmem>>
    %dma_start3A_88 = tpu.memref_squeeze %dma_start3A_87 : memref<1x184x128xf32, #tpu.memory_space<vmem>> -> memref<184x128xf32, #tpu.memory_space<vmem>>
    %dma_start3A_89 = arith.constant 0 : i32
    %dma_start3A_90 = tpu.memref_slice %arg7[%add3A_83, %dma_start3A_89] : memref<100000x128xf32, #tpu.memory_space<hbm>> -> memref<184x128xf32, #tpu.memory_space<hbm>>
    %dma_start3A_91 = arith.constant 0 : i32
    %dma_start3A_92 = tpu.memref_slice %arg7[%add3A_83, %dma_start3A_91] : memref<100000x128xf32, #tpu.memory_space<hbm>> -> memref<184x128xf32, #tpu.memory_space<hbm>>
    %dma_start3A_93 = arith.constant 0 : i32
    %dma_start3A_94 = arith.constant 0 : i32
    %dma_start3A_95 = tpu.memref_slice %arg12[%dma_start3A_84, %dma_start3A_93, %dma_start3A_94] : memref<2x184x128xf32, #tpu.memory_space<vmem>> -> memref<1x184x128xf32, #tpu.memory_space<vmem>>
    %dma_start3A_96 = tpu.memref_squeeze %dma_start3A_95 : memref<1x184x128xf32, #tpu.memory_space<vmem>> -> memref<184x128xf32, #tpu.memory_space<vmem>>
    tpu.enqueue_dma source(%dma_start3A_96 : memref<184x128xf32, #tpu.memory_space<vmem>>) target(%dma_start3A_92 : memref<184x128xf32, #tpu.memory_space<hbm>>) target_semaphore(%arg14 : memref<!tpu.dma_semaphore, #tpu.memory_space<semaphore_mem>>)
    %parallel_loop3A_97 = arith.constant 0 : i32
    %parallel_loop3A_98 = arith.constant 184 : i32
    %parallel_loop3A_99 = arith.constant 1 : i32
    scf.for %parallel_loop3A_649 = %parallel_loop3A_97 to %parallel_loop3A_98 step %parallel_loop3A_99  : i32 {
      %parallel_loop3A_650 = arith.constant 184 : i32
      %parallel_loop3A_651 = arith.addi %parallel_loop3A_650, %parallel_loop3A_649 : i32
      %parallel_loop3A_652 = vector.broadcast %parallel_loop3A_651 : i32 to vector<16xi32>
      %parallel_loop3A_653 = tpu.vector_load_idx %arg11[%parallel_loop3A_652] : memref<3128xf32, #tpu.memory_space<vmem>>[vector<16xi32>], vector<16xf32>,
      %parallel_loop3A_654 = arith.mulf %parallel_loop3A_653, %get3A_65 : vector<16xf32>
      %parallel_loop3A_655 = arith.constant 1 : i32
      %parallel_loop3A_656 = arith.index_cast %parallel_loop3A_655 : i32 to index
      %parallel_loop3A_657 = arith.index_cast %parallel_loop3A_649 : i32 to index
      %parallel_loop3A_658 = arith.constant 0 : index
      %parallel_loop3A_659 = tpu.vector_load %arg12[%parallel_loop3A_656, %parallel_loop3A_657, %parallel_loop3A_658] {strides = array<i32>} : memref<2x184x128xf32, #tpu.memory_space<vmem>>, vector<16xf32>,
      tpu.vector_store %arg12[%parallel_loop3A_656, %parallel_loop3A_657, %parallel_loop3A_658], %parallel_loop3A_654 {strides = array<i32>} : memref<2x184x128xf32, #tpu.memory_space<vmem>>, vector<16xf32>,
      %parallel_loop3A_660 = arith.mulf %parallel_loop3A_653, %get3A_67 : vector<16xf32>
      %parallel_loop3A_661 = arith.constant 1 : i32
      %parallel_loop3A_662 = arith.index_cast %parallel_loop3A_661 : i32 to index
      %parallel_loop3A_663 = arith.index_cast %parallel_loop3A_649 : i32 to index
      %parallel_loop3A_664 = arith.constant 16 : index
      %parallel_loop3A_665 = tpu.vector_load %arg12[%parallel_loop3A_662, %parallel_loop3A_663, %parallel_loop3A_664] {strides = array<i32>} : memref<2x184x128xf32, #tpu.memory_space<vmem>>, vector<16xf32>,
      tpu.vector_store %arg12[%parallel_loop3A_662, %parallel_loop3A_663, %parallel_loop3A_664], %parallel_loop3A_660 {strides = array<i32>} : memref<2x184x128xf32, #tpu.memory_space<vmem>>, vector<16xf32>,
      %parallel_loop3A_666 = arith.mulf %parallel_loop3A_653, %get3A_69 : vector<16xf32>
      %parallel_loop3A_667 = arith.constant 1 : i32
      %parallel_loop3A_668 = arith.index_cast %parallel_loop3A_667 : i32 to index
      %parallel_loop3A_669 = arith.index_cast %parallel_loop3A_649 : i32 to index
      %parallel_loop3A_670 = arith.constant 32 : index
      %parallel_loop3A_671 = tpu.vector_load %arg12[%parallel_loop3A_668, %parallel_loop3A_669, %parallel_loop3A_670] {strides = array<i32>} : memref<2x184x128xf32, #tpu.memory_space<vmem>>, vector<16xf32>,
      tpu.vector_store %arg12[%parallel_loop3A_668, %parallel_loop3A_669, %parallel_loop3A_670], %parallel_loop3A_666 {strides = array<i32>} : memref<2x184x128xf32, #tpu.memory_space<vmem>>, vector<16xf32>,
      %parallel_loop3A_672 = arith.mulf %parallel_loop3A_653, %get3A_71 : vector<16xf32>
      %parallel_loop3A_673 = arith.constant 1 : i32
      %parallel_loop3A_674 = arith.index_cast %parallel_loop3A_673 : i32 to index
      %parallel_loop3A_675 = arith.index_cast %parallel_loop3A_649 : i32 to index
      %parallel_loop3A_676 = arith.constant 48 : index
      %parallel_loop3A_677 = tpu.vector_load %arg12[%parallel_loop3A_674, %parallel_loop3A_675, %parallel_loop3A_676] {strides = array<i32>} : memref<2x184x128xf32, #tpu.memory_space<vmem>>, vector<16xf32>,
      tpu.vector_store %arg12[%parallel_loop3A_674, %parallel_loop3A_675, %parallel_loop3A_676], %parallel_loop3A_672 {strides = array<i32>} : memref<2x184x128xf32, #tpu.memory_space<vmem>>, vector<16xf32>,
      %parallel_loop3A_678 = arith.mulf %parallel_loop3A_653, %get3A_73 : vector<16xf32>
      %parallel_loop3A_679 = arith.constant 1 : i32
      %parallel_loop3A_680 = arith.index_cast %parallel_loop3A_679 : i32 to index
      %parallel_loop3A_681 = arith.index_cast %parallel_loop3A_649 : i32 to index
      %parallel_loop3A_682 = arith.constant 64 : index
      %parallel_loop3A_683 = tpu.vector_load %arg12[%parallel_loop3A_680, %parallel_loop3A_681, %parallel_loop3A_682] {strides = array<i32>} : memref<2x184x128xf32, #tpu.memory_space<vmem>>, vector<16xf32>,
      tpu.vector_store %arg12[%parallel_loop3A_680, %parallel_loop3A_681, %parallel_loop3A_682], %parallel_loop3A_678 {strides = array<i32>} : memref<2x184x128xf32, #tpu.memory_space<vmem>>, vector<16xf32>,
      %parallel_loop3A_684 = arith.mulf %parallel_loop3A_653, %get3A_75 : vector<16xf32>
      %parallel_loop3A_685 = arith.constant 1 : i32
      %parallel_loop3A_686 = arith.index_cast %parallel_loop3A_685 : i32 to index
      %parallel_loop3A_687 = arith.index_cast %parallel_loop3A_649 : i32 to index
      %parallel_loop3A_688 = arith.constant 80 : index
      %parallel_loop3A_689 = tpu.vector_load %arg12[%parallel_loop3A_686, %parallel_loop3A_687, %parallel_loop3A_688] {strides = array<i32>} : memref<2x184x128xf32, #tpu.memory_space<vmem>>, vector<16xf32>,
      tpu.vector_store %arg12[%parallel_loop3A_686, %parallel_loop3A_687, %parallel_loop3A_688], %parallel_loop3A_684 {strides = array<i32>} : memref<2x184x128xf32, #tpu.memory_space<vmem>>, vector<16xf32>,
      %parallel_loop3A_690 = arith.mulf %parallel_loop3A_653, %get3A_77 : vector<16xf32>
      %parallel_loop3A_691 = arith.constant 1 : i32
      %parallel_loop3A_692 = arith.index_cast %parallel_loop3A_691 : i32 to index
      %parallel_loop3A_693 = arith.index_cast %parallel_loop3A_649 : i32 to index
      %parallel_loop3A_694 = arith.constant 96 : index
      %parallel_loop3A_695 = tpu.vector_load %arg12[%parallel_loop3A_692, %parallel_loop3A_693, %parallel_loop3A_694] {strides = array<i32>} : memref<2x184x128xf32, #tpu.memory_space<vmem>>, vector<16xf32>,
      tpu.vector_store %arg12[%parallel_loop3A_692, %parallel_loop3A_693, %parallel_loop3A_694], %parallel_loop3A_690 {strides = array<i32>} : memref<2x184x128xf32, #tpu.memory_space<vmem>>, vector<16xf32>,
      %parallel_loop3A_696 = arith.mulf %parallel_loop3A_653, %get3A_79 : vector<16xf32>
      %parallel_loop3A_697 = arith.constant 1 : i32
      %parallel_loop3A_698 = arith.index_cast %parallel_loop3A_697 : i32 to index
      %parallel_loop3A_699 = arith.index_cast %parallel_loop3A_649 : i32 to index
      %parallel_loop3A_700 = arith.constant 112 : index
      %parallel_loop3A_701 = tpu.vector_load %arg12[%parallel_loop3A_698, %parallel_loop3A_699, %parallel_loop3A_700] {strides = array<i32>} : memref<2x184x128xf32, #tpu.memory_space<vmem>>, vector<16xf32>,
      tpu.vector_store %arg12[%parallel_loop3A_698, %parallel_loop3A_699, %parallel_loop3A_700], %parallel_loop3A_696 {strides = array<i32>} : memref<2x184x128xf32, #tpu.memory_space<vmem>>, vector<16xf32>,
    } {sc.loop_unroll_factor = 4 : i64, sc.parallel_access}
    %add3A_100 = arith.constant 184 : i32
    %add3A_101 = arith.addi %multiple_of3A, %add3A_100 : i32
    %dma_start3A_102 = arith.constant 1 : i32
    %dma_start3A_103 = arith.constant 0 : i32
    %dma_start3A_104 = arith.constant 0 : i32
    %dma_start3A_105 = tpu.memref_slice %arg12[%dma_start3A_102, %dma_start3A_103, %dma_start3A_104] : memref<2x184x128xf32, #tpu.memory_space<vmem>> -> memref<1x184x128xf32, #tpu.memory_space<vmem>>
    %dma_start3A_106 = tpu.memref_squeeze %dma_start3A_105 : memref<1x184x128xf32, #tpu.memory_space<vmem>> -> memref<184x128xf32, #tpu.memory_space<vmem>>
    %dma_start3A_107 = arith.constant 0 : i32
    %dma_start3A_108 = tpu.memref_slice %arg7[%add3A_101, %dma_start3A_107] : memref<100000x128xf32, #tpu.memory_space<hbm>> -> memref<184x128xf32, #tpu.memory_space<hbm>>
    %dma_start3A_109 = arith.constant 0 : i32
    %dma_start3A_110 = tpu.memref_slice %arg7[%add3A_101, %dma_start3A_109] : memref<100000x128xf32, #tpu.memory_space<hbm>> -> memref<184x128xf32, #tpu.memory_space<hbm>>
    %dma_start3A_111 = arith.constant 0 : i32
    %dma_start3A_112 = arith.constant 0 : i32
    %dma_start3A_113 = tpu.memref_slice %arg12[%dma_start3A_102, %dma_start3A_111, %dma_start3A_112] : memref<2x184x128xf32, #tpu.memory_space<vmem>> -> memref<1x184x128xf32, #tpu.memory_space<vmem>>
    %dma_start3A_114 = tpu.memref_squeeze %dma_start3A_113 : memref<1x184x128xf32, #tpu.memory_space<vmem>> -> memref<184x128xf32, #tpu.memory_space<vmem>>
    tpu.enqueue_dma source(%dma_start3A_114 : memref<184x128xf32, #tpu.memory_space<vmem>>) target(%dma_start3A_110 : memref<184x128xf32, #tpu.memory_space<hbm>>) target_semaphore(%arg15 : memref<!tpu.dma_semaphore, #tpu.memory_space<semaphore_mem>>)
    %dma_wait3A_115 = arith.constant 0 : i32
    %dma_wait3A_116 = arith.constant 0 : i32
    %dma_wait3A_117 = arith.constant 0 : i32
    %dma_wait3A_118 = tpu.memref_slice %arg12[%dma_wait3A_115, %dma_wait3A_116, %dma_wait3A_117] : memref<2x184x128xf32, #tpu.memory_space<vmem>> -> memref<1x184x128xf32, #tpu.memory_space<vmem>>
    %dma_wait3A_119 = tpu.memref_squeeze %dma_wait3A_118 : memref<1x184x128xf32, #tpu.memory_space<vmem>> -> memref<184x128xf32, #tpu.memory_space<vmem>>
    %dma_wait3A_120 = arith.constant 0 : i32
    %dma_wait3A_121 = tpu.memref_slice %arg7[%add3A_83, %dma_wait3A_120] : memref<100000x128xf32, #tpu.memory_space<hbm>> -> memref<184x128xf32, #tpu.memory_space<hbm>>
    %dma_wait3A_122 = arith.constant 0 : i32
    %dma_wait3A_123 = tpu.memref_slice %arg7[%add3A_83, %dma_wait3A_122] : memref<100000x128xf32, #tpu.memory_space<hbm>> -> memref<184x128xf32, #tpu.memory_space<hbm>>
    %dma_wait3A_124 = arith.constant 0 : i32
    %dma_wait3A_125 = arith.constant 0 : i32
    %dma_wait3A_126 = tpu.memref_slice %arg12[%dma_wait3A_115, %dma_wait3A_124, %dma_wait3A_125] : memref<2x184x128xf32, #tpu.memory_space<vmem>> -> memref<1x184x128xf32, #tpu.memory_space<vmem>>
    %dma_wait3A_127 = tpu.memref_squeeze %dma_wait3A_126 : memref<1x184x128xf32, #tpu.memory_space<vmem>> -> memref<184x128xf32, #tpu.memory_space<vmem>>
    tpu.wait_dma2 semaphore(%arg14 : memref<!tpu.dma_semaphore, #tpu.memory_space<semaphore_mem>>) src(%dma_wait3A_127 : memref<184x128xf32, #tpu.memory_space<vmem>>) dst(%dma_wait3A_123 : memref<184x128xf32, #tpu.memory_space<hbm>>)
    %parallel_loop3A_128 = arith.constant 0 : i32
    %parallel_loop3A_129 = arith.constant 184 : i32
    %parallel_loop3A_130 = arith.constant 1 : i32
    scf.for %parallel_loop3A_649 = %parallel_loop3A_128 to %parallel_loop3A_129 step %parallel_loop3A_130  : i32 {
      %parallel_loop3A_650 = arith.constant 368 : i32
      %parallel_loop3A_651 = arith.addi %parallel_loop3A_650, %parallel_loop3A_649 : i32
      %parallel_loop3A_652 = vector.broadcast %parallel_loop3A_651 : i32 to vector<16xi32>
      %parallel_loop3A_653 = tpu.vector_load_idx %arg11[%parallel_loop3A_652] : memref<3128xf32, #tpu.memory_space<vmem>>[vector<16xi32>], vector<16xf32>,
      %parallel_loop3A_654 = arith.mulf %parallel_loop3A_653, %get3A_65 : vector<16xf32>
      %parallel_loop3A_655 = arith.constant 0 : i32
      %parallel_loop3A_656 = arith.index_cast %parallel_loop3A_655 : i32 to index
      %parallel_loop3A_657 = arith.index_cast %parallel_loop3A_649 : i32 to index
      %parallel_loop3A_658 = arith.constant 0 : index
      %parallel_loop3A_659 = tpu.vector_load %arg12[%parallel_loop3A_656, %parallel_loop3A_657, %parallel_loop3A_658] {strides = array<i32>} : memref<2x184x128xf32, #tpu.memory_space<vmem>>, vector<16xf32>,
      tpu.vector_store %arg12[%parallel_loop3A_656, %parallel_loop3A_657, %parallel_loop3A_658], %parallel_loop3A_654 {strides = array<i32>} : memref<2x184x128xf32, #tpu.memory_space<vmem>>, vector<16xf32>,
      %parallel_loop3A_660 = arith.mulf %parallel_loop3A_653, %get3A_67 : vector<16xf32>
      %parallel_loop3A_661 = arith.constant 0 : i32
      %parallel_loop3A_662 = arith.index_cast %parallel_loop3A_661 : i32 to index
      %parallel_loop3A_663 = arith.index_cast %parallel_loop3A_649 : i32 to index
      %parallel_loop3A_664 = arith.constant 16 : index
      %parallel_loop3A_665 = tpu.vector_load %arg12[%parallel_loop3A_662, %parallel_loop3A_663, %parallel_loop3A_664] {strides = array<i32>} : memref<2x184x128xf32, #tpu.memory_space<vmem>>, vector<16xf32>,
      tpu.vector_store %arg12[%parallel_loop3A_662, %parallel_loop3A_663, %parallel_loop3A_664], %parallel_loop3A_660 {strides = array<i32>} : memref<2x184x128xf32, #tpu.memory_space<vmem>>, vector<16xf32>,
      %parallel_loop3A_666 = arith.mulf %parallel_loop3A_653, %get3A_69 : vector<16xf32>
      %parallel_loop3A_667 = arith.constant 0 : i32
      %parallel_loop3A_668 = arith.index_cast %parallel_loop3A_667 : i32 to index
      %parallel_loop3A_669 = arith.index_cast %parallel_loop3A_649 : i32 to index
      %parallel_loop3A_670 = arith.constant 32 : index
      %parallel_loop3A_671 = tpu.vector_load %arg12[%parallel_loop3A_668, %parallel_loop3A_669, %parallel_loop3A_670] {strides = array<i32>} : memref<2x184x128xf32, #tpu.memory_space<vmem>>, vector<16xf32>,
      tpu.vector_store %arg12[%parallel_loop3A_668, %parallel_loop3A_669, %parallel_loop3A_670], %parallel_loop3A_666 {strides = array<i32>} : memref<2x184x128xf32, #tpu.memory_space<vmem>>, vector<16xf32>,
      %parallel_loop3A_672 = arith.mulf %parallel_loop3A_653, %get3A_71 : vector<16xf32>
      %parallel_loop3A_673 = arith.constant 0 : i32
      %parallel_loop3A_674 = arith.index_cast %parallel_loop3A_673 : i32 to index
      %parallel_loop3A_675 = arith.index_cast %parallel_loop3A_649 : i32 to index
      %parallel_loop3A_676 = arith.constant 48 : index
      %parallel_loop3A_677 = tpu.vector_load %arg12[%parallel_loop3A_674, %parallel_loop3A_675, %parallel_loop3A_676] {strides = array<i32>} : memref<2x184x128xf32, #tpu.memory_space<vmem>>, vector<16xf32>,
      tpu.vector_store %arg12[%parallel_loop3A_674, %parallel_loop3A_675, %parallel_loop3A_676], %parallel_loop3A_672 {strides = array<i32>} : memref<2x184x128xf32, #tpu.memory_space<vmem>>, vector<16xf32>,
      %parallel_loop3A_678 = arith.mulf %parallel_loop3A_653, %get3A_73 : vector<16xf32>
      %parallel_loop3A_679 = arith.constant 0 : i32
      %parallel_loop3A_680 = arith.index_cast %parallel_loop3A_679 : i32 to index
      %parallel_loop3A_681 = arith.index_cast %parallel_loop3A_649 : i32 to index
      %parallel_loop3A_682 = arith.constant 64 : index
      %parallel_loop3A_683 = tpu.vector_load %arg12[%parallel_loop3A_680, %parallel_loop3A_681, %parallel_loop3A_682] {strides = array<i32>} : memref<2x184x128xf32, #tpu.memory_space<vmem>>, vector<16xf32>,
      tpu.vector_store %arg12[%parallel_loop3A_680, %parallel_loop3A_681, %parallel_loop3A_682], %parallel_loop3A_678 {strides = array<i32>} : memref<2x184x128xf32, #tpu.memory_space<vmem>>, vector<16xf32>,
      %parallel_loop3A_684 = arith.mulf %parallel_loop3A_653, %get3A_75 : vector<16xf32>
      %parallel_loop3A_685 = arith.constant 0 : i32
      %parallel_loop3A_686 = arith.index_cast %parallel_loop3A_685 : i32 to index
      %parallel_loop3A_687 = arith.index_cast %parallel_loop3A_649 : i32 to index
      %parallel_loop3A_688 = arith.constant 80 : index
      %parallel_loop3A_689 = tpu.vector_load %arg12[%parallel_loop3A_686, %parallel_loop3A_687, %parallel_loop3A_688] {strides = array<i32>} : memref<2x184x128xf32, #tpu.memory_space<vmem>>, vector<16xf32>,
      tpu.vector_store %arg12[%parallel_loop3A_686, %parallel_loop3A_687, %parallel_loop3A_688], %parallel_loop3A_684 {strides = array<i32>} : memref<2x184x128xf32, #tpu.memory_space<vmem>>, vector<16xf32>,
      %parallel_loop3A_690 = arith.mulf %parallel_loop3A_653, %get3A_77 : vector<16xf32>
      %parallel_loop3A_691 = arith.constant 0 : i32
      %parallel_loop3A_692 = arith.index_cast %parallel_loop3A_691 : i32 to index
      %parallel_loop3A_693 = arith.index_cast %parallel_loop3A_649 : i32 to index
      %parallel_loop3A_694 = arith.constant 96 : index
      %parallel_loop3A_695 = tpu.vector_load %arg12[%parallel_loop3A_692, %parallel_loop3A_693, %parallel_loop3A_694] {strides = array<i32>} : memref<2x184x128xf32, #tpu.memory_space<vmem>>, vector<16xf32>,
      tpu.vector_store %arg12[%parallel_loop3A_692, %parallel_loop3A_693, %parallel_loop3A_694], %parallel_loop3A_690 {strides = array<i32>} : memref<2x184x128xf32, #tpu.memory_space<vmem>>, vector<16xf32>,
      %parallel_loop3A_696 = arith.mulf %parallel_loop3A_653, %get3A_79 : vector<16xf32>
      %parallel_loop3A_697 = arith.constant 0 : i32
      %parallel_loop3A_698 = arith.index_cast %parallel_loop3A_697 : i32 to index
      %parallel_loop3A_699 = arith.index_cast %parallel_loop3A_649 : i32 to index
      %parallel_loop3A_700 = arith.constant 112 : index
      %parallel_loop3A_701 = tpu.vector_load %arg12[%parallel_loop3A_698, %parallel_loop3A_699, %parallel_loop3A_700] {strides = array<i32>} : memref<2x184x128xf32, #tpu.memory_space<vmem>>, vector<16xf32>,
      tpu.vector_store %arg12[%parallel_loop3A_698, %parallel_loop3A_699, %parallel_loop3A_700], %parallel_loop3A_696 {strides = array<i32>} : memref<2x184x128xf32, #tpu.memory_space<vmem>>, vector<16xf32>,
    } {sc.loop_unroll_factor = 4 : i64, sc.parallel_access}
    %add3A_131 = arith.constant 368 : i32
    %add3A_132 = arith.addi %multiple_of3A, %add3A_131 : i32
    %dma_start3A_133 = arith.constant 0 : i32
    %dma_start3A_134 = arith.constant 0 : i32
    %dma_start3A_135 = arith.constant 0 : i32
    %dma_start3A_136 = tpu.memref_slice %arg12[%dma_start3A_133, %dma_start3A_134, %dma_start3A_135] : memref<2x184x128xf32, #tpu.memory_space<vmem>> -> memref<1x184x128xf32, #tpu.memory_space<vmem>>
    %dma_start3A_137 = tpu.memref_squeeze %dma_start3A_136 : memref<1x184x128xf32, #tpu.memory_space<vmem>> -> memref<184x128xf32, #tpu.memory_space<vmem>>
    %dma_start3A_138 = arith.constant 0 : i32
    %dma_start3A_139 = tpu.memref_slice %arg7[%add3A_132, %dma_start3A_138] : memref<100000x128xf32, #tpu.memory_space<hbm>> -> memref<184x128xf32, #tpu.memory_space<hbm>>
    %dma_start3A_140 = arith.constant 0 : i32
    %dma_start3A_141 = tpu.memref_slice %arg7[%add3A_132, %dma_start3A_140] : memref<100000x128xf32, #tpu.memory_space<hbm>> -> memref<184x128xf32, #tpu.memory_space<hbm>>
    %dma_start3A_142 = arith.constant 0 : i32
    %dma_start3A_143 = arith.constant 0 : i32
    %dma_start3A_144 = tpu.memref_slice %arg12[%dma_start3A_133, %dma_start3A_142, %dma_start3A_143] : memref<2x184x128xf32, #tpu.memory_space<vmem>> -> memref<1x184x128xf32, #tpu.memory_space<vmem>>
    %dma_start3A_145 = tpu.memref_squeeze %dma_start3A_144 : memref<1x184x128xf32, #tpu.memory_space<vmem>> -> memref<184x128xf32, #tpu.memory_space<vmem>>
    tpu.enqueue_dma source(%dma_start3A_145 : memref<184x128xf32, #tpu.memory_space<vmem>>) target(%dma_start3A_141 : memref<184x128xf32, #tpu.memory_space<hbm>>) target_semaphore(%arg14 : memref<!tpu.dma_semaphore, #tpu.memory_space<semaphore_mem>>)
    %dma_wait3A_146 = arith.constant 1 : i32
    %dma_wait3A_147 = arith.constant 0 : i32
    %dma_wait3A_148 = arith.constant 0 : i32
    %dma_wait3A_149 = tpu.memref_slice %arg12[%dma_wait3A_146, %dma_wait3A_147, %dma_wait3A_148] : memref<2x184x128xf32, #tpu.memory_space<vmem>> -> memref<1x184x128xf32, #tpu.memory_space<vmem>>
    %dma_wait3A_150 = tpu.memref_squeeze %dma_wait3A_149 : memref<1x184x128xf32, #tpu.memory_space<vmem>> -> memref<184x128xf32, #tpu.memory_space<vmem>>
    %dma_wait3A_151 = arith.constant 0 : i32
    %dma_wait3A_152 = tpu.memref_slice %arg7[%add3A_101, %dma_wait3A_151] : memref<100000x128xf32, #tpu.memory_space<hbm>> -> memref<184x128xf32, #tpu.memory_space<hbm>>
    %dma_wait3A_153 = arith.constant 0 : i32
    %dma_wait3A_154 = tpu.memref_slice %arg7[%add3A_101, %dma_wait3A_153] : memref<100000x128xf32, #tpu.memory_space<hbm>> -> memref<184x128xf32, #tpu.memory_space<hbm>>
    %dma_wait3A_155 = arith.constant 0 : i32
    %dma_wait3A_156 = arith.constant 0 : i32
    %dma_wait3A_157 = tpu.memref_slice %arg12[%dma_wait3A_146, %dma_wait3A_155, %dma_wait3A_156] : memref<2x184x128xf32, #tpu.memory_space<vmem>> -> memref<1x184x128xf32, #tpu.memory_space<vmem>>
    %dma_wait3A_158 = tpu.memref_squeeze %dma_wait3A_157 : memref<1x184x128xf32, #tpu.memory_space<vmem>> -> memref<184x128xf32, #tpu.memory_space<vmem>>
    tpu.wait_dma2 semaphore(%arg15 : memref<!tpu.dma_semaphore, #tpu.memory_space<semaphore_mem>>) src(%dma_wait3A_158 : memref<184x128xf32, #tpu.memory_space<vmem>>) dst(%dma_wait3A_154 : memref<184x128xf32, #tpu.memory_space<hbm>>)
    %parallel_loop3A_159 = arith.constant 0 : i32
    %parallel_loop3A_160 = arith.constant 184 : i32
    %parallel_loop3A_161 = arith.constant 1 : i32
    scf.for %parallel_loop3A_649 = %parallel_loop3A_159 to %parallel_loop3A_160 step %parallel_loop3A_161  : i32 {
      %parallel_loop3A_650 = arith.constant 552 : i32
      %parallel_loop3A_651 = arith.addi %parallel_loop3A_650, %parallel_loop3A_649 : i32
      %parallel_loop3A_652 = vector.broadcast %parallel_loop3A_651 : i32 to vector<16xi32>
      %parallel_loop3A_653 = tpu.vector_load_idx %arg11[%parallel_loop3A_652] : memref<3128xf32, #tpu.memory_space<vmem>>[vector<16xi32>], vector<16xf32>,
      %parallel_loop3A_654 = arith.mulf %parallel_loop3A_653, %get3A_65 : vector<16xf32>
      %parallel_loop3A_655 = arith.constant 1 : i32
      %parallel_loop3A_656 = arith.index_cast %parallel_loop3A_655 : i32 to index
      %parallel_loop3A_657 = arith.index_cast %parallel_loop3A_649 : i32 to index
      %parallel_loop3A_658 = arith.constant 0 : index
      %parallel_loop3A_659 = tpu.vector_load %arg12[%parallel_loop3A_656, %parallel_loop3A_657, %parallel_loop3A_658] {strides = array<i32>} : memref<2x184x128xf32, #tpu.memory_space<vmem>>, vector<16xf32>,
      tpu.vector_store %arg12[%parallel_loop3A_656, %parallel_loop3A_657, %parallel_loop3A_658], %parallel_loop3A_654 {strides = array<i32>} : memref<2x184x128xf32, #tpu.memory_space<vmem>>, vector<16xf32>,
      %parallel_loop3A_660 = arith.mulf %parallel_loop3A_653, %get3A_67 : vector<16xf32>
      %parallel_loop3A_661 = arith.constant 1 : i32
      %parallel_loop3A_662 = arith.index_cast %parallel_loop3A_661 : i32 to index
      %parallel_loop3A_663 = arith.index_cast %parallel_loop3A_649 : i32 to index
      %parallel_loop3A_664 = arith.constant 16 : index
      %parallel_loop3A_665 = tpu.vector_load %arg12[%parallel_loop3A_662, %parallel_loop3A_663, %parallel_loop3A_664] {strides = array<i32>} : memref<2x184x128xf32, #tpu.memory_space<vmem>>, vector<16xf32>,
      tpu.vector_store %arg12[%parallel_loop3A_662, %parallel_loop3A_663, %parallel_loop3A_664], %parallel_loop3A_660 {strides = array<i32>} : memref<2x184x128xf32, #tpu.memory_space<vmem>>, vector<16xf32>,
      %parallel_loop3A_666 = arith.mulf %parallel_loop3A_653, %get3A_69 : vector<16xf32>
      %parallel_loop3A_667 = arith.constant 1 : i32
      %parallel_loop3A_668 = arith.index_cast %parallel_loop3A_667 : i32 to index
      %parallel_loop3A_669 = arith.index_cast %parallel_loop3A_649 : i32 to index
      %parallel_loop3A_670 = arith.constant 32 : index
      %parallel_loop3A_671 = tpu.vector_load %arg12[%parallel_loop3A_668, %parallel_loop3A_669, %parallel_loop3A_670] {strides = array<i32>} : memref<2x184x128xf32, #tpu.memory_space<vmem>>, vector<16xf32>,
      tpu.vector_store %arg12[%parallel_loop3A_668, %parallel_loop3A_669, %parallel_loop3A_670], %parallel_loop3A_666 {strides = array<i32>} : memref<2x184x128xf32, #tpu.memory_space<vmem>>, vector<16xf32>,
      %parallel_loop3A_672 = arith.mulf %parallel_loop3A_653, %get3A_71 : vector<16xf32>
      %parallel_loop3A_673 = arith.constant 1 : i32
      %parallel_loop3A_674 = arith.index_cast %parallel_loop3A_673 : i32 to index
      %parallel_loop3A_675 = arith.index_cast %parallel_loop3A_649 : i32 to index
      %parallel_loop3A_676 = arith.constant 48 : index
      %parallel_loop3A_677 = tpu.vector_load %arg12[%parallel_loop3A_674, %parallel_loop3A_675, %parallel_loop3A_676] {strides = array<i32>} : memref<2x184x128xf32, #tpu.memory_space<vmem>>, vector<16xf32>,
      tpu.vector_store %arg12[%parallel_loop3A_674, %parallel_loop3A_675, %parallel_loop3A_676], %parallel_loop3A_672 {strides = array<i32>} : memref<2x184x128xf32, #tpu.memory_space<vmem>>, vector<16xf32>,
      %parallel_loop3A_678 = arith.mulf %parallel_loop3A_653, %get3A_73 : vector<16xf32>
      %parallel_loop3A_679 = arith.constant 1 : i32
      %parallel_loop3A_680 = arith.index_cast %parallel_loop3A_679 : i32 to index
      %parallel_loop3A_681 = arith.index_cast %parallel_loop3A_649 : i32 to index
      %parallel_loop3A_682 = arith.constant 64 : index
      %parallel_loop3A_683 = tpu.vector_load %arg12[%parallel_loop3A_680, %parallel_loop3A_681, %parallel_loop3A_682] {strides = array<i32>} : memref<2x184x128xf32, #tpu.memory_space<vmem>>, vector<16xf32>,
      tpu.vector_store %arg12[%parallel_loop3A_680, %parallel_loop3A_681, %parallel_loop3A_682], %parallel_loop3A_678 {strides = array<i32>} : memref<2x184x128xf32, #tpu.memory_space<vmem>>, vector<16xf32>,
      %parallel_loop3A_684 = arith.mulf %parallel_loop3A_653, %get3A_75 : vector<16xf32>
      %parallel_loop3A_685 = arith.constant 1 : i32
      %parallel_loop3A_686 = arith.index_cast %parallel_loop3A_685 : i32 to index
      %parallel_loop3A_687 = arith.index_cast %parallel_loop3A_649 : i32 to index
      %parallel_loop3A_688 = arith.constant 80 : index
      %parallel_loop3A_689 = tpu.vector_load %arg12[%parallel_loop3A_686, %parallel_loop3A_687, %parallel_loop3A_688] {strides = array<i32>} : memref<2x184x128xf32, #tpu.memory_space<vmem>>, vector<16xf32>,
      tpu.vector_store %arg12[%parallel_loop3A_686, %parallel_loop3A_687, %parallel_loop3A_688], %parallel_loop3A_684 {strides = array<i32>} : memref<2x184x128xf32, #tpu.memory_space<vmem>>, vector<16xf32>,
      %parallel_loop3A_690 = arith.mulf %parallel_loop3A_653, %get3A_77 : vector<16xf32>
      %parallel_loop3A_691 = arith.constant 1 : i32
      %parallel_loop3A_692 = arith.index_cast %parallel_loop3A_691 : i32 to index
      %parallel_loop3A_693 = arith.index_cast %parallel_loop3A_649 : i32 to index
      %parallel_loop3A_694 = arith.constant 96 : index
      %parallel_loop3A_695 = tpu.vector_load %arg12[%parallel_loop3A_692, %parallel_loop3A_693, %parallel_loop3A_694] {strides = array<i32>} : memref<2x184x128xf32, #tpu.memory_space<vmem>>, vector<16xf32>,
      tpu.vector_store %arg12[%parallel_loop3A_692, %parallel_loop3A_693, %parallel_loop3A_694], %parallel_loop3A_690 {strides = array<i32>} : memref<2x184x128xf32, #tpu.memory_space<vmem>>, vector<16xf32>,
      %parallel_loop3A_696 = arith.mulf %parallel_loop3A_653, %get3A_79 : vector<16xf32>
      %parallel_loop3A_697 = arith.constant 1 : i32
      %parallel_loop3A_698 = arith.index_cast %parallel_loop3A_697 : i32 to index
      %parallel_loop3A_699 = arith.index_cast %parallel_loop3A_649 : i32 to index
      %parallel_loop3A_700 = arith.constant 112 : index
      %parallel_loop3A_701 = tpu.vector_load %arg12[%parallel_loop3A_698, %parallel_loop3A_699, %parallel_loop3A_700] {strides = array<i32>} : memref<2x184x128xf32, #tpu.memory_space<vmem>>, vector<16xf32>,
      tpu.vector_store %arg12[%parallel_loop3A_698, %parallel_loop3A_699, %parallel_loop3A_700], %parallel_loop3A_696 {strides = array<i32>} : memref<2x184x128xf32, #tpu.memory_space<vmem>>, vector<16xf32>,
    } {sc.loop_unroll_factor = 4 : i64, sc.parallel_access}
    %add3A_162 = arith.constant 552 : i32
    %add3A_163 = arith.addi %multiple_of3A, %add3A_162 : i32
    %dma_start3A_164 = arith.constant 1 : i32
    %dma_start3A_165 = arith.constant 0 : i32
    %dma_start3A_166 = arith.constant 0 : i32
    %dma_start3A_167 = tpu.memref_slice %arg12[%dma_start3A_164, %dma_start3A_165, %dma_start3A_166] : memref<2x184x128xf32, #tpu.memory_space<vmem>> -> memref<1x184x128xf32, #tpu.memory_space<vmem>>
    %dma_start3A_168 = tpu.memref_squeeze %dma_start3A_167 : memref<1x184x128xf32, #tpu.memory_space<vmem>> -> memref<184x128xf32, #tpu.memory_space<vmem>>
    %dma_start3A_169 = arith.constant 0 : i32
    %dma_start3A_170 = tpu.memref_slice %arg7[%add3A_163, %dma_start3A_169] : memref<100000x128xf32, #tpu.memory_space<hbm>> -> memref<184x128xf32, #tpu.memory_space<hbm>>
    %dma_start3A_171 = arith.constant 0 : i32
    %dma_start3A_172 = tpu.memref_slice %arg7[%add3A_163, %dma_start3A_171] : memref<100000x128xf32, #tpu.memory_space<hbm>> -> memref<184x128xf32, #tpu.memory_space<hbm>>
    %dma_start3A_173 = arith.constant 0 : i32
    %dma_start3A_174 = arith.constant 0 : i32
    %dma_start3A_175 = tpu.memref_slice %arg12[%dma_start3A_164, %dma_start3A_173, %dma_start3A_174] : memref<2x184x128xf32, #tpu.memory_space<vmem>> -> memref<1x184x128xf32, #tpu.memory_space<vmem>>
    %dma_start3A_176 = tpu.memref_squeeze %dma_start3A_175 : memref<1x184x128xf32, #tpu.memory_space<vmem>> -> memref<184x128xf32, #tpu.memory_space<vmem>>
    tpu.enqueue_dma source(%dma_start3A_176 : memref<184x128xf32, #tpu.memory_space<vmem>>) target(%dma_start3A_172 : memref<184x128xf32, #tpu.memory_space<hbm>>) target_semaphore(%arg15 : memref<!tpu.dma_semaphore, #tpu.memory_space<semaphore_mem>>)
    %dma_wait3A_177 = arith.constant 0 : i32
    %dma_wait3A_178 = arith.constant 0 : i32
    %dma_wait3A_179 = arith.constant 0 : i32
    %dma_wait3A_180 = tpu.memref_slice %arg12[%dma_wait3A_177, %dma_wait3A_178, %dma_wait3A_179] : memref<2x184x128xf32, #tpu.memory_space<vmem>> -> memref<1x184x128xf32, #tpu.memory_space<vmem>>
    %dma_wait3A_181 = tpu.memref_squeeze %dma_wait3A_180 : memref<1x184x128xf32, #tpu.memory_space<vmem>> -> memref<184x128xf32, #tpu.memory_space<vmem>>
    %dma_wait3A_182 = arith.constant 0 : i32
    %dma_wait3A_183 = tpu.memref_slice %arg7[%add3A_132, %dma_wait3A_182] : memref<100000x128xf32, #tpu.memory_space<hbm>> -> memref<184x128xf32, #tpu.memory_space<hbm>>
    %dma_wait3A_184 = arith.constant 0 : i32
    %dma_wait3A_185 = tpu.memref_slice %arg7[%add3A_132, %dma_wait3A_184] : memref<100000x128xf32, #tpu.memory_space<hbm>> -> memref<184x128xf32, #tpu.memory_space<hbm>>
    %dma_wait3A_186 = arith.constant 0 : i32
    %dma_wait3A_187 = arith.constant 0 : i32
    %dma_wait3A_188 = tpu.memref_slice %arg12[%dma_wait3A_177, %dma_wait3A_186, %dma_wait3A_187] : memref<2x184x128xf32, #tpu.memory_space<vmem>> -> memref<1x184x128xf32, #tpu.memory_space<vmem>>
    %dma_wait3A_189 = tpu.memref_squeeze %dma_wait3A_188 : memref<1x184x128xf32, #tpu.memory_space<vmem>> -> memref<184x128xf32, #tpu.memory_space<vmem>>
    tpu.wait_dma2 semaphore(%arg14 : memref<!tpu.dma_semaphore, #tpu.memory_space<semaphore_mem>>) src(%dma_wait3A_189 : memref<184x128xf32, #tpu.memory_space<vmem>>) dst(%dma_wait3A_185 : memref<184x128xf32, #tpu.memory_space<hbm>>)
    %parallel_loop3A_190 = arith.constant 0 : i32
    %parallel_loop3A_191 = arith.constant 184 : i32
    %parallel_loop3A_192 = arith.constant 1 : i32
    scf.for %parallel_loop3A_649 = %parallel_loop3A_190 to %parallel_loop3A_191 step %parallel_loop3A_192  : i32 {
      %parallel_loop3A_650 = arith.constant 736 : i32
      %parallel_loop3A_651 = arith.addi %parallel_loop3A_650, %parallel_loop3A_649 : i32
      %parallel_loop3A_652 = vector.broadcast %parallel_loop3A_651 : i32 to vector<16xi32>
      %parallel_loop3A_653 = tpu.vector_load_idx %arg11[%parallel_loop3A_652] : memref<3128xf32, #tpu.memory_space<vmem>>[vector<16xi32>], vector<16xf32>,
      %parallel_loop3A_654 = arith.mulf %parallel_loop3A_653, %get3A_65 : vector<16xf32>
      %parallel_loop3A_655 = arith.constant 0 : i32
      %parallel_loop3A_656 = arith.index_cast %parallel_loop3A_655 : i32 to index
      %parallel_loop3A_657 = arith.index_cast %parallel_loop3A_649 : i32 to index
      %parallel_loop3A_658 = arith.constant 0 : index
      %parallel_loop3A_659 = tpu.vector_load %arg12[%parallel_loop3A_656, %parallel_loop3A_657, %parallel_loop3A_658] {strides = array<i32>} : memref<2x184x128xf32, #tpu.memory_space<vmem>>, vector<16xf32>,
      tpu.vector_store %arg12[%parallel_loop3A_656, %parallel_loop3A_657, %parallel_loop3A_658], %parallel_loop3A_654 {strides = array<i32>} : memref<2x184x128xf32, #tpu.memory_space<vmem>>, vector<16xf32>,
      %parallel_loop3A_660 = arith.mulf %parallel_loop3A_653, %get3A_67 : vector<16xf32>
      %parallel_loop3A_661 = arith.constant 0 : i32
      %parallel_loop3A_662 = arith.index_cast %parallel_loop3A_661 : i32 to index
      %parallel_loop3A_663 = arith.index_cast %parallel_loop3A_649 : i32 to index
      %parallel_loop3A_664 = arith.constant 16 : index
      %parallel_loop3A_665 = tpu.vector_load %arg12[%parallel_loop3A_662, %parallel_loop3A_663, %parallel_loop3A_664] {strides = array<i32>} : memref<2x184x128xf32, #tpu.memory_space<vmem>>, vector<16xf32>,
      tpu.vector_store %arg12[%parallel_loop3A_662, %parallel_loop3A_663, %parallel_loop3A_664], %parallel_loop3A_660 {strides = array<i32>} : memref<2x184x128xf32, #tpu.memory_space<vmem>>, vector<16xf32>,
      %parallel_loop3A_666 = arith.mulf %parallel_loop3A_653, %get3A_69 : vector<16xf32>
      %parallel_loop3A_667 = arith.constant 0 : i32
      %parallel_loop3A_668 = arith.index_cast %parallel_loop3A_667 : i32 to index
      %parallel_loop3A_669 = arith.index_cast %parallel_loop3A_649 : i32 to index
      %parallel_loop3A_670 = arith.constant 32 : index
      %parallel_loop3A_671 = tpu.vector_load %arg12[%parallel_loop3A_668, %parallel_loop3A_669, %parallel_loop3A_670] {strides = array<i32>} : memref<2x184x128xf32, #tpu.memory_space<vmem>>, vector<16xf32>,
      tpu.vector_store %arg12[%parallel_loop3A_668, %parallel_loop3A_669, %parallel_loop3A_670], %parallel_loop3A_666 {strides = array<i32>} : memref<2x184x128xf32, #tpu.memory_space<vmem>>, vector<16xf32>,
      %parallel_loop3A_672 = arith.mulf %parallel_loop3A_653, %get3A_71 : vector<16xf32>
      %parallel_loop3A_673 = arith.constant 0 : i32
      %parallel_loop3A_674 = arith.index_cast %parallel_loop3A_673 : i32 to index
      %parallel_loop3A_675 = arith.index_cast %parallel_loop3A_649 : i32 to index
      %parallel_loop3A_676 = arith.constant 48 : index
      %parallel_loop3A_677 = tpu.vector_load %arg12[%parallel_loop3A_674, %parallel_loop3A_675, %parallel_loop3A_676] {strides = array<i32>} : memref<2x184x128xf32, #tpu.memory_space<vmem>>, vector<16xf32>,
      tpu.vector_store %arg12[%parallel_loop3A_674, %parallel_loop3A_675, %parallel_loop3A_676], %parallel_loop3A_672 {strides = array<i32>} : memref<2x184x128xf32, #tpu.memory_space<vmem>>, vector<16xf32>,
      %parallel_loop3A_678 = arith.mulf %parallel_loop3A_653, %get3A_73 : vector<16xf32>
      %parallel_loop3A_679 = arith.constant 0 : i32
      %parallel_loop3A_680 = arith.index_cast %parallel_loop3A_679 : i32 to index
      %parallel_loop3A_681 = arith.index_cast %parallel_loop3A_649 : i32 to index
      %parallel_loop3A_682 = arith.constant 64 : index
      %parallel_loop3A_683 = tpu.vector_load %arg12[%parallel_loop3A_680, %parallel_loop3A_681, %parallel_loop3A_682] {strides = array<i32>} : memref<2x184x128xf32, #tpu.memory_space<vmem>>, vector<16xf32>,
      tpu.vector_store %arg12[%parallel_loop3A_680, %parallel_loop3A_681, %parallel_loop3A_682], %parallel_loop3A_678 {strides = array<i32>} : memref<2x184x128xf32, #tpu.memory_space<vmem>>, vector<16xf32>,
      %parallel_loop3A_684 = arith.mulf %parallel_loop3A_653, %get3A_75 : vector<16xf32>
      %parallel_loop3A_685 = arith.constant 0 : i32
      %parallel_loop3A_686 = arith.index_cast %parallel_loop3A_685 : i32 to index
      %parallel_loop3A_687 = arith.index_cast %parallel_loop3A_649 : i32 to index
      %parallel_loop3A_688 = arith.constant 80 : index
      %parallel_loop3A_689 = tpu.vector_load %arg12[%parallel_loop3A_686, %parallel_loop3A_687, %parallel_loop3A_688] {strides = array<i32>} : memref<2x184x128xf32, #tpu.memory_space<vmem>>, vector<16xf32>,
      tpu.vector_store %arg12[%parallel_loop3A_686, %parallel_loop3A_687, %parallel_loop3A_688], %parallel_loop3A_684 {strides = array<i32>} : memref<2x184x128xf32, #tpu.memory_space<vmem>>, vector<16xf32>,
      %parallel_loop3A_690 = arith.mulf %parallel_loop3A_653, %get3A_77 : vector<16xf32>
      %parallel_loop3A_691 = arith.constant 0 : i32
      %parallel_loop3A_692 = arith.index_cast %parallel_loop3A_691 : i32 to index
      %parallel_loop3A_693 = arith.index_cast %parallel_loop3A_649 : i32 to index
      %parallel_loop3A_694 = arith.constant 96 : index
      %parallel_loop3A_695 = tpu.vector_load %arg12[%parallel_loop3A_692, %parallel_loop3A_693, %parallel_loop3A_694] {strides = array<i32>} : memref<2x184x128xf32, #tpu.memory_space<vmem>>, vector<16xf32>,
      tpu.vector_store %arg12[%parallel_loop3A_692, %parallel_loop3A_693, %parallel_loop3A_694], %parallel_loop3A_690 {strides = array<i32>} : memref<2x184x128xf32, #tpu.memory_space<vmem>>, vector<16xf32>,
      %parallel_loop3A_696 = arith.mulf %parallel_loop3A_653, %get3A_79 : vector<16xf32>
      %parallel_loop3A_697 = arith.constant 0 : i32
      %parallel_loop3A_698 = arith.index_cast %parallel_loop3A_697 : i32 to index
      %parallel_loop3A_699 = arith.index_cast %parallel_loop3A_649 : i32 to index
      %parallel_loop3A_700 = arith.constant 112 : index
      %parallel_loop3A_701 = tpu.vector_load %arg12[%parallel_loop3A_698, %parallel_loop3A_699, %parallel_loop3A_700] {strides = array<i32>} : memref<2x184x128xf32, #tpu.memory_space<vmem>>, vector<16xf32>,
      tpu.vector_store %arg12[%parallel_loop3A_698, %parallel_loop3A_699, %parallel_loop3A_700], %parallel_loop3A_696 {strides = array<i32>} : memref<2x184x128xf32, #tpu.memory_space<vmem>>, vector<16xf32>,
    } {sc.loop_unroll_factor = 4 : i64, sc.parallel_access}
    %add3A_193 = arith.constant 736 : i32
    %add3A_194 = arith.addi %multiple_of3A, %add3A_193 : i32
    %dma_start3A_195 = arith.constant 0 : i32
    %dma_start3A_196 = arith.constant 0 : i32
    %dma_start3A_197 = arith.constant 0 : i32
    %dma_start3A_198 = tpu.memref_slice %arg12[%dma_start3A_195, %dma_start3A_196, %dma_start3A_197] : memref<2x184x128xf32, #tpu.memory_space<vmem>> -> memref<1x184x128xf32, #tpu.memory_space<vmem>>
    %dma_start3A_199 = tpu.memref_squeeze %dma_start3A_198 : memref<1x184x128xf32, #tpu.memory_space<vmem>> -> memref<184x128xf32, #tpu.memory_space<vmem>>
    %dma_start3A_200 = arith.constant 0 : i32
    %dma_start3A_201 = tpu.memref_slice %arg7[%add3A_194, %dma_start3A_200] : memref<100000x128xf32, #tpu.memory_space<hbm>> -> memref<184x128xf32, #tpu.memory_space<hbm>>
    %dma_start3A_202 = arith.constant 0 : i32
    %dma_start3A_203 = tpu.memref_slice %arg7[%add3A_194, %dma_start3A_202] : memref<100000x128xf32, #tpu.memory_space<hbm>> -> memref<184x128xf32, #tpu.memory_space<hbm>>
    %dma_start3A_204 = arith.constant 0 : i32
    %dma_start3A_205 = arith.constant 0 : i32
    %dma_start3A_206 = tpu.memref_slice %arg12[%dma_start3A_195, %dma_start3A_204, %dma_start3A_205] : memref<2x184x128xf32, #tpu.memory_space<vmem>> -> memref<1x184x128xf32, #tpu.memory_space<vmem>>
    %dma_start3A_207 = tpu.memref_squeeze %dma_start3A_206 : memref<1x184x128xf32, #tpu.memory_space<vmem>> -> memref<184x128xf32, #tpu.memory_space<vmem>>
    tpu.enqueue_dma source(%dma_start3A_207 : memref<184x128xf32, #tpu.memory_space<vmem>>) target(%dma_start3A_203 : memref<184x128xf32, #tpu.memory_space<hbm>>) target_semaphore(%arg14 : memref<!tpu.dma_semaphore, #tpu.memory_space<semaphore_mem>>)
    %dma_wait3A_208 = arith.constant 1 : i32
    %dma_wait3A_209 = arith.constant 0 : i32
    %dma_wait3A_210 = arith.constant 0 : i32
    %dma_wait3A_211 = tpu.memref_slice %arg12[%dma_wait3A_208, %dma_wait3A_209, %dma_wait3A_210] : memref<2x184x128xf32, #tpu.memory_space<vmem>> -> memref<1x184x128xf32, #tpu.memory_space<vmem>>
    %dma_wait3A_212 = tpu.memref_squeeze %dma_wait3A_211 : memref<1x184x128xf32, #tpu.memory_space<vmem>> -> memref<184x128xf32, #tpu.memory_space<vmem>>
    %dma_wait3A_213 = arith.constant 0 : i32
    %dma_wait3A_214 = tpu.memref_slice %arg7[%add3A_163, %dma_wait3A_213] : memref<100000x128xf32, #tpu.memory_space<hbm>> -> memref<184x128xf32, #tpu.memory_space<hbm>>
    %dma_wait3A_215 = arith.constant 0 : i32
    %dma_wait3A_216 = tpu.memref_slice %arg7[%add3A_163, %dma_wait3A_215] : memref<100000x128xf32, #tpu.memory_space<hbm>> -> memref<184x128xf32, #tpu.memory_space<hbm>>
    %dma_wait3A_217 = arith.constant 0 : i32
    %dma_wait3A_218 = arith.constant 0 : i32
    %dma_wait3A_219 = tpu.memref_slice %arg12[%dma_wait3A_208, %dma_wait3A_217, %dma_wait3A_218] : memref<2x184x128xf32, #tpu.memory_space<vmem>> -> memref<1x184x128xf32, #tpu.memory_space<vmem>>
    %dma_wait3A_220 = tpu.memref_squeeze %dma_wait3A_219 : memref<1x184x128xf32, #tpu.memory_space<vmem>> -> memref<184x128xf32, #tpu.memory_space<vmem>>
    tpu.wait_dma2 semaphore(%arg15 : memref<!tpu.dma_semaphore, #tpu.memory_space<semaphore_mem>>) src(%dma_wait3A_220 : memref<184x128xf32, #tpu.memory_space<vmem>>) dst(%dma_wait3A_216 : memref<184x128xf32, #tpu.memory_space<hbm>>)
    %parallel_loop3A_221 = arith.constant 0 : i32
    %parallel_loop3A_222 = arith.constant 184 : i32
    %parallel_loop3A_223 = arith.constant 1 : i32
    scf.for %parallel_loop3A_649 = %parallel_loop3A_221 to %parallel_loop3A_222 step %parallel_loop3A_223  : i32 {
      %parallel_loop3A_650 = arith.constant 920 : i32
      %parallel_loop3A_651 = arith.addi %parallel_loop3A_650, %parallel_loop3A_649 : i32
      %parallel_loop3A_652 = vector.broadcast %parallel_loop3A_651 : i32 to vector<16xi32>
      %parallel_loop3A_653 = tpu.vector_load_idx %arg11[%parallel_loop3A_652] : memref<3128xf32, #tpu.memory_space<vmem>>[vector<16xi32>], vector<16xf32>,
      %parallel_loop3A_654 = arith.mulf %parallel_loop3A_653, %get3A_65 : vector<16xf32>
      %parallel_loop3A_655 = arith.constant 1 : i32
      %parallel_loop3A_656 = arith.index_cast %parallel_loop3A_655 : i32 to index
      %parallel_loop3A_657 = arith.index_cast %parallel_loop3A_649 : i32 to index
      %parallel_loop3A_658 = arith.constant 0 : index
      %parallel_loop3A_659 = tpu.vector_load %arg12[%parallel_loop3A_656, %parallel_loop3A_657, %parallel_loop3A_658] {strides = array<i32>} : memref<2x184x128xf32, #tpu.memory_space<vmem>>, vector<16xf32>,
      tpu.vector_store %arg12[%parallel_loop3A_656, %parallel_loop3A_657, %parallel_loop3A_658], %parallel_loop3A_654 {strides = array<i32>} : memref<2x184x128xf32, #tpu.memory_space<vmem>>, vector<16xf32>,
      %parallel_loop3A_660 = arith.mulf %parallel_loop3A_653, %get3A_67 : vector<16xf32>
      %parallel_loop3A_661 = arith.constant 1 : i32
      %parallel_loop3A_662 = arith.index_cast %parallel_loop3A_661 : i32 to index
      %parallel_loop3A_663 = arith.index_cast %parallel_loop3A_649 : i32 to index
      %parallel_loop3A_664 = arith.constant 16 : index
      %parallel_loop3A_665 = tpu.vector_load %arg12[%parallel_loop3A_662, %parallel_loop3A_663, %parallel_loop3A_664] {strides = array<i32>} : memref<2x184x128xf32, #tpu.memory_space<vmem>>, vector<16xf32>,
      tpu.vector_store %arg12[%parallel_loop3A_662, %parallel_loop3A_663, %parallel_loop3A_664], %parallel_loop3A_660 {strides = array<i32>} : memref<2x184x128xf32, #tpu.memory_space<vmem>>, vector<16xf32>,
      %parallel_loop3A_666 = arith.mulf %parallel_loop3A_653, %get3A_69 : vector<16xf32>
      %parallel_loop3A_667 = arith.constant 1 : i32
      %parallel_loop3A_668 = arith.index_cast %parallel_loop3A_667 : i32 to index
      %parallel_loop3A_669 = arith.index_cast %parallel_loop3A_649 : i32 to index
      %parallel_loop3A_670 = arith.constant 32 : index
      %parallel_loop3A_671 = tpu.vector_load %arg12[%parallel_loop3A_668, %parallel_loop3A_669, %parallel_loop3A_670] {strides = array<i32>} : memref<2x184x128xf32, #tpu.memory_space<vmem>>, vector<16xf32>,
      tpu.vector_store %arg12[%parallel_loop3A_668, %parallel_loop3A_669, %parallel_loop3A_670], %parallel_loop3A_666 {strides = array<i32>} : memref<2x184x128xf32, #tpu.memory_space<vmem>>, vector<16xf32>,
      %parallel_loop3A_672 = arith.mulf %parallel_loop3A_653, %get3A_71 : vector<16xf32>
      %parallel_loop3A_673 = arith.constant 1 : i32
      %parallel_loop3A_674 = arith.index_cast %parallel_loop3A_673 : i32 to index
      %parallel_loop3A_675 = arith.index_cast %parallel_loop3A_649 : i32 to index
      %parallel_loop3A_676 = arith.constant 48 : index
      %parallel_loop3A_677 = tpu.vector_load %arg12[%parallel_loop3A_674, %parallel_loop3A_675, %parallel_loop3A_676] {strides = array<i32>} : memref<2x184x128xf32, #tpu.memory_space<vmem>>, vector<16xf32>,
      tpu.vector_store %arg12[%parallel_loop3A_674, %parallel_loop3A_675, %parallel_loop3A_676], %parallel_loop3A_672 {strides = array<i32>} : memref<2x184x128xf32, #tpu.memory_space<vmem>>, vector<16xf32>,
      %parallel_loop3A_678 = arith.mulf %parallel_loop3A_653, %get3A_73 : vector<16xf32>
      %parallel_loop3A_679 = arith.constant 1 : i32
      %parallel_loop3A_680 = arith.index_cast %parallel_loop3A_679 : i32 to index
      %parallel_loop3A_681 = arith.index_cast %parallel_loop3A_649 : i32 to index
      %parallel_loop3A_682 = arith.constant 64 : index
      %parallel_loop3A_683 = tpu.vector_load %arg12[%parallel_loop3A_680, %parallel_loop3A_681, %parallel_loop3A_682] {strides = array<i32>} : memref<2x184x128xf32, #tpu.memory_space<vmem>>, vector<16xf32>,
      tpu.vector_store %arg12[%parallel_loop3A_680, %parallel_loop3A_681, %parallel_loop3A_682], %parallel_loop3A_678 {strides = array<i32>} : memref<2x184x128xf32, #tpu.memory_space<vmem>>, vector<16xf32>,
      %parallel_loop3A_684 = arith.mulf %parallel_loop3A_653, %get3A_75 : vector<16xf32>
      %parallel_loop3A_685 = arith.constant 1 : i32
      %parallel_loop3A_686 = arith.index_cast %parallel_loop3A_685 : i32 to index
      %parallel_loop3A_687 = arith.index_cast %parallel_loop3A_649 : i32 to index
      %parallel_loop3A_688 = arith.constant 80 : index
      %parallel_loop3A_689 = tpu.vector_load %arg12[%parallel_loop3A_686, %parallel_loop3A_687, %parallel_loop3A_688] {strides = array<i32>} : memref<2x184x128xf32, #tpu.memory_space<vmem>>, vector<16xf32>,
      tpu.vector_store %arg12[%parallel_loop3A_686, %parallel_loop3A_687, %parallel_loop3A_688], %parallel_loop3A_684 {strides = array<i32>} : memref<2x184x128xf32, #tpu.memory_space<vmem>>, vector<16xf32>,
      %parallel_loop3A_690 = arith.mulf %parallel_loop3A_653, %get3A_77 : vector<16xf32>
      %parallel_loop3A_691 = arith.constant 1 : i32
      %parallel_loop3A_692 = arith.index_cast %parallel_loop3A_691 : i32 to index
      %parallel_loop3A_693 = arith.index_cast %parallel_loop3A_649 : i32 to index
      %parallel_loop3A_694 = arith.constant 96 : index
      %parallel_loop3A_695 = tpu.vector_load %arg12[%parallel_loop3A_692, %parallel_loop3A_693, %parallel_loop3A_694] {strides = array<i32>} : memref<2x184x128xf32, #tpu.memory_space<vmem>>, vector<16xf32>,
      tpu.vector_store %arg12[%parallel_loop3A_692, %parallel_loop3A_693, %parallel_loop3A_694], %parallel_loop3A_690 {strides = array<i32>} : memref<2x184x128xf32, #tpu.memory_space<vmem>>, vector<16xf32>,
      %parallel_loop3A_696 = arith.mulf %parallel_loop3A_653, %get3A_79 : vector<16xf32>
      %parallel_loop3A_697 = arith.constant 1 : i32
      %parallel_loop3A_698 = arith.index_cast %parallel_loop3A_697 : i32 to index
      %parallel_loop3A_699 = arith.index_cast %parallel_loop3A_649 : i32 to index
      %parallel_loop3A_700 = arith.constant 112 : index
      %parallel_loop3A_701 = tpu.vector_load %arg12[%parallel_loop3A_698, %parallel_loop3A_699, %parallel_loop3A_700] {strides = array<i32>} : memref<2x184x128xf32, #tpu.memory_space<vmem>>, vector<16xf32>,
      tpu.vector_store %arg12[%parallel_loop3A_698, %parallel_loop3A_699, %parallel_loop3A_700], %parallel_loop3A_696 {strides = array<i32>} : memref<2x184x128xf32, #tpu.memory_space<vmem>>, vector<16xf32>,
    } {sc.loop_unroll_factor = 4 : i64, sc.parallel_access}
    %add3A_224 = arith.constant 920 : i32
    %add3A_225 = arith.addi %multiple_of3A, %add3A_224 : i32
    %dma_start3A_226 = arith.constant 1 : i32
    %dma_start3A_227 = arith.constant 0 : i32
    %dma_start3A_228 = arith.constant 0 : i32
    %dma_start3A_229 = tpu.memref_slice %arg12[%dma_start3A_226, %dma_start3A_227, %dma_start3A_228] : memref<2x184x128xf32, #tpu.memory_space<vmem>> -> memref<1x184x128xf32, #tpu.memory_space<vmem>>
    %dma_start3A_230 = tpu.memref_squeeze %dma_start3A_229 : memref<1x184x128xf32, #tpu.memory_space<vmem>> -> memref<184x128xf32, #tpu.memory_space<vmem>>
    %dma_start3A_231 = arith.constant 0 : i32
    %dma_start3A_232 = tpu.memref_slice %arg7[%add3A_225, %dma_start3A_231] : memref<100000x128xf32, #tpu.memory_space<hbm>> -> memref<184x128xf32, #tpu.memory_space<hbm>>
    %dma_start3A_233 = arith.constant 0 : i32
    %dma_start3A_234 = tpu.memref_slice %arg7[%add3A_225, %dma_start3A_233] : memref<100000x128xf32, #tpu.memory_space<hbm>> -> memref<184x128xf32, #tpu.memory_space<hbm>>
    %dma_start3A_235 = arith.constant 0 : i32
    %dma_start3A_236 = arith.constant 0 : i32
    %dma_start3A_237 = tpu.memref_slice %arg12[%dma_start3A_226, %dma_start3A_235, %dma_start3A_236] : memref<2x184x128xf32, #tpu.memory_space<vmem>> -> memref<1x184x128xf32, #tpu.memory_space<vmem>>
    %dma_start3A_238 = tpu.memref_squeeze %dma_start3A_237 : memref<1x184x128xf32, #tpu.memory_space<vmem>> -> memref<184x128xf32, #tpu.memory_space<vmem>>
    tpu.enqueue_dma source(%dma_start3A_238 : memref<184x128xf32, #tpu.memory_space<vmem>>) target(%dma_start3A_234 : memref<184x128xf32, #tpu.memory_space<hbm>>) target_semaphore(%arg15 : memref<!tpu.dma_semaphore, #tpu.memory_space<semaphore_mem>>)
    %dma_wait3A_239 = arith.constant 0 : i32
    %dma_wait3A_240 = arith.constant 0 : i32
    %dma_wait3A_241 = arith.constant 0 : i32
    %dma_wait3A_242 = tpu.memref_slice %arg12[%dma_wait3A_239, %dma_wait3A_240, %dma_wait3A_241] : memref<2x184x128xf32, #tpu.memory_space<vmem>> -> memref<1x184x128xf32, #tpu.memory_space<vmem>>
    %dma_wait3A_243 = tpu.memref_squeeze %dma_wait3A_242 : memref<1x184x128xf32, #tpu.memory_space<vmem>> -> memref<184x128xf32, #tpu.memory_space<vmem>>
    %dma_wait3A_244 = arith.constant 0 : i32
    %dma_wait3A_245 = tpu.memref_slice %arg7[%add3A_194, %dma_wait3A_244] : memref<100000x128xf32, #tpu.memory_space<hbm>> -> memref<184x128xf32, #tpu.memory_space<hbm>>
    %dma_wait3A_246 = arith.constant 0 : i32
    %dma_wait3A_247 = tpu.memref_slice %arg7[%add3A_194, %dma_wait3A_246] : memref<100000x128xf32, #tpu.memory_space<hbm>> -> memref<184x128xf32, #tpu.memory_space<hbm>>
    %dma_wait3A_248 = arith.constant 0 : i32
    %dma_wait3A_249 = arith.constant 0 : i32
    %dma_wait3A_250 = tpu.memref_slice %arg12[%dma_wait3A_239, %dma_wait3A_248, %dma_wait3A_249] : memref<2x184x128xf32, #tpu.memory_space<vmem>> -> memref<1x184x128xf32, #tpu.memory_space<vmem>>
    %dma_wait3A_251 = tpu.memref_squeeze %dma_wait3A_250 : memref<1x184x128xf32, #tpu.memory_space<vmem>> -> memref<184x128xf32, #tpu.memory_space<vmem>>
    tpu.wait_dma2 semaphore(%arg14 : memref<!tpu.dma_semaphore, #tpu.memory_space<semaphore_mem>>) src(%dma_wait3A_251 : memref<184x128xf32, #tpu.memory_space<vmem>>) dst(%dma_wait3A_247 : memref<184x128xf32, #tpu.memory_space<hbm>>)
    %parallel_loop3A_252 = arith.constant 0 : i32
    %parallel_loop3A_253 = arith.constant 184 : i32
    %parallel_loop3A_254 = arith.constant 1 : i32
    scf.for %parallel_loop3A_649 = %parallel_loop3A_252 to %parallel_loop3A_253 step %parallel_loop3A_254  : i32 {
      %parallel_loop3A_650 = arith.constant 1104 : i32
      %parallel_loop3A_651 = arith.addi %parallel_loop3A_650, %parallel_loop3A_649 : i32
      %parallel_loop3A_652 = vector.broadcast %parallel_loop3A_651 : i32 to vector<16xi32>
      %parallel_loop3A_653 = tpu.vector_load_idx %arg11[%parallel_loop3A_652] : memref<3128xf32, #tpu.memory_space<vmem>>[vector<16xi32>], vector<16xf32>,
      %parallel_loop3A_654 = arith.mulf %parallel_loop3A_653, %get3A_65 : vector<16xf32>
      %parallel_loop3A_655 = arith.constant 0 : i32
      %parallel_loop3A_656 = arith.index_cast %parallel_loop3A_655 : i32 to index
      %parallel_loop3A_657 = arith.index_cast %parallel_loop3A_649 : i32 to index
      %parallel_loop3A_658 = arith.constant 0 : index
      %parallel_loop3A_659 = tpu.vector_load %arg12[%parallel_loop3A_656, %parallel_loop3A_657, %parallel_loop3A_658] {strides = array<i32>} : memref<2x184x128xf32, #tpu.memory_space<vmem>>, vector<16xf32>,
      tpu.vector_store %arg12[%parallel_loop3A_656, %parallel_loop3A_657, %parallel_loop3A_658], %parallel_loop3A_654 {strides = array<i32>} : memref<2x184x128xf32, #tpu.memory_space<vmem>>, vector<16xf32>,
      %parallel_loop3A_660 = arith.mulf %parallel_loop3A_653, %get3A_67 : vector<16xf32>
      %parallel_loop3A_661 = arith.constant 0 : i32
      %parallel_loop3A_662 = arith.index_cast %parallel_loop3A_661 : i32 to index
      %parallel_loop3A_663 = arith.index_cast %parallel_loop3A_649 : i32 to index
      %parallel_loop3A_664 = arith.constant 16 : index
      %parallel_loop3A_665 = tpu.vector_load %arg12[%parallel_loop3A_662, %parallel_loop3A_663, %parallel_loop3A_664] {strides = array<i32>} : memref<2x184x128xf32, #tpu.memory_space<vmem>>, vector<16xf32>,
      tpu.vector_store %arg12[%parallel_loop3A_662, %parallel_loop3A_663, %parallel_loop3A_664], %parallel_loop3A_660 {strides = array<i32>} : memref<2x184x128xf32, #tpu.memory_space<vmem>>, vector<16xf32>,
      %parallel_loop3A_666 = arith.mulf %parallel_loop3A_653, %get3A_69 : vector<16xf32>
      %parallel_loop3A_667 = arith.constant 0 : i32
      %parallel_loop3A_668 = arith.index_cast %parallel_loop3A_667 : i32 to index
      %parallel_loop3A_669 = arith.index_cast %parallel_loop3A_649 : i32 to index
      %parallel_loop3A_670 = arith.constant 32 : index
      %parallel_loop3A_671 = tpu.vector_load %arg12[%parallel_loop3A_668, %parallel_loop3A_669, %parallel_loop3A_670] {strides = array<i32>} : memref<2x184x128xf32, #tpu.memory_space<vmem>>, vector<16xf32>,
      tpu.vector_store %arg12[%parallel_loop3A_668, %parallel_loop3A_669, %parallel_loop3A_670], %parallel_loop3A_666 {strides = array<i32>} : memref<2x184x128xf32, #tpu.memory_space<vmem>>, vector<16xf32>,
      %parallel_loop3A_672 = arith.mulf %parallel_loop3A_653, %get3A_71 : vector<16xf32>
      %parallel_loop3A_673 = arith.constant 0 : i32
      %parallel_loop3A_674 = arith.index_cast %parallel_loop3A_673 : i32 to index
      %parallel_loop3A_675 = arith.index_cast %parallel_loop3A_649 : i32 to index
      %parallel_loop3A_676 = arith.constant 48 : index
      %parallel_loop3A_677 = tpu.vector_load %arg12[%parallel_loop3A_674, %parallel_loop3A_675, %parallel_loop3A_676] {strides = array<i32>} : memref<2x184x128xf32, #tpu.memory_space<vmem>>, vector<16xf32>,
      tpu.vector_store %arg12[%parallel_loop3A_674, %parallel_loop3A_675, %parallel_loop3A_676], %parallel_loop3A_672 {strides = array<i32>} : memref<2x184x128xf32, #tpu.memory_space<vmem>>, vector<16xf32>,
      %parallel_loop3A_678 = arith.mulf %parallel_loop3A_653, %get3A_73 : vector<16xf32>
      %parallel_loop3A_679 = arith.constant 0 : i32
      %parallel_loop3A_680 = arith.index_cast %parallel_loop3A_679 : i32 to index
      %parallel_loop3A_681 = arith.index_cast %parallel_loop3A_649 : i32 to index
      %parallel_loop3A_682 = arith.constant 64 : index
      %parallel_loop3A_683 = tpu.vector_load %arg12[%parallel_loop3A_680, %parallel_loop3A_681, %parallel_loop3A_682] {strides = array<i32>} : memref<2x184x128xf32, #tpu.memory_space<vmem>>, vector<16xf32>,
      tpu.vector_store %arg12[%parallel_loop3A_680, %parallel_loop3A_681, %parallel_loop3A_682], %parallel_loop3A_678 {strides = array<i32>} : memref<2x184x128xf32, #tpu.memory_space<vmem>>, vector<16xf32>,
      %parallel_loop3A_684 = arith.mulf %parallel_loop3A_653, %get3A_75 : vector<16xf32>
      %parallel_loop3A_685 = arith.constant 0 : i32
      %parallel_loop3A_686 = arith.index_cast %parallel_loop3A_685 : i32 to index
      %parallel_loop3A_687 = arith.index_cast %parallel_loop3A_649 : i32 to index
      %parallel_loop3A_688 = arith.constant 80 : index
      %parallel_loop3A_689 = tpu.vector_load %arg12[%parallel_loop3A_686, %parallel_loop3A_687, %parallel_loop3A_688] {strides = array<i32>} : memref<2x184x128xf32, #tpu.memory_space<vmem>>, vector<16xf32>,
      tpu.vector_store %arg12[%parallel_loop3A_686, %parallel_loop3A_687, %parallel_loop3A_688], %parallel_loop3A_684 {strides = array<i32>} : memref<2x184x128xf32, #tpu.memory_space<vmem>>, vector<16xf32>,
      %parallel_loop3A_690 = arith.mulf %parallel_loop3A_653, %get3A_77 : vector<16xf32>
      %parallel_loop3A_691 = arith.constant 0 : i32
      %parallel_loop3A_692 = arith.index_cast %parallel_loop3A_691 : i32 to index
      %parallel_loop3A_693 = arith.index_cast %parallel_loop3A_649 : i32 to index
      %parallel_loop3A_694 = arith.constant 96 : index
      %parallel_loop3A_695 = tpu.vector_load %arg12[%parallel_loop3A_692, %parallel_loop3A_693, %parallel_loop3A_694] {strides = array<i32>} : memref<2x184x128xf32, #tpu.memory_space<vmem>>, vector<16xf32>,
      tpu.vector_store %arg12[%parallel_loop3A_692, %parallel_loop3A_693, %parallel_loop3A_694], %parallel_loop3A_690 {strides = array<i32>} : memref<2x184x128xf32, #tpu.memory_space<vmem>>, vector<16xf32>,
      %parallel_loop3A_696 = arith.mulf %parallel_loop3A_653, %get3A_79 : vector<16xf32>
      %parallel_loop3A_697 = arith.constant 0 : i32
      %parallel_loop3A_698 = arith.index_cast %parallel_loop3A_697 : i32 to index
      %parallel_loop3A_699 = arith.index_cast %parallel_loop3A_649 : i32 to index
      %parallel_loop3A_700 = arith.constant 112 : index
      %parallel_loop3A_701 = tpu.vector_load %arg12[%parallel_loop3A_698, %parallel_loop3A_699, %parallel_loop3A_700] {strides = array<i32>} : memref<2x184x128xf32, #tpu.memory_space<vmem>>, vector<16xf32>,
      tpu.vector_store %arg12[%parallel_loop3A_698, %parallel_loop3A_699, %parallel_loop3A_700], %parallel_loop3A_696 {strides = array<i32>} : memref<2x184x128xf32, #tpu.memory_space<vmem>>, vector<16xf32>,
    } {sc.loop_unroll_factor = 4 : i64, sc.parallel_access}
    %add3A_255 = arith.constant 1104 : i32
    %add3A_256 = arith.addi %multiple_of3A, %add3A_255 : i32
    %dma_start3A_257 = arith.constant 0 : i32
    %dma_start3A_258 = arith.constant 0 : i32
    %dma_start3A_259 = arith.constant 0 : i32
    %dma_start3A_260 = tpu.memref_slice %arg12[%dma_start3A_257, %dma_start3A_258, %dma_start3A_259] : memref<2x184x128xf32, #tpu.memory_space<vmem>> -> memref<1x184x128xf32, #tpu.memory_space<vmem>>
    %dma_start3A_261 = tpu.memref_squeeze %dma_start3A_260 : memref<1x184x128xf32, #tpu.memory_space<vmem>> -> memref<184x128xf32, #tpu.memory_space<vmem>>
    %dma_start3A_262 = arith.constant 0 : i32
    %dma_start3A_263 = tpu.memref_slice %arg7[%add3A_256, %dma_start3A_262] : memref<100000x128xf32, #tpu.memory_space<hbm>> -> memref<184x128xf32, #tpu.memory_space<hbm>>
    %dma_start3A_264 = arith.constant 0 : i32
    %dma_start3A_265 = tpu.memref_slice %arg7[%add3A_256, %dma_start3A_264] : memref<100000x128xf32, #tpu.memory_space<hbm>> -> memref<184x128xf32, #tpu.memory_space<hbm>>
    %dma_start3A_266 = arith.constant 0 : i32
    %dma_start3A_267 = arith.constant 0 : i32
    %dma_start3A_268 = tpu.memref_slice %arg12[%dma_start3A_257, %dma_start3A_266, %dma_start3A_267] : memref<2x184x128xf32, #tpu.memory_space<vmem>> -> memref<1x184x128xf32, #tpu.memory_space<vmem>>
    %dma_start3A_269 = tpu.memref_squeeze %dma_start3A_268 : memref<1x184x128xf32, #tpu.memory_space<vmem>> -> memref<184x128xf32, #tpu.memory_space<vmem>>
    tpu.enqueue_dma source(%dma_start3A_269 : memref<184x128xf32, #tpu.memory_space<vmem>>) target(%dma_start3A_265 : memref<184x128xf32, #tpu.memory_space<hbm>>) target_semaphore(%arg14 : memref<!tpu.dma_semaphore, #tpu.memory_space<semaphore_mem>>)
    %dma_wait3A_270 = arith.constant 1 : i32
    %dma_wait3A_271 = arith.constant 0 : i32
    %dma_wait3A_272 = arith.constant 0 : i32
    %dma_wait3A_273 = tpu.memref_slice %arg12[%dma_wait3A_270, %dma_wait3A_271, %dma_wait3A_272] : memref<2x184x128xf32, #tpu.memory_space<vmem>> -> memref<1x184x128xf32, #tpu.memory_space<vmem>>
    %dma_wait3A_274 = tpu.memref_squeeze %dma_wait3A_273 : memref<1x184x128xf32, #tpu.memory_space<vmem>> -> memref<184x128xf32, #tpu.memory_space<vmem>>
    %dma_wait3A_275 = arith.constant 0 : i32
    %dma_wait3A_276 = tpu.memref_slice %arg7[%add3A_225, %dma_wait3A_275] : memref<100000x128xf32, #tpu.memory_space<hbm>> -> memref<184x128xf32, #tpu.memory_space<hbm>>
    %dma_wait3A_277 = arith.constant 0 : i32
    %dma_wait3A_278 = tpu.memref_slice %arg7[%add3A_225, %dma_wait3A_277] : memref<100000x128xf32, #tpu.memory_space<hbm>> -> memref<184x128xf32, #tpu.memory_space<hbm>>
    %dma_wait3A_279 = arith.constant 0 : i32
    %dma_wait3A_280 = arith.constant 0 : i32
    %dma_wait3A_281 = tpu.memref_slice %arg12[%dma_wait3A_270, %dma_wait3A_279, %dma_wait3A_280] : memref<2x184x128xf32, #tpu.memory_space<vmem>> -> memref<1x184x128xf32, #tpu.memory_space<vmem>>
    %dma_wait3A_282 = tpu.memref_squeeze %dma_wait3A_281 : memref<1x184x128xf32, #tpu.memory_space<vmem>> -> memref<184x128xf32, #tpu.memory_space<vmem>>
    tpu.wait_dma2 semaphore(%arg15 : memref<!tpu.dma_semaphore, #tpu.memory_space<semaphore_mem>>) src(%dma_wait3A_282 : memref<184x128xf32, #tpu.memory_space<vmem>>) dst(%dma_wait3A_278 : memref<184x128xf32, #tpu.memory_space<hbm>>)
    %parallel_loop3A_283 = arith.constant 0 : i32
    %parallel_loop3A_284 = arith.constant 184 : i32
    %parallel_loop3A_285 = arith.constant 1 : i32
    scf.for %parallel_loop3A_649 = %parallel_loop3A_283 to %parallel_loop3A_284 step %parallel_loop3A_285  : i32 {
      %parallel_loop3A_650 = arith.constant 1288 : i32
      %parallel_loop3A_651 = arith.addi %parallel_loop3A_650, %parallel_loop3A_649 : i32
      %parallel_loop3A_652 = vector.broadcast %parallel_loop3A_651 : i32 to vector<16xi32>
      %parallel_loop3A_653 = tpu.vector_load_idx %arg11[%parallel_loop3A_652] : memref<3128xf32, #tpu.memory_space<vmem>>[vector<16xi32>], vector<16xf32>,
      %parallel_loop3A_654 = arith.mulf %parallel_loop3A_653, %get3A_65 : vector<16xf32>
      %parallel_loop3A_655 = arith.constant 1 : i32
      %parallel_loop3A_656 = arith.index_cast %parallel_loop3A_655 : i32 to index
      %parallel_loop3A_657 = arith.index_cast %parallel_loop3A_649 : i32 to index
      %parallel_loop3A_658 = arith.constant 0 : index
      %parallel_loop3A_659 = tpu.vector_load %arg12[%parallel_loop3A_656, %parallel_loop3A_657, %parallel_loop3A_658] {strides = array<i32>} : memref<2x184x128xf32, #tpu.memory_space<vmem>>, vector<16xf32>,
      tpu.vector_store %arg12[%parallel_loop3A_656, %parallel_loop3A_657, %parallel_loop3A_658], %parallel_loop3A_654 {strides = array<i32>} : memref<2x184x128xf32, #tpu.memory_space<vmem>>, vector<16xf32>,
      %parallel_loop3A_660 = arith.mulf %parallel_loop3A_653, %get3A_67 : vector<16xf32>
      %parallel_loop3A_661 = arith.constant 1 : i32
      %parallel_loop3A_662 = arith.index_cast %parallel_loop3A_661 : i32 to index
      %parallel_loop3A_663 = arith.index_cast %parallel_loop3A_649 : i32 to index
      %parallel_loop3A_664 = arith.constant 16 : index
      %parallel_loop3A_665 = tpu.vector_load %arg12[%parallel_loop3A_662, %parallel_loop3A_663, %parallel_loop3A_664] {strides = array<i32>} : memref<2x184x128xf32, #tpu.memory_space<vmem>>, vector<16xf32>,
      tpu.vector_store %arg12[%parallel_loop3A_662, %parallel_loop3A_663, %parallel_loop3A_664], %parallel_loop3A_660 {strides = array<i32>} : memref<2x184x128xf32, #tpu.memory_space<vmem>>, vector<16xf32>,
      %parallel_loop3A_666 = arith.mulf %parallel_loop3A_653, %get3A_69 : vector<16xf32>
      %parallel_loop3A_667 = arith.constant 1 : i32
      %parallel_loop3A_668 = arith.index_cast %parallel_loop3A_667 : i32 to index
      %parallel_loop3A_669 = arith.index_cast %parallel_loop3A_649 : i32 to index
      %parallel_loop3A_670 = arith.constant 32 : index
      %parallel_loop3A_671 = tpu.vector_load %arg12[%parallel_loop3A_668, %parallel_loop3A_669, %parallel_loop3A_670] {strides = array<i32>} : memref<2x184x128xf32, #tpu.memory_space<vmem>>, vector<16xf32>,
      tpu.vector_store %arg12[%parallel_loop3A_668, %parallel_loop3A_669, %parallel_loop3A_670], %parallel_loop3A_666 {strides = array<i32>} : memref<2x184x128xf32, #tpu.memory_space<vmem>>, vector<16xf32>,
      %parallel_loop3A_672 = arith.mulf %parallel_loop3A_653, %get3A_71 : vector<16xf32>
      %parallel_loop3A_673 = arith.constant 1 : i32
      %parallel_loop3A_674 = arith.index_cast %parallel_loop3A_673 : i32 to index
      %parallel_loop3A_675 = arith.index_cast %parallel_loop3A_649 : i32 to index
      %parallel_loop3A_676 = arith.constant 48 : index
      %parallel_loop3A_677 = tpu.vector_load %arg12[%parallel_loop3A_674, %parallel_loop3A_675, %parallel_loop3A_676] {strides = array<i32>} : memref<2x184x128xf32, #tpu.memory_space<vmem>>, vector<16xf32>,
      tpu.vector_store %arg12[%parallel_loop3A_674, %parallel_loop3A_675, %parallel_loop3A_676], %parallel_loop3A_672 {strides = array<i32>} : memref<2x184x128xf32, #tpu.memory_space<vmem>>, vector<16xf32>,
      %parallel_loop3A_678 = arith.mulf %parallel_loop3A_653, %get3A_73 : vector<16xf32>
      %parallel_loop3A_679 = arith.constant 1 : i32
      %parallel_loop3A_680 = arith.index_cast %parallel_loop3A_679 : i32 to index
      %parallel_loop3A_681 = arith.index_cast %parallel_loop3A_649 : i32 to index
      %parallel_loop3A_682 = arith.constant 64 : index
      %parallel_loop3A_683 = tpu.vector_load %arg12[%parallel_loop3A_680, %parallel_loop3A_681, %parallel_loop3A_682] {strides = array<i32>} : memref<2x184x128xf32, #tpu.memory_space<vmem>>, vector<16xf32>,
      tpu.vector_store %arg12[%parallel_loop3A_680, %parallel_loop3A_681, %parallel_loop3A_682], %parallel_loop3A_678 {strides = array<i32>} : memref<2x184x128xf32, #tpu.memory_space<vmem>>, vector<16xf32>,
      %parallel_loop3A_684 = arith.mulf %parallel_loop3A_653, %get3A_75 : vector<16xf32>
      %parallel_loop3A_685 = arith.constant 1 : i32
      %parallel_loop3A_686 = arith.index_cast %parallel_loop3A_685 : i32 to index
      %parallel_loop3A_687 = arith.index_cast %parallel_loop3A_649 : i32 to index
      %parallel_loop3A_688 = arith.constant 80 : index
      %parallel_loop3A_689 = tpu.vector_load %arg12[%parallel_loop3A_686, %parallel_loop3A_687, %parallel_loop3A_688] {strides = array<i32>} : memref<2x184x128xf32, #tpu.memory_space<vmem>>, vector<16xf32>,
      tpu.vector_store %arg12[%parallel_loop3A_686, %parallel_loop3A_687, %parallel_loop3A_688], %parallel_loop3A_684 {strides = array<i32>} : memref<2x184x128xf32, #tpu.memory_space<vmem>>, vector<16xf32>,
      %parallel_loop3A_690 = arith.mulf %parallel_loop3A_653, %get3A_77 : vector<16xf32>
      %parallel_loop3A_691 = arith.constant 1 : i32
      %parallel_loop3A_692 = arith.index_cast %parallel_loop3A_691 : i32 to index
      %parallel_loop3A_693 = arith.index_cast %parallel_loop3A_649 : i32 to index
      %parallel_loop3A_694 = arith.constant 96 : index
      %parallel_loop3A_695 = tpu.vector_load %arg12[%parallel_loop3A_692, %parallel_loop3A_693, %parallel_loop3A_694] {strides = array<i32>} : memref<2x184x128xf32, #tpu.memory_space<vmem>>, vector<16xf32>,
      tpu.vector_store %arg12[%parallel_loop3A_692, %parallel_loop3A_693, %parallel_loop3A_694], %parallel_loop3A_690 {strides = array<i32>} : memref<2x184x128xf32, #tpu.memory_space<vmem>>, vector<16xf32>,
      %parallel_loop3A_696 = arith.mulf %parallel_loop3A_653, %get3A_79 : vector<16xf32>
      %parallel_loop3A_697 = arith.constant 1 : i32
      %parallel_loop3A_698 = arith.index_cast %parallel_loop3A_697 : i32 to index
      %parallel_loop3A_699 = arith.index_cast %parallel_loop3A_649 : i32 to index
      %parallel_loop3A_700 = arith.constant 112 : index
      %parallel_loop3A_701 = tpu.vector_load %arg12[%parallel_loop3A_698, %parallel_loop3A_699, %parallel_loop3A_700] {strides = array<i32>} : memref<2x184x128xf32, #tpu.memory_space<vmem>>, vector<16xf32>,
      tpu.vector_store %arg12[%parallel_loop3A_698, %parallel_loop3A_699, %parallel_loop3A_700], %parallel_loop3A_696 {strides = array<i32>} : memref<2x184x128xf32, #tpu.memory_space<vmem>>, vector<16xf32>,
    } {sc.loop_unroll_factor = 4 : i64, sc.parallel_access}
    %add3A_286 = arith.constant 1288 : i32
    %add3A_287 = arith.addi %multiple_of3A, %add3A_286 : i32
    %dma_start3A_288 = arith.constant 1 : i32
    %dma_start3A_289 = arith.constant 0 : i32
    %dma_start3A_290 = arith.constant 0 : i32
    %dma_start3A_291 = tpu.memref_slice %arg12[%dma_start3A_288, %dma_start3A_289, %dma_start3A_290] : memref<2x184x128xf32, #tpu.memory_space<vmem>> -> memref<1x184x128xf32, #tpu.memory_space<vmem>>
    %dma_start3A_292 = tpu.memref_squeeze %dma_start3A_291 : memref<1x184x128xf32, #tpu.memory_space<vmem>> -> memref<184x128xf32, #tpu.memory_space<vmem>>
    %dma_start3A_293 = arith.constant 0 : i32
    %dma_start3A_294 = tpu.memref_slice %arg7[%add3A_287, %dma_start3A_293] : memref<100000x128xf32, #tpu.memory_space<hbm>> -> memref<184x128xf32, #tpu.memory_space<hbm>>
    %dma_start3A_295 = arith.constant 0 : i32
    %dma_start3A_296 = tpu.memref_slice %arg7[%add3A_287, %dma_start3A_295] : memref<100000x128xf32, #tpu.memory_space<hbm>> -> memref<184x128xf32, #tpu.memory_space<hbm>>
    %dma_start3A_297 = arith.constant 0 : i32
    %dma_start3A_298 = arith.constant 0 : i32
    %dma_start3A_299 = tpu.memref_slice %arg12[%dma_start3A_288, %dma_start3A_297, %dma_start3A_298] : memref<2x184x128xf32, #tpu.memory_space<vmem>> -> memref<1x184x128xf32, #tpu.memory_space<vmem>>
    %dma_start3A_300 = tpu.memref_squeeze %dma_start3A_299 : memref<1x184x128xf32, #tpu.memory_space<vmem>> -> memref<184x128xf32, #tpu.memory_space<vmem>>
    tpu.enqueue_dma source(%dma_start3A_300 : memref<184x128xf32, #tpu.memory_space<vmem>>) target(%dma_start3A_296 : memref<184x128xf32, #tpu.memory_space<hbm>>) target_semaphore(%arg15 : memref<!tpu.dma_semaphore, #tpu.memory_space<semaphore_mem>>)
    %dma_wait3A_301 = arith.constant 0 : i32
    %dma_wait3A_302 = arith.constant 0 : i32
    %dma_wait3A_303 = arith.constant 0 : i32
    %dma_wait3A_304 = tpu.memref_slice %arg12[%dma_wait3A_301, %dma_wait3A_302, %dma_wait3A_303] : memref<2x184x128xf32, #tpu.memory_space<vmem>> -> memref<1x184x128xf32, #tpu.memory_space<vmem>>
    %dma_wait3A_305 = tpu.memref_squeeze %dma_wait3A_304 : memref<1x184x128xf32, #tpu.memory_space<vmem>> -> memref<184x128xf32, #tpu.memory_space<vmem>>
    %dma_wait3A_306 = arith.constant 0 : i32
    %dma_wait3A_307 = tpu.memref_slice %arg7[%add3A_256, %dma_wait3A_306] : memref<100000x128xf32, #tpu.memory_space<hbm>> -> memref<184x128xf32, #tpu.memory_space<hbm>>
    %dma_wait3A_308 = arith.constant 0 : i32
    %dma_wait3A_309 = tpu.memref_slice %arg7[%add3A_256, %dma_wait3A_308] : memref<100000x128xf32, #tpu.memory_space<hbm>> -> memref<184x128xf32, #tpu.memory_space<hbm>>
    %dma_wait3A_310 = arith.constant 0 : i32
    %dma_wait3A_311 = arith.constant 0 : i32
    %dma_wait3A_312 = tpu.memref_slice %arg12[%dma_wait3A_301, %dma_wait3A_310, %dma_wait3A_311] : memref<2x184x128xf32, #tpu.memory_space<vmem>> -> memref<1x184x128xf32, #tpu.memory_space<vmem>>
    %dma_wait3A_313 = tpu.memref_squeeze %dma_wait3A_312 : memref<1x184x128xf32, #tpu.memory_space<vmem>> -> memref<184x128xf32, #tpu.memory_space<vmem>>
    tpu.wait_dma2 semaphore(%arg14 : memref<!tpu.dma_semaphore, #tpu.memory_space<semaphore_mem>>) src(%dma_wait3A_313 : memref<184x128xf32, #tpu.memory_space<vmem>>) dst(%dma_wait3A_309 : memref<184x128xf32, #tpu.memory_space<hbm>>)
    %parallel_loop3A_314 = arith.constant 0 : i32
    %parallel_loop3A_315 = arith.constant 184 : i32
    %parallel_loop3A_316 = arith.constant 1 : i32
    scf.for %parallel_loop3A_649 = %parallel_loop3A_314 to %parallel_loop3A_315 step %parallel_loop3A_316  : i32 {
      %parallel_loop3A_650 = arith.constant 1472 : i32
      %parallel_loop3A_651 = arith.addi %parallel_loop3A_650, %parallel_loop3A_649 : i32
      %parallel_loop3A_652 = vector.broadcast %parallel_loop3A_651 : i32 to vector<16xi32>
      %parallel_loop3A_653 = tpu.vector_load_idx %arg11[%parallel_loop3A_652] : memref<3128xf32, #tpu.memory_space<vmem>>[vector<16xi32>], vector<16xf32>,
      %parallel_loop3A_654 = arith.mulf %parallel_loop3A_653, %get3A_65 : vector<16xf32>
      %parallel_loop3A_655 = arith.constant 0 : i32
      %parallel_loop3A_656 = arith.index_cast %parallel_loop3A_655 : i32 to index
      %parallel_loop3A_657 = arith.index_cast %parallel_loop3A_649 : i32 to index
      %parallel_loop3A_658 = arith.constant 0 : index
      %parallel_loop3A_659 = tpu.vector_load %arg12[%parallel_loop3A_656, %parallel_loop3A_657, %parallel_loop3A_658] {strides = array<i32>} : memref<2x184x128xf32, #tpu.memory_space<vmem>>, vector<16xf32>,
      tpu.vector_store %arg12[%parallel_loop3A_656, %parallel_loop3A_657, %parallel_loop3A_658], %parallel_loop3A_654 {strides = array<i32>} : memref<2x184x128xf32, #tpu.memory_space<vmem>>, vector<16xf32>,
      %parallel_loop3A_660 = arith.mulf %parallel_loop3A_653, %get3A_67 : vector<16xf32>
      %parallel_loop3A_661 = arith.constant 0 : i32
      %parallel_loop3A_662 = arith.index_cast %parallel_loop3A_661 : i32 to index
      %parallel_loop3A_663 = arith.index_cast %parallel_loop3A_649 : i32 to index
      %parallel_loop3A_664 = arith.constant 16 : index
      %parallel_loop3A_665 = tpu.vector_load %arg12[%parallel_loop3A_662, %parallel_loop3A_663, %parallel_loop3A_664] {strides = array<i32>} : memref<2x184x128xf32, #tpu.memory_space<vmem>>, vector<16xf32>,
      tpu.vector_store %arg12[%parallel_loop3A_662, %parallel_loop3A_663, %parallel_loop3A_664], %parallel_loop3A_660 {strides = array<i32>} : memref<2x184x128xf32, #tpu.memory_space<vmem>>, vector<16xf32>,
      %parallel_loop3A_666 = arith.mulf %parallel_loop3A_653, %get3A_69 : vector<16xf32>
      %parallel_loop3A_667 = arith.constant 0 : i32
      %parallel_loop3A_668 = arith.index_cast %parallel_loop3A_667 : i32 to index
      %parallel_loop3A_669 = arith.index_cast %parallel_loop3A_649 : i32 to index
      %parallel_loop3A_670 = arith.constant 32 : index
      %parallel_loop3A_671 = tpu.vector_load %arg12[%parallel_loop3A_668, %parallel_loop3A_669, %parallel_loop3A_670] {strides = array<i32>} : memref<2x184x128xf32, #tpu.memory_space<vmem>>, vector<16xf32>,
      tpu.vector_store %arg12[%parallel_loop3A_668, %parallel_loop3A_669, %parallel_loop3A_670], %parallel_loop3A_666 {strides = array<i32>} : memref<2x184x128xf32, #tpu.memory_space<vmem>>, vector<16xf32>,
      %parallel_loop3A_672 = arith.mulf %parallel_loop3A_653, %get3A_71 : vector<16xf32>
      %parallel_loop3A_673 = arith.constant 0 : i32
      %parallel_loop3A_674 = arith.index_cast %parallel_loop3A_673 : i32 to index
      %parallel_loop3A_675 = arith.index_cast %parallel_loop3A_649 : i32 to index
      %parallel_loop3A_676 = arith.constant 48 : index
      %parallel_loop3A_677 = tpu.vector_load %arg12[%parallel_loop3A_674, %parallel_loop3A_675, %parallel_loop3A_676] {strides = array<i32>} : memref<2x184x128xf32, #tpu.memory_space<vmem>>, vector<16xf32>,
      tpu.vector_store %arg12[%parallel_loop3A_674, %parallel_loop3A_675, %parallel_loop3A_676], %parallel_loop3A_672 {strides = array<i32>} : memref<2x184x128xf32, #tpu.memory_space<vmem>>, vector<16xf32>,
      %parallel_loop3A_678 = arith.mulf %parallel_loop3A_653, %get3A_73 : vector<16xf32>
      %parallel_loop3A_679 = arith.constant 0 : i32
      %parallel_loop3A_680 = arith.index_cast %parallel_loop3A_679 : i32 to index
      %parallel_loop3A_681 = arith.index_cast %parallel_loop3A_649 : i32 to index
      %parallel_loop3A_682 = arith.constant 64 : index
      %parallel_loop3A_683 = tpu.vector_load %arg12[%parallel_loop3A_680, %parallel_loop3A_681, %parallel_loop3A_682] {strides = array<i32>} : memref<2x184x128xf32, #tpu.memory_space<vmem>>, vector<16xf32>,
      tpu.vector_store %arg12[%parallel_loop3A_680, %parallel_loop3A_681, %parallel_loop3A_682], %parallel_loop3A_678 {strides = array<i32>} : memref<2x184x128xf32, #tpu.memory_space<vmem>>, vector<16xf32>,
      %parallel_loop3A_684 = arith.mulf %parallel_loop3A_653, %get3A_75 : vector<16xf32>
      %parallel_loop3A_685 = arith.constant 0 : i32
      %parallel_loop3A_686 = arith.index_cast %parallel_loop3A_685 : i32 to index
      %parallel_loop3A_687 = arith.index_cast %parallel_loop3A_649 : i32 to index
      %parallel_loop3A_688 = arith.constant 80 : index
      %parallel_loop3A_689 = tpu.vector_load %arg12[%parallel_loop3A_686, %parallel_loop3A_687, %parallel_loop3A_688] {strides = array<i32>} : memref<2x184x128xf32, #tpu.memory_space<vmem>>, vector<16xf32>,
      tpu.vector_store %arg12[%parallel_loop3A_686, %parallel_loop3A_687, %parallel_loop3A_688], %parallel_loop3A_684 {strides = array<i32>} : memref<2x184x128xf32, #tpu.memory_space<vmem>>, vector<16xf32>,
      %parallel_loop3A_690 = arith.mulf %parallel_loop3A_653, %get3A_77 : vector<16xf32>
      %parallel_loop3A_691 = arith.constant 0 : i32
      %parallel_loop3A_692 = arith.index_cast %parallel_loop3A_691 : i32 to index
      %parallel_loop3A_693 = arith.index_cast %parallel_loop3A_649 : i32 to index
      %parallel_loop3A_694 = arith.constant 96 : index
      %parallel_loop3A_695 = tpu.vector_load %arg12[%parallel_loop3A_692, %parallel_loop3A_693, %parallel_loop3A_694] {strides = array<i32>} : memref<2x184x128xf32, #tpu.memory_space<vmem>>, vector<16xf32>,
      tpu.vector_store %arg12[%parallel_loop3A_692, %parallel_loop3A_693, %parallel_loop3A_694], %parallel_loop3A_690 {strides = array<i32>} : memref<2x184x128xf32, #tpu.memory_space<vmem>>, vector<16xf32>,
      %parallel_loop3A_696 = arith.mulf %parallel_loop3A_653, %get3A_79 : vector<16xf32>
      %parallel_loop3A_697 = arith.constant 0 : i32
      %parallel_loop3A_698 = arith.index_cast %parallel_loop3A_697 : i32 to index
      %parallel_loop3A_699 = arith.index_cast %parallel_loop3A_649 : i32 to index
      %parallel_loop3A_700 = arith.constant 112 : index
      %parallel_loop3A_701 = tpu.vector_load %arg12[%parallel_loop3A_698, %parallel_loop3A_699, %parallel_loop3A_700] {strides = array<i32>} : memref<2x184x128xf32, #tpu.memory_space<vmem>>, vector<16xf32>,
      tpu.vector_store %arg12[%parallel_loop3A_698, %parallel_loop3A_699, %parallel_loop3A_700], %parallel_loop3A_696 {strides = array<i32>} : memref<2x184x128xf32, #tpu.memory_space<vmem>>, vector<16xf32>,
    } {sc.loop_unroll_factor = 4 : i64, sc.parallel_access}
    %add3A_317 = arith.constant 1472 : i32
    %add3A_318 = arith.addi %multiple_of3A, %add3A_317 : i32
    %dma_start3A_319 = arith.constant 0 : i32
    %dma_start3A_320 = arith.constant 0 : i32
    %dma_start3A_321 = arith.constant 0 : i32
    %dma_start3A_322 = tpu.memref_slice %arg12[%dma_start3A_319, %dma_start3A_320, %dma_start3A_321] : memref<2x184x128xf32, #tpu.memory_space<vmem>> -> memref<1x184x128xf32, #tpu.memory_space<vmem>>
    %dma_start3A_323 = tpu.memref_squeeze %dma_start3A_322 : memref<1x184x128xf32, #tpu.memory_space<vmem>> -> memref<184x128xf32, #tpu.memory_space<vmem>>
    %dma_start3A_324 = arith.constant 0 : i32
    %dma_start3A_325 = tpu.memref_slice %arg7[%add3A_318, %dma_start3A_324] : memref<100000x128xf32, #tpu.memory_space<hbm>> -> memref<184x128xf32, #tpu.memory_space<hbm>>
    %dma_start3A_326 = arith.constant 0 : i32
    %dma_start3A_327 = tpu.memref_slice %arg7[%add3A_318, %dma_start3A_326] : memref<100000x128xf32, #tpu.memory_space<hbm>> -> memref<184x128xf32, #tpu.memory_space<hbm>>
    %dma_start3A_328 = arith.constant 0 : i32
    %dma_start3A_329 = arith.constant 0 : i32
    %dma_start3A_330 = tpu.memref_slice %arg12[%dma_start3A_319, %dma_start3A_328, %dma_start3A_329] : memref<2x184x128xf32, #tpu.memory_space<vmem>> -> memref<1x184x128xf32, #tpu.memory_space<vmem>>
    %dma_start3A_331 = tpu.memref_squeeze %dma_start3A_330 : memref<1x184x128xf32, #tpu.memory_space<vmem>> -> memref<184x128xf32, #tpu.memory_space<vmem>>
    tpu.enqueue_dma source(%dma_start3A_331 : memref<184x128xf32, #tpu.memory_space<vmem>>) target(%dma_start3A_327 : memref<184x128xf32, #tpu.memory_space<hbm>>) target_semaphore(%arg14 : memref<!tpu.dma_semaphore, #tpu.memory_space<semaphore_mem>>)
    %dma_wait3A_332 = arith.constant 1 : i32
    %dma_wait3A_333 = arith.constant 0 : i32
    %dma_wait3A_334 = arith.constant 0 : i32
    %dma_wait3A_335 = tpu.memref_slice %arg12[%dma_wait3A_332, %dma_wait3A_333, %dma_wait3A_334] : memref<2x184x128xf32, #tpu.memory_space<vmem>> -> memref<1x184x128xf32, #tpu.memory_space<vmem>>
    %dma_wait3A_336 = tpu.memref_squeeze %dma_wait3A_335 : memref<1x184x128xf32, #tpu.memory_space<vmem>> -> memref<184x128xf32, #tpu.memory_space<vmem>>
    %dma_wait3A_337 = arith.constant 0 : i32
    %dma_wait3A_338 = tpu.memref_slice %arg7[%add3A_287, %dma_wait3A_337] : memref<100000x128xf32, #tpu.memory_space<hbm>> -> memref<184x128xf32, #tpu.memory_space<hbm>>
    %dma_wait3A_339 = arith.constant 0 : i32
    %dma_wait3A_340 = tpu.memref_slice %arg7[%add3A_287, %dma_wait3A_339] : memref<100000x128xf32, #tpu.memory_space<hbm>> -> memref<184x128xf32, #tpu.memory_space<hbm>>
    %dma_wait3A_341 = arith.constant 0 : i32
    %dma_wait3A_342 = arith.constant 0 : i32
    %dma_wait3A_343 = tpu.memref_slice %arg12[%dma_wait3A_332, %dma_wait3A_341, %dma_wait3A_342] : memref<2x184x128xf32, #tpu.memory_space<vmem>> -> memref<1x184x128xf32, #tpu.memory_space<vmem>>
    %dma_wait3A_344 = tpu.memref_squeeze %dma_wait3A_343 : memref<1x184x128xf32, #tpu.memory_space<vmem>> -> memref<184x128xf32, #tpu.memory_space<vmem>>
    tpu.wait_dma2 semaphore(%arg15 : memref<!tpu.dma_semaphore, #tpu.memory_space<semaphore_mem>>) src(%dma_wait3A_344 : memref<184x128xf32, #tpu.memory_space<vmem>>) dst(%dma_wait3A_340 : memref<184x128xf32, #tpu.memory_space<hbm>>)
    %parallel_loop3A_345 = arith.constant 0 : i32
    %parallel_loop3A_346 = arith.constant 184 : i32
    %parallel_loop3A_347 = arith.constant 1 : i32
    scf.for %parallel_loop3A_649 = %parallel_loop3A_345 to %parallel_loop3A_346 step %parallel_loop3A_347  : i32 {
      %parallel_loop3A_650 = arith.constant 1656 : i32
      %parallel_loop3A_651 = arith.addi %parallel_loop3A_650, %parallel_loop3A_649 : i32
      %parallel_loop3A_652 = vector.broadcast %parallel_loop3A_651 : i32 to vector<16xi32>
      %parallel_loop3A_653 = tpu.vector_load_idx %arg11[%parallel_loop3A_652] : memref<3128xf32, #tpu.memory_space<vmem>>[vector<16xi32>], vector<16xf32>,
      %parallel_loop3A_654 = arith.mulf %parallel_loop3A_653, %get3A_65 : vector<16xf32>
      %parallel_loop3A_655 = arith.constant 1 : i32
      %parallel_loop3A_656 = arith.index_cast %parallel_loop3A_655 : i32 to index
      %parallel_loop3A_657 = arith.index_cast %parallel_loop3A_649 : i32 to index
      %parallel_loop3A_658 = arith.constant 0 : index
      %parallel_loop3A_659 = tpu.vector_load %arg12[%parallel_loop3A_656, %parallel_loop3A_657, %parallel_loop3A_658] {strides = array<i32>} : memref<2x184x128xf32, #tpu.memory_space<vmem>>, vector<16xf32>,
      tpu.vector_store %arg12[%parallel_loop3A_656, %parallel_loop3A_657, %parallel_loop3A_658], %parallel_loop3A_654 {strides = array<i32>} : memref<2x184x128xf32, #tpu.memory_space<vmem>>, vector<16xf32>,
      %parallel_loop3A_660 = arith.mulf %parallel_loop3A_653, %get3A_67 : vector<16xf32>
      %parallel_loop3A_661 = arith.constant 1 : i32
      %parallel_loop3A_662 = arith.index_cast %parallel_loop3A_661 : i32 to index
      %parallel_loop3A_663 = arith.index_cast %parallel_loop3A_649 : i32 to index
      %parallel_loop3A_664 = arith.constant 16 : index
      %parallel_loop3A_665 = tpu.vector_load %arg12[%parallel_loop3A_662, %parallel_loop3A_663, %parallel_loop3A_664] {strides = array<i32>} : memref<2x184x128xf32, #tpu.memory_space<vmem>>, vector<16xf32>,
      tpu.vector_store %arg12[%parallel_loop3A_662, %parallel_loop3A_663, %parallel_loop3A_664], %parallel_loop3A_660 {strides = array<i32>} : memref<2x184x128xf32, #tpu.memory_space<vmem>>, vector<16xf32>,
      %parallel_loop3A_666 = arith.mulf %parallel_loop3A_653, %get3A_69 : vector<16xf32>
      %parallel_loop3A_667 = arith.constant 1 : i32
      %parallel_loop3A_668 = arith.index_cast %parallel_loop3A_667 : i32 to index
      %parallel_loop3A_669 = arith.index_cast %parallel_loop3A_649 : i32 to index
      %parallel_loop3A_670 = arith.constant 32 : index
      %parallel_loop3A_671 = tpu.vector_load %arg12[%parallel_loop3A_668, %parallel_loop3A_669, %parallel_loop3A_670] {strides = array<i32>} : memref<2x184x128xf32, #tpu.memory_space<vmem>>, vector<16xf32>,
      tpu.vector_store %arg12[%parallel_loop3A_668, %parallel_loop3A_669, %parallel_loop3A_670], %parallel_loop3A_666 {strides = array<i32>} : memref<2x184x128xf32, #tpu.memory_space<vmem>>, vector<16xf32>,
      %parallel_loop3A_672 = arith.mulf %parallel_loop3A_653, %get3A_71 : vector<16xf32>
      %parallel_loop3A_673 = arith.constant 1 : i32
      %parallel_loop3A_674 = arith.index_cast %parallel_loop3A_673 : i32 to index
      %parallel_loop3A_675 = arith.index_cast %parallel_loop3A_649 : i32 to index
      %parallel_loop3A_676 = arith.constant 48 : index
      %parallel_loop3A_677 = tpu.vector_load %arg12[%parallel_loop3A_674, %parallel_loop3A_675, %parallel_loop3A_676] {strides = array<i32>} : memref<2x184x128xf32, #tpu.memory_space<vmem>>, vector<16xf32>,
      tpu.vector_store %arg12[%parallel_loop3A_674, %parallel_loop3A_675, %parallel_loop3A_676], %parallel_loop3A_672 {strides = array<i32>} : memref<2x184x128xf32, #tpu.memory_space<vmem>>, vector<16xf32>,
      %parallel_loop3A_678 = arith.mulf %parallel_loop3A_653, %get3A_73 : vector<16xf32>
      %parallel_loop3A_679 = arith.constant 1 : i32
      %parallel_loop3A_680 = arith.index_cast %parallel_loop3A_679 : i32 to index
      %parallel_loop3A_681 = arith.index_cast %parallel_loop3A_649 : i32 to index
      %parallel_loop3A_682 = arith.constant 64 : index
      %parallel_loop3A_683 = tpu.vector_load %arg12[%parallel_loop3A_680, %parallel_loop3A_681, %parallel_loop3A_682] {strides = array<i32>} : memref<2x184x128xf32, #tpu.memory_space<vmem>>, vector<16xf32>,
      tpu.vector_store %arg12[%parallel_loop3A_680, %parallel_loop3A_681, %parallel_loop3A_682], %parallel_loop3A_678 {strides = array<i32>} : memref<2x184x128xf32, #tpu.memory_space<vmem>>, vector<16xf32>,
      %parallel_loop3A_684 = arith.mulf %parallel_loop3A_653, %get3A_75 : vector<16xf32>
      %parallel_loop3A_685 = arith.constant 1 : i32
      %parallel_loop3A_686 = arith.index_cast %parallel_loop3A_685 : i32 to index
      %parallel_loop3A_687 = arith.index_cast %parallel_loop3A_649 : i32 to index
      %parallel_loop3A_688 = arith.constant 80 : index
      %parallel_loop3A_689 = tpu.vector_load %arg12[%parallel_loop3A_686, %parallel_loop3A_687, %parallel_loop3A_688] {strides = array<i32>} : memref<2x184x128xf32, #tpu.memory_space<vmem>>, vector<16xf32>,
      tpu.vector_store %arg12[%parallel_loop3A_686, %parallel_loop3A_687, %parallel_loop3A_688], %parallel_loop3A_684 {strides = array<i32>} : memref<2x184x128xf32, #tpu.memory_space<vmem>>, vector<16xf32>,
      %parallel_loop3A_690 = arith.mulf %parallel_loop3A_653, %get3A_77 : vector<16xf32>
      %parallel_loop3A_691 = arith.constant 1 : i32
      %parallel_loop3A_692 = arith.index_cast %parallel_loop3A_691 : i32 to index
      %parallel_loop3A_693 = arith.index_cast %parallel_loop3A_649 : i32 to index
      %parallel_loop3A_694 = arith.constant 96 : index
      %parallel_loop3A_695 = tpu.vector_load %arg12[%parallel_loop3A_692, %parallel_loop3A_693, %parallel_loop3A_694] {strides = array<i32>} : memref<2x184x128xf32, #tpu.memory_space<vmem>>, vector<16xf32>,
      tpu.vector_store %arg12[%parallel_loop3A_692, %parallel_loop3A_693, %parallel_loop3A_694], %parallel_loop3A_690 {strides = array<i32>} : memref<2x184x128xf32, #tpu.memory_space<vmem>>, vector<16xf32>,
      %parallel_loop3A_696 = arith.mulf %parallel_loop3A_653, %get3A_79 : vector<16xf32>
      %parallel_loop3A_697 = arith.constant 1 : i32
      %parallel_loop3A_698 = arith.index_cast %parallel_loop3A_697 : i32 to index
      %parallel_loop3A_699 = arith.index_cast %parallel_loop3A_649 : i32 to index
      %parallel_loop3A_700 = arith.constant 112 : index
      %parallel_loop3A_701 = tpu.vector_load %arg12[%parallel_loop3A_698, %parallel_loop3A_699, %parallel_loop3A_700] {strides = array<i32>} : memref<2x184x128xf32, #tpu.memory_space<vmem>>, vector<16xf32>,
      tpu.vector_store %arg12[%parallel_loop3A_698, %parallel_loop3A_699, %parallel_loop3A_700], %parallel_loop3A_696 {strides = array<i32>} : memref<2x184x128xf32, #tpu.memory_space<vmem>>, vector<16xf32>,
    } {sc.loop_unroll_factor = 4 : i64, sc.parallel_access}
    %add3A_348 = arith.constant 1656 : i32
    %add3A_349 = arith.addi %multiple_of3A, %add3A_348 : i32
    %dma_start3A_350 = arith.constant 1 : i32
    %dma_start3A_351 = arith.constant 0 : i32
    %dma_start3A_352 = arith.constant 0 : i32
    %dma_start3A_353 = tpu.memref_slice %arg12[%dma_start3A_350, %dma_start3A_351, %dma_start3A_352] : memref<2x184x128xf32, #tpu.memory_space<vmem>> -> memref<1x184x128xf32, #tpu.memory_space<vmem>>
    %dma_start3A_354 = tpu.memref_squeeze %dma_start3A_353 : memref<1x184x128xf32, #tpu.memory_space<vmem>> -> memref<184x128xf32, #tpu.memory_space<vmem>>
    %dma_start3A_355 = arith.constant 0 : i32
    %dma_start3A_356 = tpu.memref_slice %arg7[%add3A_349, %dma_start3A_355] : memref<100000x128xf32, #tpu.memory_space<hbm>> -> memref<184x128xf32, #tpu.memory_space<hbm>>
    %dma_start3A_357 = arith.constant 0 : i32
    %dma_start3A_358 = tpu.memref_slice %arg7[%add3A_349, %dma_start3A_357] : memref<100000x128xf32, #tpu.memory_space<hbm>> -> memref<184x128xf32, #tpu.memory_space<hbm>>
    %dma_start3A_359 = arith.constant 0 : i32
    %dma_start3A_360 = arith.constant 0 : i32
    %dma_start3A_361 = tpu.memref_slice %arg12[%dma_start3A_350, %dma_start3A_359, %dma_start3A_360] : memref<2x184x128xf32, #tpu.memory_space<vmem>> -> memref<1x184x128xf32, #tpu.memory_space<vmem>>
    %dma_start3A_362 = tpu.memref_squeeze %dma_start3A_361 : memref<1x184x128xf32, #tpu.memory_space<vmem>> -> memref<184x128xf32, #tpu.memory_space<vmem>>
    tpu.enqueue_dma source(%dma_start3A_362 : memref<184x128xf32, #tpu.memory_space<vmem>>) target(%dma_start3A_358 : memref<184x128xf32, #tpu.memory_space<hbm>>) target_semaphore(%arg15 : memref<!tpu.dma_semaphore, #tpu.memory_space<semaphore_mem>>)
    %dma_wait3A_363 = arith.constant 0 : i32
    %dma_wait3A_364 = arith.constant 0 : i32
    %dma_wait3A_365 = arith.constant 0 : i32
    %dma_wait3A_366 = tpu.memref_slice %arg12[%dma_wait3A_363, %dma_wait3A_364, %dma_wait3A_365] : memref<2x184x128xf32, #tpu.memory_space<vmem>> -> memref<1x184x128xf32, #tpu.memory_space<vmem>>
    %dma_wait3A_367 = tpu.memref_squeeze %dma_wait3A_366 : memref<1x184x128xf32, #tpu.memory_space<vmem>> -> memref<184x128xf32, #tpu.memory_space<vmem>>
    %dma_wait3A_368 = arith.constant 0 : i32
    %dma_wait3A_369 = tpu.memref_slice %arg7[%add3A_318, %dma_wait3A_368] : memref<100000x128xf32, #tpu.memory_space<hbm>> -> memref<184x128xf32, #tpu.memory_space<hbm>>
    %dma_wait3A_370 = arith.constant 0 : i32
    %dma_wait3A_371 = tpu.memref_slice %arg7[%add3A_318, %dma_wait3A_370] : memref<100000x128xf32, #tpu.memory_space<hbm>> -> memref<184x128xf32, #tpu.memory_space<hbm>>
    %dma_wait3A_372 = arith.constant 0 : i32
    %dma_wait3A_373 = arith.constant 0 : i32
    %dma_wait3A_374 = tpu.memref_slice %arg12[%dma_wait3A_363, %dma_wait3A_372, %dma_wait3A_373] : memref<2x184x128xf32, #tpu.memory_space<vmem>> -> memref<1x184x128xf32, #tpu.memory_space<vmem>>
    %dma_wait3A_375 = tpu.memref_squeeze %dma_wait3A_374 : memref<1x184x128xf32, #tpu.memory_space<vmem>> -> memref<184x128xf32, #tpu.memory_space<vmem>>
    tpu.wait_dma2 semaphore(%arg14 : memref<!tpu.dma_semaphore, #tpu.memory_space<semaphore_mem>>) src(%dma_wait3A_375 : memref<184x128xf32, #tpu.memory_space<vmem>>) dst(%dma_wait3A_371 : memref<184x128xf32, #tpu.memory_space<hbm>>)
    %parallel_loop3A_376 = arith.constant 0 : i32
    %parallel_loop3A_377 = arith.constant 184 : i32
    %parallel_loop3A_378 = arith.constant 1 : i32
    scf.for %parallel_loop3A_649 = %parallel_loop3A_376 to %parallel_loop3A_377 step %parallel_loop3A_378  : i32 {
      %parallel_loop3A_650 = arith.constant 1840 : i32
      %parallel_loop3A_651 = arith.addi %parallel_loop3A_650, %parallel_loop3A_649 : i32
      %parallel_loop3A_652 = vector.broadcast %parallel_loop3A_651 : i32 to vector<16xi32>
      %parallel_loop3A_653 = tpu.vector_load_idx %arg11[%parallel_loop3A_652] : memref<3128xf32, #tpu.memory_space<vmem>>[vector<16xi32>], vector<16xf32>,
      %parallel_loop3A_654 = arith.mulf %parallel_loop3A_653, %get3A_65 : vector<16xf32>
      %parallel_loop3A_655 = arith.constant 0 : i32
      %parallel_loop3A_656 = arith.index_cast %parallel_loop3A_655 : i32 to index
      %parallel_loop3A_657 = arith.index_cast %parallel_loop3A_649 : i32 to index
      %parallel_loop3A_658 = arith.constant 0 : index
      %parallel_loop3A_659 = tpu.vector_load %arg12[%parallel_loop3A_656, %parallel_loop3A_657, %parallel_loop3A_658] {strides = array<i32>} : memref<2x184x128xf32, #tpu.memory_space<vmem>>, vector<16xf32>,
      tpu.vector_store %arg12[%parallel_loop3A_656, %parallel_loop3A_657, %parallel_loop3A_658], %parallel_loop3A_654 {strides = array<i32>} : memref<2x184x128xf32, #tpu.memory_space<vmem>>, vector<16xf32>,
      %parallel_loop3A_660 = arith.mulf %parallel_loop3A_653, %get3A_67 : vector<16xf32>
      %parallel_loop3A_661 = arith.constant 0 : i32
      %parallel_loop3A_662 = arith.index_cast %parallel_loop3A_661 : i32 to index
      %parallel_loop3A_663 = arith.index_cast %parallel_loop3A_649 : i32 to index
      %parallel_loop3A_664 = arith.constant 16 : index
      %parallel_loop3A_665 = tpu.vector_load %arg12[%parallel_loop3A_662, %parallel_loop3A_663, %parallel_loop3A_664] {strides = array<i32>} : memref<2x184x128xf32, #tpu.memory_space<vmem>>, vector<16xf32>,
      tpu.vector_store %arg12[%parallel_loop3A_662, %parallel_loop3A_663, %parallel_loop3A_664], %parallel_loop3A_660 {strides = array<i32>} : memref<2x184x128xf32, #tpu.memory_space<vmem>>, vector<16xf32>,
      %parallel_loop3A_666 = arith.mulf %parallel_loop3A_653, %get3A_69 : vector<16xf32>
      %parallel_loop3A_667 = arith.constant 0 : i32
      %parallel_loop3A_668 = arith.index_cast %parallel_loop3A_667 : i32 to index
      %parallel_loop3A_669 = arith.index_cast %parallel_loop3A_649 : i32 to index
      %parallel_loop3A_670 = arith.constant 32 : index
      %parallel_loop3A_671 = tpu.vector_load %arg12[%parallel_loop3A_668, %parallel_loop3A_669, %parallel_loop3A_670] {strides = array<i32>} : memref<2x184x128xf32, #tpu.memory_space<vmem>>, vector<16xf32>,
      tpu.vector_store %arg12[%parallel_loop3A_668, %parallel_loop3A_669, %parallel_loop3A_670], %parallel_loop3A_666 {strides = array<i32>} : memref<2x184x128xf32, #tpu.memory_space<vmem>>, vector<16xf32>,
      %parallel_loop3A_672 = arith.mulf %parallel_loop3A_653, %get3A_71 : vector<16xf32>
      %parallel_loop3A_673 = arith.constant 0 : i32
      %parallel_loop3A_674 = arith.index_cast %parallel_loop3A_673 : i32 to index
      %parallel_loop3A_675 = arith.index_cast %parallel_loop3A_649 : i32 to index
      %parallel_loop3A_676 = arith.constant 48 : index
      %parallel_loop3A_677 = tpu.vector_load %arg12[%parallel_loop3A_674, %parallel_loop3A_675, %parallel_loop3A_676] {strides = array<i32>} : memref<2x184x128xf32, #tpu.memory_space<vmem>>, vector<16xf32>,
      tpu.vector_store %arg12[%parallel_loop3A_674, %parallel_loop3A_675, %parallel_loop3A_676], %parallel_loop3A_672 {strides = array<i32>} : memref<2x184x128xf32, #tpu.memory_space<vmem>>, vector<16xf32>,
      %parallel_loop3A_678 = arith.mulf %parallel_loop3A_653, %get3A_73 : vector<16xf32>
      %parallel_loop3A_679 = arith.constant 0 : i32
      %parallel_loop3A_680 = arith.index_cast %parallel_loop3A_679 : i32 to index
      %parallel_loop3A_681 = arith.index_cast %parallel_loop3A_649 : i32 to index
      %parallel_loop3A_682 = arith.constant 64 : index
      %parallel_loop3A_683 = tpu.vector_load %arg12[%parallel_loop3A_680, %parallel_loop3A_681, %parallel_loop3A_682] {strides = array<i32>} : memref<2x184x128xf32, #tpu.memory_space<vmem>>, vector<16xf32>,
      tpu.vector_store %arg12[%parallel_loop3A_680, %parallel_loop3A_681, %parallel_loop3A_682], %parallel_loop3A_678 {strides = array<i32>} : memref<2x184x128xf32, #tpu.memory_space<vmem>>, vector<16xf32>,
      %parallel_loop3A_684 = arith.mulf %parallel_loop3A_653, %get3A_75 : vector<16xf32>
      %parallel_loop3A_685 = arith.constant 0 : i32
      %parallel_loop3A_686 = arith.index_cast %parallel_loop3A_685 : i32 to index
      %parallel_loop3A_687 = arith.index_cast %parallel_loop3A_649 : i32 to index
      %parallel_loop3A_688 = arith.constant 80 : index
      %parallel_loop3A_689 = tpu.vector_load %arg12[%parallel_loop3A_686, %parallel_loop3A_687, %parallel_loop3A_688] {strides = array<i32>} : memref<2x184x128xf32, #tpu.memory_space<vmem>>, vector<16xf32>,
      tpu.vector_store %arg12[%parallel_loop3A_686, %parallel_loop3A_687, %parallel_loop3A_688], %parallel_loop3A_684 {strides = array<i32>} : memref<2x184x128xf32, #tpu.memory_space<vmem>>, vector<16xf32>,
      %parallel_loop3A_690 = arith.mulf %parallel_loop3A_653, %get3A_77 : vector<16xf32>
      %parallel_loop3A_691 = arith.constant 0 : i32
      %parallel_loop3A_692 = arith.index_cast %parallel_loop3A_691 : i32 to index
      %parallel_loop3A_693 = arith.index_cast %parallel_loop3A_649 : i32 to index
      %parallel_loop3A_694 = arith.constant 96 : index
      %parallel_loop3A_695 = tpu.vector_load %arg12[%parallel_loop3A_692, %parallel_loop3A_693, %parallel_loop3A_694] {strides = array<i32>} : memref<2x184x128xf32, #tpu.memory_space<vmem>>, vector<16xf32>,
      tpu.vector_store %arg12[%parallel_loop3A_692, %parallel_loop3A_693, %parallel_loop3A_694], %parallel_loop3A_690 {strides = array<i32>} : memref<2x184x128xf32, #tpu.memory_space<vmem>>, vector<16xf32>,
      %parallel_loop3A_696 = arith.mulf %parallel_loop3A_653, %get3A_79 : vector<16xf32>
      %parallel_loop3A_697 = arith.constant 0 : i32
      %parallel_loop3A_698 = arith.index_cast %parallel_loop3A_697 : i32 to index
      %parallel_loop3A_699 = arith.index_cast %parallel_loop3A_649 : i32 to index
      %parallel_loop3A_700 = arith.constant 112 : index
      %parallel_loop3A_701 = tpu.vector_load %arg12[%parallel_loop3A_698, %parallel_loop3A_699, %parallel_loop3A_700] {strides = array<i32>} : memref<2x184x128xf32, #tpu.memory_space<vmem>>, vector<16xf32>,
      tpu.vector_store %arg12[%parallel_loop3A_698, %parallel_loop3A_699, %parallel_loop3A_700], %parallel_loop3A_696 {strides = array<i32>} : memref<2x184x128xf32, #tpu.memory_space<vmem>>, vector<16xf32>,
    } {sc.loop_unroll_factor = 4 : i64, sc.parallel_access}
    %add3A_379 = arith.constant 1840 : i32
    %add3A_380 = arith.addi %multiple_of3A, %add3A_379 : i32
    %dma_start3A_381 = arith.constant 0 : i32
    %dma_start3A_382 = arith.constant 0 : i32
    %dma_start3A_383 = arith.constant 0 : i32
    %dma_start3A_384 = tpu.memref_slice %arg12[%dma_start3A_381, %dma_start3A_382, %dma_start3A_383] : memref<2x184x128xf32, #tpu.memory_space<vmem>> -> memref<1x184x128xf32, #tpu.memory_space<vmem>>
    %dma_start3A_385 = tpu.memref_squeeze %dma_start3A_384 : memref<1x184x128xf32, #tpu.memory_space<vmem>> -> memref<184x128xf32, #tpu.memory_space<vmem>>
    %dma_start3A_386 = arith.constant 0 : i32
    %dma_start3A_387 = tpu.memref_slice %arg7[%add3A_380, %dma_start3A_386] : memref<100000x128xf32, #tpu.memory_space<hbm>> -> memref<184x128xf32, #tpu.memory_space<hbm>>
    %dma_start3A_388 = arith.constant 0 : i32
    %dma_start3A_389 = tpu.memref_slice %arg7[%add3A_380, %dma_start3A_388] : memref<100000x128xf32, #tpu.memory_space<hbm>> -> memref<184x128xf32, #tpu.memory_space<hbm>>
    %dma_start3A_390 = arith.constant 0 : i32
    %dma_start3A_391 = arith.constant 0 : i32
    %dma_start3A_392 = tpu.memref_slice %arg12[%dma_start3A_381, %dma_start3A_390, %dma_start3A_391] : memref<2x184x128xf32, #tpu.memory_space<vmem>> -> memref<1x184x128xf32, #tpu.memory_space<vmem>>
    %dma_start3A_393 = tpu.memref_squeeze %dma_start3A_392 : memref<1x184x128xf32, #tpu.memory_space<vmem>> -> memref<184x128xf32, #tpu.memory_space<vmem>>
    tpu.enqueue_dma source(%dma_start3A_393 : memref<184x128xf32, #tpu.memory_space<vmem>>) target(%dma_start3A_389 : memref<184x128xf32, #tpu.memory_space<hbm>>) target_semaphore(%arg14 : memref<!tpu.dma_semaphore, #tpu.memory_space<semaphore_mem>>)
    %dma_wait3A_394 = arith.constant 1 : i32
    %dma_wait3A_395 = arith.constant 0 : i32
    %dma_wait3A_396 = arith.constant 0 : i32
    %dma_wait3A_397 = tpu.memref_slice %arg12[%dma_wait3A_394, %dma_wait3A_395, %dma_wait3A_396] : memref<2x184x128xf32, #tpu.memory_space<vmem>> -> memref<1x184x128xf32, #tpu.memory_space<vmem>>
    %dma_wait3A_398 = tpu.memref_squeeze %dma_wait3A_397 : memref<1x184x128xf32, #tpu.memory_space<vmem>> -> memref<184x128xf32, #tpu.memory_space<vmem>>
    %dma_wait3A_399 = arith.constant 0 : i32
    %dma_wait3A_400 = tpu.memref_slice %arg7[%add3A_349, %dma_wait3A_399] : memref<100000x128xf32, #tpu.memory_space<hbm>> -> memref<184x128xf32, #tpu.memory_space<hbm>>
    %dma_wait3A_401 = arith.constant 0 : i32
    %dma_wait3A_402 = tpu.memref_slice %arg7[%add3A_349, %dma_wait3A_401] : memref<100000x128xf32, #tpu.memory_space<hbm>> -> memref<184x128xf32, #tpu.memory_space<hbm>>
    %dma_wait3A_403 = arith.constant 0 : i32
    %dma_wait3A_404 = arith.constant 0 : i32
    %dma_wait3A_405 = tpu.memref_slice %arg12[%dma_wait3A_394, %dma_wait3A_403, %dma_wait3A_404] : memref<2x184x128xf32, #tpu.memory_space<vmem>> -> memref<1x184x128xf32, #tpu.memory_space<vmem>>
    %dma_wait3A_406 = tpu.memref_squeeze %dma_wait3A_405 : memref<1x184x128xf32, #tpu.memory_space<vmem>> -> memref<184x128xf32, #tpu.memory_space<vmem>>
    tpu.wait_dma2 semaphore(%arg15 : memref<!tpu.dma_semaphore, #tpu.memory_space<semaphore_mem>>) src(%dma_wait3A_406 : memref<184x128xf32, #tpu.memory_space<vmem>>) dst(%dma_wait3A_402 : memref<184x128xf32, #tpu.memory_space<hbm>>)
    %parallel_loop3A_407 = arith.constant 0 : i32
    %parallel_loop3A_408 = arith.constant 184 : i32
    %parallel_loop3A_409 = arith.constant 1 : i32
    scf.for %parallel_loop3A_649 = %parallel_loop3A_407 to %parallel_loop3A_408 step %parallel_loop3A_409  : i32 {
      %parallel_loop3A_650 = arith.constant 2024 : i32
      %parallel_loop3A_651 = arith.addi %parallel_loop3A_650, %parallel_loop3A_649 : i32
      %parallel_loop3A_652 = vector.broadcast %parallel_loop3A_651 : i32 to vector<16xi32>
      %parallel_loop3A_653 = tpu.vector_load_idx %arg11[%parallel_loop3A_652] : memref<3128xf32, #tpu.memory_space<vmem>>[vector<16xi32>], vector<16xf32>,
      %parallel_loop3A_654 = arith.mulf %parallel_loop3A_653, %get3A_65 : vector<16xf32>
      %parallel_loop3A_655 = arith.constant 1 : i32
      %parallel_loop3A_656 = arith.index_cast %parallel_loop3A_655 : i32 to index
      %parallel_loop3A_657 = arith.index_cast %parallel_loop3A_649 : i32 to index
      %parallel_loop3A_658 = arith.constant 0 : index
      %parallel_loop3A_659 = tpu.vector_load %arg12[%parallel_loop3A_656, %parallel_loop3A_657, %parallel_loop3A_658] {strides = array<i32>} : memref<2x184x128xf32, #tpu.memory_space<vmem>>, vector<16xf32>,
      tpu.vector_store %arg12[%parallel_loop3A_656, %parallel_loop3A_657, %parallel_loop3A_658], %parallel_loop3A_654 {strides = array<i32>} : memref<2x184x128xf32, #tpu.memory_space<vmem>>, vector<16xf32>,
      %parallel_loop3A_660 = arith.mulf %parallel_loop3A_653, %get3A_67 : vector<16xf32>
      %parallel_loop3A_661 = arith.constant 1 : i32
      %parallel_loop3A_662 = arith.index_cast %parallel_loop3A_661 : i32 to index
      %parallel_loop3A_663 = arith.index_cast %parallel_loop3A_649 : i32 to index
      %parallel_loop3A_664 = arith.constant 16 : index
      %parallel_loop3A_665 = tpu.vector_load %arg12[%parallel_loop3A_662, %parallel_loop3A_663, %parallel_loop3A_664] {strides = array<i32>} : memref<2x184x128xf32, #tpu.memory_space<vmem>>, vector<16xf32>,
      tpu.vector_store %arg12[%parallel_loop3A_662, %parallel_loop3A_663, %parallel_loop3A_664], %parallel_loop3A_660 {strides = array<i32>} : memref<2x184x128xf32, #tpu.memory_space<vmem>>, vector<16xf32>,
      %parallel_loop3A_666 = arith.mulf %parallel_loop3A_653, %get3A_69 : vector<16xf32>
      %parallel_loop3A_667 = arith.constant 1 : i32
      %parallel_loop3A_668 = arith.index_cast %parallel_loop3A_667 : i32 to index
      %parallel_loop3A_669 = arith.index_cast %parallel_loop3A_649 : i32 to index
      %parallel_loop3A_670 = arith.constant 32 : index
      %parallel_loop3A_671 = tpu.vector_load %arg12[%parallel_loop3A_668, %parallel_loop3A_669, %parallel_loop3A_670] {strides = array<i32>} : memref<2x184x128xf32, #tpu.memory_space<vmem>>, vector<16xf32>,
      tpu.vector_store %arg12[%parallel_loop3A_668, %parallel_loop3A_669, %parallel_loop3A_670], %parallel_loop3A_666 {strides = array<i32>} : memref<2x184x128xf32, #tpu.memory_space<vmem>>, vector<16xf32>,
      %parallel_loop3A_672 = arith.mulf %parallel_loop3A_653, %get3A_71 : vector<16xf32>
      %parallel_loop3A_673 = arith.constant 1 : i32
      %parallel_loop3A_674 = arith.index_cast %parallel_loop3A_673 : i32 to index
      %parallel_loop3A_675 = arith.index_cast %parallel_loop3A_649 : i32 to index
      %parallel_loop3A_676 = arith.constant 48 : index
      %parallel_loop3A_677 = tpu.vector_load %arg12[%parallel_loop3A_674, %parallel_loop3A_675, %parallel_loop3A_676] {strides = array<i32>} : memref<2x184x128xf32, #tpu.memory_space<vmem>>, vector<16xf32>,
      tpu.vector_store %arg12[%parallel_loop3A_674, %parallel_loop3A_675, %parallel_loop3A_676], %parallel_loop3A_672 {strides = array<i32>} : memref<2x184x128xf32, #tpu.memory_space<vmem>>, vector<16xf32>,
      %parallel_loop3A_678 = arith.mulf %parallel_loop3A_653, %get3A_73 : vector<16xf32>
      %parallel_loop3A_679 = arith.constant 1 : i32
      %parallel_loop3A_680 = arith.index_cast %parallel_loop3A_679 : i32 to index
      %parallel_loop3A_681 = arith.index_cast %parallel_loop3A_649 : i32 to index
      %parallel_loop3A_682 = arith.constant 64 : index
      %parallel_loop3A_683 = tpu.vector_load %arg12[%parallel_loop3A_680, %parallel_loop3A_681, %parallel_loop3A_682] {strides = array<i32>} : memref<2x184x128xf32, #tpu.memory_space<vmem>>, vector<16xf32>,
      tpu.vector_store %arg12[%parallel_loop3A_680, %parallel_loop3A_681, %parallel_loop3A_682], %parallel_loop3A_678 {strides = array<i32>} : memref<2x184x128xf32, #tpu.memory_space<vmem>>, vector<16xf32>,
      %parallel_loop3A_684 = arith.mulf %parallel_loop3A_653, %get3A_75 : vector<16xf32>
      %parallel_loop3A_685 = arith.constant 1 : i32
      %parallel_loop3A_686 = arith.index_cast %parallel_loop3A_685 : i32 to index
      %parallel_loop3A_687 = arith.index_cast %parallel_loop3A_649 : i32 to index
      %parallel_loop3A_688 = arith.constant 80 : index
      %parallel_loop3A_689 = tpu.vector_load %arg12[%parallel_loop3A_686, %parallel_loop3A_687, %parallel_loop3A_688] {strides = array<i32>} : memref<2x184x128xf32, #tpu.memory_space<vmem>>, vector<16xf32>,
      tpu.vector_store %arg12[%parallel_loop3A_686, %parallel_loop3A_687, %parallel_loop3A_688], %parallel_loop3A_684 {strides = array<i32>} : memref<2x184x128xf32, #tpu.memory_space<vmem>>, vector<16xf32>,
      %parallel_loop3A_690 = arith.mulf %parallel_loop3A_653, %get3A_77 : vector<16xf32>
      %parallel_loop3A_691 = arith.constant 1 : i32
      %parallel_loop3A_692 = arith.index_cast %parallel_loop3A_691 : i32 to index
      %parallel_loop3A_693 = arith.index_cast %parallel_loop3A_649 : i32 to index
      %parallel_loop3A_694 = arith.constant 96 : index
      %parallel_loop3A_695 = tpu.vector_load %arg12[%parallel_loop3A_692, %parallel_loop3A_693, %parallel_loop3A_694] {strides = array<i32>} : memref<2x184x128xf32, #tpu.memory_space<vmem>>, vector<16xf32>,
      tpu.vector_store %arg12[%parallel_loop3A_692, %parallel_loop3A_693, %parallel_loop3A_694], %parallel_loop3A_690 {strides = array<i32>} : memref<2x184x128xf32, #tpu.memory_space<vmem>>, vector<16xf32>,
      %parallel_loop3A_696 = arith.mulf %parallel_loop3A_653, %get3A_79 : vector<16xf32>
      %parallel_loop3A_697 = arith.constant 1 : i32
      %parallel_loop3A_698 = arith.index_cast %parallel_loop3A_697 : i32 to index
      %parallel_loop3A_699 = arith.index_cast %parallel_loop3A_649 : i32 to index
      %parallel_loop3A_700 = arith.constant 112 : index
      %parallel_loop3A_701 = tpu.vector_load %arg12[%parallel_loop3A_698, %parallel_loop3A_699, %parallel_loop3A_700] {strides = array<i32>} : memref<2x184x128xf32, #tpu.memory_space<vmem>>, vector<16xf32>,
      tpu.vector_store %arg12[%parallel_loop3A_698, %parallel_loop3A_699, %parallel_loop3A_700], %parallel_loop3A_696 {strides = array<i32>} : memref<2x184x128xf32, #tpu.memory_space<vmem>>, vector<16xf32>,
    } {sc.loop_unroll_factor = 4 : i64, sc.parallel_access}
    %add3A_410 = arith.constant 2024 : i32
    %add3A_411 = arith.addi %multiple_of3A, %add3A_410 : i32
    %dma_start3A_412 = arith.constant 1 : i32
    %dma_start3A_413 = arith.constant 0 : i32
    %dma_start3A_414 = arith.constant 0 : i32
    %dma_start3A_415 = tpu.memref_slice %arg12[%dma_start3A_412, %dma_start3A_413, %dma_start3A_414] : memref<2x184x128xf32, #tpu.memory_space<vmem>> -> memref<1x184x128xf32, #tpu.memory_space<vmem>>
    %dma_start3A_416 = tpu.memref_squeeze %dma_start3A_415 : memref<1x184x128xf32, #tpu.memory_space<vmem>> -> memref<184x128xf32, #tpu.memory_space<vmem>>
    %dma_start3A_417 = arith.constant 0 : i32
    %dma_start3A_418 = tpu.memref_slice %arg7[%add3A_411, %dma_start3A_417] : memref<100000x128xf32, #tpu.memory_space<hbm>> -> memref<184x128xf32, #tpu.memory_space<hbm>>
    %dma_start3A_419 = arith.constant 0 : i32
    %dma_start3A_420 = tpu.memref_slice %arg7[%add3A_411, %dma_start3A_419] : memref<100000x128xf32, #tpu.memory_space<hbm>> -> memref<184x128xf32, #tpu.memory_space<hbm>>
    %dma_start3A_421 = arith.constant 0 : i32
    %dma_start3A_422 = arith.constant 0 : i32
    %dma_start3A_423 = tpu.memref_slice %arg12[%dma_start3A_412, %dma_start3A_421, %dma_start3A_422] : memref<2x184x128xf32, #tpu.memory_space<vmem>> -> memref<1x184x128xf32, #tpu.memory_space<vmem>>
    %dma_start3A_424 = tpu.memref_squeeze %dma_start3A_423 : memref<1x184x128xf32, #tpu.memory_space<vmem>> -> memref<184x128xf32, #tpu.memory_space<vmem>>
    tpu.enqueue_dma source(%dma_start3A_424 : memref<184x128xf32, #tpu.memory_space<vmem>>) target(%dma_start3A_420 : memref<184x128xf32, #tpu.memory_space<hbm>>) target_semaphore(%arg15 : memref<!tpu.dma_semaphore, #tpu.memory_space<semaphore_mem>>)
    %dma_wait3A_425 = arith.constant 0 : i32
    %dma_wait3A_426 = arith.constant 0 : i32
    %dma_wait3A_427 = arith.constant 0 : i32
    %dma_wait3A_428 = tpu.memref_slice %arg12[%dma_wait3A_425, %dma_wait3A_426, %dma_wait3A_427] : memref<2x184x128xf32, #tpu.memory_space<vmem>> -> memref<1x184x128xf32, #tpu.memory_space<vmem>>
    %dma_wait3A_429 = tpu.memref_squeeze %dma_wait3A_428 : memref<1x184x128xf32, #tpu.memory_space<vmem>> -> memref<184x128xf32, #tpu.memory_space<vmem>>
    %dma_wait3A_430 = arith.constant 0 : i32
    %dma_wait3A_431 = tpu.memref_slice %arg7[%add3A_380, %dma_wait3A_430] : memref<100000x128xf32, #tpu.memory_space<hbm>> -> memref<184x128xf32, #tpu.memory_space<hbm>>
    %dma_wait3A_432 = arith.constant 0 : i32
    %dma_wait3A_433 = tpu.memref_slice %arg7[%add3A_380, %dma_wait3A_432] : memref<100000x128xf32, #tpu.memory_space<hbm>> -> memref<184x128xf32, #tpu.memory_space<hbm>>
    %dma_wait3A_434 = arith.constant 0 : i32
    %dma_wait3A_435 = arith.constant 0 : i32
    %dma_wait3A_436 = tpu.memref_slice %arg12[%dma_wait3A_425, %dma_wait3A_434, %dma_wait3A_435] : memref<2x184x128xf32, #tpu.memory_space<vmem>> -> memref<1x184x128xf32, #tpu.memory_space<vmem>>
    %dma_wait3A_437 = tpu.memref_squeeze %dma_wait3A_436 : memref<1x184x128xf32, #tpu.memory_space<vmem>> -> memref<184x128xf32, #tpu.memory_space<vmem>>
    tpu.wait_dma2 semaphore(%arg14 : memref<!tpu.dma_semaphore, #tpu.memory_space<semaphore_mem>>) src(%dma_wait3A_437 : memref<184x128xf32, #tpu.memory_space<vmem>>) dst(%dma_wait3A_433 : memref<184x128xf32, #tpu.memory_space<hbm>>)
    %parallel_loop3A_438 = arith.constant 0 : i32
    %parallel_loop3A_439 = arith.constant 184 : i32
    %parallel_loop3A_440 = arith.constant 1 : i32
    scf.for %parallel_loop3A_649 = %parallel_loop3A_438 to %parallel_loop3A_439 step %parallel_loop3A_440  : i32 {
      %parallel_loop3A_650 = arith.constant 2208 : i32
      %parallel_loop3A_651 = arith.addi %parallel_loop3A_650, %parallel_loop3A_649 : i32
      %parallel_loop3A_652 = vector.broadcast %parallel_loop3A_651 : i32 to vector<16xi32>
      %parallel_loop3A_653 = tpu.vector_load_idx %arg11[%parallel_loop3A_652] : memref<3128xf32, #tpu.memory_space<vmem>>[vector<16xi32>], vector<16xf32>,
      %parallel_loop3A_654 = arith.mulf %parallel_loop3A_653, %get3A_65 : vector<16xf32>
      %parallel_loop3A_655 = arith.constant 0 : i32
      %parallel_loop3A_656 = arith.index_cast %parallel_loop3A_655 : i32 to index
      %parallel_loop3A_657 = arith.index_cast %parallel_loop3A_649 : i32 to index
      %parallel_loop3A_658 = arith.constant 0 : index
      %parallel_loop3A_659 = tpu.vector_load %arg12[%parallel_loop3A_656, %parallel_loop3A_657, %parallel_loop3A_658] {strides = array<i32>} : memref<2x184x128xf32, #tpu.memory_space<vmem>>, vector<16xf32>,
      tpu.vector_store %arg12[%parallel_loop3A_656, %parallel_loop3A_657, %parallel_loop3A_658], %parallel_loop3A_654 {strides = array<i32>} : memref<2x184x128xf32, #tpu.memory_space<vmem>>, vector<16xf32>,
      %parallel_loop3A_660 = arith.mulf %parallel_loop3A_653, %get3A_67 : vector<16xf32>
      %parallel_loop3A_661 = arith.constant 0 : i32
      %parallel_loop3A_662 = arith.index_cast %parallel_loop3A_661 : i32 to index
      %parallel_loop3A_663 = arith.index_cast %parallel_loop3A_649 : i32 to index
      %parallel_loop3A_664 = arith.constant 16 : index
      %parallel_loop3A_665 = tpu.vector_load %arg12[%parallel_loop3A_662, %parallel_loop3A_663, %parallel_loop3A_664] {strides = array<i32>} : memref<2x184x128xf32, #tpu.memory_space<vmem>>, vector<16xf32>,
      tpu.vector_store %arg12[%parallel_loop3A_662, %parallel_loop3A_663, %parallel_loop3A_664], %parallel_loop3A_660 {strides = array<i32>} : memref<2x184x128xf32, #tpu.memory_space<vmem>>, vector<16xf32>,
      %parallel_loop3A_666 = arith.mulf %parallel_loop3A_653, %get3A_69 : vector<16xf32>
      %parallel_loop3A_667 = arith.constant 0 : i32
      %parallel_loop3A_668 = arith.index_cast %parallel_loop3A_667 : i32 to index
      %parallel_loop3A_669 = arith.index_cast %parallel_loop3A_649 : i32 to index
      %parallel_loop3A_670 = arith.constant 32 : index
      %parallel_loop3A_671 = tpu.vector_load %arg12[%parallel_loop3A_668, %parallel_loop3A_669, %parallel_loop3A_670] {strides = array<i32>} : memref<2x184x128xf32, #tpu.memory_space<vmem>>, vector<16xf32>,
      tpu.vector_store %arg12[%parallel_loop3A_668, %parallel_loop3A_669, %parallel_loop3A_670], %parallel_loop3A_666 {strides = array<i32>} : memref<2x184x128xf32, #tpu.memory_space<vmem>>, vector<16xf32>,
      %parallel_loop3A_672 = arith.mulf %parallel_loop3A_653, %get3A_71 : vector<16xf32>
      %parallel_loop3A_673 = arith.constant 0 : i32
      %parallel_loop3A_674 = arith.index_cast %parallel_loop3A_673 : i32 to index
      %parallel_loop3A_675 = arith.index_cast %parallel_loop3A_649 : i32 to index
      %parallel_loop3A_676 = arith.constant 48 : index
      %parallel_loop3A_677 = tpu.vector_load %arg12[%parallel_loop3A_674, %parallel_loop3A_675, %parallel_loop3A_676] {strides = array<i32>} : memref<2x184x128xf32, #tpu.memory_space<vmem>>, vector<16xf32>,
      tpu.vector_store %arg12[%parallel_loop3A_674, %parallel_loop3A_675, %parallel_loop3A_676], %parallel_loop3A_672 {strides = array<i32>} : memref<2x184x128xf32, #tpu.memory_space<vmem>>, vector<16xf32>,
      %parallel_loop3A_678 = arith.mulf %parallel_loop3A_653, %get3A_73 : vector<16xf32>
      %parallel_loop3A_679 = arith.constant 0 : i32
      %parallel_loop3A_680 = arith.index_cast %parallel_loop3A_679 : i32 to index
      %parallel_loop3A_681 = arith.index_cast %parallel_loop3A_649 : i32 to index
      %parallel_loop3A_682 = arith.constant 64 : index
      %parallel_loop3A_683 = tpu.vector_load %arg12[%parallel_loop3A_680, %parallel_loop3A_681, %parallel_loop3A_682] {strides = array<i32>} : memref<2x184x128xf32, #tpu.memory_space<vmem>>, vector<16xf32>,
      tpu.vector_store %arg12[%parallel_loop3A_680, %parallel_loop3A_681, %parallel_loop3A_682], %parallel_loop3A_678 {strides = array<i32>} : memref<2x184x128xf32, #tpu.memory_space<vmem>>, vector<16xf32>,
      %parallel_loop3A_684 = arith.mulf %parallel_loop3A_653, %get3A_75 : vector<16xf32>
      %parallel_loop3A_685 = arith.constant 0 : i32
      %parallel_loop3A_686 = arith.index_cast %parallel_loop3A_685 : i32 to index
      %parallel_loop3A_687 = arith.index_cast %parallel_loop3A_649 : i32 to index
      %parallel_loop3A_688 = arith.constant 80 : index
      %parallel_loop3A_689 = tpu.vector_load %arg12[%parallel_loop3A_686, %parallel_loop3A_687, %parallel_loop3A_688] {strides = array<i32>} : memref<2x184x128xf32, #tpu.memory_space<vmem>>, vector<16xf32>,
      tpu.vector_store %arg12[%parallel_loop3A_686, %parallel_loop3A_687, %parallel_loop3A_688], %parallel_loop3A_684 {strides = array<i32>} : memref<2x184x128xf32, #tpu.memory_space<vmem>>, vector<16xf32>,
      %parallel_loop3A_690 = arith.mulf %parallel_loop3A_653, %get3A_77 : vector<16xf32>
      %parallel_loop3A_691 = arith.constant 0 : i32
      %parallel_loop3A_692 = arith.index_cast %parallel_loop3A_691 : i32 to index
      %parallel_loop3A_693 = arith.index_cast %parallel_loop3A_649 : i32 to index
      %parallel_loop3A_694 = arith.constant 96 : index
      %parallel_loop3A_695 = tpu.vector_load %arg12[%parallel_loop3A_692, %parallel_loop3A_693, %parallel_loop3A_694] {strides = array<i32>} : memref<2x184x128xf32, #tpu.memory_space<vmem>>, vector<16xf32>,
      tpu.vector_store %arg12[%parallel_loop3A_692, %parallel_loop3A_693, %parallel_loop3A_694], %parallel_loop3A_690 {strides = array<i32>} : memref<2x184x128xf32, #tpu.memory_space<vmem>>, vector<16xf32>,
      %parallel_loop3A_696 = arith.mulf %parallel_loop3A_653, %get3A_79 : vector<16xf32>
      %parallel_loop3A_697 = arith.constant 0 : i32
      %parallel_loop3A_698 = arith.index_cast %parallel_loop3A_697 : i32 to index
      %parallel_loop3A_699 = arith.index_cast %parallel_loop3A_649 : i32 to index
      %parallel_loop3A_700 = arith.constant 112 : index
      %parallel_loop3A_701 = tpu.vector_load %arg12[%parallel_loop3A_698, %parallel_loop3A_699, %parallel_loop3A_700] {strides = array<i32>} : memref<2x184x128xf32, #tpu.memory_space<vmem>>, vector<16xf32>,
      tpu.vector_store %arg12[%parallel_loop3A_698, %parallel_loop3A_699, %parallel_loop3A_700], %parallel_loop3A_696 {strides = array<i32>} : memref<2x184x128xf32, #tpu.memory_space<vmem>>, vector<16xf32>,
    } {sc.loop_unroll_factor = 4 : i64, sc.parallel_access}
    %add3A_441 = arith.constant 2208 : i32
    %add3A_442 = arith.addi %multiple_of3A, %add3A_441 : i32
    %dma_start3A_443 = arith.constant 0 : i32
    %dma_start3A_444 = arith.constant 0 : i32
    %dma_start3A_445 = arith.constant 0 : i32
    %dma_start3A_446 = tpu.memref_slice %arg12[%dma_start3A_443, %dma_start3A_444, %dma_start3A_445] : memref<2x184x128xf32, #tpu.memory_space<vmem>> -> memref<1x184x128xf32, #tpu.memory_space<vmem>>
    %dma_start3A_447 = tpu.memref_squeeze %dma_start3A_446 : memref<1x184x128xf32, #tpu.memory_space<vmem>> -> memref<184x128xf32, #tpu.memory_space<vmem>>
    %dma_start3A_448 = arith.constant 0 : i32
    %dma_start3A_449 = tpu.memref_slice %arg7[%add3A_442, %dma_start3A_448] : memref<100000x128xf32, #tpu.memory_space<hbm>> -> memref<184x128xf32, #tpu.memory_space<hbm>>
    %dma_start3A_450 = arith.constant 0 : i32
    %dma_start3A_451 = tpu.memref_slice %arg7[%add3A_442, %dma_start3A_450] : memref<100000x128xf32, #tpu.memory_space<hbm>> -> memref<184x128xf32, #tpu.memory_space<hbm>>
    %dma_start3A_452 = arith.constant 0 : i32
    %dma_start3A_453 = arith.constant 0 : i32
    %dma_start3A_454 = tpu.memref_slice %arg12[%dma_start3A_443, %dma_start3A_452, %dma_start3A_453] : memref<2x184x128xf32, #tpu.memory_space<vmem>> -> memref<1x184x128xf32, #tpu.memory_space<vmem>>
    %dma_start3A_455 = tpu.memref_squeeze %dma_start3A_454 : memref<1x184x128xf32, #tpu.memory_space<vmem>> -> memref<184x128xf32, #tpu.memory_space<vmem>>
    tpu.enqueue_dma source(%dma_start3A_455 : memref<184x128xf32, #tpu.memory_space<vmem>>) target(%dma_start3A_451 : memref<184x128xf32, #tpu.memory_space<hbm>>) target_semaphore(%arg14 : memref<!tpu.dma_semaphore, #tpu.memory_space<semaphore_mem>>)
    %dma_wait3A_456 = arith.constant 1 : i32
    %dma_wait3A_457 = arith.constant 0 : i32
    %dma_wait3A_458 = arith.constant 0 : i32
    %dma_wait3A_459 = tpu.memref_slice %arg12[%dma_wait3A_456, %dma_wait3A_457, %dma_wait3A_458] : memref<2x184x128xf32, #tpu.memory_space<vmem>> -> memref<1x184x128xf32, #tpu.memory_space<vmem>>
    %dma_wait3A_460 = tpu.memref_squeeze %dma_wait3A_459 : memref<1x184x128xf32, #tpu.memory_space<vmem>> -> memref<184x128xf32, #tpu.memory_space<vmem>>
    %dma_wait3A_461 = arith.constant 0 : i32
    %dma_wait3A_462 = tpu.memref_slice %arg7[%add3A_411, %dma_wait3A_461] : memref<100000x128xf32, #tpu.memory_space<hbm>> -> memref<184x128xf32, #tpu.memory_space<hbm>>
    %dma_wait3A_463 = arith.constant 0 : i32
    %dma_wait3A_464 = tpu.memref_slice %arg7[%add3A_411, %dma_wait3A_463] : memref<100000x128xf32, #tpu.memory_space<hbm>> -> memref<184x128xf32, #tpu.memory_space<hbm>>
    %dma_wait3A_465 = arith.constant 0 : i32
    %dma_wait3A_466 = arith.constant 0 : i32
    %dma_wait3A_467 = tpu.memref_slice %arg12[%dma_wait3A_456, %dma_wait3A_465, %dma_wait3A_466] : memref<2x184x128xf32, #tpu.memory_space<vmem>> -> memref<1x184x128xf32, #tpu.memory_space<vmem>>
    %dma_wait3A_468 = tpu.memref_squeeze %dma_wait3A_467 : memref<1x184x128xf32, #tpu.memory_space<vmem>> -> memref<184x128xf32, #tpu.memory_space<vmem>>
    tpu.wait_dma2 semaphore(%arg15 : memref<!tpu.dma_semaphore, #tpu.memory_space<semaphore_mem>>) src(%dma_wait3A_468 : memref<184x128xf32, #tpu.memory_space<vmem>>) dst(%dma_wait3A_464 : memref<184x128xf32, #tpu.memory_space<hbm>>)
    %parallel_loop3A_469 = arith.constant 0 : i32
    %parallel_loop3A_470 = arith.constant 184 : i32
    %parallel_loop3A_471 = arith.constant 1 : i32
    scf.for %parallel_loop3A_649 = %parallel_loop3A_469 to %parallel_loop3A_470 step %parallel_loop3A_471  : i32 {
      %parallel_loop3A_650 = arith.constant 2392 : i32
      %parallel_loop3A_651 = arith.addi %parallel_loop3A_650, %parallel_loop3A_649 : i32
      %parallel_loop3A_652 = vector.broadcast %parallel_loop3A_651 : i32 to vector<16xi32>
      %parallel_loop3A_653 = tpu.vector_load_idx %arg11[%parallel_loop3A_652] : memref<3128xf32, #tpu.memory_space<vmem>>[vector<16xi32>], vector<16xf32>,
      %parallel_loop3A_654 = arith.mulf %parallel_loop3A_653, %get3A_65 : vector<16xf32>
      %parallel_loop3A_655 = arith.constant 1 : i32
      %parallel_loop3A_656 = arith.index_cast %parallel_loop3A_655 : i32 to index
      %parallel_loop3A_657 = arith.index_cast %parallel_loop3A_649 : i32 to index
      %parallel_loop3A_658 = arith.constant 0 : index
      %parallel_loop3A_659 = tpu.vector_load %arg12[%parallel_loop3A_656, %parallel_loop3A_657, %parallel_loop3A_658] {strides = array<i32>} : memref<2x184x128xf32, #tpu.memory_space<vmem>>, vector<16xf32>,
      tpu.vector_store %arg12[%parallel_loop3A_656, %parallel_loop3A_657, %parallel_loop3A_658], %parallel_loop3A_654 {strides = array<i32>} : memref<2x184x128xf32, #tpu.memory_space<vmem>>, vector<16xf32>,
      %parallel_loop3A_660 = arith.mulf %parallel_loop3A_653, %get3A_67 : vector<16xf32>
      %parallel_loop3A_661 = arith.constant 1 : i32
      %parallel_loop3A_662 = arith.index_cast %parallel_loop3A_661 : i32 to index
      %parallel_loop3A_663 = arith.index_cast %parallel_loop3A_649 : i32 to index
      %parallel_loop3A_664 = arith.constant 16 : index
      %parallel_loop3A_665 = tpu.vector_load %arg12[%parallel_loop3A_662, %parallel_loop3A_663, %parallel_loop3A_664] {strides = array<i32>} : memref<2x184x128xf32, #tpu.memory_space<vmem>>, vector<16xf32>,
      tpu.vector_store %arg12[%parallel_loop3A_662, %parallel_loop3A_663, %parallel_loop3A_664], %parallel_loop3A_660 {strides = array<i32>} : memref<2x184x128xf32, #tpu.memory_space<vmem>>, vector<16xf32>,
      %parallel_loop3A_666 = arith.mulf %parallel_loop3A_653, %get3A_69 : vector<16xf32>
      %parallel_loop3A_667 = arith.constant 1 : i32
      %parallel_loop3A_668 = arith.index_cast %parallel_loop3A_667 : i32 to index
      %parallel_loop3A_669 = arith.index_cast %parallel_loop3A_649 : i32 to index
      %parallel_loop3A_670 = arith.constant 32 : index
      %parallel_loop3A_671 = tpu.vector_load %arg12[%parallel_loop3A_668, %parallel_loop3A_669, %parallel_loop3A_670] {strides = array<i32>} : memref<2x184x128xf32, #tpu.memory_space<vmem>>, vector<16xf32>,
      tpu.vector_store %arg12[%parallel_loop3A_668, %parallel_loop3A_669, %parallel_loop3A_670], %parallel_loop3A_666 {strides = array<i32>} : memref<2x184x128xf32, #tpu.memory_space<vmem>>, vector<16xf32>,
      %parallel_loop3A_672 = arith.mulf %parallel_loop3A_653, %get3A_71 : vector<16xf32>
      %parallel_loop3A_673 = arith.constant 1 : i32
      %parallel_loop3A_674 = arith.index_cast %parallel_loop3A_673 : i32 to index
      %parallel_loop3A_675 = arith.index_cast %parallel_loop3A_649 : i32 to index
      %parallel_loop3A_676 = arith.constant 48 : index
      %parallel_loop3A_677 = tpu.vector_load %arg12[%parallel_loop3A_674, %parallel_loop3A_675, %parallel_loop3A_676] {strides = array<i32>} : memref<2x184x128xf32, #tpu.memory_space<vmem>>, vector<16xf32>,
      tpu.vector_store %arg12[%parallel_loop3A_674, %parallel_loop3A_675, %parallel_loop3A_676], %parallel_loop3A_672 {strides = array<i32>} : memref<2x184x128xf32, #tpu.memory_space<vmem>>, vector<16xf32>,
      %parallel_loop3A_678 = arith.mulf %parallel_loop3A_653, %get3A_73 : vector<16xf32>
      %parallel_loop3A_679 = arith.constant 1 : i32
      %parallel_loop3A_680 = arith.index_cast %parallel_loop3A_679 : i32 to index
      %parallel_loop3A_681 = arith.index_cast %parallel_loop3A_649 : i32 to index
      %parallel_loop3A_682 = arith.constant 64 : index
      %parallel_loop3A_683 = tpu.vector_load %arg12[%parallel_loop3A_680, %parallel_loop3A_681, %parallel_loop3A_682] {strides = array<i32>} : memref<2x184x128xf32, #tpu.memory_space<vmem>>, vector<16xf32>,
      tpu.vector_store %arg12[%parallel_loop3A_680, %parallel_loop3A_681, %parallel_loop3A_682], %parallel_loop3A_678 {strides = array<i32>} : memref<2x184x128xf32, #tpu.memory_space<vmem>>, vector<16xf32>,
      %parallel_loop3A_684 = arith.mulf %parallel_loop3A_653, %get3A_75 : vector<16xf32>
      %parallel_loop3A_685 = arith.constant 1 : i32
      %parallel_loop3A_686 = arith.index_cast %parallel_loop3A_685 : i32 to index
      %parallel_loop3A_687 = arith.index_cast %parallel_loop3A_649 : i32 to index
      %parallel_loop3A_688 = arith.constant 80 : index
      %parallel_loop3A_689 = tpu.vector_load %arg12[%parallel_loop3A_686, %parallel_loop3A_687, %parallel_loop3A_688] {strides = array<i32>} : memref<2x184x128xf32, #tpu.memory_space<vmem>>, vector<16xf32>,
      tpu.vector_store %arg12[%parallel_loop3A_686, %parallel_loop3A_687, %parallel_loop3A_688], %parallel_loop3A_684 {strides = array<i32>} : memref<2x184x128xf32, #tpu.memory_space<vmem>>, vector<16xf32>,
      %parallel_loop3A_690 = arith.mulf %parallel_loop3A_653, %get3A_77 : vector<16xf32>
      %parallel_loop3A_691 = arith.constant 1 : i32
      %parallel_loop3A_692 = arith.index_cast %parallel_loop3A_691 : i32 to index
      %parallel_loop3A_693 = arith.index_cast %parallel_loop3A_649 : i32 to index
      %parallel_loop3A_694 = arith.constant 96 : index
      %parallel_loop3A_695 = tpu.vector_load %arg12[%parallel_loop3A_692, %parallel_loop3A_693, %parallel_loop3A_694] {strides = array<i32>} : memref<2x184x128xf32, #tpu.memory_space<vmem>>, vector<16xf32>,
      tpu.vector_store %arg12[%parallel_loop3A_692, %parallel_loop3A_693, %parallel_loop3A_694], %parallel_loop3A_690 {strides = array<i32>} : memref<2x184x128xf32, #tpu.memory_space<vmem>>, vector<16xf32>,
      %parallel_loop3A_696 = arith.mulf %parallel_loop3A_653, %get3A_79 : vector<16xf32>
      %parallel_loop3A_697 = arith.constant 1 : i32
      %parallel_loop3A_698 = arith.index_cast %parallel_loop3A_697 : i32 to index
      %parallel_loop3A_699 = arith.index_cast %parallel_loop3A_649 : i32 to index
      %parallel_loop3A_700 = arith.constant 112 : index
      %parallel_loop3A_701 = tpu.vector_load %arg12[%parallel_loop3A_698, %parallel_loop3A_699, %parallel_loop3A_700] {strides = array<i32>} : memref<2x184x128xf32, #tpu.memory_space<vmem>>, vector<16xf32>,
      tpu.vector_store %arg12[%parallel_loop3A_698, %parallel_loop3A_699, %parallel_loop3A_700], %parallel_loop3A_696 {strides = array<i32>} : memref<2x184x128xf32, #tpu.memory_space<vmem>>, vector<16xf32>,
    } {sc.loop_unroll_factor = 4 : i64, sc.parallel_access}
    %add3A_472 = arith.constant 2392 : i32
    %add3A_473 = arith.addi %multiple_of3A, %add3A_472 : i32
    %dma_start3A_474 = arith.constant 1 : i32
    %dma_start3A_475 = arith.constant 0 : i32
    %dma_start3A_476 = arith.constant 0 : i32
    %dma_start3A_477 = tpu.memref_slice %arg12[%dma_start3A_474, %dma_start3A_475, %dma_start3A_476] : memref<2x184x128xf32, #tpu.memory_space<vmem>> -> memref<1x184x128xf32, #tpu.memory_space<vmem>>
    %dma_start3A_478 = tpu.memref_squeeze %dma_start3A_477 : memref<1x184x128xf32, #tpu.memory_space<vmem>> -> memref<184x128xf32, #tpu.memory_space<vmem>>
    %dma_start3A_479 = arith.constant 0 : i32
    %dma_start3A_480 = tpu.memref_slice %arg7[%add3A_473, %dma_start3A_479] : memref<100000x128xf32, #tpu.memory_space<hbm>> -> memref<184x128xf32, #tpu.memory_space<hbm>>
    %dma_start3A_481 = arith.constant 0 : i32
    %dma_start3A_482 = tpu.memref_slice %arg7[%add3A_473, %dma_start3A_481] : memref<100000x128xf32, #tpu.memory_space<hbm>> -> memref<184x128xf32, #tpu.memory_space<hbm>>
    %dma_start3A_483 = arith.constant 0 : i32
    %dma_start3A_484 = arith.constant 0 : i32
    %dma_start3A_485 = tpu.memref_slice %arg12[%dma_start3A_474, %dma_start3A_483, %dma_start3A_484] : memref<2x184x128xf32, #tpu.memory_space<vmem>> -> memref<1x184x128xf32, #tpu.memory_space<vmem>>
    %dma_start3A_486 = tpu.memref_squeeze %dma_start3A_485 : memref<1x184x128xf32, #tpu.memory_space<vmem>> -> memref<184x128xf32, #tpu.memory_space<vmem>>
    tpu.enqueue_dma source(%dma_start3A_486 : memref<184x128xf32, #tpu.memory_space<vmem>>) target(%dma_start3A_482 : memref<184x128xf32, #tpu.memory_space<hbm>>) target_semaphore(%arg15 : memref<!tpu.dma_semaphore, #tpu.memory_space<semaphore_mem>>)
    %dma_wait3A_487 = arith.constant 0 : i32
    %dma_wait3A_488 = arith.constant 0 : i32
    %dma_wait3A_489 = arith.constant 0 : i32
    %dma_wait3A_490 = tpu.memref_slice %arg12[%dma_wait3A_487, %dma_wait3A_488, %dma_wait3A_489] : memref<2x184x128xf32, #tpu.memory_space<vmem>> -> memref<1x184x128xf32, #tpu.memory_space<vmem>>
    %dma_wait3A_491 = tpu.memref_squeeze %dma_wait3A_490 : memref<1x184x128xf32, #tpu.memory_space<vmem>> -> memref<184x128xf32, #tpu.memory_space<vmem>>
    %dma_wait3A_492 = arith.constant 0 : i32
    %dma_wait3A_493 = tpu.memref_slice %arg7[%add3A_442, %dma_wait3A_492] : memref<100000x128xf32, #tpu.memory_space<hbm>> -> memref<184x128xf32, #tpu.memory_space<hbm>>
    %dma_wait3A_494 = arith.constant 0 : i32
    %dma_wait3A_495 = tpu.memref_slice %arg7[%add3A_442, %dma_wait3A_494] : memref<100000x128xf32, #tpu.memory_space<hbm>> -> memref<184x128xf32, #tpu.memory_space<hbm>>
    %dma_wait3A_496 = arith.constant 0 : i32
    %dma_wait3A_497 = arith.constant 0 : i32
    %dma_wait3A_498 = tpu.memref_slice %arg12[%dma_wait3A_487, %dma_wait3A_496, %dma_wait3A_497] : memref<2x184x128xf32, #tpu.memory_space<vmem>> -> memref<1x184x128xf32, #tpu.memory_space<vmem>>
    %dma_wait3A_499 = tpu.memref_squeeze %dma_wait3A_498 : memref<1x184x128xf32, #tpu.memory_space<vmem>> -> memref<184x128xf32, #tpu.memory_space<vmem>>
    tpu.wait_dma2 semaphore(%arg14 : memref<!tpu.dma_semaphore, #tpu.memory_space<semaphore_mem>>) src(%dma_wait3A_499 : memref<184x128xf32, #tpu.memory_space<vmem>>) dst(%dma_wait3A_495 : memref<184x128xf32, #tpu.memory_space<hbm>>)
    %parallel_loop3A_500 = arith.constant 0 : i32
    %parallel_loop3A_501 = arith.constant 184 : i32
    %parallel_loop3A_502 = arith.constant 1 : i32
    scf.for %parallel_loop3A_649 = %parallel_loop3A_500 to %parallel_loop3A_501 step %parallel_loop3A_502  : i32 {
      %parallel_loop3A_650 = arith.constant 2576 : i32
      %parallel_loop3A_651 = arith.addi %parallel_loop3A_650, %parallel_loop3A_649 : i32
      %parallel_loop3A_652 = vector.broadcast %parallel_loop3A_651 : i32 to vector<16xi32>
      %parallel_loop3A_653 = tpu.vector_load_idx %arg11[%parallel_loop3A_652] : memref<3128xf32, #tpu.memory_space<vmem>>[vector<16xi32>], vector<16xf32>,
      %parallel_loop3A_654 = arith.mulf %parallel_loop3A_653, %get3A_65 : vector<16xf32>
      %parallel_loop3A_655 = arith.constant 0 : i32
      %parallel_loop3A_656 = arith.index_cast %parallel_loop3A_655 : i32 to index
      %parallel_loop3A_657 = arith.index_cast %parallel_loop3A_649 : i32 to index
      %parallel_loop3A_658 = arith.constant 0 : index
      %parallel_loop3A_659 = tpu.vector_load %arg12[%parallel_loop3A_656, %parallel_loop3A_657, %parallel_loop3A_658] {strides = array<i32>} : memref<2x184x128xf32, #tpu.memory_space<vmem>>, vector<16xf32>,
      tpu.vector_store %arg12[%parallel_loop3A_656, %parallel_loop3A_657, %parallel_loop3A_658], %parallel_loop3A_654 {strides = array<i32>} : memref<2x184x128xf32, #tpu.memory_space<vmem>>, vector<16xf32>,
      %parallel_loop3A_660 = arith.mulf %parallel_loop3A_653, %get3A_67 : vector<16xf32>
      %parallel_loop3A_661 = arith.constant 0 : i32
      %parallel_loop3A_662 = arith.index_cast %parallel_loop3A_661 : i32 to index
      %parallel_loop3A_663 = arith.index_cast %parallel_loop3A_649 : i32 to index
      %parallel_loop3A_664 = arith.constant 16 : index
      %parallel_loop3A_665 = tpu.vector_load %arg12[%parallel_loop3A_662, %parallel_loop3A_663, %parallel_loop3A_664] {strides = array<i32>} : memref<2x184x128xf32, #tpu.memory_space<vmem>>, vector<16xf32>,
      tpu.vector_store %arg12[%parallel_loop3A_662, %parallel_loop3A_663, %parallel_loop3A_664], %parallel_loop3A_660 {strides = array<i32>} : memref<2x184x128xf32, #tpu.memory_space<vmem>>, vector<16xf32>,
      %parallel_loop3A_666 = arith.mulf %parallel_loop3A_653, %get3A_69 : vector<16xf32>
      %parallel_loop3A_667 = arith.constant 0 : i32
      %parallel_loop3A_668 = arith.index_cast %parallel_loop3A_667 : i32 to index
      %parallel_loop3A_669 = arith.index_cast %parallel_loop3A_649 : i32 to index
      %parallel_loop3A_670 = arith.constant 32 : index
      %parallel_loop3A_671 = tpu.vector_load %arg12[%parallel_loop3A_668, %parallel_loop3A_669, %parallel_loop3A_670] {strides = array<i32>} : memref<2x184x128xf32, #tpu.memory_space<vmem>>, vector<16xf32>,
      tpu.vector_store %arg12[%parallel_loop3A_668, %parallel_loop3A_669, %parallel_loop3A_670], %parallel_loop3A_666 {strides = array<i32>} : memref<2x184x128xf32, #tpu.memory_space<vmem>>, vector<16xf32>,
      %parallel_loop3A_672 = arith.mulf %parallel_loop3A_653, %get3A_71 : vector<16xf32>
      %parallel_loop3A_673 = arith.constant 0 : i32
      %parallel_loop3A_674 = arith.index_cast %parallel_loop3A_673 : i32 to index
      %parallel_loop3A_675 = arith.index_cast %parallel_loop3A_649 : i32 to index
      %parallel_loop3A_676 = arith.constant 48 : index
      %parallel_loop3A_677 = tpu.vector_load %arg12[%parallel_loop3A_674, %parallel_loop3A_675, %parallel_loop3A_676] {strides = array<i32>} : memref<2x184x128xf32, #tpu.memory_space<vmem>>, vector<16xf32>,
      tpu.vector_store %arg12[%parallel_loop3A_674, %parallel_loop3A_675, %parallel_loop3A_676], %parallel_loop3A_672 {strides = array<i32>} : memref<2x184x128xf32, #tpu.memory_space<vmem>>, vector<16xf32>,
      %parallel_loop3A_678 = arith.mulf %parallel_loop3A_653, %get3A_73 : vector<16xf32>
      %parallel_loop3A_679 = arith.constant 0 : i32
      %parallel_loop3A_680 = arith.index_cast %parallel_loop3A_679 : i32 to index
      %parallel_loop3A_681 = arith.index_cast %parallel_loop3A_649 : i32 to index
      %parallel_loop3A_682 = arith.constant 64 : index
      %parallel_loop3A_683 = tpu.vector_load %arg12[%parallel_loop3A_680, %parallel_loop3A_681, %parallel_loop3A_682] {strides = array<i32>} : memref<2x184x128xf32, #tpu.memory_space<vmem>>, vector<16xf32>,
      tpu.vector_store %arg12[%parallel_loop3A_680, %parallel_loop3A_681, %parallel_loop3A_682], %parallel_loop3A_678 {strides = array<i32>} : memref<2x184x128xf32, #tpu.memory_space<vmem>>, vector<16xf32>,
      %parallel_loop3A_684 = arith.mulf %parallel_loop3A_653, %get3A_75 : vector<16xf32>
      %parallel_loop3A_685 = arith.constant 0 : i32
      %parallel_loop3A_686 = arith.index_cast %parallel_loop3A_685 : i32 to index
      %parallel_loop3A_687 = arith.index_cast %parallel_loop3A_649 : i32 to index
      %parallel_loop3A_688 = arith.constant 80 : index
      %parallel_loop3A_689 = tpu.vector_load %arg12[%parallel_loop3A_686, %parallel_loop3A_687, %parallel_loop3A_688] {strides = array<i32>} : memref<2x184x128xf32, #tpu.memory_space<vmem>>, vector<16xf32>,
      tpu.vector_store %arg12[%parallel_loop3A_686, %parallel_loop3A_687, %parallel_loop3A_688], %parallel_loop3A_684 {strides = array<i32>} : memref<2x184x128xf32, #tpu.memory_space<vmem>>, vector<16xf32>,
      %parallel_loop3A_690 = arith.mulf %parallel_loop3A_653, %get3A_77 : vector<16xf32>
      %parallel_loop3A_691 = arith.constant 0 : i32
      %parallel_loop3A_692 = arith.index_cast %parallel_loop3A_691 : i32 to index
      %parallel_loop3A_693 = arith.index_cast %parallel_loop3A_649 : i32 to index
      %parallel_loop3A_694 = arith.constant 96 : index
      %parallel_loop3A_695 = tpu.vector_load %arg12[%parallel_loop3A_692, %parallel_loop3A_693, %parallel_loop3A_694] {strides = array<i32>} : memref<2x184x128xf32, #tpu.memory_space<vmem>>, vector<16xf32>,
      tpu.vector_store %arg12[%parallel_loop3A_692, %parallel_loop3A_693, %parallel_loop3A_694], %parallel_loop3A_690 {strides = array<i32>} : memref<2x184x128xf32, #tpu.memory_space<vmem>>, vector<16xf32>,
      %parallel_loop3A_696 = arith.mulf %parallel_loop3A_653, %get3A_79 : vector<16xf32>
      %parallel_loop3A_697 = arith.constant 0 : i32
      %parallel_loop3A_698 = arith.index_cast %parallel_loop3A_697 : i32 to index
      %parallel_loop3A_699 = arith.index_cast %parallel_loop3A_649 : i32 to index
      %parallel_loop3A_700 = arith.constant 112 : index
      %parallel_loop3A_701 = tpu.vector_load %arg12[%parallel_loop3A_698, %parallel_loop3A_699, %parallel_loop3A_700] {strides = array<i32>} : memref<2x184x128xf32, #tpu.memory_space<vmem>>, vector<16xf32>,
      tpu.vector_store %arg12[%parallel_loop3A_698, %parallel_loop3A_699, %parallel_loop3A_700], %parallel_loop3A_696 {strides = array<i32>} : memref<2x184x128xf32, #tpu.memory_space<vmem>>, vector<16xf32>,
    } {sc.loop_unroll_factor = 4 : i64, sc.parallel_access}
    %add3A_503 = arith.constant 2576 : i32
    %add3A_504 = arith.addi %multiple_of3A, %add3A_503 : i32
    %dma_start3A_505 = arith.constant 0 : i32
    %dma_start3A_506 = arith.constant 0 : i32
    %dma_start3A_507 = arith.constant 0 : i32
    %dma_start3A_508 = tpu.memref_slice %arg12[%dma_start3A_505, %dma_start3A_506, %dma_start3A_507] : memref<2x184x128xf32, #tpu.memory_space<vmem>> -> memref<1x184x128xf32, #tpu.memory_space<vmem>>
    %dma_start3A_509 = tpu.memref_squeeze %dma_start3A_508 : memref<1x184x128xf32, #tpu.memory_space<vmem>> -> memref<184x128xf32, #tpu.memory_space<vmem>>
    %dma_start3A_510 = arith.constant 0 : i32
    %dma_start3A_511 = tpu.memref_slice %arg7[%add3A_504, %dma_start3A_510] : memref<100000x128xf32, #tpu.memory_space<hbm>> -> memref<184x128xf32, #tpu.memory_space<hbm>>
    %dma_start3A_512 = arith.constant 0 : i32
    %dma_start3A_513 = tpu.memref_slice %arg7[%add3A_504, %dma_start3A_512] : memref<100000x128xf32, #tpu.memory_space<hbm>> -> memref<184x128xf32, #tpu.memory_space<hbm>>
    %dma_start3A_514 = arith.constant 0 : i32
    %dma_start3A_515 = arith.constant 0 : i32
    %dma_start3A_516 = tpu.memref_slice %arg12[%dma_start3A_505, %dma_start3A_514, %dma_start3A_515] : memref<2x184x128xf32, #tpu.memory_space<vmem>> -> memref<1x184x128xf32, #tpu.memory_space<vmem>>
    %dma_start3A_517 = tpu.memref_squeeze %dma_start3A_516 : memref<1x184x128xf32, #tpu.memory_space<vmem>> -> memref<184x128xf32, #tpu.memory_space<vmem>>
    tpu.enqueue_dma source(%dma_start3A_517 : memref<184x128xf32, #tpu.memory_space<vmem>>) target(%dma_start3A_513 : memref<184x128xf32, #tpu.memory_space<hbm>>) target_semaphore(%arg14 : memref<!tpu.dma_semaphore, #tpu.memory_space<semaphore_mem>>)
    %dma_wait3A_518 = arith.constant 1 : i32
    %dma_wait3A_519 = arith.constant 0 : i32
    %dma_wait3A_520 = arith.constant 0 : i32
    %dma_wait3A_521 = tpu.memref_slice %arg12[%dma_wait3A_518, %dma_wait3A_519, %dma_wait3A_520] : memref<2x184x128xf32, #tpu.memory_space<vmem>> -> memref<1x184x128xf32, #tpu.memory_space<vmem>>
    %dma_wait3A_522 = tpu.memref_squeeze %dma_wait3A_521 : memref<1x184x128xf32, #tpu.memory_space<vmem>> -> memref<184x128xf32, #tpu.memory_space<vmem>>
    %dma_wait3A_523 = arith.constant 0 : i32
    %dma_wait3A_524 = tpu.memref_slice %arg7[%add3A_473, %dma_wait3A_523] : memref<100000x128xf32, #tpu.memory_space<hbm>> -> memref<184x128xf32, #tpu.memory_space<hbm>>
    %dma_wait3A_525 = arith.constant 0 : i32
    %dma_wait3A_526 = tpu.memref_slice %arg7[%add3A_473, %dma_wait3A_525] : memref<100000x128xf32, #tpu.memory_space<hbm>> -> memref<184x128xf32, #tpu.memory_space<hbm>>
    %dma_wait3A_527 = arith.constant 0 : i32
    %dma_wait3A_528 = arith.constant 0 : i32
    %dma_wait3A_529 = tpu.memref_slice %arg12[%dma_wait3A_518, %dma_wait3A_527, %dma_wait3A_528] : memref<2x184x128xf32, #tpu.memory_space<vmem>> -> memref<1x184x128xf32, #tpu.memory_space<vmem>>
    %dma_wait3A_530 = tpu.memref_squeeze %dma_wait3A_529 : memref<1x184x128xf32, #tpu.memory_space<vmem>> -> memref<184x128xf32, #tpu.memory_space<vmem>>
    tpu.wait_dma2 semaphore(%arg15 : memref<!tpu.dma_semaphore, #tpu.memory_space<semaphore_mem>>) src(%dma_wait3A_530 : memref<184x128xf32, #tpu.memory_space<vmem>>) dst(%dma_wait3A_526 : memref<184x128xf32, #tpu.memory_space<hbm>>)
    %parallel_loop3A_531 = arith.constant 0 : i32
    %parallel_loop3A_532 = arith.constant 184 : i32
    %parallel_loop3A_533 = arith.constant 1 : i32
    scf.for %parallel_loop3A_649 = %parallel_loop3A_531 to %parallel_loop3A_532 step %parallel_loop3A_533  : i32 {
      %parallel_loop3A_650 = arith.constant 2760 : i32
      %parallel_loop3A_651 = arith.addi %parallel_loop3A_650, %parallel_loop3A_649 : i32
      %parallel_loop3A_652 = vector.broadcast %parallel_loop3A_651 : i32 to vector<16xi32>
      %parallel_loop3A_653 = tpu.vector_load_idx %arg11[%parallel_loop3A_652] : memref<3128xf32, #tpu.memory_space<vmem>>[vector<16xi32>], vector<16xf32>,
      %parallel_loop3A_654 = arith.mulf %parallel_loop3A_653, %get3A_65 : vector<16xf32>
      %parallel_loop3A_655 = arith.constant 1 : i32
      %parallel_loop3A_656 = arith.index_cast %parallel_loop3A_655 : i32 to index
      %parallel_loop3A_657 = arith.index_cast %parallel_loop3A_649 : i32 to index
      %parallel_loop3A_658 = arith.constant 0 : index
      %parallel_loop3A_659 = tpu.vector_load %arg12[%parallel_loop3A_656, %parallel_loop3A_657, %parallel_loop3A_658] {strides = array<i32>} : memref<2x184x128xf32, #tpu.memory_space<vmem>>, vector<16xf32>,
      tpu.vector_store %arg12[%parallel_loop3A_656, %parallel_loop3A_657, %parallel_loop3A_658], %parallel_loop3A_654 {strides = array<i32>} : memref<2x184x128xf32, #tpu.memory_space<vmem>>, vector<16xf32>,
      %parallel_loop3A_660 = arith.mulf %parallel_loop3A_653, %get3A_67 : vector<16xf32>
      %parallel_loop3A_661 = arith.constant 1 : i32
      %parallel_loop3A_662 = arith.index_cast %parallel_loop3A_661 : i32 to index
      %parallel_loop3A_663 = arith.index_cast %parallel_loop3A_649 : i32 to index
      %parallel_loop3A_664 = arith.constant 16 : index
      %parallel_loop3A_665 = tpu.vector_load %arg12[%parallel_loop3A_662, %parallel_loop3A_663, %parallel_loop3A_664] {strides = array<i32>} : memref<2x184x128xf32, #tpu.memory_space<vmem>>, vector<16xf32>,
      tpu.vector_store %arg12[%parallel_loop3A_662, %parallel_loop3A_663, %parallel_loop3A_664], %parallel_loop3A_660 {strides = array<i32>} : memref<2x184x128xf32, #tpu.memory_space<vmem>>, vector<16xf32>,
      %parallel_loop3A_666 = arith.mulf %parallel_loop3A_653, %get3A_69 : vector<16xf32>
      %parallel_loop3A_667 = arith.constant 1 : i32
      %parallel_loop3A_668 = arith.index_cast %parallel_loop3A_667 : i32 to index
      %parallel_loop3A_669 = arith.index_cast %parallel_loop3A_649 : i32 to index
      %parallel_loop3A_670 = arith.constant 32 : index
      %parallel_loop3A_671 = tpu.vector_load %arg12[%parallel_loop3A_668, %parallel_loop3A_669, %parallel_loop3A_670] {strides = array<i32>} : memref<2x184x128xf32, #tpu.memory_space<vmem>>, vector<16xf32>,
      tpu.vector_store %arg12[%parallel_loop3A_668, %parallel_loop3A_669, %parallel_loop3A_670], %parallel_loop3A_666 {strides = array<i32>} : memref<2x184x128xf32, #tpu.memory_space<vmem>>, vector<16xf32>,
      %parallel_loop3A_672 = arith.mulf %parallel_loop3A_653, %get3A_71 : vector<16xf32>
      %parallel_loop3A_673 = arith.constant 1 : i32
      %parallel_loop3A_674 = arith.index_cast %parallel_loop3A_673 : i32 to index
      %parallel_loop3A_675 = arith.index_cast %parallel_loop3A_649 : i32 to index
      %parallel_loop3A_676 = arith.constant 48 : index
      %parallel_loop3A_677 = tpu.vector_load %arg12[%parallel_loop3A_674, %parallel_loop3A_675, %parallel_loop3A_676] {strides = array<i32>} : memref<2x184x128xf32, #tpu.memory_space<vmem>>, vector<16xf32>,
      tpu.vector_store %arg12[%parallel_loop3A_674, %parallel_loop3A_675, %parallel_loop3A_676], %parallel_loop3A_672 {strides = array<i32>} : memref<2x184x128xf32, #tpu.memory_space<vmem>>, vector<16xf32>,
      %parallel_loop3A_678 = arith.mulf %parallel_loop3A_653, %get3A_73 : vector<16xf32>
      %parallel_loop3A_679 = arith.constant 1 : i32
      %parallel_loop3A_680 = arith.index_cast %parallel_loop3A_679 : i32 to index
      %parallel_loop3A_681 = arith.index_cast %parallel_loop3A_649 : i32 to index
      %parallel_loop3A_682 = arith.constant 64 : index
      %parallel_loop3A_683 = tpu.vector_load %arg12[%parallel_loop3A_680, %parallel_loop3A_681, %parallel_loop3A_682] {strides = array<i32>} : memref<2x184x128xf32, #tpu.memory_space<vmem>>, vector<16xf32>,
      tpu.vector_store %arg12[%parallel_loop3A_680, %parallel_loop3A_681, %parallel_loop3A_682], %parallel_loop3A_678 {strides = array<i32>} : memref<2x184x128xf32, #tpu.memory_space<vmem>>, vector<16xf32>,
      %parallel_loop3A_684 = arith.mulf %parallel_loop3A_653, %get3A_75 : vector<16xf32>
      %parallel_loop3A_685 = arith.constant 1 : i32
      %parallel_loop3A_686 = arith.index_cast %parallel_loop3A_685 : i32 to index
      %parallel_loop3A_687 = arith.index_cast %parallel_loop3A_649 : i32 to index
      %parallel_loop3A_688 = arith.constant 80 : index
      %parallel_loop3A_689 = tpu.vector_load %arg12[%parallel_loop3A_686, %parallel_loop3A_687, %parallel_loop3A_688] {strides = array<i32>} : memref<2x184x128xf32, #tpu.memory_space<vmem>>, vector<16xf32>,
      tpu.vector_store %arg12[%parallel_loop3A_686, %parallel_loop3A_687, %parallel_loop3A_688], %parallel_loop3A_684 {strides = array<i32>} : memref<2x184x128xf32, #tpu.memory_space<vmem>>, vector<16xf32>,
      %parallel_loop3A_690 = arith.mulf %parallel_loop3A_653, %get3A_77 : vector<16xf32>
      %parallel_loop3A_691 = arith.constant 1 : i32
      %parallel_loop3A_692 = arith.index_cast %parallel_loop3A_691 : i32 to index
      %parallel_loop3A_693 = arith.index_cast %parallel_loop3A_649 : i32 to index
      %parallel_loop3A_694 = arith.constant 96 : index
      %parallel_loop3A_695 = tpu.vector_load %arg12[%parallel_loop3A_692, %parallel_loop3A_693, %parallel_loop3A_694] {strides = array<i32>} : memref<2x184x128xf32, #tpu.memory_space<vmem>>, vector<16xf32>,
      tpu.vector_store %arg12[%parallel_loop3A_692, %parallel_loop3A_693, %parallel_loop3A_694], %parallel_loop3A_690 {strides = array<i32>} : memref<2x184x128xf32, #tpu.memory_space<vmem>>, vector<16xf32>,
      %parallel_loop3A_696 = arith.mulf %parallel_loop3A_653, %get3A_79 : vector<16xf32>
      %parallel_loop3A_697 = arith.constant 1 : i32
      %parallel_loop3A_698 = arith.index_cast %parallel_loop3A_697 : i32 to index
      %parallel_loop3A_699 = arith.index_cast %parallel_loop3A_649 : i32 to index
      %parallel_loop3A_700 = arith.constant 112 : index
      %parallel_loop3A_701 = tpu.vector_load %arg12[%parallel_loop3A_698, %parallel_loop3A_699, %parallel_loop3A_700] {strides = array<i32>} : memref<2x184x128xf32, #tpu.memory_space<vmem>>, vector<16xf32>,
      tpu.vector_store %arg12[%parallel_loop3A_698, %parallel_loop3A_699, %parallel_loop3A_700], %parallel_loop3A_696 {strides = array<i32>} : memref<2x184x128xf32, #tpu.memory_space<vmem>>, vector<16xf32>,
    } {sc.loop_unroll_factor = 4 : i64, sc.parallel_access}
    %add3A_534 = arith.constant 2760 : i32
    %add3A_535 = arith.addi %multiple_of3A, %add3A_534 : i32
    %dma_start3A_536 = arith.constant 1 : i32
    %dma_start3A_537 = arith.constant 0 : i32
    %dma_start3A_538 = arith.constant 0 : i32
    %dma_start3A_539 = tpu.memref_slice %arg12[%dma_start3A_536, %dma_start3A_537, %dma_start3A_538] : memref<2x184x128xf32, #tpu.memory_space<vmem>> -> memref<1x184x128xf32, #tpu.memory_space<vmem>>
    %dma_start3A_540 = tpu.memref_squeeze %dma_start3A_539 : memref<1x184x128xf32, #tpu.memory_space<vmem>> -> memref<184x128xf32, #tpu.memory_space<vmem>>
    %dma_start3A_541 = arith.constant 0 : i32
    %dma_start3A_542 = tpu.memref_slice %arg7[%add3A_535, %dma_start3A_541] : memref<100000x128xf32, #tpu.memory_space<hbm>> -> memref<184x128xf32, #tpu.memory_space<hbm>>
    %dma_start3A_543 = arith.constant 0 : i32
    %dma_start3A_544 = tpu.memref_slice %arg7[%add3A_535, %dma_start3A_543] : memref<100000x128xf32, #tpu.memory_space<hbm>> -> memref<184x128xf32, #tpu.memory_space<hbm>>
    %dma_start3A_545 = arith.constant 0 : i32
    %dma_start3A_546 = arith.constant 0 : i32
    %dma_start3A_547 = tpu.memref_slice %arg12[%dma_start3A_536, %dma_start3A_545, %dma_start3A_546] : memref<2x184x128xf32, #tpu.memory_space<vmem>> -> memref<1x184x128xf32, #tpu.memory_space<vmem>>
    %dma_start3A_548 = tpu.memref_squeeze %dma_start3A_547 : memref<1x184x128xf32, #tpu.memory_space<vmem>> -> memref<184x128xf32, #tpu.memory_space<vmem>>
    tpu.enqueue_dma source(%dma_start3A_548 : memref<184x128xf32, #tpu.memory_space<vmem>>) target(%dma_start3A_544 : memref<184x128xf32, #tpu.memory_space<hbm>>) target_semaphore(%arg15 : memref<!tpu.dma_semaphore, #tpu.memory_space<semaphore_mem>>)
    %dma_wait3A_549 = arith.constant 0 : i32
    %dma_wait3A_550 = arith.constant 0 : i32
    %dma_wait3A_551 = arith.constant 0 : i32
    %dma_wait3A_552 = tpu.memref_slice %arg12[%dma_wait3A_549, %dma_wait3A_550, %dma_wait3A_551] : memref<2x184x128xf32, #tpu.memory_space<vmem>> -> memref<1x184x128xf32, #tpu.memory_space<vmem>>
    %dma_wait3A_553 = tpu.memref_squeeze %dma_wait3A_552 : memref<1x184x128xf32, #tpu.memory_space<vmem>> -> memref<184x128xf32, #tpu.memory_space<vmem>>
    %dma_wait3A_554 = arith.constant 0 : i32
    %dma_wait3A_555 = tpu.memref_slice %arg7[%add3A_504, %dma_wait3A_554] : memref<100000x128xf32, #tpu.memory_space<hbm>> -> memref<184x128xf32, #tpu.memory_space<hbm>>
    %dma_wait3A_556 = arith.constant 0 : i32
    %dma_wait3A_557 = tpu.memref_slice %arg7[%add3A_504, %dma_wait3A_556] : memref<100000x128xf32, #tpu.memory_space<hbm>> -> memref<184x128xf32, #tpu.memory_space<hbm>>
    %dma_wait3A_558 = arith.constant 0 : i32
    %dma_wait3A_559 = arith.constant 0 : i32
    %dma_wait3A_560 = tpu.memref_slice %arg12[%dma_wait3A_549, %dma_wait3A_558, %dma_wait3A_559] : memref<2x184x128xf32, #tpu.memory_space<vmem>> -> memref<1x184x128xf32, #tpu.memory_space<vmem>>
    %dma_wait3A_561 = tpu.memref_squeeze %dma_wait3A_560 : memref<1x184x128xf32, #tpu.memory_space<vmem>> -> memref<184x128xf32, #tpu.memory_space<vmem>>
    tpu.wait_dma2 semaphore(%arg14 : memref<!tpu.dma_semaphore, #tpu.memory_space<semaphore_mem>>) src(%dma_wait3A_561 : memref<184x128xf32, #tpu.memory_space<vmem>>) dst(%dma_wait3A_557 : memref<184x128xf32, #tpu.memory_space<hbm>>)
    %parallel_loop3A_562 = arith.constant 0 : i32
    %parallel_loop3A_563 = arith.constant 184 : i32
    %parallel_loop3A_564 = arith.constant 1 : i32
    scf.for %parallel_loop3A_649 = %parallel_loop3A_562 to %parallel_loop3A_563 step %parallel_loop3A_564  : i32 {
      %parallel_loop3A_650 = arith.constant 2944 : i32
      %parallel_loop3A_651 = arith.addi %parallel_loop3A_650, %parallel_loop3A_649 : i32
      %parallel_loop3A_652 = vector.broadcast %parallel_loop3A_651 : i32 to vector<16xi32>
      %parallel_loop3A_653 = tpu.vector_load_idx %arg11[%parallel_loop3A_652] : memref<3128xf32, #tpu.memory_space<vmem>>[vector<16xi32>], vector<16xf32>,
      %parallel_loop3A_654 = arith.mulf %parallel_loop3A_653, %get3A_65 : vector<16xf32>
      %parallel_loop3A_655 = arith.constant 0 : i32
      %parallel_loop3A_656 = arith.index_cast %parallel_loop3A_655 : i32 to index
      %parallel_loop3A_657 = arith.index_cast %parallel_loop3A_649 : i32 to index
      %parallel_loop3A_658 = arith.constant 0 : index
      %parallel_loop3A_659 = tpu.vector_load %arg12[%parallel_loop3A_656, %parallel_loop3A_657, %parallel_loop3A_658] {strides = array<i32>} : memref<2x184x128xf32, #tpu.memory_space<vmem>>, vector<16xf32>,
      tpu.vector_store %arg12[%parallel_loop3A_656, %parallel_loop3A_657, %parallel_loop3A_658], %parallel_loop3A_654 {strides = array<i32>} : memref<2x184x128xf32, #tpu.memory_space<vmem>>, vector<16xf32>,
      %parallel_loop3A_660 = arith.mulf %parallel_loop3A_653, %get3A_67 : vector<16xf32>
      %parallel_loop3A_661 = arith.constant 0 : i32
      %parallel_loop3A_662 = arith.index_cast %parallel_loop3A_661 : i32 to index
      %parallel_loop3A_663 = arith.index_cast %parallel_loop3A_649 : i32 to index
      %parallel_loop3A_664 = arith.constant 16 : index
      %parallel_loop3A_665 = tpu.vector_load %arg12[%parallel_loop3A_662, %parallel_loop3A_663, %parallel_loop3A_664] {strides = array<i32>} : memref<2x184x128xf32, #tpu.memory_space<vmem>>, vector<16xf32>,
      tpu.vector_store %arg12[%parallel_loop3A_662, %parallel_loop3A_663, %parallel_loop3A_664], %parallel_loop3A_660 {strides = array<i32>} : memref<2x184x128xf32, #tpu.memory_space<vmem>>, vector<16xf32>,
      %parallel_loop3A_666 = arith.mulf %parallel_loop3A_653, %get3A_69 : vector<16xf32>
      %parallel_loop3A_667 = arith.constant 0 : i32
      %parallel_loop3A_668 = arith.index_cast %parallel_loop3A_667 : i32 to index
      %parallel_loop3A_669 = arith.index_cast %parallel_loop3A_649 : i32 to index
      %parallel_loop3A_670 = arith.constant 32 : index
      %parallel_loop3A_671 = tpu.vector_load %arg12[%parallel_loop3A_668, %parallel_loop3A_669, %parallel_loop3A_670] {strides = array<i32>} : memref<2x184x128xf32, #tpu.memory_space<vmem>>, vector<16xf32>,
      tpu.vector_store %arg12[%parallel_loop3A_668, %parallel_loop3A_669, %parallel_loop3A_670], %parallel_loop3A_666 {strides = array<i32>} : memref<2x184x128xf32, #tpu.memory_space<vmem>>, vector<16xf32>,
      %parallel_loop3A_672 = arith.mulf %parallel_loop3A_653, %get3A_71 : vector<16xf32>
      %parallel_loop3A_673 = arith.constant 0 : i32
      %parallel_loop3A_674 = arith.index_cast %parallel_loop3A_673 : i32 to index
      %parallel_loop3A_675 = arith.index_cast %parallel_loop3A_649 : i32 to index
      %parallel_loop3A_676 = arith.constant 48 : index
      %parallel_loop3A_677 = tpu.vector_load %arg12[%parallel_loop3A_674, %parallel_loop3A_675, %parallel_loop3A_676] {strides = array<i32>} : memref<2x184x128xf32, #tpu.memory_space<vmem>>, vector<16xf32>,
      tpu.vector_store %arg12[%parallel_loop3A_674, %parallel_loop3A_675, %parallel_loop3A_676], %parallel_loop3A_672 {strides = array<i32>} : memref<2x184x128xf32, #tpu.memory_space<vmem>>, vector<16xf32>,
      %parallel_loop3A_678 = arith.mulf %parallel_loop3A_653, %get3A_73 : vector<16xf32>
      %parallel_loop3A_679 = arith.constant 0 : i32
      %parallel_loop3A_680 = arith.index_cast %parallel_loop3A_679 : i32 to index
      %parallel_loop3A_681 = arith.index_cast %parallel_loop3A_649 : i32 to index
      %parallel_loop3A_682 = arith.constant 64 : index
      %parallel_loop3A_683 = tpu.vector_load %arg12[%parallel_loop3A_680, %parallel_loop3A_681, %parallel_loop3A_682] {strides = array<i32>} : memref<2x184x128xf32, #tpu.memory_space<vmem>>, vector<16xf32>,
      tpu.vector_store %arg12[%parallel_loop3A_680, %parallel_loop3A_681, %parallel_loop3A_682], %parallel_loop3A_678 {strides = array<i32>} : memref<2x184x128xf32, #tpu.memory_space<vmem>>, vector<16xf32>,
      %parallel_loop3A_684 = arith.mulf %parallel_loop3A_653, %get3A_75 : vector<16xf32>
      %parallel_loop3A_685 = arith.constant 0 : i32
      %parallel_loop3A_686 = arith.index_cast %parallel_loop3A_685 : i32 to index
      %parallel_loop3A_687 = arith.index_cast %parallel_loop3A_649 : i32 to index
      %parallel_loop3A_688 = arith.constant 80 : index
      %parallel_loop3A_689 = tpu.vector_load %arg12[%parallel_loop3A_686, %parallel_loop3A_687, %parallel_loop3A_688] {strides = array<i32>} : memref<2x184x128xf32, #tpu.memory_space<vmem>>, vector<16xf32>,
      tpu.vector_store %arg12[%parallel_loop3A_686, %parallel_loop3A_687, %parallel_loop3A_688], %parallel_loop3A_684 {strides = array<i32>} : memref<2x184x128xf32, #tpu.memory_space<vmem>>, vector<16xf32>,
      %parallel_loop3A_690 = arith.mulf %parallel_loop3A_653, %get3A_77 : vector<16xf32>
      %parallel_loop3A_691 = arith.constant 0 : i32
      %parallel_loop3A_692 = arith.index_cast %parallel_loop3A_691 : i32 to index
      %parallel_loop3A_693 = arith.index_cast %parallel_loop3A_649 : i32 to index
      %parallel_loop3A_694 = arith.constant 96 : index
      %parallel_loop3A_695 = tpu.vector_load %arg12[%parallel_loop3A_692, %parallel_loop3A_693, %parallel_loop3A_694] {strides = array<i32>} : memref<2x184x128xf32, #tpu.memory_space<vmem>>, vector<16xf32>,
      tpu.vector_store %arg12[%parallel_loop3A_692, %parallel_loop3A_693, %parallel_loop3A_694], %parallel_loop3A_690 {strides = array<i32>} : memref<2x184x128xf32, #tpu.memory_space<vmem>>, vector<16xf32>,
      %parallel_loop3A_696 = arith.mulf %parallel_loop3A_653, %get3A_79 : vector<16xf32>
      %parallel_loop3A_697 = arith.constant 0 : i32
      %parallel_loop3A_698 = arith.index_cast %parallel_loop3A_697 : i32 to index
      %parallel_loop3A_699 = arith.index_cast %parallel_loop3A_649 : i32 to index
      %parallel_loop3A_700 = arith.constant 112 : index
      %parallel_loop3A_701 = tpu.vector_load %arg12[%parallel_loop3A_698, %parallel_loop3A_699, %parallel_loop3A_700] {strides = array<i32>} : memref<2x184x128xf32, #tpu.memory_space<vmem>>, vector<16xf32>,
      tpu.vector_store %arg12[%parallel_loop3A_698, %parallel_loop3A_699, %parallel_loop3A_700], %parallel_loop3A_696 {strides = array<i32>} : memref<2x184x128xf32, #tpu.memory_space<vmem>>, vector<16xf32>,
    } {sc.loop_unroll_factor = 4 : i64, sc.parallel_access}
    %add3A_565 = arith.constant 2944 : i32
    %add3A_566 = arith.addi %multiple_of3A, %add3A_565 : i32
    %dma_start3A_567 = arith.constant 0 : i32
    %dma_start3A_568 = arith.constant 0 : i32
    %dma_start3A_569 = arith.constant 0 : i32
    %dma_start3A_570 = tpu.memref_slice %arg12[%dma_start3A_567, %dma_start3A_568, %dma_start3A_569] : memref<2x184x128xf32, #tpu.memory_space<vmem>> -> memref<1x184x128xf32, #tpu.memory_space<vmem>>
    %dma_start3A_571 = tpu.memref_squeeze %dma_start3A_570 : memref<1x184x128xf32, #tpu.memory_space<vmem>> -> memref<184x128xf32, #tpu.memory_space<vmem>>
    %dma_start3A_572 = arith.constant 0 : i32
    %dma_start3A_573 = tpu.memref_slice %arg7[%add3A_566, %dma_start3A_572] : memref<100000x128xf32, #tpu.memory_space<hbm>> -> memref<184x128xf32, #tpu.memory_space<hbm>>
    %dma_start3A_574 = arith.constant 0 : i32
    %dma_start3A_575 = tpu.memref_slice %arg7[%add3A_566, %dma_start3A_574] : memref<100000x128xf32, #tpu.memory_space<hbm>> -> memref<184x128xf32, #tpu.memory_space<hbm>>
    %dma_start3A_576 = arith.constant 0 : i32
    %dma_start3A_577 = arith.constant 0 : i32
    %dma_start3A_578 = tpu.memref_slice %arg12[%dma_start3A_567, %dma_start3A_576, %dma_start3A_577] : memref<2x184x128xf32, #tpu.memory_space<vmem>> -> memref<1x184x128xf32, #tpu.memory_space<vmem>>
    %dma_start3A_579 = tpu.memref_squeeze %dma_start3A_578 : memref<1x184x128xf32, #tpu.memory_space<vmem>> -> memref<184x128xf32, #tpu.memory_space<vmem>>
    tpu.enqueue_dma source(%dma_start3A_579 : memref<184x128xf32, #tpu.memory_space<vmem>>) target(%dma_start3A_575 : memref<184x128xf32, #tpu.memory_space<hbm>>) target_semaphore(%arg14 : memref<!tpu.dma_semaphore, #tpu.memory_space<semaphore_mem>>)
    %dma_wait3A_580 = arith.constant 0 : i32
    %dma_wait3A_581 = arith.constant 0 : i32
    %dma_wait3A_582 = arith.constant 0 : i32
    %dma_wait3A_583 = tpu.memref_slice %arg9[%dma_wait3A_581, %dma_wait3A_582] : memref<512x128xf32, #tpu.memory_space<vmem>> -> memref<128x128xf32, #tpu.memory_space<vmem>>
    %dma_wait3A_584 = arith.constant 0 : i32
    %dma_wait3A_585 = tpu.memref_slice %arg8[%dma_wait3A_580, %dma_wait3A_584] : memref<4x128xi32, #tpu.memory_space<vmem>> -> memref<1x128xi32, #tpu.memory_space<vmem>>
    %dma_wait3A_586 = tpu.memref_squeeze %dma_wait3A_585 : memref<1x128xi32, #tpu.memory_space<vmem>> -> memref<128xi32, #tpu.memory_space<vmem>>
    %dma_wait3A_587 = arith.constant 0 : i32
    %dma_wait3A_588 = arith.constant 0 : i32
    %dma_wait3A_589 = tpu.memref_slice %arg2[%dma_wait3A_587, %dma_wait3A_588] : memref<100000x128xf32, #tpu.memory_space<hbm>> -> memref<100000x128xf32, #tpu.memory_space<hbm>>
    tpu.wait_indirect_dma semaphore(%arg13 : memref<!tpu.dma_semaphore, #tpu.memory_space<semaphore_mem>>) src(%dma_wait3A_589 : memref<100000x128xf32, #tpu.memory_space<hbm>>) dst(%dma_wait3A_583 : memref<128x128xf32, #tpu.memory_space<vmem>>)
    %dma_wait3A_590 = arith.constant 1 : i32
    %dma_wait3A_591 = arith.constant 128 : i32
    %dma_wait3A_592 = arith.constant 0 : i32
    %dma_wait3A_593 = tpu.memref_slice %arg9[%dma_wait3A_591, %dma_wait3A_592] : memref<512x128xf32, #tpu.memory_space<vmem>> -> memref<128x128xf32, #tpu.memory_space<vmem>>
    %dma_wait3A_594 = arith.constant 0 : i32
    %dma_wait3A_595 = tpu.memref_slice %arg8[%dma_wait3A_590, %dma_wait3A_594] : memref<4x128xi32, #tpu.memory_space<vmem>> -> memref<1x128xi32, #tpu.memory_space<vmem>>
    %dma_wait3A_596 = tpu.memref_squeeze %dma_wait3A_595 : memref<1x128xi32, #tpu.memory_space<vmem>> -> memref<128xi32, #tpu.memory_space<vmem>>
    %dma_wait3A_597 = arith.constant 0 : i32
    %dma_wait3A_598 = arith.constant 0 : i32
    %dma_wait3A_599 = tpu.memref_slice %arg2[%dma_wait3A_597, %dma_wait3A_598] : memref<100000x128xf32, #tpu.memory_space<hbm>> -> memref<100000x128xf32, #tpu.memory_space<hbm>>
    tpu.wait_indirect_dma semaphore(%arg13 : memref<!tpu.dma_semaphore, #tpu.memory_space<semaphore_mem>>) src(%dma_wait3A_599 : memref<100000x128xf32, #tpu.memory_space<hbm>>) dst(%dma_wait3A_593 : memref<128x128xf32, #tpu.memory_space<vmem>>)
    %dma_wait3A_600 = arith.constant 2 : i32
    %dma_wait3A_601 = arith.constant 256 : i32
    %dma_wait3A_602 = arith.constant 0 : i32
    %dma_wait3A_603 = tpu.memref_slice %arg9[%dma_wait3A_601, %dma_wait3A_602] : memref<512x128xf32, #tpu.memory_space<vmem>> -> memref<128x128xf32, #tpu.memory_space<vmem>>
    %dma_wait3A_604 = arith.constant 0 : i32
    %dma_wait3A_605 = tpu.memref_slice %arg8[%dma_wait3A_600, %dma_wait3A_604] : memref<4x128xi32, #tpu.memory_space<vmem>> -> memref<1x128xi32, #tpu.memory_space<vmem>>
    %dma_wait3A_606 = tpu.memref_squeeze %dma_wait3A_605 : memref<1x128xi32, #tpu.memory_space<vmem>> -> memref<128xi32, #tpu.memory_space<vmem>>
    %dma_wait3A_607 = arith.constant 0 : i32
    %dma_wait3A_608 = arith.constant 0 : i32
    %dma_wait3A_609 = tpu.memref_slice %arg2[%dma_wait3A_607, %dma_wait3A_608] : memref<100000x128xf32, #tpu.memory_space<hbm>> -> memref<100000x128xf32, #tpu.memory_space<hbm>>
    tpu.wait_indirect_dma semaphore(%arg13 : memref<!tpu.dma_semaphore, #tpu.memory_space<semaphore_mem>>) src(%dma_wait3A_609 : memref<100000x128xf32, #tpu.memory_space<hbm>>) dst(%dma_wait3A_603 : memref<128x128xf32, #tpu.memory_space<vmem>>)
    %dma_wait3A_610 = arith.constant 3 : i32
    %dma_wait3A_611 = arith.constant 384 : i32
    %dma_wait3A_612 = arith.constant 0 : i32
    %dma_wait3A_613 = tpu.memref_slice %arg9[%dma_wait3A_611, %dma_wait3A_612] : memref<512x128xf32, #tpu.memory_space<vmem>> -> memref<128x128xf32, #tpu.memory_space<vmem>>
    %dma_wait3A_614 = arith.constant 0 : i32
    %dma_wait3A_615 = tpu.memref_slice %arg8[%dma_wait3A_610, %dma_wait3A_614] : memref<4x128xi32, #tpu.memory_space<vmem>> -> memref<1x128xi32, #tpu.memory_space<vmem>>
    %dma_wait3A_616 = tpu.memref_squeeze %dma_wait3A_615 : memref<1x128xi32, #tpu.memory_space<vmem>> -> memref<128xi32, #tpu.memory_space<vmem>>
    %dma_wait3A_617 = arith.constant 0 : i32
    %dma_wait3A_618 = arith.constant 0 : i32
    %dma_wait3A_619 = tpu.memref_slice %arg2[%dma_wait3A_617, %dma_wait3A_618] : memref<100000x128xf32, #tpu.memory_space<hbm>> -> memref<100000x128xf32, #tpu.memory_space<hbm>>
    tpu.wait_indirect_dma semaphore(%arg13 : memref<!tpu.dma_semaphore, #tpu.memory_space<semaphore_mem>>) src(%dma_wait3A_619 : memref<100000x128xf32, #tpu.memory_space<hbm>>) dst(%dma_wait3A_613 : memref<128x128xf32, #tpu.memory_space<vmem>>)
    %parallel_loop3A_620 = arith.constant 0 : i32
    %parallel_loop3A_621 = arith.constant 512 : i32
    %parallel_loop3A_622 = arith.constant 1 : i32
    scf.for %parallel_loop3A_649 = %parallel_loop3A_620 to %parallel_loop3A_621 step %parallel_loop3A_622  : i32 {
      %parallel_loop3A_650 = arith.index_cast %parallel_loop3A_649 : i32 to index
      %parallel_loop3A_651 = arith.constant 0 : index
      %parallel_loop3A_652 = tpu.vector_load %arg9[%parallel_loop3A_650, %parallel_loop3A_651] {strides = array<i32>} : memref<512x128xf32, #tpu.memory_space<vmem>>, vector<16xf32>,
      %parallel_loop3A_653 = arith.mulf %parallel_loop3A_652, %get3A_65 : vector<16xf32>
      %parallel_loop3A_654 = arith.index_cast %parallel_loop3A_649 : i32 to index
      %parallel_loop3A_655 = arith.constant 0 : index
      %parallel_loop3A_656 = tpu.vector_load %arg9[%parallel_loop3A_654, %parallel_loop3A_655] {strides = array<i32>} : memref<512x128xf32, #tpu.memory_space<vmem>>, vector<16xf32>,
      tpu.vector_store %arg9[%parallel_loop3A_654, %parallel_loop3A_655], %parallel_loop3A_653 {strides = array<i32>} : memref<512x128xf32, #tpu.memory_space<vmem>>, vector<16xf32>,
      %parallel_loop3A_657 = arith.index_cast %parallel_loop3A_649 : i32 to index
      %parallel_loop3A_658 = arith.constant 16 : index
      %parallel_loop3A_659 = tpu.vector_load %arg9[%parallel_loop3A_657, %parallel_loop3A_658] {strides = array<i32>} : memref<512x128xf32, #tpu.memory_space<vmem>>, vector<16xf32>,
      %parallel_loop3A_660 = arith.mulf %parallel_loop3A_659, %get3A_67 : vector<16xf32>
      %parallel_loop3A_661 = arith.index_cast %parallel_loop3A_649 : i32 to index
      %parallel_loop3A_662 = arith.constant 16 : index
      %parallel_loop3A_663 = tpu.vector_load %arg9[%parallel_loop3A_661, %parallel_loop3A_662] {strides = array<i32>} : memref<512x128xf32, #tpu.memory_space<vmem>>, vector<16xf32>,
      tpu.vector_store %arg9[%parallel_loop3A_661, %parallel_loop3A_662], %parallel_loop3A_660 {strides = array<i32>} : memref<512x128xf32, #tpu.memory_space<vmem>>, vector<16xf32>,
      %parallel_loop3A_664 = arith.index_cast %parallel_loop3A_649 : i32 to index
      %parallel_loop3A_665 = arith.constant 32 : index
      %parallel_loop3A_666 = tpu.vector_load %arg9[%parallel_loop3A_664, %parallel_loop3A_665] {strides = array<i32>} : memref<512x128xf32, #tpu.memory_space<vmem>>, vector<16xf32>,
      %parallel_loop3A_667 = arith.mulf %parallel_loop3A_666, %get3A_69 : vector<16xf32>
      %parallel_loop3A_668 = arith.index_cast %parallel_loop3A_649 : i32 to index
      %parallel_loop3A_669 = arith.constant 32 : index
      %parallel_loop3A_670 = tpu.vector_load %arg9[%parallel_loop3A_668, %parallel_loop3A_669] {strides = array<i32>} : memref<512x128xf32, #tpu.memory_space<vmem>>, vector<16xf32>,
      tpu.vector_store %arg9[%parallel_loop3A_668, %parallel_loop3A_669], %parallel_loop3A_667 {strides = array<i32>} : memref<512x128xf32, #tpu.memory_space<vmem>>, vector<16xf32>,
      %parallel_loop3A_671 = arith.index_cast %parallel_loop3A_649 : i32 to index
      %parallel_loop3A_672 = arith.constant 48 : index
      %parallel_loop3A_673 = tpu.vector_load %arg9[%parallel_loop3A_671, %parallel_loop3A_672] {strides = array<i32>} : memref<512x128xf32, #tpu.memory_space<vmem>>, vector<16xf32>,
      %parallel_loop3A_674 = arith.mulf %parallel_loop3A_673, %get3A_71 : vector<16xf32>
      %parallel_loop3A_675 = arith.index_cast %parallel_loop3A_649 : i32 to index
      %parallel_loop3A_676 = arith.constant 48 : index
      %parallel_loop3A_677 = tpu.vector_load %arg9[%parallel_loop3A_675, %parallel_loop3A_676] {strides = array<i32>} : memref<512x128xf32, #tpu.memory_space<vmem>>, vector<16xf32>,
      tpu.vector_store %arg9[%parallel_loop3A_675, %parallel_loop3A_676], %parallel_loop3A_674 {strides = array<i32>} : memref<512x128xf32, #tpu.memory_space<vmem>>, vector<16xf32>,
      %parallel_loop3A_678 = arith.index_cast %parallel_loop3A_649 : i32 to index
      %parallel_loop3A_679 = arith.constant 64 : index
      %parallel_loop3A_680 = tpu.vector_load %arg9[%parallel_loop3A_678, %parallel_loop3A_679] {strides = array<i32>} : memref<512x128xf32, #tpu.memory_space<vmem>>, vector<16xf32>,
      %parallel_loop3A_681 = arith.mulf %parallel_loop3A_680, %get3A_73 : vector<16xf32>
      %parallel_loop3A_682 = arith.index_cast %parallel_loop3A_649 : i32 to index
      %parallel_loop3A_683 = arith.constant 64 : index
      %parallel_loop3A_684 = tpu.vector_load %arg9[%parallel_loop3A_682, %parallel_loop3A_683] {strides = array<i32>} : memref<512x128xf32, #tpu.memory_space<vmem>>, vector<16xf32>,
      tpu.vector_store %arg9[%parallel_loop3A_682, %parallel_loop3A_683], %parallel_loop3A_681 {strides = array<i32>} : memref<512x128xf32, #tpu.memory_space<vmem>>, vector<16xf32>,
      %parallel_loop3A_685 = arith.index_cast %parallel_loop3A_649 : i32 to index
      %parallel_loop3A_686 = arith.constant 80 : index
      %parallel_loop3A_687 = tpu.vector_load %arg9[%parallel_loop3A_685, %parallel_loop3A_686] {strides = array<i32>} : memref<512x128xf32, #tpu.memory_space<vmem>>, vector<16xf32>,
      %parallel_loop3A_688 = arith.mulf %parallel_loop3A_687, %get3A_75 : vector<16xf32>
      %parallel_loop3A_689 = arith.index_cast %parallel_loop3A_649 : i32 to index
      %parallel_loop3A_690 = arith.constant 80 : index
      %parallel_loop3A_691 = tpu.vector_load %arg9[%parallel_loop3A_689, %parallel_loop3A_690] {strides = array<i32>} : memref<512x128xf32, #tpu.memory_space<vmem>>, vector<16xf32>,
      tpu.vector_store %arg9[%parallel_loop3A_689, %parallel_loop3A_690], %parallel_loop3A_688 {strides = array<i32>} : memref<512x128xf32, #tpu.memory_space<vmem>>, vector<16xf32>,
      %parallel_loop3A_692 = arith.index_cast %parallel_loop3A_649 : i32 to index
      %parallel_loop3A_693 = arith.constant 96 : index
      %parallel_loop3A_694 = tpu.vector_load %arg9[%parallel_loop3A_692, %parallel_loop3A_693] {strides = array<i32>} : memref<512x128xf32, #tpu.memory_space<vmem>>, vector<16xf32>,
      %parallel_loop3A_695 = arith.mulf %parallel_loop3A_694, %get3A_77 : vector<16xf32>
      %parallel_loop3A_696 = arith.index_cast %parallel_loop3A_649 : i32 to index
      %parallel_loop3A_697 = arith.constant 96 : index
      %parallel_loop3A_698 = tpu.vector_load %arg9[%parallel_loop3A_696, %parallel_loop3A_697] {strides = array<i32>} : memref<512x128xf32, #tpu.memory_space<vmem>>, vector<16xf32>,
      tpu.vector_store %arg9[%parallel_loop3A_696, %parallel_loop3A_697], %parallel_loop3A_695 {strides = array<i32>} : memref<512x128xf32, #tpu.memory_space<vmem>>, vector<16xf32>,
      %parallel_loop3A_699 = arith.index_cast %parallel_loop3A_649 : i32 to index
      %parallel_loop3A_700 = arith.constant 112 : index
      %parallel_loop3A_701 = tpu.vector_load %arg9[%parallel_loop3A_699, %parallel_loop3A_700] {strides = array<i32>} : memref<512x128xf32, #tpu.memory_space<vmem>>, vector<16xf32>,
      %parallel_loop3A_702 = arith.mulf %parallel_loop3A_701, %get3A_79 : vector<16xf32>
      %parallel_loop3A_703 = arith.index_cast %parallel_loop3A_649 : i32 to index
      %parallel_loop3A_704 = arith.constant 112 : index
      %parallel_loop3A_705 = tpu.vector_load %arg9[%parallel_loop3A_703, %parallel_loop3A_704] {strides = array<i32>} : memref<512x128xf32, #tpu.memory_space<vmem>>, vector<16xf32>,
      tpu.vector_store %arg9[%parallel_loop3A_703, %parallel_loop3A_704], %parallel_loop3A_702 {strides = array<i32>} : memref<512x128xf32, #tpu.memory_space<vmem>>, vector<16xf32>,
    } {sc.loop_unroll_factor = 4 : i64, sc.parallel_access}
    "tpu.region"() ({
      %run_scoped3A = tpu.sem_alloc : memref<!tpu.dma_semaphore, #tpu.memory_space<semaphore_mem>>
      %dma_start3A_649 = arith.constant 0 : i32
      %dma_start3A_650 = tpu.memref_slice %arg6[%mul3A_2, %dma_start3A_649] : memref<16384x128xf32, #tpu.memory_space<hbm>> -> memref<512x128xf32, #tpu.memory_space<hbm>>
      %dma_start3A_651 = arith.constant 0 : i32
      %dma_start3A_652 = tpu.memref_slice %arg6[%mul3A_2, %dma_start3A_651] : memref<16384x128xf32, #tpu.memory_space<hbm>> -> memref<512x128xf32, #tpu.memory_space<hbm>>
      tpu.enqueue_dma source(%arg9 : memref<512x128xf32, #tpu.memory_space<vmem>>) target(%dma_start3A_652 : memref<512x128xf32, #tpu.memory_space<hbm>>) target_semaphore(%run_scoped3A : memref<!tpu.dma_semaphore, #tpu.memory_space<semaphore_mem>>)
      %dma_wait3A_653 = arith.constant 0 : i32
      %dma_wait3A_654 = tpu.memref_slice %arg6[%mul3A_2, %dma_wait3A_653] : memref<16384x128xf32, #tpu.memory_space<hbm>> -> memref<512x128xf32, #tpu.memory_space<hbm>>
      %dma_wait3A_655 = arith.constant 0 : i32
      %dma_wait3A_656 = tpu.memref_slice %arg6[%mul3A_2, %dma_wait3A_655] : memref<16384x128xf32, #tpu.memory_space<hbm>> -> memref<512x128xf32, #tpu.memory_space<hbm>>
      tpu.wait_dma2 semaphore(%run_scoped3A : memref<!tpu.dma_semaphore, #tpu.memory_space<semaphore_mem>>) src(%arg9 : memref<512x128xf32, #tpu.memory_space<vmem>>) dst(%dma_wait3A_656 : memref<512x128xf32, #tpu.memory_space<hbm>>)
      tpu.yield
    }) : () -> ()
    %dma_wait3A_623 = arith.constant 0 : i32
    %dma_wait3A_624 = arith.constant 0 : i32
    %dma_wait3A_625 = arith.constant 0 : i32
    %dma_wait3A_626 = tpu.memref_slice %arg12[%dma_wait3A_623, %dma_wait3A_624, %dma_wait3A_625] : memref<2x184x128xf32, #tpu.memory_space<vmem>> -> memref<1x184x128xf32, #tpu.memory_space<vmem>>
    %dma_wait3A_627 = tpu.memref_squeeze %dma_wait3A_626 : memref<1x184x128xf32, #tpu.memory_space<vmem>> -> memref<184x128xf32, #tpu.memory_space<vmem>>
    %dma_wait3A_628 = arith.constant 0 : i32
    %dma_wait3A_629 = tpu.memref_slice %arg7[%add3A_566, %dma_wait3A_628] : memref<100000x128xf32, #tpu.memory_space<hbm>> -> memref<184x128xf32, #tpu.memory_space<hbm>>
    %dma_wait3A_630 = arith.constant 0 : i32
    %dma_wait3A_631 = tpu.memref_slice %arg7[%add3A_566, %dma_wait3A_630] : memref<100000x128xf32, #tpu.memory_space<hbm>> -> memref<184x128xf32, #tpu.memory_space<hbm>>
    %dma_wait3A_632 = arith.constant 0 : i32
    %dma_wait3A_633 = arith.constant 0 : i32
    %dma_wait3A_634 = tpu.memref_slice %arg12[%dma_wait3A_623, %dma_wait3A_632, %dma_wait3A_633] : memref<2x184x128xf32, #tpu.memory_space<vmem>> -> memref<1x184x128xf32, #tpu.memory_space<vmem>>
    %dma_wait3A_635 = tpu.memref_squeeze %dma_wait3A_634 : memref<1x184x128xf32, #tpu.memory_space<vmem>> -> memref<184x128xf32, #tpu.memory_space<vmem>>
    tpu.wait_dma2 semaphore(%arg14 : memref<!tpu.dma_semaphore, #tpu.memory_space<semaphore_mem>>) src(%dma_wait3A_635 : memref<184x128xf32, #tpu.memory_space<vmem>>) dst(%dma_wait3A_631 : memref<184x128xf32, #tpu.memory_space<hbm>>)
    %dma_wait3A_636 = arith.constant 1 : i32
    %dma_wait3A_637 = arith.constant 0 : i32
    %dma_wait3A_638 = arith.constant 0 : i32
    %dma_wait3A_639 = tpu.memref_slice %arg12[%dma_wait3A_636, %dma_wait3A_637, %dma_wait3A_638] : memref<2x184x128xf32, #tpu.memory_space<vmem>> -> memref<1x184x128xf32, #tpu.memory_space<vmem>>
    %dma_wait3A_640 = tpu.memref_squeeze %dma_wait3A_639 : memref<1x184x128xf32, #tpu.memory_space<vmem>> -> memref<184x128xf32, #tpu.memory_space<vmem>>
    %dma_wait3A_641 = arith.constant 0 : i32
    %dma_wait3A_642 = tpu.memref_slice %arg7[%add3A_535, %dma_wait3A_641] : memref<100000x128xf32, #tpu.memory_space<hbm>> -> memref<184x128xf32, #tpu.memory_space<hbm>>
    %dma_wait3A_643 = arith.constant 0 : i32
    %dma_wait3A_644 = tpu.memref_slice %arg7[%add3A_535, %dma_wait3A_643] : memref<100000x128xf32, #tpu.memory_space<hbm>> -> memref<184x128xf32, #tpu.memory_space<hbm>>
    %dma_wait3A_645 = arith.constant 0 : i32
    %dma_wait3A_646 = arith.constant 0 : i32
    %dma_wait3A_647 = tpu.memref_slice %arg12[%dma_wait3A_636, %dma_wait3A_645, %dma_wait3A_646] : memref<2x184x128xf32, #tpu.memory_space<vmem>> -> memref<1x184x128xf32, #tpu.memory_space<vmem>>
    %dma_wait3A_648 = tpu.memref_squeeze %dma_wait3A_647 : memref<1x184x128xf32, #tpu.memory_space<vmem>> -> memref<184x128xf32, #tpu.memory_space<vmem>>
    tpu.wait_dma2 semaphore(%arg15 : memref<!tpu.dma_semaphore, #tpu.memory_space<semaphore_mem>>) src(%dma_wait3A_648 : memref<184x128xf32, #tpu.memory_space<vmem>>) dst(%dma_wait3A_644 : memref<184x128xf32, #tpu.memory_space<hbm>>)
    return
  }
}

</mosaic_0001>

<sc_bundles>
// kernel: kernel.3.cloned.1.call-start
scs
__scs_entry_jumppad:
0x0: {  	(pc) =	sbr.rel $0x88, $3  }
0x1: {  	(tag) =	ssettag $0x0;
	lr =	simm.s32 $0x1  }
0x2: {  	[smem:$0x3F9D] =	sst lr;
	_ =	strace $0xD0000000  }
0x3: {  	_ = 	snop  }
0x4: {  	_ = 	snop  }
0x5: {  	_ = 	snop  }
0x6: {  	_ = 	snop  }
0x7: {  	_ = 	snop  }
__scs_overlays_trampoline_lowered:
0x8: {  	[smem:$0x3FAC] =	sst s0  }
0x9: {  	[smem:$0x3FAD] =	sst s1  }
0xa: {  	[smem:$0x3FAE] =	sst s2  }
0xb: {  	[smem:$0x3FAF] =	sst s3  }
0xc: {  	[smem:$0x3FB0] =	sst s4  }
0xd: {  	[smem:$0x3FB1] =	sst s5  }
0xe: {  	[smem:$0x3FB2] =	sst s6  }
0xf: {  	[smem:$0x3FB3] =	sst s7  }
0x10: {  	[smem:$0x3FB4] =	sst s8  }
0x11: {  	[smem:$0x3FB5] =	sst s9;
	s0 =	simm.s32 @!p0 $0x0  }
0x12: {  	s1 =	sld [smem:$0x3F9B];
	s0 =	simm.s32 @p0 $0x1  }
0x13: {  	[smem:$0x3FB6] =	sst s0;
	s0 =	simm.s32 @!p1 $0x0  }
0x14: {  	s2 =	sld [smem:$0x3F9A];
	s0 =	simm.s32 @p1 $0x1  }
0x15: {  	[smem:$0x3FB7] =	sst s0;
	s0 =	simm.s32 @!p2 $0x0  }
0x16: {  	s3 =	sld [smem:$0x3FDB];
	s0 =	simm.s32 @p2 $0x1  }
0x17: {  	s4 =	simm.s32 $0x1BF5;
	[smem:$0x3FB9] =	sst s0  }
0x18: {  	s0 =	sld [smem:$0x3F9C];
	_ =	swait.ge [sflag:s4], $0x0  }
0x19: {  	s7 =	sld [smem:$0x3F9D]  }
0x1a: {  	s8 =	sadd.s32 $0xFFFFE003, lr  }
0x1b: {  	s9 =	sadd.s32 $0xFFFFFEF7, lr;
	s5 =	simm.s32 $0xFFFFFFFF;
	p2 =	slt.u32 s8, $0xFFFFF086  }
0x1c: {  	p1 =	slt.u32 s9, $0xF7A;
	s5 =	simm.s32 @!p2 $0x0  }
0x1d: {  	s5 =	simm.s32 @p1 $0x1;
	p0 =	seq.s32 s7, s2  }
0x1e: {  	s7 =	smul.u32 @!p0 $0xF7A, s2;
	p2 =	seq.s32 @!p0 s5, $0x0  }
0x1f: {  	s9 =	smul.u32 $0xF7A, s1;
	s8 =	simm.s32 @!p0 $0x1BF5;
	p2 =	por !p2, p0  }
0x20: {  	[sflag:s8] =	ssyncset.s32 @!p0 $0xFFFFF086;
	s6 =	sadd.s32 @!p0 s3, s7;
	s7 =	simm.s32 @!p0 $0x108  }
0x21: {  	s3 =	sadd.s32 s3, s9;
	s6 =	sadd.s32 @!p0 $0x88, s6;
	s7 =	simm.s32 @p2 $0x1082  }
0x22: {  	[simem:s7], [sflag:s8] =	dma.local @!p0 [hbm:s6], $0xF7A  }
0x23: {  	s9 =	sor.u32 $0xD0000000, s2;
	s6 =	simm.s32 $0x108;
	_ =	swait.ge @!p0 [sflag:s8], $0x0  }
0x24: {  	s3 =	sadd.s32 $0x88, s3;
	s6 =	simm.s32 @!p1 $0x1082;
	[sflag:s4] =	ssyncset.s32 $0xFFFFF086  }
0x25: {  	[simem:s6], [sflag:s4] =	dma.local [hbm:s3], $0xF7A  }
0x26: {  	[smem:$0x3F9D] =	sst s1;
	(tag) =	ssettag s2;
	_ =	strace s9  }
0x27: {  	s1 =	sld [smem:$0x3FAD]  }
0x28: {  	s2 =	sld [smem:$0x3FAE]  }
0x29: {  	s4 =	sld [smem:$0x3FB0]  }
0x2a: {  	p0 =	seq.s32 s5, $0x0;
	s5 =	sld [smem:$0x3FB1]  }
0x2b: {  	s6 =	sld [smem:$0x3FB2]  }
0x2c: {  	s7 =	sld [smem:$0x3FB3]  }
0x2d: {  	s3 =	simm.s32 $0x108;
	s8 =	sld [smem:$0x3FB4]  }
0x2e: {  	s3 =	simm.s32 @!p0 $0x1082;
	s9 =	sld [smem:$0x3FB5]  }
0x2f: {  	lr =	sadd.s32 s0, s3;
	s0 =	sld [smem:$0x3FAC]  }
0x30: {  	s3 =	sld [smem:$0x3FAF]  }
0x31: {  	[smem:$0x3FB8] =	sst s10  }
0x32: {  	s10 =	sld [smem:$0x3FB6];
	_ =	sdelay $0x3  }
0x33: {  	p0 =	seq.s32 s10, $0x1;
	s10 =	sld [smem:$0x3FB8];
	_ =	sdelay $0x3  }
0x34: {  	[smem:$0x3FB8] =	sst s10  }
0x35: {  	s10 =	sld [smem:$0x3FB7];
	_ =	sdelay $0x3  }
0x36: {  	p1 =	seq.s32 s10, $0x1;
	s10 =	sld [smem:$0x3FB8];
	_ =	sdelay $0x3  }
0x37: {  	[smem:$0x3FB8] =	sst s10  }
0x38: {  	s10 =	sld [smem:$0x3FB9]  }
0x39: {  	_ = 	snop;
	(pc) =	sbr.ind lr, $3  }
0x3a: {  	_ = 	snop  }
0x3b: {  	_ = 	snop  }
0x3c: {  	p2 =	seq.s32 s10, $0x1;
	s10 =	sld [smem:$0x3FB8]  }
0x3d: {  	_ =	shalt  }
0x3e: {  	_ =	shalt  }
0x3f: {  	_ =	shalt  }
0x40: {  	_ =	shalt  }
0x41: {  	_ =	shalt  }
0x42: {  	_ =	shalt  }
0x43: {  	_ =	shalt  }
0x44: {  	_ =	shalt  }
0x45: {  	_ =	shalt  }
0x46: {  	_ =	shalt  }
0x47: {  	_ =	shalt  }
0x48: {  	_ =	shalt  }
0x49: {  	_ =	shalt  }
0x4a: {  	_ =	shalt  }
0x4b: {  	_ =	shalt  }
0x4c: {  	_ =	shalt  }
0x4d: {  	_ =	shalt  }
0x4e: {  	_ =	shalt  }
0x4f: {  	_ =	shalt  }
0x50: {  	_ =	shalt  }
0x51: {  	_ =	shalt  }
0x52: {  	_ =	shalt  }
0x53: {  	_ =	shalt  }
0x54: {  	_ =	shalt  }
0x55: {  	_ =	shalt  }
0x56: {  	_ =	shalt  }
0x57: {  	_ =	shalt  }
0x58: {  	_ =	shalt  }
0x59: {  	_ =	shalt  }
0x5a: {  	_ =	shalt  }
0x5b: {  	_ =	shalt  }
0x5c: {  	_ =	shalt  }
0x5d: {  	_ =	shalt  }
0x5e: {  	_ =	shalt  }
0x5f: {  	_ =	shalt  }
0x60: {  	_ =	shalt  }
0x61: {  	_ =	shalt  }
0x62: {  	_ =	shalt  }
0x63: {  	_ =	shalt  }
0x64: {  	_ =	shalt  }
0x65: {  	_ =	shalt  }
0x66: {  	_ =	shalt  }
0x67: {  	_ =	shalt  }
0x68: {  	_ =	shalt  }
0x69: {  	_ =	shalt  }
0x6a: {  	_ =	shalt  }
0x6b: {  	_ =	shalt  }
0x6c: {  	_ =	shalt  }
0x6d: {  	_ =	shalt  }
0x6e: {  	_ =	shalt  }
0x6f: {  	_ =	shalt  }
0x70: {  	_ =	shalt  }
0x71: {  	_ =	shalt  }
0x72: {  	_ =	shalt  }
0x73: {  	_ =	shalt  }
0x74: {  	_ =	shalt  }
0x75: {  	_ =	shalt  }
0x76: {  	_ =	shalt  }
0x77: {  	_ =	shalt  }
0x78: {  	_ =	shalt  }
0x79: {  	_ =	shalt  }
0x7a: {  	_ =	shalt  }
0x7b: {  	_ =	shalt  }
0x7c: {  	_ =	shalt  }
0x7d: {  	_ =	shalt  }
0x7e: {  	_ =	shalt  }
0x7f: {  	_ =	shalt  }
0x80: {  	_ =	shalt  }
0x81: {  	_ =	shalt  }
0x82: {  	_ =	shalt  }
0x83: {  	_ =	shalt  }
0x84: {  	_ =	shalt  }
0x85: {  	_ =	shalt  }
0x86: {  	_ =	shalt  }
0x87: {  	_ =	shalt  }
.Lfunc_end0:
.L_simem_size_0:
called_computation_lowered:
.L_overlay_start_0:
0x88: {  	s2 =	sld [smem:$0x3FD9]  }
0x89: {  	s3 =	sld [smem:$0x3FFE];
	_ =	sdelay $0x1  }
0x8a: {  	s1 =	srdreg.scid  }
0x8b: {  	s0 =	sand.u32 $0x1, s1  }
0x8c: {  	s14 =	sshll.u32 s0, $0xA;
	s2 =	sadd.s32 s3, s2  }
0x8d: {  	s2 =	sadd.s32 s2, s14  }
0x8e: {  	[smem:$0x3FC4] =	sst s2  }
0x8f: {  	_ = 	snop  }
0x90: {  	s2 =	sld [smem:$0x3FD0]  }
0x91: {  	s15 =	sld [smem:$0x3FC9]  }
0x92: {  	s4 =	sld [smem:$0x3FC8]  }
0x93: {  	s6 =	simm.s32 $0xA;
	s7 =	simm.s32 $0x10;
	s5 =	sld [smem:$0x3FC7]  }
0x94: {  	[smem:s7], [sflag:s6] =	dma.local [hbm:s2], $0x1  }
0x95: {  	_ =	swait.eq [sflag:s6], $0x1  }
0x96: {  	[sflag:s6] =	ssyncset.done $0x0  }
0x97: {  	s16 =	sld [smem:$0x10];
	[sflag:s6] =	ssyncadd.s32 $0xFFFFFFFF  }
0x98: {  	s17 =	sld [smem:$0x11];
	(tm) =	ssettm $0x1  }
0x99: {  	s18 =	sld [smem:$0x3FFB];
	_ =	sdelay $0x3  }
0x9a: {  	_ =	strace s18  }
0x9b: {  	s7 =	sld [smem:$0x3FFC];
	_ =	sdelay $0x3  }
0x9c: {  	_ =	strace s7  }
0x9d: {  	s7 =	sld [smem:$0x3FFD];
	_ =	sdelay $0x3  }
0x9e: {  	_ =	strace s7  }
0x9f: {  	_ =	strace $0x8FFFFFFF  }
0xa0: {  	s19 =	sld [smem:$0x3FDB];
	_ =	sdelay $0x1  }
0xa1: {  	s8 =	simm.s32 $_scs_section_size  }
0xa2: {  	s9 =	simm.s32 $_size__tile_overlayer_lowered;
	s10 =	simm.s32 $_tile_overlayer_lowered  }
0xa3: {  	s22 =	simm.s32 $0x1BFF;
	s21 =	sshll.u32 s10, $0x1;
	s7 =	sadd.s32 s8, s19  }
0xa4: {  	s11 =	simm.s32 $0x0;
	s20 =	sshll.u32 s9, $0x1;
	s9 =	sadd.s32 s21, s7  }
0xa5: {  	[timem:s11], [sflag:s22] =	dma.local [hbm:s9], s20  }
0xa6: {  	_ =	swait.ge [sflag:s22], s20  }
0xa7: {  	s8 =	ssub.s32 $0x0, s20;
	[sflag:s22] =	ssyncset.done $0x0  }
0xa8: {  	[sflag:s22] =	ssyncadd.s32 s8;
	_ =	sdelay $0x1  }
0xa9: {  	s23 =	simm.s32 $0x1B8B  }
0xaa: {  	_ =	swait.ge [sflag:s23], $0x1  }
0xab: {  	[sflag:s23] =	ssyncset.done $0x0  }
0xac: {  	s25 =	simm.s32 $0x1B8E;
	s24 =	sld [smem:$0x3FFE];
	[sflag:s23] =	ssyncadd.s32 $0xFFFFFFFF  }
0xad: {  	s26 =	simm.s32 $execute0_lowered;
	[smem:$0x3FD2] =	sst s25  }
0xae: {  	s9 =	sshll.u32 s26, $0x1;
	_ =	strace $0x80000046;
	[dreg:$0x1] =	wrdreg $0xFFFFFFFF  }
0xaf: {  	s28 =	simm.s32 $_size_execute0_lowered;
	s7 =	sadd.s32 s7, s9;
	[dreg:$0x0] =	wrdreg $0x0  }
0xb0: {  	s9 =	sshll.u32 s28, $0x1;
	[dreg:$0x2] =	wrdreg s7  }
0xb1: {  	[dreg:$0x3] =	wrdreg s9  }
0xb2: {  	[dreg:$0x4] =	wrdreg $0xC0  }
0xb3: {  	_ =	task [dreg:s11], $0x5FFFF  }
0xb4: {  	[dreg:$0x1] =	wrdreg $0xFFFFFFFF  }
0xb5: {  	[dreg:$0x0] =	wrdreg $0x60  }
0xb6: {  	[dreg:$0x2] =	wrdreg s5  }
0xb7: {  	[dreg:$0x3] =	wrdreg s4  }
0xb8: {  	[dreg:$0x4] =	wrdreg s15  }
0xb9: {  	[dreg:$0x5] =	wrdreg s24  }
0xba: {  	[dreg:$0x6] =	wrdreg s16  }
0xbb: {  	[dreg:$0x7] =	wrdreg s17  }
0xbc: {  	[dreg:$0x8] =	wrdreg $0x9  }
0xbd: {  	_ =	task.clear_ibuf [dreg:s11], $0x9FFFF;
	_ =	strace $0x90000046  }
0xbe: {  	s29 =	simm.s32 $0x9;
	_ =	strace $0x80000048  }
0xbf: {  	_ =	swait.ge [sflag:s29], $0x1  }
0xc0: {  	[sflag:s29] =	ssyncadd.s32 $0xFFFFFFFF  }
0xc1: {  	_ =	strace $0x90000048  }
0xc2: {  	_ =	sfence  }
0xc3: {  	s30 =	sld [smem:$0x0];
	_ =	sdelay $0x2  }
0xc4: {  	s31 =	sshll.u32 s1, $0xD;
	s1 =	sshrl.u32 s1, $0x2  }
0xc5: {  	s3 =	sand.u32 $0x4000, s31;
	s1 =	sadd.s32 s1, s30  }
0xc6: {  	s0 =	sor.u32 s3, s0;
	s1 =	sshll.u32 s1, $0x11  }
0xc7: {  	s0 =	sor.u32 s1, s0  }
0xc8: {  	s0 =	sadd.s32 $0x8F2B, s0  }
0xc9: {  	[sflag:s0] =	ssyncadd.remote.s32 $0x1  }
0xca: {  	_ =	sfence.sel $0xFFFF  }
0xcb: {  	[dreg:$0x0] =	wrdreg $0xFFFFFFFF;
	(pc) =	sbr.abs _section_cstart, $3  }
0xcc: {  	[dreg:$0x1] =	wrdreg $0xFFFFFFFF  }
0xcd: {  	_ =	task.clear_ibuf [dreg:s11], $0x2FFFF;
	_ =	strace $0x9FFFFFFF  }
0xce: {  	(tm) =	ssettm $0x7FFFFFFF  }
0xcf: {  	_ =	shalt  }
tec
execute0_lowered:
.L_overlay_start_1:
0x0: {  	(tag) =	ssettag $0x1  }
0x1: {  	s0 =	rddreg [dreg:$0x0]  }
0x2: {  	s1 =	rddreg [dreg:$0x1]  }
0x3: {  	s2 =	rddreg [dreg:$0x3]  }
0x4: {  	s3 =	srdreg.scid;
	s5 =	rddreg [dreg:$0x4]  }
0x5: {  	s4 =	stileid.u32;
	s6 =	rddreg [dreg:$0x5]  }
0x6: {  	s28 =	simm.s32 $0x80;
	s31 =	simm.s32 $0x10280;
	s30 =	simm.s32 $0x2  }
0x7: {  	s29 =	simm.s32 $0x3;
	s3 =	sand.u32 $0x1, s3;
	s4 =	sshll.u32 s4, $0x1  }
0x8: {  	s8 =	sor.u32 s3, s4;
	s4 =	simm.s32 $0x0;
	s3 =	ssub.s32 $0x2, s3  }
0x9: {  	s7 =	smul.u32 $0x30D4, s8;
	[smem:$0x7FF] =	sst s4;
	s19 =	sshrl.u32 s3, $0x1  }
0xa: {  	s20 =	sshll.u32 s8, $0x6;
	s26 =	sshll.u32 s8, $0xD;
	_ =	strace $0x80000047  }
0xb: {  	s3 =	ssub.s32 s3, s19;
	s1 =	sadd.s32 s1, s20;
	s9 =	sshrl.u32 s7, $0x5  }
0xc: {  	s7 =	sshll.u32 s7, $0x2;
	[dreg:$0x7] =	wrdreg s1;
	s1 =	simm.s32 $0x10F00  }
0xd: {  	s2 =	sadd.s32 s9, s2;
	s7 =	sand.u32 $0x1FFF80, s7;
	s9 =	simm.s32 $0x200  }
0xe: {  	s21 =	sadd.s32 $0x400, s2;
	s7 =	sadd.s32 s6, s7;
	s2 =	simm.s32 $0x16B00  }
0xf: {  	s6 =	simm.s32 $0x0;
	[dreg:$0x8] =	wrdreg s21;
	s22 =	sadd.s32 $0xB80, s7  }
0x10: {  	s23 =	sadd.s32 $0x1700, s7;
	s24 =	sadd.s32 $0x2280, s7;
	s25 =	sadd.s32 $0x2E00, s7  }
0x11: {  	s12 =	sadd.s32 $0x3980, s7;
	s13 =	sadd.s32 $0x4500, s7;
	s14 =	sadd.s32 $0x5080, s7  }
0x12: {  	s15 =	sadd.s32 $0x5C00, s7;
	s16 =	sadd.s32 $0x6780, s7;
	[dreg:$0x9] =	wrdreg s22  }
0x13: {  	s17 =	sadd.s32 $0x7300, s7;
	s18 =	sadd.s32 $0x7E80, s7;
	[dreg:$0xa] =	wrdreg s23  }
0x14: {  	s19 =	sadd.s32 $0x8A00, s7;
	s20 =	sadd.s32 $0x9580, s7;
	[dreg:$0xb] =	wrdreg s24  }
0x15: {  	s21 =	sadd.s32 $0xA100, s7;
	[dreg:$0xc] =	wrdreg s25;
	s22 =	sadd.s32 $0xAC80, s7  }
0x16: {  	s23 =	sadd.s32 s5, s26;
	s24 =	sadd.s32 $0xB800, s7;
	s25 =	smax.u32 s3, $0x1  }
0x17: {  	s26 =	simm.s32 $0x5;
	s3 =	simm.s32 $0x4;
	s5 =	simm.s32 $0x1  }
.LBB2_1:
0x18: {  	s8 =	rddreg [dreg:$0x7]  }
0x19: {  	[tilespmem:s4], [sflag:$0x5] =	stream.linear.gather [hbm4b:s8+s4], $0x200, $0x38;
	[tilespmem:$0x1C700] =	vst v63  }
0x1a: {  	_ =	swait.ge [sflag:s26], $0x200  }
0x1b: {  	[sflag:s26] =	ssyncset.done $0x0  }
0x1c: {  	[sflag:s26] =	ssyncadd.s32 $0xFFFFFE00  }
0x1d: {  	[tilespmem:s9], [sflag:$0x1] =	stream.indirect.gather [hbm4b:s0+s28], $0x80, s4, s28, $0xb8;
	[tilespmem:$0x1C700] =	vst v63  }
0x1e: {  	s9 =	simm.s32 $0x4200  }
0x1f: {  	[tilespmem:s9], [sflag:$0x1] =	stream.indirect.gather [hbm4b:s0+s28], $0x80, s28, s28, $0xb8;
	[tilespmem:$0x1C700] =	vst v63  }
0x20: {  	s10 =	simm.s32 $0x100;
	s11 =	simm.s32 $0x8200  }
0x21: {  	[tilespmem:s11], [sflag:$0x1] =	stream.indirect.gather [hbm4b:s0+s28], $0x80, s10, s28, $0xb8;
	[tilespmem:$0x1C700] =	vst v63  }
0x22: {  	s10 =	simm.s32 $0x180;
	s11 =	simm.s32 $0xC200  }
0x23: {  	[tilespmem:s11], [sflag:$0x1] =	stream.indirect.gather [hbm4b:s0+s28], $0x80, s10, s28, $0xb8;
	[tilespmem:$0x1C700] =	vst v63  }
0x24: {  	s9 =	rddreg [dreg:$0x2];
	s10 =	simm.s32 $0x10200  }
0x25: {  	[tilespmem:s10], [sflag:$0x4] =	stream.linear.gather [hbm4b:s9+s4], $0x80, $0x38;
	[tilespmem:$0x1C700] =	vst v63  }
0x26: {  	s11 =	rddreg [dreg:$0x8];
	s9 =	simm.s32 $0x2  }
0x27: {  	[tilespmem:s31], [sflag:$0x4] =	stream.linear.gather [hbm4b:s11+s4], $0xC38, $0x38;
	[tilespmem:$0x1C700] =	vst v63  }
0x28: {  	s10 =	simm.s32 $0x1;
	v0 =	vmov s9;
	_ =	swait.ge [sflag:s3], $0x80  }
0x29: {  	v1 =	vmov s10;
	v0 =	vand.u32 $0xFFFFFFFE, v0;
	[sflag:s3] =	ssyncset.done $0x0  }
0x2a: {  	v1 =	vand.u32 $0xFFFFFFFD, v1;
	v2 =	vbroadcast v0, $0x0;
	[sflag:s3] =	ssyncadd.s32 $0xFFFFFF80  }
0x2b: {  	v3 =	vbroadcast v1, $0x0;
	_ =	swait.ge [sflag:s3], $0xC38  }
0x2c: {  	[sflag:s3] =	ssyncset.done $0x0  }
0x2d: {  	[sflag:s3] =	ssyncadd.s32 $0xFFFFF3C8  }
0x2e: {  	v0 =	vld [tilespmem:$0x10200]  }
0x2f: {  	v4 =	vld [tilespmem:$0x10270]  }
0x30: {  	v9 =	vld.idx.msk [tilespmem:v2+s31+$0x0], $0xffff  }
0x31: {  	v8 =	vld.idx.msk [tilespmem:v3+s31+$0x0], $0xffff  }
0x32: {  	v1 =	vld [tilespmem:$0x10210]  }
0x33: {  	v7 =	vld [tilespmem:$0x10220]  }
0x34: {  	v6 =	vld [tilespmem:$0x10230]  }
0x35: {  	v5 =	vld [tilespmem:$0x10240];
	v10 =	vmul.f32 v9, v4  }
0x36: {  	s8 =	simm.s32 $0x11000;
	v2 =	vld [tilespmem:$0x10250];
	v11 =	vmul.f32 v8, v0  }
0x37: {  	v3 =	vld [tilespmem:$0x10260];
	v12 =	vmul.f32 v8, v1;
	[tilespmem:s8+$0x70] =	vst v10  }
0x38: {  	v13 =	vmul.f32 v9, v7;
	[tilespmem:s8+$0xFFFFFF80] =	vst v11;
	v11 =	vmov s4  }
0x39: {  	v10 =	vmul.f32 v8, v7;
	[tilespmem:s8+$0xFFFFFF90] =	vst v12;
	v11 =	vand.u32 $0xFFFFFFFC, v11  }
0x3a: {  	v12 =	vmul.f32 v8, v6;
	[tilespmem:s8+$0x20] =	vst v13;
	v11 =	vbroadcast v11, $0x0  }
0x3b: {  	[tilespmem:s8+$0xFFFFFFA0] =	vst v10;
	v10 =	vmul.f32 v8, v5  }
0x3c: {  	[tilespmem:s8+$0xFFFFFFB0] =	vst v12;
	v12 =	vmul.f32 v8, v2  }
0x3d: {  	[tilespmem:s8+$0xFFFFFFC0] =	vst v10;
	v10 =	vmul.f32 v8, v3  }
0x3e: {  	[tilespmem:s8+$0xFFFFFFD0] =	vst v12;
	v8 =	vmul.f32 v8, v4  }
0x3f: {  	v12 =	vmul.f32 v9, v0;
	[tilespmem:s8+$0xFFFFFFE0] =	vst v10  }
0x40: {  	v10 =	vmul.f32 v9, v1;
	[tilespmem:s8+$0xFFFFFFF0] =	vst v8;
	v8 =	vld.idx.msk [tilespmem:v11+s31+$0x0], $0xffff  }
0x41: {  	s11 =	simm.s32 $0x3;
	v13 =	vmul.f32 v9, v3;
	[tilespmem:s8+$0x0] =	vst v12;
	v12 =	vmul.f32 v9, v6  }
0x42: {  	[tilespmem:s8+$0x10] =	vst v10;
	v10 =	vmul.f32 v9, v5;
	v11 =	vmul.f32 v9, v2;
	v9 =	vmov s11  }
0x43: {  	[tilespmem:s8+$0x60] =	vst v13  }
0x44: {  	s10 =	simm.s32 $0x5;
	[tilespmem:s8+$0x40] =	vst v10  }
0x45: {  	v10 =	vmov s10;
	[tilespmem:s8+$0x50] =	vst v11;
	v11 =	vmul.f32 v8, v0  }
0x46: {  	s9 =	simm.s32 $0x4;
	[tilespmem:s8+$0x30] =	vst v12;
	s11 =	simm.s32 $0x6;
	s10 =	simm.s32 $0x8;
	v10 =	vand.u32 $0xFFFFFFFD, v10;
	v12 =	vmul.f32 v8, v1  }
.LBB2_2:
0x47: {  	p0 =	slt.u32 s10, $0xB4;
	v10 =	vbroadcast v10, $0x0;
	v13 =	vmov s11;
	[tilespmem:s8+$0xFFFFFF00] =	vst v11;
	v11 =	vmul.f32 v8, v7;
	v9 =	vld.idx.msk [tilespmem:v9+s31+$0x0], $0xffff  }
0x48: {  	v13 =	vand.u32 $0xFFFFFFFE, v13;
	[tilespmem:s8+$0xFFFFFF10] =	vst v12;
	v12 =	vmul.f32 v8, v6  }
0x49: {  	v13 =	vbroadcast v13, $0x0;
	[tilespmem:s8+$0xFFFFFF20] =	vst v11;
	v11 =	vmul.f32 v8, v5  }
0x4a: {  	[tilespmem:s8+$0xFFFFFF30] =	vst v12;
	v12 =	vmul.f32 v8, v2  }
0x4b: {  	[tilespmem:s8+$0xFFFFFF40] =	vst v11;
	v11 =	vmul.f32 v8, v3  }
0x4c: {  	v8 =	vmul.f32 v8, v4;
	[tilespmem:s8+$0xFFFFFF50] =	vst v12  }
0x4d: {  	v10 =	vld.idx.msk [tilespmem:v10+s31+$0x0], $0xffff;
	[tilespmem:s8+$0xFFFFFF60] =	vst v11;
	v11 =	vmul.f32 v9, v0  }
0x4e: {  	[tilespmem:s8+$0xFFFFFF70] =	vst v8;
	v8 =	vmul.f32 v9, v1  }
0x4f: {  	v12 =	vld.idx.msk [tilespmem:v13+s31+$0x0], $0xffff;
	[tilespmem:s8+$0x80] =	vst v11;
	v11 =	vmul.f32 v9, v7  }
0x50: {  	[tilespmem:s8+$0x90] =	vst v8;
	v8 =	vmul.f32 v9, v6  }
0x51: {  	[tilespmem:s8+$0xA0] =	vst v11;
	v11 =	vmul.f32 v9, v5  }
0x52: {  	v13 =	vmul.f32 v9, v3;
	[tilespmem:s8+$0xB0] =	vst v8;
	v8 =	vmul.f32 v9, v2  }
0x53: {  	v14 =	vmul.f32 v10, v0;
	v9 =	vmul.f32 v9, v4;
	[tilespmem:s8+$0xC0] =	vst v11  }
0x54: {  	v15 =	vmul.f32 v10, v7;
	v11 =	vmul.f32 v10, v1;
	[tilespmem:s8+$0xD0] =	vst v8  }
0x55: {  	v16 =	vmul.f32 v12, v0;
	v8 =	vmul.f32 v12, v4;
	[tilespmem:s8+$0xE0] =	vst v13  }
0x56: {  	v17 =	vmul.f32 v12, v7;
	v13 =	vmul.f32 v12, v1;
	[tilespmem:s8+$0xF0] =	vst v9;
	s8 =	sadd.s32 $0x200, s8  }
0x57: {  	v18 =	vmul.f32 v12, v6;
	v19 =	vmul.f32 v12, v5;
	v9 =	vmov s9;
	[tilespmem:s8+$0x70] =	vst v8  }
0x58: {  	v20 =	vmul.f32 v12, v3;
	v8 =	vand.u32 $0xFFFFFFFC, v9;
	[tilespmem:s8+$0xFFFFFF80] =	vst v14;
	v14 =	vmul.f32 v12, v2  }
0x59: {  	v9 =	vmul.f32 v10, v6;
	v8 =	vbroadcast v8, $0x0;
	[tilespmem:s8+$0xFFFFFF90] =	vst v11  }
0x5a: {  	v11 =	vmul.f32 v10, v5;
	[tilespmem:s8+$0xFFFFFFA0] =	vst v15  }
0x5b: {  	[tilespmem:s8+$0xFFFFFFB0] =	vst v9;
	v9 =	vmul.f32 v10, v2  }
0x5c: {  	[tilespmem:s8+$0xFFFFFFC0] =	vst v11;
	v11 =	vmul.f32 v10, v3  }
0x5d: {  	[tilespmem:s8+$0xFFFFFFD0] =	vst v9;
	v9 =	vmul.f32 v10, v4  }
0x5e: {  	[tilespmem:s8+$0xFFFFFFE0] =	vst v11  }
0x5f: {  	v8 =	vld.idx.msk [tilespmem:v8+s31+$0x0], $0xffff;
	[tilespmem:s8+$0xFFFFFFF0] =	vst v9  }
0x60: {  	[tilespmem:s8+$0x0] =	vst v16  }
0x61: {  	s11 =	sadd.s32 $0x3, s9;
	s9 =	smov.u32 s10;
	[tilespmem:s8+$0x10] =	vst v13  }
.Ltmp0:
0x62: {  	v9 =	vmov s11;
	[tilespmem:s8+$0x20] =	vst v17;
	(pc) =	sbr.rel @p0 .LBB2_2-.Ltmp0, $4  }
0x63: {  	[tilespmem:s8+$0x30] =	vst v18  }
0x64: {  	s11 =	sadd.s32 $0x1, s10;
	[tilespmem:s8+$0x40] =	vst v19  }
0x65: {  	v10 =	vmov s11;
	v11 =	vmul.f32 v8, v0;
	[tilespmem:s8+$0x50] =	vst v14  }
0x66: {  	s10 =	sadd.s32 $0x4, s10;
	s11 =	sadd.s32 $0x2, s9;
	v10 =	vand.u32 $0xFFFFFFFD, v10;
	v12 =	vmul.f32 v8, v1;
	[tilespmem:s8+$0x60] =	vst v20  }
0x67: {  	_ =	sdelay $0x2  }
0x68: {  	[tilespmem:s8+$0xFFFFFF00] =	vst v11;
	v11 =	vmul.f32 v8, v7  }
0x69: {  	v9 =	vld.idx.msk [tilespmem:v9+s31+$0x0], $0xffff;
	[tilespmem:s8+$0xFFFFFF10] =	vst v12;
	v12 =	vmul.f32 v8, v6  }
0x6a: {  	v13 =	vmov s11;
	[tilespmem:s8+$0xFFFFFF20] =	vst v11;
	v11 =	vmul.f32 v8, v5  }
0x6b: {  	v10 =	vbroadcast v10, $0x0;
	v13 =	vand.u32 $0xFFFFFFFE, v13;
	[tilespmem:s8+$0xFFFFFF30] =	vst v12;
	v12 =	vmul.f32 v8, v2  }
0x6c: {  	v13 =	vbroadcast v13, $0x0;
	[tilespmem:s8+$0xFFFFFF40] =	vst v11;
	v11 =	vmul.f32 v8, v3  }
0x6d: {  	v8 =	vmul.f32 v8, v4;
	[tilespmem:s8+$0xFFFFFF50] =	vst v12  }
0x6e: {  	[tilespmem:s8+$0xFFFFFF60] =	vst v11;
	v11 =	vmul.f32 v9, v0  }
0x6f: {  	[tilespmem:s8+$0xFFFFFF70] =	vst v8;
	v8 =	vmul.f32 v9, v1  }
0x70: {  	[tilespmem:s8+$0x80] =	vst v11;
	v11 =	vmul.f32 v9, v7  }
0x71: {  	v10 =	vld.idx.msk [tilespmem:v10+s31+$0x0], $0xffff;
	[tilespmem:s8+$0x90] =	vst v8;
	v8 =	vmul.f32 v9, v6  }
0x72: {  	v12 =	vld.idx.msk [tilespmem:v13+s31+$0x0], $0xffff;
	v13 =	vmul.f32 v9, v3;
	[tilespmem:s8+$0xA0] =	vst v11  }
0x73: {  	v11 =	vmul.f32 v9, v5;
	[tilespmem:s8+$0xB0] =	vst v8  }
0x74: {  	v8 =	vmul.f32 v9, v2;
	[tilespmem:s8+$0xE0] =	vst v13  }
0x75: {  	v9 =	vmul.f32 v9, v4;
	[tilespmem:s8+$0xC0] =	vst v11  }
0x76: {  	[tilespmem:s8+$0xD0] =	vst v8;
	v11 =	vmul.f32 v10, v0  }
0x77: {  	[tilespmem:s8+$0xF0] =	vst v9;
	s8 =	sadd.s32 $0x200, s8;
	v9 =	vmul.f32 v10, v1  }
0x78: {  	v8 =	vmul.f32 v12, v4;
	[tilespmem:s8+$0xFFFFFF80] =	vst v11  }
0x79: {  	v13 =	vmov s9;
	[tilespmem:s8+$0xFFFFFF90] =	vst v9;
	v9 =	vmul.f32 v10, v6  }
0x7a: {  	v11 =	vand.u32 $0xFFFFFFFC, v13;
	[tilespmem:s8+$0x70] =	vst v8;
	v8 =	vmul.f32 v10, v7  }
0x7b: {  	v11 =	vbroadcast v11, $0x0;
	[tilespmem:s8+$0xFFFFFFB0] =	vst v9;
	v9 =	vmul.f32 v10, v2  }
0x7c: {  	[tilespmem:s8+$0xFFFFFFA0] =	vst v8;
	v8 =	vmul.f32 v10, v5  }
0x7d: {  	[tilespmem:s8+$0xFFFFFFD0] =	vst v9;
	v9 =	vmul.f32 v10, v4  }
0x7e: {  	[tilespmem:s8+$0xFFFFFFC0] =	vst v8;
	v8 =	vmul.f32 v10, v3  }
0x7f: {  	v10 =	vmul.f32 v12, v0;
	[tilespmem:s8+$0xFFFFFFF0] =	vst v9  }
0x80: {  	v9 =	vmul.f32 v12, v7;
	[tilespmem:s8+$0xFFFFFFE0] =	vst v8  }
0x81: {  	v8 =	vmul.f32 v12, v1;
	v11 =	vld.idx.msk [tilespmem:v11+s31+$0x0], $0xffff;
	[tilespmem:s8+$0x0] =	vst v10  }
0x82: {  	v10 =	vmul.f32 v12, v6;
	[tilespmem:s8+$0x20] =	vst v9  }
0x83: {  	s10 =	sadd.s32 $0x3, s9;
	v9 =	vmul.f32 v12, v2;
	[tilespmem:s8+$0x10] =	vst v8  }
0x84: {  	v13 =	vmov s10;
	v8 =	vmul.f32 v12, v5;
	[tilespmem:s8+$0x30] =	vst v10  }
0x85: {  	v10 =	vmul.f32 v12, v3;
	[tilespmem:s8+$0x50] =	vst v9  }
0x86: {  	[tilespmem:s8+$0x40] =	vst v8;
	v8 =	vmul.f32 v11, v0  }
0x87: {  	[tilespmem:s8+$0x60] =	vst v10;
	v9 =	vmul.f32 v11, v1  }
0x88: {  	[tilespmem:s8+$0xFFFFFF00] =	vst v8;
	v8 =	vmul.f32 v11, v7  }
0x89: {  	v10 =	vld.idx.msk [tilespmem:v13+s31+$0x0], $0xffff;
	[tilespmem:s8+$0xFFFFFF10] =	vst v9;
	v9 =	vmul.f32 v11, v6  }
0x8a: {  	[tilespmem:s8+$0xFFFFFF20] =	vst v8;
	v8 =	vmul.f32 v11, v5  }
0x8b: {  	[tilespmem:s8+$0xFFFFFF30] =	vst v9;
	v9 =	vmul.f32 v11, v2  }
0x8c: {  	[tilespmem:s8+$0xFFFFFF40] =	vst v8;
	v8 =	vmul.f32 v11, v3  }
0x8d: {  	[tilespmem:s8+$0xFFFFFF50] =	vst v9;
	v9 =	vmul.f32 v11, v4  }
0x8e: {  	[tilespmem:s8+$0xFFFFFF60] =	vst v8;
	v8 =	vmul.f32 v10, v0  }
0x8f: {  	[tilespmem:s8+$0xFFFFFF70] =	vst v9;
	v9 =	vmul.f32 v10, v1  }
0x90: {  	s11 =	simm.s32 $0xBA;
	[tilespmem:s8+$0x80] =	vst v8;
	v8 =	vmul.f32 v10, v7  }
0x91: {  	s10 =	simm.s32 $0xB8;
	v11 =	vmov s11;
	[tilespmem:s8+$0x90] =	vst v9;
	v9 =	vmul.f32 v10, v6  }
0x92: {  	v12 =	vmov s10;
	v11 =	vand.u32 $0xFFFFFFFE, v11;
	[tilespmem:s8+$0xA0] =	vst v8;
	v8 =	vmul.f32 v10, v5  }
0x93: {  	v12 =	vand.u32 $0xFFFFFFFC, v12;
	v13 =	vmul.f32 v10, v3;
	v11 =	vbroadcast v11, $0x0;
	[tilespmem:s8+$0xB0] =	vst v9  }
0x94: {  	v9 =	vmul.f32 v10, v2;
	[tilespmem:s8+$0xC0] =	vst v8;
	v8 =	vbroadcast v12, $0x0  }
0x95: {  	[tilespmem:s8+$0xE0] =	vst v13;
	v10 =	vmul.f32 v10, v4  }
0x96: {  	[tilespmem:s8+$0xD0] =	vst v9  }
0x97: {  	[tilespmem:s8+$0xF0] =	vst v10  }
0x98: {  	[hbm4b:s7+s4] =	stream.linear.scatter [tilespmem:s1], [sflag:$0x2], $0x5C00, $0x38;
	[tilespmem:$0x1C700] =	vst v63  }
0x99: {  	s10 =	simm.s32 $0xB9;
	v13 =	vld.idx.msk [tilespmem:v11+s31+$0x0], $0xffff  }
0x9a: {  	v9 =	vld.idx.msk [tilespmem:v8+s31+$0x0], $0xffff;
	v8 =	vmov s10  }
0x9b: {  	v8 =	vand.u32 $0xFFFFFFFD, v8  }
0x9c: {  	v8 =	vbroadcast v8, $0x0;
	_ =	sdelay $0x1  }
0x9d: {  	v10 =	vmul.f32 v13, v4  }
0x9e: {  	s8 =	simm.s32 $0x16B00;
	v11 =	vmul.f32 v9, v0  }
0x9f: {  	[tilespmem:s8+$0x170] =	vst v10;
	v10 =	vmul.f32 v9, v7  }
0xa0: {  	v12 =	vmul.f32 v9, v1;
	[tilespmem:s8+$0x0] =	vst v11  }
0xa1: {  	[tilespmem:s8+$0x20] =	vst v10;
	v10 =	vmul.f32 v9, v5;
	v15 =	vld.idx.msk [tilespmem:v8+s31+$0x0], $0xffff  }
0xa2: {  	[tilespmem:s8+$0x10] =	vst v12;
	v11 =	vmul.f32 v9, v2  }
0xa3: {  	v8 =	vmul.f32 v9, v6;
	[tilespmem:s8+$0x40] =	vst v10  }
0xa4: {  	v10 =	vmul.f32 v9, v3;
	[tilespmem:s8+$0x50] =	vst v11  }
0xa5: {  	v11 =	vmul.f32 v9, v4;
	v9 =	vmul.f32 v13, v1;
	[tilespmem:s8+$0x30] =	vst v8  }
0xa6: {  	v8 =	vmul.f32 v13, v0;
	[tilespmem:s8+$0x60] =	vst v10;
	v12 =	vmul.f32 v15, v0  }
0xa7: {  	v10 =	vmul.f32 v13, v7;
	[tilespmem:s8+$0x70] =	vst v11;
	v14 =	vmul.f32 v15, v1  }
0xa8: {  	v11 =	vmul.f32 v13, v6;
	v16 =	vmul.f32 v15, v7;
	[tilespmem:s8+$0x80] =	vst v12  }
0xa9: {  	s11 =	simm.s32 $0xBB;
	v18 =	vmul.f32 v15, v6;
	v17 =	vmul.f32 v15, v5;
	[tilespmem:s8+$0x90] =	vst v14  }
0xaa: {  	v12 =	vmul.f32 v13, v5;
	v14 =	vmul.f32 v13, v2;
	[tilespmem:s8+$0xA0] =	vst v16;
	v16 =	vmov s11  }
0xab: {  	s9 =	simm.s32 $0x0;
	v13 =	vmul.f32 v13, v3;
	[tilespmem:s8+$0xB0] =	vst v18;
	v18 =	vmul.f32 v15, v2  }
.LBB2_4:
0xac: {  	s11 =	sadd.s32 $0xBC, s9;
	[tilespmem:s8+$0xC0] =	vst v17;
	v17 =	vmul.f32 v15, v3;
	s10 =	smov.u32 s9  }
0xad: {  	v15 =	vmul.f32 v15, v4;
	v19 =	vmov s11;
	[tilespmem:s8+$0xD0] =	vst v18  }
0xae: {  	s9 =	sadd.s32 $0x4, s9;
	s11 =	sadd.s32 $0xBE, s10;
	v18 =	vand.u32 $0xFFFFFFFC, v19;
	[tilespmem:s8+$0xE0] =	vst v17  }
0xaf: {  	p0 =	slt.u32 s9, $0xB4;
	v17 =	vbroadcast v18, $0x0;
	v18 =	vmov s11;
	[tilespmem:s8+$0xF0] =	vst v15;
	v15 =	vld.idx.msk [tilespmem:v16+s31+$0x0], $0xffff  }
0xb0: {  	v16 =	vand.u32 $0xFFFFFFFE, v18;
	[tilespmem:s8+$0x100] =	vst v8  }
0xb1: {  	v8 =	vbroadcast v16, $0x0;
	[tilespmem:s8+$0x110] =	vst v9  }
0xb2: {  	[tilespmem:s8+$0x120] =	vst v10  }
0xb3: {  	[tilespmem:s8+$0x130] =	vst v11  }
0xb4: {  	[tilespmem:s8+$0x140] =	vst v12  }
0xb5: {  	v9 =	vmul.f32 v15, v0;
	v16 =	vld.idx.msk [tilespmem:v17+s31+$0x0], $0xffff;
	[tilespmem:s8+$0x150] =	vst v14  }
0xb6: {  	s11 =	sadd.s32 $0xBD, s10;
	v10 =	vmul.f32 v15, v1;
	[tilespmem:s8+$0x160] =	vst v13  }
0xb7: {  	v11 =	vmov s11;
	v13 =	vld.idx.msk [tilespmem:v8+s31+$0x0], $0xffff;
	[tilespmem:s8+$0x180] =	vst v9;
	v8 =	vmul.f32 v15, v7  }
0xb8: {  	v9 =	vand.u32 $0xFFFFFFFD, v11;
	[tilespmem:s8+$0x190] =	vst v10;
	v10 =	vmul.f32 v15, v6  }
0xb9: {  	v14 =	vbroadcast v9, $0x0;
	[tilespmem:s8+$0x1A0] =	vst v8;
	v8 =	vmul.f32 v15, v5  }
0xba: {  	v9 =	vmul.f32 v15, v2;
	[tilespmem:s8+$0x1B0] =	vst v10;
	v10 =	vmul.f32 v15, v3  }
0xbb: {  	v11 =	vmul.f32 v15, v4;
	v17 =	vmul.f32 v16, v0;
	[tilespmem:s8+$0x1C0] =	vst v8  }
0xbc: {  	v18 =	vmul.f32 v16, v1;
	v19 =	vmul.f32 v16, v7;
	[tilespmem:s8+$0x1D0] =	vst v9  }
0xbd: {  	v8 =	vmul.f32 v13, v0;
	v15 =	vmul.f32 v13, v4;
	[tilespmem:s8+$0x1E0] =	vst v10  }
0xbe: {  	v9 =	vmul.f32 v13, v1;
	v10 =	vmul.f32 v13, v7;
	[tilespmem:s8+$0x1F0] =	vst v11;
	s8 =	sadd.s32 $0x200, s8  }
0xbf: {  	v12 =	vmul.f32 v13, v5;
	v11 =	vmul.f32 v13, v6;
	[tilespmem:s8+$0x170] =	vst v15  }
0xc0: {  	[tilespmem:s8+$0x0] =	vst v17;
	v15 =	vld.idx.msk [tilespmem:v14+s31+$0x0], $0xffff;
	v14 =	vmul.f32 v13, v2;
	v13 =	vmul.f32 v13, v3  }
0xc1: {  	v17 =	vmul.f32 v16, v6;
	[tilespmem:s8+$0x10] =	vst v18  }
0xc2: {  	v18 =	vmul.f32 v16, v5;
	[tilespmem:s8+$0x20] =	vst v19  }
0xc3: {  	[tilespmem:s8+$0x30] =	vst v17;
	v17 =	vmul.f32 v16, v2  }
0xc4: {  	[tilespmem:s8+$0x40] =	vst v18;
	v18 =	vmul.f32 v16, v3  }
0xc5: {  	v16 =	vmul.f32 v16, v4;
	[tilespmem:s8+$0x50] =	vst v17  }
0xc6: {  	v17 =	vmul.f32 v15, v0;
	[tilespmem:s8+$0x60] =	vst v18  }
.Ltmp1:
0xc7: {  	[tilespmem:s8+$0x70] =	vst v16;
	v16 =	vmul.f32 v15, v1;
	(pc) =	sbr.rel @p0 .LBB2_4-.Ltmp1, $4  }
0xc8: {  	[tilespmem:s8+$0x80] =	vst v17;
	v17 =	vmul.f32 v15, v7  }
0xc9: {  	s10 =	sadd.s32 $0xBF, s10;
	v18 =	vmul.f32 v15, v6;
	[tilespmem:s8+$0x90] =	vst v16  }
0xca: {  	v16 =	vmov s10;
	[tilespmem:s8+$0xA0] =	vst v17;
	v17 =	vmul.f32 v15, v5  }
0xcb: {  	[tilespmem:s8+$0xB0] =	vst v18;
	v18 =	vmul.f32 v15, v2  }
0xcc: {  	[tilespmem:s8+$0xC0] =	vst v17  }
0xcd: {  	[tilespmem:s8+$0x100] =	vst v8  }
0xce: {  	v17 =	vmul.f32 v15, v3;
	v15 =	vmul.f32 v15, v4;
	[tilespmem:s8+$0x110] =	vst v9  }
0xcf: {  	[tilespmem:s8+$0x120] =	vst v10  }
0xd0: {  	[tilespmem:s8+$0xF0] =	vst v15;
	v15 =	vld.idx.msk [tilespmem:v16+s31+$0x0], $0xffff  }
0xd1: {  	[tilespmem:s8+$0x130] =	vst v11  }
0xd2: {  	[tilespmem:s8+$0x140] =	vst v12  }
0xd3: {  	[tilespmem:s8+$0x150] =	vst v14  }
0xd4: {  	[tilespmem:s8+$0x160] =	vst v13  }
0xd5: {  	[tilespmem:s8+$0xD0] =	vst v18;
	v8 =	vmul.f32 v15, v0  }
0xd6: {  	[tilespmem:s8+$0xE0] =	vst v17;
	v9 =	vmul.f32 v15, v1  }
0xd7: {  	v10 =	vmul.f32 v15, v3;
	[tilespmem:s8+$0x180] =	vst v8  }
0xd8: {  	v8 =	vmul.f32 v15, v7;
	[tilespmem:s8+$0x190] =	vst v9  }
0xd9: {  	v9 =	vmul.f32 v15, v6;
	[tilespmem:s8+$0x1E0] =	vst v10  }
0xda: {  	[tilespmem:s8+$0x1A0] =	vst v8;
	v8 =	vmul.f32 v15, v5  }
0xdb: {  	s9 =	simm.s32 $0x172;
	[tilespmem:s8+$0x1B0] =	vst v9;
	v9 =	vmul.f32 v15, v2  }
0xdc: {  	s10 =	simm.s32 $0x170;
	v11 =	vmul.f32 v15, v4;
	[tilespmem:s8+$0x1C0] =	vst v8;
	v8 =	vmov s9  }
0xdd: {  	[tilespmem:s8+$0x1D0] =	vst v9;
	v9 =	vmov s10;
	v8 =	vand.u32 $0xFFFFFFFE, v8  }
0xde: {  	[tilespmem:s8+$0x1F0] =	vst v11;
	v9 =	vand.u32 $0xFFFFFFFC, v9;
	v8 =	vbroadcast v8, $0x0  }
0xdf: {  	s8 =	rddreg [dreg:$0x9];
	v9 =	vbroadcast v9, $0x0  }
0xe0: {  	[hbm4b:s8+s4] =	stream.linear.scatter [tilespmem:s2], [sflag:$0x3], $0x5C00, $0x38;
	[tilespmem:$0x1C700] =	vst v63  }
0xe1: {  	_ =	swait.ge [sflag:s30], $0x5C00  }
0xe2: {  	[sflag:s30] =	ssyncset.done $0x0  }
0xe3: {  	[sflag:s30] =	ssyncadd.s32 $0xFFFFA400  }
0xe4: {  	s10 =	simm.s32 $0x171;
	v13 =	vld.idx.msk [tilespmem:v8+s31+$0x0], $0xffff  }
0xe5: {  	v9 =	vld.idx.msk [tilespmem:v9+s31+$0x0], $0xffff;
	v8 =	vmov s10  }
0xe6: {  	v8 =	vand.u32 $0xFFFFFFFD, v8  }
0xe7: {  	v8 =	vbroadcast v8, $0x0;
	_ =	sdelay $0x1  }
0xe8: {  	v10 =	vmul.f32 v13, v4  }
0xe9: {  	s8 =	simm.s32 $0x11000;
	v11 =	vmul.f32 v9, v0  }
0xea: {  	v12 =	vmul.f32 v9, v1;
	[tilespmem:s8+$0x70] =	vst v10  }
0xeb: {  	v10 =	vmul.f32 v9, v7;
	[tilespmem:s8+$0xFFFFFF00] =	vst v11  }
0xec: {  	[tilespmem:s8+$0xFFFFFF10] =	vst v12;
	v11 =	vmul.f32 v9, v2;
	v15 =	vld.idx.msk [tilespmem:v8+s31+$0x0], $0xffff  }
0xed: {  	v8 =	vmul.f32 v9, v6;
	[tilespmem:s8+$0xFFFFFF20] =	vst v10  }
0xee: {  	v10 =	vmul.f32 v9, v5;
	[tilespmem:s8+$0xFFFFFF50] =	vst v11  }
0xef: {  	v11 =	vmul.f32 v9, v4;
	[tilespmem:s8+$0xFFFFFF30] =	vst v8  }
0xf0: {  	v8 =	vmul.f32 v13, v0;
	[tilespmem:s8+$0xFFFFFF40] =	vst v10;
	v10 =	vmul.f32 v9, v3  }
0xf1: {  	v9 =	vmul.f32 v13, v1;
	[tilespmem:s8+$0xFFFFFF70] =	vst v11;
	v12 =	vmul.f32 v15, v0  }
0xf2: {  	v11 =	vmul.f32 v13, v6;
	[tilespmem:s8+$0xFFFFFF60] =	vst v10;
	v14 =	vmul.f32 v15, v1  }
0xf3: {  	v10 =	vmul.f32 v13, v7;
	v16 =	vmul.f32 v15, v7;
	[tilespmem:s8+$0xFFFFFF80] =	vst v12  }
0xf4: {  	s11 =	simm.s32 $0x173;
	v18 =	vmul.f32 v15, v6;
	v17 =	vmul.f32 v15, v5;
	[tilespmem:s8+$0xFFFFFF90] =	vst v14  }
0xf5: {  	v12 =	vmul.f32 v13, v5;
	v14 =	vmul.f32 v13, v2;
	[tilespmem:s8+$0xFFFFFFA0] =	vst v16;
	v16 =	vmov s11  }
0xf6: {  	s9 =	simm.s32 $0x0;
	v13 =	vmul.f32 v13, v3;
	[tilespmem:s8+$0xFFFFFFB0] =	vst v18;
	v18 =	vmul.f32 v15, v2  }
.LBB2_6:
0xf7: {  	s11 =	sadd.s32 $0x174, s9;
	[tilespmem:s8+$0xFFFFFFC0] =	vst v17;
	v17 =	vmul.f32 v15, v3;
	s10 =	smov.u32 s9  }
0xf8: {  	v15 =	vmul.f32 v15, v4;
	v19 =	vmov s11;
	[tilespmem:s8+$0xFFFFFFD0] =	vst v18  }
0xf9: {  	s9 =	sadd.s32 $0x4, s9;
	s11 =	sadd.s32 $0x176, s10;
	v18 =	vand.u32 $0xFFFFFFFC, v19;
	[tilespmem:s8+$0xFFFFFFE0] =	vst v17  }
0xfa: {  	p0 =	slt.u32 s9, $0xB4;
	v17 =	vbroadcast v18, $0x0;
	v18 =	vmov s11;
	[tilespmem:s8+$0xFFFFFFF0] =	vst v15;
	v15 =	vld.idx.msk [tilespmem:v16+s31+$0x0], $0xffff  }
0xfb: {  	v16 =	vand.u32 $0xFFFFFFFE, v18;
	[tilespmem:s8+$0x0] =	vst v8  }
0xfc: {  	v8 =	vbroadcast v16, $0x0;
	[tilespmem:s8+$0x10] =	vst v9  }
0xfd: {  	[tilespmem:s8+$0x20] =	vst v10  }
0xfe: {  	[tilespmem:s8+$0x30] =	vst v11  }
0xff: {  	[tilespmem:s8+$0x40] =	vst v12  }
0x100: {  	v9 =	vmul.f32 v15, v0;
	v16 =	vld.idx.msk [tilespmem:v17+s31+$0x0], $0xffff;
	[tilespmem:s8+$0x50] =	vst v14  }
0x101: {  	s11 =	sadd.s32 $0x175, s10;
	v10 =	vmul.f32 v15, v1;
	[tilespmem:s8+$0x60] =	vst v13  }
0x102: {  	v11 =	vmov s11;
	v13 =	vld.idx.msk [tilespmem:v8+s31+$0x0], $0xffff;
	[tilespmem:s8+$0x80] =	vst v9;
	v8 =	vmul.f32 v15, v7  }
0x103: {  	v9 =	vand.u32 $0xFFFFFFFD, v11;
	[tilespmem:s8+$0x90] =	vst v10;
	v10 =	vmul.f32 v15, v6  }
0x104: {  	v14 =	vbroadcast v9, $0x0;
	[tilespmem:s8+$0xA0] =	vst v8;
	v8 =	vmul.f32 v15, v5  }
0x105: {  	v9 =	vmul.f32 v15, v2;
	[tilespmem:s8+$0xB0] =	vst v10;
	v10 =	vmul.f32 v15, v3  }
0x106: {  	v11 =	vmul.f32 v15, v4;
	v17 =	vmul.f32 v16, v0;
	[tilespmem:s8+$0xC0] =	vst v8  }
0x107: {  	v18 =	vmul.f32 v16, v1;
	v19 =	vmul.f32 v16, v7;
	[tilespmem:s8+$0xD0] =	vst v9  }
0x108: {  	v8 =	vmul.f32 v13, v0;
	v15 =	vmul.f32 v13, v4;
	[tilespmem:s8+$0xE0] =	vst v10  }
0x109: {  	v9 =	vmul.f32 v13, v1;
	v10 =	vmul.f32 v13, v7;
	[tilespmem:s8+$0xF0] =	vst v11;
	s8 =	sadd.s32 $0x200, s8  }
0x10a: {  	v12 =	vmul.f32 v13, v5;
	v11 =	vmul.f32 v13, v6;
	[tilespmem:s8+$0x70] =	vst v15  }
0x10b: {  	[tilespmem:s8+$0xFFFFFF00] =	vst v17;
	v15 =	vld.idx.msk [tilespmem:v14+s31+$0x0], $0xffff;
	v14 =	vmul.f32 v13, v2;
	v13 =	vmul.f32 v13, v3  }
0x10c: {  	v17 =	vmul.f32 v16, v6;
	[tilespmem:s8+$0xFFFFFF10] =	vst v18  }
0x10d: {  	v18 =	vmul.f32 v16, v5;
	[tilespmem:s8+$0xFFFFFF20] =	vst v19  }
0x10e: {  	[tilespmem:s8+$0xFFFFFF30] =	vst v17;
	v17 =	vmul.f32 v16, v2  }
0x10f: {  	[tilespmem:s8+$0xFFFFFF40] =	vst v18;
	v18 =	vmul.f32 v16, v3  }
0x110: {  	v16 =	vmul.f32 v16, v4;
	[tilespmem:s8+$0xFFFFFF50] =	vst v17  }
0x111: {  	v17 =	vmul.f32 v15, v0;
	[tilespmem:s8+$0xFFFFFF60] =	vst v18  }
.Ltmp2:
0x112: {  	[tilespmem:s8+$0xFFFFFF70] =	vst v16;
	v16 =	vmul.f32 v15, v1;
	(pc) =	sbr.rel @p0 .LBB2_6-.Ltmp2, $4  }
0x113: {  	[tilespmem:s8+$0xFFFFFF80] =	vst v17;
	v17 =	vmul.f32 v15, v7  }
0x114: {  	s10 =	sadd.s32 $0x177, s10;
	v18 =	vmul.f32 v15, v6;
	[tilespmem:s8+$0xFFFFFF90] =	vst v16  }
0x115: {  	v16 =	vmov s10;
	[tilespmem:s8+$0xFFFFFFA0] =	vst v17;
	v17 =	vmul.f32 v15, v5  }
0x116: {  	[tilespmem:s8+$0xFFFFFFB0] =	vst v18;
	v18 =	vmul.f32 v15, v2  }
0x117: {  	[tilespmem:s8+$0xFFFFFFC0] =	vst v17  }
0x118: {  	[tilespmem:s8+$0x0] =	vst v8  }
0x119: {  	v17 =	vmul.f32 v15, v3;
	v15 =	vmul.f32 v15, v4;
	[tilespmem:s8+$0x10] =	vst v9  }
0x11a: {  	[tilespmem:s8+$0x20] =	vst v10  }
0x11b: {  	[tilespmem:s8+$0xFFFFFFF0] =	vst v15;
	v15 =	vld.idx.msk [tilespmem:v16+s31+$0x0], $0xffff  }
0x11c: {  	[tilespmem:s8+$0x30] =	vst v11  }
0x11d: {  	[tilespmem:s8+$0x40] =	vst v12  }
0x11e: {  	[tilespmem:s8+$0x50] =	vst v14  }
0x11f: {  	[tilespmem:s8+$0x60] =	vst v13  }
0x120: {  	[tilespmem:s8+$0xFFFFFFD0] =	vst v18;
	v8 =	vmul.f32 v15, v0  }
0x121: {  	[tilespmem:s8+$0xFFFFFFE0] =	vst v17;
	v9 =	vmul.f32 v15, v1  }
0x122: {  	v10 =	vmul.f32 v15, v3;
	[tilespmem:s8+$0x80] =	vst v8  }
0x123: {  	v8 =	vmul.f32 v15, v7;
	[tilespmem:s8+$0x90] =	vst v9  }
0x124: {  	v9 =	vmul.f32 v15, v6;
	[tilespmem:s8+$0xE0] =	vst v10  }
0x125: {  	[tilespmem:s8+$0xA0] =	vst v8;
	v8 =	vmul.f32 v15, v5  }
0x126: {  	s9 =	simm.s32 $0x22A;
	[tilespmem:s8+$0xB0] =	vst v9;
	v9 =	vmul.f32 v15, v2  }
0x127: {  	s10 =	simm.s32 $0x228;
	v11 =	vmul.f32 v15, v4;
	[tilespmem:s8+$0xC0] =	vst v8;
	v8 =	vmov s9  }
0x128: {  	[tilespmem:s8+$0xD0] =	vst v9;
	v9 =	vmov s10;
	v8 =	vand.u32 $0xFFFFFFFE, v8  }
0x129: {  	[tilespmem:s8+$0xF0] =	vst v11;
	v9 =	vand.u32 $0xFFFFFFFC, v9;
	v8 =	vbroadcast v8, $0x0  }
0x12a: {  	s8 =	rddreg [dreg:$0xa];
	v9 =	vbroadcast v9, $0x0  }
0x12b: {  	[hbm4b:s8+s4] =	stream.linear.scatter [tilespmem:s1], [sflag:$0x2], $0x5C00, $0x38;
	[tilespmem:$0x1C700] =	vst v63  }
0x12c: {  	_ =	swait.ge [sflag:s29], $0x5C00  }
0x12d: {  	[sflag:s29] =	ssyncset.done $0x0  }
0x12e: {  	[sflag:s29] =	ssyncadd.s32 $0xFFFFA400  }
0x12f: {  	s10 =	simm.s32 $0x229;
	v13 =	vld.idx.msk [tilespmem:v8+s31+$0x0], $0xffff  }
0x130: {  	v9 =	vld.idx.msk [tilespmem:v9+s31+$0x0], $0xffff;
	v8 =	vmov s10  }
0x131: {  	v8 =	vand.u32 $0xFFFFFFFD, v8  }
0x132: {  	v8 =	vbroadcast v8, $0x0;
	_ =	sdelay $0x1  }
0x133: {  	v10 =	vmul.f32 v13, v4  }
0x134: {  	s8 =	simm.s32 $0x16B00;
	v11 =	vmul.f32 v9, v0  }
0x135: {  	v12 =	vmul.f32 v9, v1;
	[tilespmem:s8+$0x170] =	vst v10  }
0x136: {  	v10 =	vmul.f32 v9, v7;
	[tilespmem:s8+$0x0] =	vst v11  }
0x137: {  	[tilespmem:s8+$0x10] =	vst v12;
	v11 =	vmul.f32 v9, v2;
	v15 =	vld.idx.msk [tilespmem:v8+s31+$0x0], $0xffff  }
0x138: {  	v8 =	vmul.f32 v9, v6;
	[tilespmem:s8+$0x20] =	vst v10  }
0x139: {  	v10 =	vmul.f32 v9, v5;
	[tilespmem:s8+$0x50] =	vst v11  }
0x13a: {  	v11 =	vmul.f32 v9, v4;
	[tilespmem:s8+$0x30] =	vst v8  }
0x13b: {  	v8 =	vmul.f32 v13, v0;
	[tilespmem:s8+$0x40] =	vst v10;
	v10 =	vmul.f32 v9, v3  }
0x13c: {  	v9 =	vmul.f32 v13, v1;
	[tilespmem:s8+$0x70] =	vst v11;
	v12 =	vmul.f32 v15, v0  }
0x13d: {  	v11 =	vmul.f32 v13, v6;
	[tilespmem:s8+$0x60] =	vst v10;
	v14 =	vmul.f32 v15, v1  }
0x13e: {  	v10 =	vmul.f32 v13, v7;
	v16 =	vmul.f32 v15, v7;
	[tilespmem:s8+$0x80] =	vst v12  }
0x13f: {  	s11 =	simm.s32 $0x22B;
	v18 =	vmul.f32 v15, v6;
	v17 =	vmul.f32 v15, v5;
	[tilespmem:s8+$0x90] =	vst v14  }
0x140: {  	v12 =	vmul.f32 v13, v5;
	v14 =	vmul.f32 v13, v2;
	[tilespmem:s8+$0xA0] =	vst v16;
	v16 =	vmov s11  }
0x141: {  	s9 =	simm.s32 $0x0;
	v13 =	vmul.f32 v13, v3;
	[tilespmem:s8+$0xB0] =	vst v18;
	v18 =	vmul.f32 v15, v2  }
.LBB2_8:
0x142: {  	s11 =	sadd.s32 $0x22C, s9;
	[tilespmem:s8+$0xC0] =	vst v17;
	v17 =	vmul.f32 v15, v3;
	s10 =	smov.u32 s9  }
0x143: {  	v15 =	vmul.f32 v15, v4;
	v19 =	vmov s11;
	[tilespmem:s8+$0xD0] =	vst v18  }
0x144: {  	s9 =	sadd.s32 $0x4, s9;
	s11 =	sadd.s32 $0x22E, s10;
	v18 =	vand.u32 $0xFFFFFFFC, v19;
	[tilespmem:s8+$0xE0] =	vst v17  }
0x145: {  	p0 =	slt.u32 s9, $0xB4;
	v17 =	vbroadcast v18, $0x0;
	v18 =	vmov s11;
	[tilespmem:s8+$0xF0] =	vst v15;
	v15 =	vld.idx.msk [tilespmem:v16+s31+$0x0], $0xffff  }
0x146: {  	v16 =	vand.u32 $0xFFFFFFFE, v18;
	[tilespmem:s8+$0x100] =	vst v8  }
0x147: {  	v8 =	vbroadcast v16, $0x0;
	[tilespmem:s8+$0x110] =	vst v9  }
0x148: {  	[tilespmem:s8+$0x120] =	vst v10  }
0x149: {  	[tilespmem:s8+$0x130] =	vst v11  }
0x14a: {  	[tilespmem:s8+$0x140] =	vst v12  }
0x14b: {  	v9 =	vmul.f32 v15, v0;
	v16 =	vld.idx.msk [tilespmem:v17+s31+$0x0], $0xffff;
	[tilespmem:s8+$0x150] =	vst v14  }
0x14c: {  	s11 =	sadd.s32 $0x22D, s10;
	v10 =	vmul.f32 v15, v1;
	[tilespmem:s8+$0x160] =	vst v13  }
0x14d: {  	v11 =	vmov s11;
	v13 =	vld.idx.msk [tilespmem:v8+s31+$0x0], $0xffff;
	[tilespmem:s8+$0x180] =	vst v9;
	v8 =	vmul.f32 v15, v7  }
0x14e: {  	v9 =	vand.u32 $0xFFFFFFFD, v11;
	[tilespmem:s8+$0x190] =	vst v10;
	v10 =	vmul.f32 v15, v6  }
0x14f: {  	v14 =	vbroadcast v9, $0x0;
	[tilespmem:s8+$0x1A0] =	vst v8;
	v8 =	vmul.f32 v15, v5  }
0x150: {  	v9 =	vmul.f32 v15, v2;
	[tilespmem:s8+$0x1B0] =	vst v10;
	v10 =	vmul.f32 v15, v3  }
0x151: {  	v11 =	vmul.f32 v15, v4;
	v17 =	vmul.f32 v16, v0;
	[tilespmem:s8+$0x1C0] =	vst v8  }
0x152: {  	v18 =	vmul.f32 v16, v1;
	v19 =	vmul.f32 v16, v7;
	[tilespmem:s8+$0x1D0] =	vst v9  }
0x153: {  	v8 =	vmul.f32 v13, v0;
	v15 =	vmul.f32 v13, v4;
	[tilespmem:s8+$0x1E0] =	vst v10  }
0x154: {  	v9 =	vmul.f32 v13, v1;
	v10 =	vmul.f32 v13, v7;
	[tilespmem:s8+$0x1F0] =	vst v11;
	s8 =	sadd.s32 $0x200, s8  }
0x155: {  	v12 =	vmul.f32 v13, v5;
	v11 =	vmul.f32 v13, v6;
	[tilespmem:s8+$0x170] =	vst v15  }
0x156: {  	[tilespmem:s8+$0x0] =	vst v17;
	v15 =	vld.idx.msk [tilespmem:v14+s31+$0x0], $0xffff;
	v14 =	vmul.f32 v13, v2;
	v13 =	vmul.f32 v13, v3  }
0x157: {  	v17 =	vmul.f32 v16, v6;
	[tilespmem:s8+$0x10] =	vst v18  }
0x158: {  	v18 =	vmul.f32 v16, v5;
	[tilespmem:s8+$0x20] =	vst v19  }
0x159: {  	[tilespmem:s8+$0x30] =	vst v17;
	v17 =	vmul.f32 v16, v2  }
0x15a: {  	[tilespmem:s8+$0x40] =	vst v18;
	v18 =	vmul.f32 v16, v3  }
0x15b: {  	v16 =	vmul.f32 v16, v4;
	[tilespmem:s8+$0x50] =	vst v17  }
0x15c: {  	v17 =	vmul.f32 v15, v0;
	[tilespmem:s8+$0x60] =	vst v18  }
.Ltmp3:
0x15d: {  	[tilespmem:s8+$0x70] =	vst v16;
	v16 =	vmul.f32 v15, v1;
	(pc) =	sbr.rel @p0 .LBB2_8-.Ltmp3, $4  }
0x15e: {  	[tilespmem:s8+$0x80] =	vst v17;
	v17 =	vmul.f32 v15, v7  }
0x15f: {  	s10 =	sadd.s32 $0x22F, s10;
	v18 =	vmul.f32 v15, v6;
	[tilespmem:s8+$0x90] =	vst v16  }
0x160: {  	v16 =	vmov s10;
	[tilespmem:s8+$0xA0] =	vst v17;
	v17 =	vmul.f32 v15, v5  }
0x161: {  	[tilespmem:s8+$0xB0] =	vst v18;
	v18 =	vmul.f32 v15, v2  }
0x162: {  	[tilespmem:s8+$0xC0] =	vst v17  }
0x163: {  	[tilespmem:s8+$0x100] =	vst v8  }
0x164: {  	v17 =	vmul.f32 v15, v3;
	v15 =	vmul.f32 v15, v4;
	[tilespmem:s8+$0x110] =	vst v9  }
0x165: {  	[tilespmem:s8+$0x120] =	vst v10  }
0x166: {  	[tilespmem:s8+$0xF0] =	vst v15;
	v15 =	vld.idx.msk [tilespmem:v16+s31+$0x0], $0xffff  }
0x167: {  	[tilespmem:s8+$0x130] =	vst v11  }
0x168: {  	[tilespmem:s8+$0x140] =	vst v12  }
0x169: {  	[tilespmem:s8+$0x150] =	vst v14  }
0x16a: {  	[tilespmem:s8+$0x160] =	vst v13  }
0x16b: {  	[tilespmem:s8+$0xD0] =	vst v18;
	v8 =	vmul.f32 v15, v0  }
0x16c: {  	[tilespmem:s8+$0xE0] =	vst v17;
	v9 =	vmul.f32 v15, v1  }
0x16d: {  	v10 =	vmul.f32 v15, v3;
	[tilespmem:s8+$0x180] =	vst v8  }
0x16e: {  	v8 =	vmul.f32 v15, v7;
	[tilespmem:s8+$0x190] =	vst v9  }
0x16f: {  	v9 =	vmul.f32 v15, v6;
	[tilespmem:s8+$0x1E0] =	vst v10  }
0x170: {  	[tilespmem:s8+$0x1A0] =	vst v8;
	v8 =	vmul.f32 v15, v5  }
0x171: {  	s9 =	simm.s32 $0x2E2;
	[tilespmem:s8+$0x1B0] =	vst v9;
	v9 =	vmul.f32 v15, v2  }
0x172: {  	s10 =	simm.s32 $0x2E0;
	v11 =	vmul.f32 v15, v4;
	[tilespmem:s8+$0x1C0] =	vst v8;
	v8 =	vmov s9  }
0x173: {  	[tilespmem:s8+$0x1D0] =	vst v9;
	v9 =	vmov s10;
	v8 =	vand.u32 $0xFFFFFFFE, v8  }
0x174: {  	[tilespmem:s8+$0x1F0] =	vst v11;
	v9 =	vand.u32 $0xFFFFFFFC, v9;
	v8 =	vbroadcast v8, $0x0  }
0x175: {  	s8 =	rddreg [dreg:$0xb];
	v9 =	vbroadcast v9, $0x0  }
0x176: {  	[hbm4b:s8+s4] =	stream.linear.scatter [tilespmem:s2], [sflag:$0x3], $0x5C00, $0x38;
	[tilespmem:$0x1C700] =	vst v63  }
0x177: {  	_ =	swait.ge [sflag:s30], $0x5C00  }
0x178: {  	[sflag:s30] =	ssyncset.done $0x0  }
0x179: {  	[sflag:s30] =	ssyncadd.s32 $0xFFFFA400  }
0x17a: {  	s10 =	simm.s32 $0x2E1;
	v13 =	vld.idx.msk [tilespmem:v8+s31+$0x0], $0xffff  }
0x17b: {  	v9 =	vld.idx.msk [tilespmem:v9+s31+$0x0], $0xffff;
	v8 =	vmov s10  }
0x17c: {  	v8 =	vand.u32 $0xFFFFFFFD, v8  }
0x17d: {  	v8 =	vbroadcast v8, $0x0;
	_ =	sdelay $0x1  }
0x17e: {  	v10 =	vmul.f32 v13, v4  }
0x17f: {  	s8 =	simm.s32 $0x11000;
	v11 =	vmul.f32 v9, v0  }
0x180: {  	v12 =	vmul.f32 v9, v1;
	[tilespmem:s8+$0x70] =	vst v10  }
0x181: {  	v10 =	vmul.f32 v9, v7;
	[tilespmem:s8+$0xFFFFFF00] =	vst v11  }
0x182: {  	[tilespmem:s8+$0xFFFFFF10] =	vst v12;
	v11 =	vmul.f32 v9, v2;
	v15 =	vld.idx.msk [tilespmem:v8+s31+$0x0], $0xffff  }
0x183: {  	v8 =	vmul.f32 v9, v6;
	[tilespmem:s8+$0xFFFFFF20] =	vst v10  }
0x184: {  	v10 =	vmul.f32 v9, v5;
	[tilespmem:s8+$0xFFFFFF50] =	vst v11  }
0x185: {  	v11 =	vmul.f32 v9, v4;
	[tilespmem:s8+$0xFFFFFF30] =	vst v8  }
0x186: {  	v8 =	vmul.f32 v13, v0;
	[tilespmem:s8+$0xFFFFFF40] =	vst v10;
	v10 =	vmul.f32 v9, v3  }
0x187: {  	v9 =	vmul.f32 v13, v1;
	[tilespmem:s8+$0xFFFFFF70] =	vst v11;
	v12 =	vmul.f32 v15, v0  }
0x188: {  	v11 =	vmul.f32 v13, v6;
	[tilespmem:s8+$0xFFFFFF60] =	vst v10;
	v14 =	vmul.f32 v15, v1  }
0x189: {  	v10 =	vmul.f32 v13, v7;
	v16 =	vmul.f32 v15, v7;
	[tilespmem:s8+$0xFFFFFF80] =	vst v12  }
0x18a: {  	s11 =	simm.s32 $0x2E3;
	v18 =	vmul.f32 v15, v6;
	v17 =	vmul.f32 v15, v5;
	[tilespmem:s8+$0xFFFFFF90] =	vst v14  }
0x18b: {  	v12 =	vmul.f32 v13, v5;
	v14 =	vmul.f32 v13, v2;
	[tilespmem:s8+$0xFFFFFFA0] =	vst v16;
	v16 =	vmov s11  }
0x18c: {  	s9 =	simm.s32 $0x0;
	v13 =	vmul.f32 v13, v3;
	[tilespmem:s8+$0xFFFFFFB0] =	vst v18;
	v18 =	vmul.f32 v15, v2  }
.LBB2_10:
0x18d: {  	s11 =	sadd.s32 $0x2E4, s9;
	[tilespmem:s8+$0xFFFFFFC0] =	vst v17;
	v17 =	vmul.f32 v15, v3;
	s10 =	smov.u32 s9  }
0x18e: {  	v15 =	vmul.f32 v15, v4;
	v19 =	vmov s11;
	[tilespmem:s8+$0xFFFFFFD0] =	vst v18  }
0x18f: {  	s9 =	sadd.s32 $0x4, s9;
	s11 =	sadd.s32 $0x2E6, s10;
	v18 =	vand.u32 $0xFFFFFFFC, v19;
	[tilespmem:s8+$0xFFFFFFE0] =	vst v17  }
0x190: {  	p0 =	slt.u32 s9, $0xB4;
	v17 =	vbroadcast v18, $0x0;
	v18 =	vmov s11;
	[tilespmem:s8+$0xFFFFFFF0] =	vst v15;
	v15 =	vld.idx.msk [tilespmem:v16+s31+$0x0], $0xffff  }
0x191: {  	v16 =	vand.u32 $0xFFFFFFFE, v18;
	[tilespmem:s8+$0x0] =	vst v8  }
0x192: {  	v8 =	vbroadcast v16, $0x0;
	[tilespmem:s8+$0x10] =	vst v9  }
0x193: {  	[tilespmem:s8+$0x20] =	vst v10  }
0x194: {  	[tilespmem:s8+$0x30] =	vst v11  }
0x195: {  	[tilespmem:s8+$0x40] =	vst v12  }
0x196: {  	v9 =	vmul.f32 v15, v0;
	v16 =	vld.idx.msk [tilespmem:v17+s31+$0x0], $0xffff;
	[tilespmem:s8+$0x50] =	vst v14  }
0x197: {  	s11 =	sadd.s32 $0x2E5, s10;
	v10 =	vmul.f32 v15, v1;
	[tilespmem:s8+$0x60] =	vst v13  }
0x198: {  	v11 =	vmov s11;
	v13 =	vld.idx.msk [tilespmem:v8+s31+$0x0], $0xffff;
	[tilespmem:s8+$0x80] =	vst v9;
	v8 =	vmul.f32 v15, v7  }
0x199: {  	v9 =	vand.u32 $0xFFFFFFFD, v11;
	[tilespmem:s8+$0x90] =	vst v10;
	v10 =	vmul.f32 v15, v6  }
0x19a: {  	v14 =	vbroadcast v9, $0x0;
	[tilespmem:s8+$0xA0] =	vst v8;
	v8 =	vmul.f32 v15, v5  }
0x19b: {  	v9 =	vmul.f32 v15, v2;
	[tilespmem:s8+$0xB0] =	vst v10;
	v10 =	vmul.f32 v15, v3  }
0x19c: {  	v11 =	vmul.f32 v15, v4;
	v17 =	vmul.f32 v16, v0;
	[tilespmem:s8+$0xC0] =	vst v8  }
0x19d: {  	v18 =	vmul.f32 v16, v1;
	v19 =	vmul.f32 v16, v7;
	[tilespmem:s8+$0xD0] =	vst v9  }
0x19e: {  	v8 =	vmul.f32 v13, v0;
	v15 =	vmul.f32 v13, v4;
	[tilespmem:s8+$0xE0] =	vst v10  }
0x19f: {  	v9 =	vmul.f32 v13, v1;
	v10 =	vmul.f32 v13, v7;
	[tilespmem:s8+$0xF0] =	vst v11;
	s8 =	sadd.s32 $0x200, s8  }
0x1a0: {  	v12 =	vmul.f32 v13, v5;
	v11 =	vmul.f32 v13, v6;
	[tilespmem:s8+$0x70] =	vst v15  }
0x1a1: {  	[tilespmem:s8+$0xFFFFFF00] =	vst v17;
	v15 =	vld.idx.msk [tilespmem:v14+s31+$0x0], $0xffff;
	v14 =	vmul.f32 v13, v2;
	v13 =	vmul.f32 v13, v3  }
0x1a2: {  	v17 =	vmul.f32 v16, v6;
	[tilespmem:s8+$0xFFFFFF10] =	vst v18  }
0x1a3: {  	v18 =	vmul.f32 v16, v5;
	[tilespmem:s8+$0xFFFFFF20] =	vst v19  }
0x1a4: {  	[tilespmem:s8+$0xFFFFFF30] =	vst v17;
	v17 =	vmul.f32 v16, v2  }
0x1a5: {  	[tilespmem:s8+$0xFFFFFF40] =	vst v18;
	v18 =	vmul.f32 v16, v3  }
0x1a6: {  	v16 =	vmul.f32 v16, v4;
	[tilespmem:s8+$0xFFFFFF50] =	vst v17  }
0x1a7: {  	v17 =	vmul.f32 v15, v0;
	[tilespmem:s8+$0xFFFFFF60] =	vst v18  }
.Ltmp4:
0x1a8: {  	[tilespmem:s8+$0xFFFFFF70] =	vst v16;
	v16 =	vmul.f32 v15, v1;
	(pc) =	sbr.rel @p0 .LBB2_10-.Ltmp4, $4  }
0x1a9: {  	[tilespmem:s8+$0xFFFFFF80] =	vst v17;
	v17 =	vmul.f32 v15, v7  }
0x1aa: {  	s10 =	sadd.s32 $0x2E7, s10;
	v18 =	vmul.f32 v15, v6;
	[tilespmem:s8+$0xFFFFFF90] =	vst v16  }
0x1ab: {  	v16 =	vmov s10;
	[tilespmem:s8+$0xFFFFFFA0] =	vst v17;
	v17 =	vmul.f32 v15, v5  }
0x1ac: {  	[tilespmem:s8+$0xFFFFFFB0] =	vst v18;
	v18 =	vmul.f32 v15, v2  }
0x1ad: {  	[tilespmem:s8+$0xFFFFFFC0] =	vst v17  }
0x1ae: {  	[tilespmem:s8+$0x0] =	vst v8  }
0x1af: {  	v17 =	vmul.f32 v15, v3;
	v15 =	vmul.f32 v15, v4;
	[tilespmem:s8+$0x10] =	vst v9  }
0x1b0: {  	[tilespmem:s8+$0x20] =	vst v10  }
0x1b1: {  	[tilespmem:s8+$0xFFFFFFF0] =	vst v15;
	v15 =	vld.idx.msk [tilespmem:v16+s31+$0x0], $0xffff  }
0x1b2: {  	[tilespmem:s8+$0x30] =	vst v11  }
0x1b3: {  	[tilespmem:s8+$0x40] =	vst v12  }
0x1b4: {  	[tilespmem:s8+$0x50] =	vst v14  }
0x1b5: {  	[tilespmem:s8+$0x60] =	vst v13  }
0x1b6: {  	[tilespmem:s8+$0xFFFFFFD0] =	vst v18;
	v8 =	vmul.f32 v15, v0  }
0x1b7: {  	[tilespmem:s8+$0xFFFFFFE0] =	vst v17;
	v9 =	vmul.f32 v15, v1  }
0x1b8: {  	v10 =	vmul.f32 v15, v3;
	[tilespmem:s8+$0x80] =	vst v8  }
0x1b9: {  	v8 =	vmul.f32 v15, v7;
	[tilespmem:s8+$0x90] =	vst v9  }
0x1ba: {  	v9 =	vmul.f32 v15, v6;
	[tilespmem:s8+$0xE0] =	vst v10  }
0x1bb: {  	[tilespmem:s8+$0xA0] =	vst v8;
	v8 =	vmul.f32 v15, v5  }
0x1bc: {  	s9 =	simm.s32 $0x39A;
	[tilespmem:s8+$0xB0] =	vst v9;
	v9 =	vmul.f32 v15, v2  }
0x1bd: {  	s10 =	simm.s32 $0x398;
	v11 =	vmul.f32 v15, v4;
	[tilespmem:s8+$0xC0] =	vst v8;
	v8 =	vmov s9  }
0x1be: {  	[tilespmem:s8+$0xD0] =	vst v9;
	v9 =	vmov s10;
	v8 =	vand.u32 $0xFFFFFFFE, v8  }
0x1bf: {  	[tilespmem:s8+$0xF0] =	vst v11;
	v9 =	vand.u32 $0xFFFFFFFC, v9;
	v8 =	vbroadcast v8, $0x0  }
0x1c0: {  	s8 =	rddreg [dreg:$0xc];
	v9 =	vbroadcast v9, $0x0  }
0x1c1: {  	[hbm4b:s8+s4] =	stream.linear.scatter [tilespmem:s1], [sflag:$0x2], $0x5C00, $0x38;
	[tilespmem:$0x1C700] =	vst v63  }
0x1c2: {  	_ =	swait.ge [sflag:s29], $0x5C00  }
0x1c3: {  	[sflag:s29] =	ssyncset.done $0x0  }
0x1c4: {  	[sflag:s29] =	ssyncadd.s32 $0xFFFFA400  }
0x1c5: {  	s10 =	simm.s32 $0x399;
	v13 =	vld.idx.msk [tilespmem:v8+s31+$0x0], $0xffff  }
0x1c6: {  	v9 =	vld.idx.msk [tilespmem:v9+s31+$0x0], $0xffff;
	v8 =	vmov s10  }
0x1c7: {  	v8 =	vand.u32 $0xFFFFFFFD, v8  }
0x1c8: {  	v8 =	vbroadcast v8, $0x0;
	_ =	sdelay $0x1  }
0x1c9: {  	v10 =	vmul.f32 v13, v4  }
0x1ca: {  	s8 =	simm.s32 $0x16B00;
	v11 =	vmul.f32 v9, v0  }
0x1cb: {  	v12 =	vmul.f32 v9, v1;
	[tilespmem:s8+$0x170] =	vst v10  }
0x1cc: {  	v10 =	vmul.f32 v9, v7;
	[tilespmem:s8+$0x0] =	vst v11  }
0x1cd: {  	[tilespmem:s8+$0x10] =	vst v12;
	v11 =	vmul.f32 v9, v2;
	v15 =	vld.idx.msk [tilespmem:v8+s31+$0x0], $0xffff  }
0x1ce: {  	v8 =	vmul.f32 v9, v6;
	[tilespmem:s8+$0x20] =	vst v10  }
0x1cf: {  	v10 =	vmul.f32 v9, v5;
	[tilespmem:s8+$0x50] =	vst v11  }
0x1d0: {  	v11 =	vmul.f32 v9, v4;
	[tilespmem:s8+$0x30] =	vst v8  }
0x1d1: {  	v8 =	vmul.f32 v13, v0;
	[tilespmem:s8+$0x40] =	vst v10;
	v10 =	vmul.f32 v9, v3  }
0x1d2: {  	v9 =	vmul.f32 v13, v1;
	[tilespmem:s8+$0x70] =	vst v11;
	v12 =	vmul.f32 v15, v0  }
0x1d3: {  	v11 =	vmul.f32 v13, v6;
	[tilespmem:s8+$0x60] =	vst v10;
	v14 =	vmul.f32 v15, v1  }
0x1d4: {  	v10 =	vmul.f32 v13, v7;
	v16 =	vmul.f32 v15, v7;
	[tilespmem:s8+$0x80] =	vst v12  }
0x1d5: {  	s11 =	simm.s32 $0x39B;
	v18 =	vmul.f32 v15, v6;
	v17 =	vmul.f32 v15, v5;
	[tilespmem:s8+$0x90] =	vst v14  }
0x1d6: {  	v12 =	vmul.f32 v13, v5;
	v14 =	vmul.f32 v13, v2;
	[tilespmem:s8+$0xA0] =	vst v16;
	v16 =	vmov s11  }
0x1d7: {  	s9 =	simm.s32 $0x0;
	v13 =	vmul.f32 v13, v3;
	[tilespmem:s8+$0xB0] =	vst v18;
	v18 =	vmul.f32 v15, v2  }
.LBB2_12:
0x1d8: {  	s11 =	sadd.s32 $0x39C, s9;
	[tilespmem:s8+$0xC0] =	vst v17;
	v17 =	vmul.f32 v15, v3;
	s10 =	smov.u32 s9  }
0x1d9: {  	v15 =	vmul.f32 v15, v4;
	v19 =	vmov s11;
	[tilespmem:s8+$0xD0] =	vst v18  }
0x1da: {  	s9 =	sadd.s32 $0x4, s9;
	s11 =	sadd.s32 $0x39E, s10;
	v18 =	vand.u32 $0xFFFFFFFC, v19;
	[tilespmem:s8+$0xE0] =	vst v17  }
0x1db: {  	p0 =	slt.u32 s9, $0xB4;
	v17 =	vbroadcast v18, $0x0;
	v18 =	vmov s11;
	[tilespmem:s8+$0xF0] =	vst v15;
	v15 =	vld.idx.msk [tilespmem:v16+s31+$0x0], $0xffff  }
0x1dc: {  	v16 =	vand.u32 $0xFFFFFFFE, v18;
	[tilespmem:s8+$0x100] =	vst v8  }
0x1dd: {  	v8 =	vbroadcast v16, $0x0;
	[tilespmem:s8+$0x110] =	vst v9  }
0x1de: {  	[tilespmem:s8+$0x120] =	vst v10  }
0x1df: {  	[tilespmem:s8+$0x130] =	vst v11  }
0x1e0: {  	[tilespmem:s8+$0x140] =	vst v12  }
0x1e1: {  	v9 =	vmul.f32 v15, v0;
	v16 =	vld.idx.msk [tilespmem:v17+s31+$0x0], $0xffff;
	[tilespmem:s8+$0x150] =	vst v14  }
0x1e2: {  	s11 =	sadd.s32 $0x39D, s10;
	v10 =	vmul.f32 v15, v1;
	[tilespmem:s8+$0x160] =	vst v13  }
0x1e3: {  	v11 =	vmov s11;
	v13 =	vld.idx.msk [tilespmem:v8+s31+$0x0], $0xffff;
	[tilespmem:s8+$0x180] =	vst v9;
	v8 =	vmul.f32 v15, v7  }
0x1e4: {  	v9 =	vand.u32 $0xFFFFFFFD, v11;
	[tilespmem:s8+$0x190] =	vst v10;
	v10 =	vmul.f32 v15, v6  }
0x1e5: {  	v14 =	vbroadcast v9, $0x0;
	[tilespmem:s8+$0x1A0] =	vst v8;
	v8 =	vmul.f32 v15, v5  }
0x1e6: {  	v9 =	vmul.f32 v15, v2;
	[tilespmem:s8+$0x1B0] =	vst v10;
	v10 =	vmul.f32 v15, v3  }
0x1e7: {  	v11 =	vmul.f32 v15, v4;
	v17 =	vmul.f32 v16, v0;
	[tilespmem:s8+$0x1C0] =	vst v8  }
0x1e8: {  	v18 =	vmul.f32 v16, v1;
	v19 =	vmul.f32 v16, v7;
	[tilespmem:s8+$0x1D0] =	vst v9  }
0x1e9: {  	v8 =	vmul.f32 v13, v0;
	v15 =	vmul.f32 v13, v4;
	[tilespmem:s8+$0x1E0] =	vst v10  }
0x1ea: {  	v9 =	vmul.f32 v13, v1;
	v10 =	vmul.f32 v13, v7;
	[tilespmem:s8+$0x1F0] =	vst v11;
	s8 =	sadd.s32 $0x200, s8  }
0x1eb: {  	v12 =	vmul.f32 v13, v5;
	v11 =	vmul.f32 v13, v6;
	[tilespmem:s8+$0x170] =	vst v15  }
0x1ec: {  	[tilespmem:s8+$0x0] =	vst v17;
	v15 =	vld.idx.msk [tilespmem:v14+s31+$0x0], $0xffff;
	v14 =	vmul.f32 v13, v2;
	v13 =	vmul.f32 v13, v3  }
0x1ed: {  	v17 =	vmul.f32 v16, v6;
	[tilespmem:s8+$0x10] =	vst v18  }
0x1ee: {  	v18 =	vmul.f32 v16, v5;
	[tilespmem:s8+$0x20] =	vst v19  }
0x1ef: {  	[tilespmem:s8+$0x30] =	vst v17;
	v17 =	vmul.f32 v16, v2  }
0x1f0: {  	[tilespmem:s8+$0x40] =	vst v18;
	v18 =	vmul.f32 v16, v3  }
0x1f1: {  	v16 =	vmul.f32 v16, v4;
	[tilespmem:s8+$0x50] =	vst v17  }
0x1f2: {  	v17 =	vmul.f32 v15, v0;
	[tilespmem:s8+$0x60] =	vst v18  }
.Ltmp5:
0x1f3: {  	[tilespmem:s8+$0x70] =	vst v16;
	v16 =	vmul.f32 v15, v1;
	(pc) =	sbr.rel @p0 .LBB2_12-.Ltmp5, $4  }
0x1f4: {  	[tilespmem:s8+$0x80] =	vst v17;
	v17 =	vmul.f32 v15, v7  }
0x1f5: {  	s10 =	sadd.s32 $0x39F, s10;
	v18 =	vmul.f32 v15, v6;
	[tilespmem:s8+$0x90] =	vst v16  }
0x1f6: {  	v16 =	vmov s10;
	[tilespmem:s8+$0xA0] =	vst v17;
	v17 =	vmul.f32 v15, v5  }
0x1f7: {  	[tilespmem:s8+$0xB0] =	vst v18;
	v18 =	vmul.f32 v15, v2  }
0x1f8: {  	[tilespmem:s8+$0xC0] =	vst v17  }
0x1f9: {  	[tilespmem:s8+$0x100] =	vst v8  }
0x1fa: {  	v17 =	vmul.f32 v15, v3;
	v15 =	vmul.f32 v15, v4;
	[tilespmem:s8+$0x110] =	vst v9  }
0x1fb: {  	[tilespmem:s8+$0x120] =	vst v10  }
0x1fc: {  	[tilespmem:s8+$0xF0] =	vst v15;
	v15 =	vld.idx.msk [tilespmem:v16+s31+$0x0], $0xffff  }
0x1fd: {  	[tilespmem:s8+$0x130] =	vst v11  }
0x1fe: {  	[tilespmem:s8+$0x140] =	vst v12  }
0x1ff: {  	[tilespmem:s8+$0x150] =	vst v14  }
0x200: {  	[tilespmem:s8+$0x160] =	vst v13  }
0x201: {  	[tilespmem:s8+$0xD0] =	vst v18;
	v8 =	vmul.f32 v15, v0  }
0x202: {  	[tilespmem:s8+$0xE0] =	vst v17;
	v9 =	vmul.f32 v15, v1  }
0x203: {  	[tilespmem:s8+$0x180] =	vst v8;
	v8 =	vmul.f32 v15, v7  }
0x204: {  	[tilespmem:s8+$0x190] =	vst v9;
	v9 =	vmul.f32 v15, v6  }
0x205: {  	[tilespmem:s8+$0x1A0] =	vst v8;
	v8 =	vmul.f32 v15, v5  }
0x206: {  	s9 =	simm.s32 $0x452;
	[tilespmem:s8+$0x1B0] =	vst v9;
	v9 =	vmul.f32 v15, v2  }
0x207: {  	s10 =	simm.s32 $0x450;
	v10 =	vmul.f32 v15, v3;
	[tilespmem:s8+$0x1C0] =	vst v8;
	v8 =	vmov s9  }
0x208: {  	v11 =	vmul.f32 v15, v4;
	[tilespmem:s8+$0x1D0] =	vst v9;
	v9 =	vmov s10;
	v8 =	vand.u32 $0xFFFFFFFE, v8  }
0x209: {  	[tilespmem:s8+$0x1E0] =	vst v10;
	v9 =	vand.u32 $0xFFFFFFFC, v9;
	v8 =	vbroadcast v8, $0x0  }
0x20a: {  	[tilespmem:s8+$0x1F0] =	vst v11;
	v9 =	vbroadcast v9, $0x0  }
0x20b: {  	[hbm4b:s12+s4] =	stream.linear.scatter [tilespmem:s2], [sflag:$0x3], $0x5C00, $0x38;
	[tilespmem:$0x1C700] =	vst v63  }
0x20c: {  	_ =	swait.ge [sflag:s30], $0x5C00  }
0x20d: {  	[sflag:s30] =	ssyncset.done $0x0  }
0x20e: {  	[sflag:s30] =	ssyncadd.s32 $0xFFFFA400  }
0x20f: {  	s10 =	simm.s32 $0x451;
	v13 =	vld.idx.msk [tilespmem:v8+s31+$0x0], $0xffff  }
0x210: {  	v9 =	vld.idx.msk [tilespmem:v9+s31+$0x0], $0xffff;
	v8 =	vmov s10  }
0x211: {  	v8 =	vand.u32 $0xFFFFFFFD, v8  }
0x212: {  	v8 =	vbroadcast v8, $0x0;
	_ =	sdelay $0x1  }
0x213: {  	v10 =	vmul.f32 v13, v4  }
0x214: {  	s8 =	simm.s32 $0x11000;
	v11 =	vmul.f32 v9, v0  }
0x215: {  	v12 =	vmul.f32 v9, v1;
	[tilespmem:s8+$0x70] =	vst v10  }
0x216: {  	v10 =	vmul.f32 v9, v7;
	[tilespmem:s8+$0xFFFFFF00] =	vst v11  }
0x217: {  	[tilespmem:s8+$0xFFFFFF10] =	vst v12;
	v11 =	vmul.f32 v9, v2;
	v15 =	vld.idx.msk [tilespmem:v8+s31+$0x0], $0xffff  }
0x218: {  	v8 =	vmul.f32 v9, v6;
	[tilespmem:s8+$0xFFFFFF20] =	vst v10  }
0x219: {  	v10 =	vmul.f32 v9, v5;
	[tilespmem:s8+$0xFFFFFF50] =	vst v11  }
0x21a: {  	v11 =	vmul.f32 v9, v4;
	[tilespmem:s8+$0xFFFFFF30] =	vst v8  }
0x21b: {  	v8 =	vmul.f32 v13, v0;
	[tilespmem:s8+$0xFFFFFF40] =	vst v10;
	v10 =	vmul.f32 v9, v3  }
0x21c: {  	v9 =	vmul.f32 v13, v1;
	[tilespmem:s8+$0xFFFFFF70] =	vst v11;
	v12 =	vmul.f32 v15, v0  }
0x21d: {  	v11 =	vmul.f32 v13, v6;
	[tilespmem:s8+$0xFFFFFF60] =	vst v10;
	v14 =	vmul.f32 v15, v1  }
0x21e: {  	v10 =	vmul.f32 v13, v7;
	v16 =	vmul.f32 v15, v7;
	[tilespmem:s8+$0xFFFFFF80] =	vst v12  }
0x21f: {  	s11 =	simm.s32 $0x453;
	v18 =	vmul.f32 v15, v6;
	v17 =	vmul.f32 v15, v5;
	[tilespmem:s8+$0xFFFFFF90] =	vst v14  }
0x220: {  	v12 =	vmul.f32 v13, v5;
	v14 =	vmul.f32 v13, v2;
	[tilespmem:s8+$0xFFFFFFA0] =	vst v16;
	v16 =	vmov s11  }
0x221: {  	s9 =	simm.s32 $0x0;
	v13 =	vmul.f32 v13, v3;
	[tilespmem:s8+$0xFFFFFFB0] =	vst v18;
	v18 =	vmul.f32 v15, v2  }
.LBB2_14:
0x222: {  	s11 =	sadd.s32 $0x454, s9;
	[tilespmem:s8+$0xFFFFFFC0] =	vst v17;
	v17 =	vmul.f32 v15, v3;
	s10 =	smov.u32 s9  }
0x223: {  	v15 =	vmul.f32 v15, v4;
	v19 =	vmov s11;
	[tilespmem:s8+$0xFFFFFFD0] =	vst v18  }
0x224: {  	s9 =	sadd.s32 $0x4, s9;
	s11 =	sadd.s32 $0x456, s10;
	v18 =	vand.u32 $0xFFFFFFFC, v19;
	[tilespmem:s8+$0xFFFFFFE0] =	vst v17  }
0x225: {  	p0 =	slt.u32 s9, $0xB4;
	v17 =	vbroadcast v18, $0x0;
	v18 =	vmov s11;
	[tilespmem:s8+$0xFFFFFFF0] =	vst v15;
	v15 =	vld.idx.msk [tilespmem:v16+s31+$0x0], $0xffff  }
0x226: {  	v16 =	vand.u32 $0xFFFFFFFE, v18;
	[tilespmem:s8+$0x0] =	vst v8  }
0x227: {  	v8 =	vbroadcast v16, $0x0;
	[tilespmem:s8+$0x10] =	vst v9  }
0x228: {  	[tilespmem:s8+$0x20] =	vst v10  }
0x229: {  	[tilespmem:s8+$0x30] =	vst v11  }
0x22a: {  	[tilespmem:s8+$0x40] =	vst v12  }
0x22b: {  	v9 =	vmul.f32 v15, v0;
	v16 =	vld.idx.msk [tilespmem:v17+s31+$0x0], $0xffff;
	[tilespmem:s8+$0x50] =	vst v14  }
0x22c: {  	s11 =	sadd.s32 $0x455, s10;
	v10 =	vmul.f32 v15, v1;
	[tilespmem:s8+$0x60] =	vst v13  }
0x22d: {  	v11 =	vmov s11;
	v13 =	vld.idx.msk [tilespmem:v8+s31+$0x0], $0xffff;
	[tilespmem:s8+$0x80] =	vst v9;
	v8 =	vmul.f32 v15, v7  }
0x22e: {  	v9 =	vand.u32 $0xFFFFFFFD, v11;
	[tilespmem:s8+$0x90] =	vst v10;
	v10 =	vmul.f32 v15, v6  }
0x22f: {  	v14 =	vbroadcast v9, $0x0;
	[tilespmem:s8+$0xA0] =	vst v8;
	v8 =	vmul.f32 v15, v5  }
0x230: {  	v9 =	vmul.f32 v15, v2;
	[tilespmem:s8+$0xB0] =	vst v10;
	v10 =	vmul.f32 v15, v3  }
0x231: {  	v11 =	vmul.f32 v15, v4;
	v17 =	vmul.f32 v16, v0;
	[tilespmem:s8+$0xC0] =	vst v8  }
0x232: {  	v18 =	vmul.f32 v16, v1;
	v19 =	vmul.f32 v16, v7;
	[tilespmem:s8+$0xD0] =	vst v9  }
0x233: {  	v8 =	vmul.f32 v13, v0;
	v15 =	vmul.f32 v13, v4;
	[tilespmem:s8+$0xE0] =	vst v10  }
0x234: {  	v9 =	vmul.f32 v13, v1;
	v10 =	vmul.f32 v13, v7;
	[tilespmem:s8+$0xF0] =	vst v11;
	s8 =	sadd.s32 $0x200, s8  }
0x235: {  	v12 =	vmul.f32 v13, v5;
	v11 =	vmul.f32 v13, v6;
	[tilespmem:s8+$0x70] =	vst v15  }
0x236: {  	[tilespmem:s8+$0xFFFFFF00] =	vst v17;
	v15 =	vld.idx.msk [tilespmem:v14+s31+$0x0], $0xffff;
	v14 =	vmul.f32 v13, v2;
	v13 =	vmul.f32 v13, v3  }
0x237: {  	v17 =	vmul.f32 v16, v6;
	[tilespmem:s8+$0xFFFFFF10] =	vst v18  }
0x238: {  	v18 =	vmul.f32 v16, v5;
	[tilespmem:s8+$0xFFFFFF20] =	vst v19  }
0x239: {  	[tilespmem:s8+$0xFFFFFF30] =	vst v17;
	v17 =	vmul.f32 v16, v2  }
0x23a: {  	[tilespmem:s8+$0xFFFFFF40] =	vst v18;
	v18 =	vmul.f32 v16, v3  }
0x23b: {  	v16 =	vmul.f32 v16, v4;
	[tilespmem:s8+$0xFFFFFF50] =	vst v17  }
0x23c: {  	v17 =	vmul.f32 v15, v0;
	[tilespmem:s8+$0xFFFFFF60] =	vst v18  }
.Ltmp6:
0x23d: {  	[tilespmem:s8+$0xFFFFFF70] =	vst v16;
	v16 =	vmul.f32 v15, v1;
	(pc) =	sbr.rel @p0 .LBB2_14-.Ltmp6, $4  }
0x23e: {  	[tilespmem:s8+$0xFFFFFF80] =	vst v17;
	v17 =	vmul.f32 v15, v7  }
0x23f: {  	s10 =	sadd.s32 $0x457, s10;
	v18 =	vmul.f32 v15, v6;
	[tilespmem:s8+$0xFFFFFF90] =	vst v16  }
0x240: {  	v16 =	vmov s10;
	[tilespmem:s8+$0xFFFFFFA0] =	vst v17;
	v17 =	vmul.f32 v15, v5  }
0x241: {  	[tilespmem:s8+$0xFFFFFFB0] =	vst v18;
	v18 =	vmul.f32 v15, v2  }
0x242: {  	[tilespmem:s8+$0xFFFFFFC0] =	vst v17  }
0x243: {  	[tilespmem:s8+$0x0] =	vst v8  }
0x244: {  	v17 =	vmul.f32 v15, v3;
	v15 =	vmul.f32 v15, v4;
	[tilespmem:s8+$0x10] =	vst v9  }
0x245: {  	[tilespmem:s8+$0x20] =	vst v10  }
0x246: {  	[tilespmem:s8+$0xFFFFFFF0] =	vst v15;
	v15 =	vld.idx.msk [tilespmem:v16+s31+$0x0], $0xffff  }
0x247: {  	[tilespmem:s8+$0x30] =	vst v11  }
0x248: {  	[tilespmem:s8+$0x40] =	vst v12  }
0x249: {  	[tilespmem:s8+$0x50] =	vst v14  }
0x24a: {  	[tilespmem:s8+$0x60] =	vst v13  }
0x24b: {  	[tilespmem:s8+$0xFFFFFFD0] =	vst v18;
	v8 =	vmul.f32 v15, v0  }
0x24c: {  	[tilespmem:s8+$0xFFFFFFE0] =	vst v17;
	v9 =	vmul.f32 v15, v1  }
0x24d: {  	[tilespmem:s8+$0x80] =	vst v8;
	v8 =	vmul.f32 v15, v7  }
0x24e: {  	[tilespmem:s8+$0x90] =	vst v9;
	v9 =	vmul.f32 v15, v6  }
0x24f: {  	[tilespmem:s8+$0xA0] =	vst v8;
	v8 =	vmul.f32 v15, v5  }
0x250: {  	s9 =	simm.s32 $0x50A;
	[tilespmem:s8+$0xB0] =	vst v9;
	v9 =	vmul.f32 v15, v2  }
0x251: {  	s10 =	simm.s32 $0x508;
	v10 =	vmul.f32 v15, v3;
	[tilespmem:s8+$0xC0] =	vst v8;
	v8 =	vmov s9  }
0x252: {  	v11 =	vmul.f32 v15, v4;
	[tilespmem:s8+$0xD0] =	vst v9;
	v9 =	vmov s10;
	v8 =	vand.u32 $0xFFFFFFFE, v8  }
0x253: {  	[tilespmem:s8+$0xE0] =	vst v10;
	v9 =	vand.u32 $0xFFFFFFFC, v9;
	v8 =	vbroadcast v8, $0x0  }
0x254: {  	[tilespmem:s8+$0xF0] =	vst v11;
	v9 =	vbroadcast v9, $0x0  }
0x255: {  	[hbm4b:s13+s4] =	stream.linear.scatter [tilespmem:s1], [sflag:$0x2], $0x5C00, $0x38;
	[tilespmem:$0x1C700] =	vst v63  }
0x256: {  	_ =	swait.ge [sflag:s29], $0x5C00  }
0x257: {  	[sflag:s29] =	ssyncset.done $0x0  }
0x258: {  	[sflag:s29] =	ssyncadd.s32 $0xFFFFA400  }
0x259: {  	s10 =	simm.s32 $0x509;
	v13 =	vld.idx.msk [tilespmem:v8+s31+$0x0], $0xffff  }
0x25a: {  	v9 =	vld.idx.msk [tilespmem:v9+s31+$0x0], $0xffff;
	v8 =	vmov s10  }
0x25b: {  	v8 =	vand.u32 $0xFFFFFFFD, v8  }
0x25c: {  	v8 =	vbroadcast v8, $0x0;
	_ =	sdelay $0x1  }
0x25d: {  	v10 =	vmul.f32 v13, v4  }
0x25e: {  	s8 =	simm.s32 $0x16B00;
	v11 =	vmul.f32 v9, v0  }
0x25f: {  	v12 =	vmul.f32 v9, v1;
	[tilespmem:s8+$0x170] =	vst v10  }
0x260: {  	v10 =	vmul.f32 v9, v7;
	[tilespmem:s8+$0x0] =	vst v11  }
0x261: {  	[tilespmem:s8+$0x10] =	vst v12;
	v11 =	vmul.f32 v9, v2;
	v15 =	vld.idx.msk [tilespmem:v8+s31+$0x0], $0xffff  }
0x262: {  	v8 =	vmul.f32 v9, v6;
	[tilespmem:s8+$0x20] =	vst v10  }
0x263: {  	v10 =	vmul.f32 v9, v5;
	[tilespmem:s8+$0x50] =	vst v11  }
0x264: {  	v11 =	vmul.f32 v9, v4;
	[tilespmem:s8+$0x30] =	vst v8  }
0x265: {  	v8 =	vmul.f32 v13, v0;
	[tilespmem:s8+$0x40] =	vst v10;
	v10 =	vmul.f32 v9, v3  }
0x266: {  	v9 =	vmul.f32 v13, v1;
	[tilespmem:s8+$0x70] =	vst v11;
	v12 =	vmul.f32 v15, v0  }
0x267: {  	v11 =	vmul.f32 v13, v6;
	[tilespmem:s8+$0x60] =	vst v10;
	v14 =	vmul.f32 v15, v1  }
0x268: {  	v10 =	vmul.f32 v13, v7;
	v16 =	vmul.f32 v15, v7;
	[tilespmem:s8+$0x80] =	vst v12  }
0x269: {  	s11 =	simm.s32 $0x50B;
	v18 =	vmul.f32 v15, v6;
	v17 =	vmul.f32 v15, v5;
	[tilespmem:s8+$0x90] =	vst v14  }
0x26a: {  	v12 =	vmul.f32 v13, v5;
	v14 =	vmul.f32 v13, v2;
	[tilespmem:s8+$0xA0] =	vst v16;
	v16 =	vmov s11  }
0x26b: {  	s9 =	simm.s32 $0x0;
	v13 =	vmul.f32 v13, v3;
	[tilespmem:s8+$0xB0] =	vst v18;
	v18 =	vmul.f32 v15, v2  }
.LBB2_16:
0x26c: {  	s11 =	sadd.s32 $0x50C, s9;
	[tilespmem:s8+$0xC0] =	vst v17;
	v17 =	vmul.f32 v15, v3;
	s10 =	smov.u32 s9  }
0x26d: {  	v15 =	vmul.f32 v15, v4;
	v19 =	vmov s11;
	[tilespmem:s8+$0xD0] =	vst v18  }
0x26e: {  	s9 =	sadd.s32 $0x4, s9;
	s11 =	sadd.s32 $0x50E, s10;
	v18 =	vand.u32 $0xFFFFFFFC, v19;
	[tilespmem:s8+$0xE0] =	vst v17  }
0x26f: {  	p0 =	slt.u32 s9, $0xB4;
	v17 =	vbroadcast v18, $0x0;
	v18 =	vmov s11;
	[tilespmem:s8+$0xF0] =	vst v15;
	v15 =	vld.idx.msk [tilespmem:v16+s31+$0x0], $0xffff  }
0x270: {  	v16 =	vand.u32 $0xFFFFFFFE, v18;
	[tilespmem:s8+$0x100] =	vst v8  }
0x271: {  	v8 =	vbroadcast v16, $0x0;
	[tilespmem:s8+$0x110] =	vst v9  }
0x272: {  	[tilespmem:s8+$0x120] =	vst v10  }
0x273: {  	[tilespmem:s8+$0x130] =	vst v11  }
0x274: {  	[tilespmem:s8+$0x140] =	vst v12  }
0x275: {  	v9 =	vmul.f32 v15, v0;
	v16 =	vld.idx.msk [tilespmem:v17+s31+$0x0], $0xffff;
	[tilespmem:s8+$0x150] =	vst v14  }
0x276: {  	s11 =	sadd.s32 $0x50D, s10;
	v10 =	vmul.f32 v15, v1;
	[tilespmem:s8+$0x160] =	vst v13  }
0x277: {  	v11 =	vmov s11;
	v13 =	vld.idx.msk [tilespmem:v8+s31+$0x0], $0xffff;
	[tilespmem:s8+$0x180] =	vst v9;
	v8 =	vmul.f32 v15, v7  }
0x278: {  	v9 =	vand.u32 $0xFFFFFFFD, v11;
	[tilespmem:s8+$0x190] =	vst v10;
	v10 =	vmul.f32 v15, v6  }
0x279: {  	v14 =	vbroadcast v9, $0x0;
	[tilespmem:s8+$0x1A0] =	vst v8;
	v8 =	vmul.f32 v15, v5  }
0x27a: {  	v9 =	vmul.f32 v15, v2;
	[tilespmem:s8+$0x1B0] =	vst v10;
	v10 =	vmul.f32 v15, v3  }
0x27b: {  	v11 =	vmul.f32 v15, v4;
	v17 =	vmul.f32 v16, v0;
	[tilespmem:s8+$0x1C0] =	vst v8  }
0x27c: {  	v18 =	vmul.f32 v16, v1;
	v19 =	vmul.f32 v16, v7;
	[tilespmem:s8+$0x1D0] =	vst v9  }
0x27d: {  	v8 =	vmul.f32 v13, v0;
	v15 =	vmul.f32 v13, v4;
	[tilespmem:s8+$0x1E0] =	vst v10  }
0x27e: {  	v9 =	vmul.f32 v13, v1;
	v10 =	vmul.f32 v13, v7;
	[tilespmem:s8+$0x1F0] =	vst v11;
	s8 =	sadd.s32 $0x200, s8  }
0x27f: {  	v12 =	vmul.f32 v13, v5;
	v11 =	vmul.f32 v13, v6;
	[tilespmem:s8+$0x170] =	vst v15  }
0x280: {  	[tilespmem:s8+$0x0] =	vst v17;
	v15 =	vld.idx.msk [tilespmem:v14+s31+$0x0], $0xffff;
	v14 =	vmul.f32 v13, v2;
	v13 =	vmul.f32 v13, v3  }
0x281: {  	v17 =	vmul.f32 v16, v6;
	[tilespmem:s8+$0x10] =	vst v18  }
0x282: {  	v18 =	vmul.f32 v16, v5;
	[tilespmem:s8+$0x20] =	vst v19  }
0x283: {  	[tilespmem:s8+$0x30] =	vst v17;
	v17 =	vmul.f32 v16, v2  }
0x284: {  	[tilespmem:s8+$0x40] =	vst v18;
	v18 =	vmul.f32 v16, v3  }
0x285: {  	v16 =	vmul.f32 v16, v4;
	[tilespmem:s8+$0x50] =	vst v17  }
0x286: {  	v17 =	vmul.f32 v15, v0;
	[tilespmem:s8+$0x60] =	vst v18  }
.Ltmp7:
0x287: {  	[tilespmem:s8+$0x70] =	vst v16;
	v16 =	vmul.f32 v15, v1;
	(pc) =	sbr.rel @p0 .LBB2_16-.Ltmp7, $4  }
0x288: {  	[tilespmem:s8+$0x80] =	vst v17;
	v17 =	vmul.f32 v15, v7  }
0x289: {  	s10 =	sadd.s32 $0x50F, s10;
	v18 =	vmul.f32 v15, v6;
	[tilespmem:s8+$0x90] =	vst v16  }
0x28a: {  	v16 =	vmov s10;
	[tilespmem:s8+$0xA0] =	vst v17;
	v17 =	vmul.f32 v15, v5  }
0x28b: {  	[tilespmem:s8+$0xB0] =	vst v18;
	v18 =	vmul.f32 v15, v2  }
0x28c: {  	[tilespmem:s8+$0xC0] =	vst v17  }
0x28d: {  	[tilespmem:s8+$0x100] =	vst v8  }
0x28e: {  	v17 =	vmul.f32 v15, v3;
	v15 =	vmul.f32 v15, v4;
	[tilespmem:s8+$0x110] =	vst v9  }
0x28f: {  	[tilespmem:s8+$0x120] =	vst v10  }
0x290: {  	[tilespmem:s8+$0xF0] =	vst v15;
	v15 =	vld.idx.msk [tilespmem:v16+s31+$0x0], $0xffff  }
0x291: {  	[tilespmem:s8+$0x130] =	vst v11  }
0x292: {  	[tilespmem:s8+$0x140] =	vst v12  }
0x293: {  	[tilespmem:s8+$0x150] =	vst v14  }
0x294: {  	[tilespmem:s8+$0x160] =	vst v13  }
0x295: {  	[tilespmem:s8+$0xD0] =	vst v18;
	v8 =	vmul.f32 v15, v0  }
0x296: {  	[tilespmem:s8+$0xE0] =	vst v17;
	v9 =	vmul.f32 v15, v1  }
0x297: {  	[tilespmem:s8+$0x180] =	vst v8;
	v8 =	vmul.f32 v15, v7  }
0x298: {  	[tilespmem:s8+$0x190] =	vst v9;
	v9 =	vmul.f32 v15, v6  }
0x299: {  	[tilespmem:s8+$0x1A0] =	vst v8;
	v8 =	vmul.f32 v15, v5  }
0x29a: {  	s9 =	simm.s32 $0x5C2;
	[tilespmem:s8+$0x1B0] =	vst v9;
	v9 =	vmul.f32 v15, v2  }
0x29b: {  	s10 =	simm.s32 $0x5C0;
	v10 =	vmul.f32 v15, v3;
	[tilespmem:s8+$0x1C0] =	vst v8;
	v8 =	vmov s9  }
0x29c: {  	v11 =	vmul.f32 v15, v4;
	[tilespmem:s8+$0x1D0] =	vst v9;
	v9 =	vmov s10;
	v8 =	vand.u32 $0xFFFFFFFE, v8  }
0x29d: {  	[tilespmem:s8+$0x1E0] =	vst v10;
	v9 =	vand.u32 $0xFFFFFFFC, v9;
	v8 =	vbroadcast v8, $0x0  }
0x29e: {  	[tilespmem:s8+$0x1F0] =	vst v11;
	v9 =	vbroadcast v9, $0x0  }
0x29f: {  	[hbm4b:s14+s4] =	stream.linear.scatter [tilespmem:s2], [sflag:$0x3], $0x5C00, $0x38;
	[tilespmem:$0x1C700] =	vst v63  }
0x2a0: {  	_ =	swait.ge [sflag:s30], $0x5C00  }
0x2a1: {  	[sflag:s30] =	ssyncset.done $0x0  }
0x2a2: {  	[sflag:s30] =	ssyncadd.s32 $0xFFFFA400  }
0x2a3: {  	s10 =	simm.s32 $0x5C1;
	v13 =	vld.idx.msk [tilespmem:v8+s31+$0x0], $0xffff  }
0x2a4: {  	v9 =	vld.idx.msk [tilespmem:v9+s31+$0x0], $0xffff;
	v8 =	vmov s10  }
0x2a5: {  	v8 =	vand.u32 $0xFFFFFFFD, v8  }
0x2a6: {  	v8 =	vbroadcast v8, $0x0;
	_ =	sdelay $0x1  }
0x2a7: {  	v10 =	vmul.f32 v13, v4  }
0x2a8: {  	s8 =	simm.s32 $0x11000;
	v11 =	vmul.f32 v9, v0  }
0x2a9: {  	v12 =	vmul.f32 v9, v1;
	[tilespmem:s8+$0x70] =	vst v10  }
0x2aa: {  	v10 =	vmul.f32 v9, v7;
	[tilespmem:s8+$0xFFFFFF00] =	vst v11  }
0x2ab: {  	[tilespmem:s8+$0xFFFFFF10] =	vst v12;
	v11 =	vmul.f32 v9, v2;
	v15 =	vld.idx.msk [tilespmem:v8+s31+$0x0], $0xffff  }
0x2ac: {  	v8 =	vmul.f32 v9, v6;
	[tilespmem:s8+$0xFFFFFF20] =	vst v10  }
0x2ad: {  	v10 =	vmul.f32 v9, v5;
	[tilespmem:s8+$0xFFFFFF50] =	vst v11  }
0x2ae: {  	v11 =	vmul.f32 v9, v4;
	[tilespmem:s8+$0xFFFFFF30] =	vst v8  }
0x2af: {  	v8 =	vmul.f32 v13, v0;
	[tilespmem:s8+$0xFFFFFF40] =	vst v10;
	v10 =	vmul.f32 v9, v3  }
0x2b0: {  	v9 =	vmul.f32 v13, v1;
	[tilespmem:s8+$0xFFFFFF70] =	vst v11;
	v12 =	vmul.f32 v15, v0  }
0x2b1: {  	v11 =	vmul.f32 v13, v6;
	[tilespmem:s8+$0xFFFFFF60] =	vst v10;
	v14 =	vmul.f32 v15, v1  }
0x2b2: {  	v10 =	vmul.f32 v13, v7;
	v16 =	vmul.f32 v15, v7;
	[tilespmem:s8+$0xFFFFFF80] =	vst v12  }
0x2b3: {  	s11 =	simm.s32 $0x5C3;
	v18 =	vmul.f32 v15, v6;
	v17 =	vmul.f32 v15, v5;
	[tilespmem:s8+$0xFFFFFF90] =	vst v14  }
0x2b4: {  	v12 =	vmul.f32 v13, v5;
	v14 =	vmul.f32 v13, v2;
	[tilespmem:s8+$0xFFFFFFA0] =	vst v16;
	v16 =	vmov s11  }
0x2b5: {  	s9 =	simm.s32 $0x0;
	v13 =	vmul.f32 v13, v3;
	[tilespmem:s8+$0xFFFFFFB0] =	vst v18;
	v18 =	vmul.f32 v15, v2  }
.LBB2_18:
0x2b6: {  	s11 =	sadd.s32 $0x5C4, s9;
	[tilespmem:s8+$0xFFFFFFC0] =	vst v17;
	v17 =	vmul.f32 v15, v3;
	s10 =	smov.u32 s9  }
0x2b7: {  	v15 =	vmul.f32 v15, v4;
	v19 =	vmov s11;
	[tilespmem:s8+$0xFFFFFFD0] =	vst v18  }
0x2b8: {  	s9 =	sadd.s32 $0x4, s9;
	s11 =	sadd.s32 $0x5C6, s10;
	v18 =	vand.u32 $0xFFFFFFFC, v19;
	[tilespmem:s8+$0xFFFFFFE0] =	vst v17  }
0x2b9: {  	p0 =	slt.u32 s9, $0xB4;
	v17 =	vbroadcast v18, $0x0;
	v18 =	vmov s11;
	[tilespmem:s8+$0xFFFFFFF0] =	vst v15;
	v15 =	vld.idx.msk [tilespmem:v16+s31+$0x0], $0xffff  }
0x2ba: {  	v16 =	vand.u32 $0xFFFFFFFE, v18;
	[tilespmem:s8+$0x0] =	vst v8  }
0x2bb: {  	v8 =	vbroadcast v16, $0x0;
	[tilespmem:s8+$0x10] =	vst v9  }
0x2bc: {  	[tilespmem:s8+$0x20] =	vst v10  }
0x2bd: {  	[tilespmem:s8+$0x30] =	vst v11  }
0x2be: {  	[tilespmem:s8+$0x40] =	vst v12  }
0x2bf: {  	v9 =	vmul.f32 v15, v0;
	v16 =	vld.idx.msk [tilespmem:v17+s31+$0x0], $0xffff;
	[tilespmem:s8+$0x50] =	vst v14  }
0x2c0: {  	s11 =	sadd.s32 $0x5C5, s10;
	v10 =	vmul.f32 v15, v1;
	[tilespmem:s8+$0x60] =	vst v13  }
0x2c1: {  	v11 =	vmov s11;
	v13 =	vld.idx.msk [tilespmem:v8+s31+$0x0], $0xffff;
	[tilespmem:s8+$0x80] =	vst v9;
	v8 =	vmul.f32 v15, v7  }
0x2c2: {  	v9 =	vand.u32 $0xFFFFFFFD, v11;
	[tilespmem:s8+$0x90] =	vst v10;
	v10 =	vmul.f32 v15, v6  }
0x2c3: {  	v14 =	vbroadcast v9, $0x0;
	[tilespmem:s8+$0xA0] =	vst v8;
	v8 =	vmul.f32 v15, v5  }
0x2c4: {  	v9 =	vmul.f32 v15, v2;
	[tilespmem:s8+$0xB0] =	vst v10;
	v10 =	vmul.f32 v15, v3  }
0x2c5: {  	v11 =	vmul.f32 v15, v4;
	v17 =	vmul.f32 v16, v0;
	[tilespmem:s8+$0xC0] =	vst v8  }
0x2c6: {  	v18 =	vmul.f32 v16, v1;
	v19 =	vmul.f32 v16, v7;
	[tilespmem:s8+$0xD0] =	vst v9  }
0x2c7: {  	v8 =	vmul.f32 v13, v0;
	v15 =	vmul.f32 v13, v4;
	[tilespmem:s8+$0xE0] =	vst v10  }
0x2c8: {  	v9 =	vmul.f32 v13, v1;
	v10 =	vmul.f32 v13, v7;
	[tilespmem:s8+$0xF0] =	vst v11;
	s8 =	sadd.s32 $0x200, s8  }
0x2c9: {  	v12 =	vmul.f32 v13, v5;
	v11 =	vmul.f32 v13, v6;
	[tilespmem:s8+$0x70] =	vst v15  }
0x2ca: {  	[tilespmem:s8+$0xFFFFFF00] =	vst v17;
	v15 =	vld.idx.msk [tilespmem:v14+s31+$0x0], $0xffff;
	v14 =	vmul.f32 v13, v2;
	v13 =	vmul.f32 v13, v3  }
0x2cb: {  	v17 =	vmul.f32 v16, v6;
	[tilespmem:s8+$0xFFFFFF10] =	vst v18  }
0x2cc: {  	v18 =	vmul.f32 v16, v5;
	[tilespmem:s8+$0xFFFFFF20] =	vst v19  }
0x2cd: {  	[tilespmem:s8+$0xFFFFFF30] =	vst v17;
	v17 =	vmul.f32 v16, v2  }
0x2ce: {  	[tilespmem:s8+$0xFFFFFF40] =	vst v18;
	v18 =	vmul.f32 v16, v3  }
0x2cf: {  	v16 =	vmul.f32 v16, v4;
	[tilespmem:s8+$0xFFFFFF50] =	vst v17  }
0x2d0: {  	v17 =	vmul.f32 v15, v0;
	[tilespmem:s8+$0xFFFFFF60] =	vst v18  }
.Ltmp8:
0x2d1: {  	[tilespmem:s8+$0xFFFFFF70] =	vst v16;
	v16 =	vmul.f32 v15, v1;
	(pc) =	sbr.rel @p0 .LBB2_18-.Ltmp8, $4  }
0x2d2: {  	[tilespmem:s8+$0xFFFFFF80] =	vst v17;
	v17 =	vmul.f32 v15, v7  }
0x2d3: {  	s10 =	sadd.s32 $0x5C7, s10;
	v18 =	vmul.f32 v15, v6;
	[tilespmem:s8+$0xFFFFFF90] =	vst v16  }
0x2d4: {  	v16 =	vmov s10;
	[tilespmem:s8+$0xFFFFFFA0] =	vst v17;
	v17 =	vmul.f32 v15, v5  }
0x2d5: {  	[tilespmem:s8+$0xFFFFFFB0] =	vst v18;
	v18 =	vmul.f32 v15, v2  }
0x2d6: {  	[tilespmem:s8+$0xFFFFFFC0] =	vst v17  }
0x2d7: {  	[tilespmem:s8+$0x0] =	vst v8  }
0x2d8: {  	v17 =	vmul.f32 v15, v3;
	v15 =	vmul.f32 v15, v4;
	[tilespmem:s8+$0x10] =	vst v9  }
0x2d9: {  	[tilespmem:s8+$0x20] =	vst v10  }
0x2da: {  	[tilespmem:s8+$0xFFFFFFF0] =	vst v15;
	v15 =	vld.idx.msk [tilespmem:v16+s31+$0x0], $0xffff  }
0x2db: {  	[tilespmem:s8+$0x30] =	vst v11  }
0x2dc: {  	[tilespmem:s8+$0x40] =	vst v12  }
0x2dd: {  	[tilespmem:s8+$0x50] =	vst v14  }
0x2de: {  	[tilespmem:s8+$0x60] =	vst v13  }
0x2df: {  	[tilespmem:s8+$0xFFFFFFD0] =	vst v18;
	v8 =	vmul.f32 v15, v0  }
0x2e0: {  	[tilespmem:s8+$0xFFFFFFE0] =	vst v17;
	v9 =	vmul.f32 v15, v1  }
0x2e1: {  	[tilespmem:s8+$0x80] =	vst v8;
	v8 =	vmul.f32 v15, v7  }
0x2e2: {  	[tilespmem:s8+$0x90] =	vst v9;
	v9 =	vmul.f32 v15, v6  }
0x2e3: {  	[tilespmem:s8+$0xA0] =	vst v8;
	v8 =	vmul.f32 v15, v5  }
0x2e4: {  	s9 =	simm.s32 $0x67A;
	[tilespmem:s8+$0xB0] =	vst v9;
	v9 =	vmul.f32 v15, v2  }
0x2e5: {  	s10 =	simm.s32 $0x678;
	v10 =	vmul.f32 v15, v3;
	[tilespmem:s8+$0xC0] =	vst v8;
	v8 =	vmov s9  }
0x2e6: {  	v11 =	vmul.f32 v15, v4;
	[tilespmem:s8+$0xD0] =	vst v9;
	v9 =	vmov s10;
	v8 =	vand.u32 $0xFFFFFFFE, v8  }
0x2e7: {  	[tilespmem:s8+$0xE0] =	vst v10;
	v9 =	vand.u32 $0xFFFFFFFC, v9;
	v8 =	vbroadcast v8, $0x0  }
0x2e8: {  	[tilespmem:s8+$0xF0] =	vst v11;
	v9 =	vbroadcast v9, $0x0  }
0x2e9: {  	[hbm4b:s15+s4] =	stream.linear.scatter [tilespmem:s1], [sflag:$0x2], $0x5C00, $0x38;
	[tilespmem:$0x1C700] =	vst v63  }
0x2ea: {  	_ =	swait.ge [sflag:s29], $0x5C00  }
0x2eb: {  	[sflag:s29] =	ssyncset.done $0x0  }
0x2ec: {  	[sflag:s29] =	ssyncadd.s32 $0xFFFFA400  }
0x2ed: {  	s10 =	simm.s32 $0x679;
	v13 =	vld.idx.msk [tilespmem:v8+s31+$0x0], $0xffff  }
0x2ee: {  	v9 =	vld.idx.msk [tilespmem:v9+s31+$0x0], $0xffff;
	v8 =	vmov s10  }
0x2ef: {  	v8 =	vand.u32 $0xFFFFFFFD, v8  }
0x2f0: {  	v8 =	vbroadcast v8, $0x0;
	_ =	sdelay $0x1  }
0x2f1: {  	v10 =	vmul.f32 v13, v4  }
0x2f2: {  	s8 =	simm.s32 $0x16B00;
	v11 =	vmul.f32 v9, v0  }
0x2f3: {  	v12 =	vmul.f32 v9, v1;
	[tilespmem:s8+$0x170] =	vst v10  }
0x2f4: {  	v10 =	vmul.f32 v9, v7;
	[tilespmem:s8+$0x0] =	vst v11  }
0x2f5: {  	[tilespmem:s8+$0x10] =	vst v12;
	v11 =	vmul.f32 v9, v2;
	v15 =	vld.idx.msk [tilespmem:v8+s31+$0x0], $0xffff  }
0x2f6: {  	v8 =	vmul.f32 v9, v6;
	[tilespmem:s8+$0x20] =	vst v10  }
0x2f7: {  	v10 =	vmul.f32 v9, v5;
	[tilespmem:s8+$0x50] =	vst v11  }
0x2f8: {  	v11 =	vmul.f32 v9, v4;
	[tilespmem:s8+$0x30] =	vst v8  }
0x2f9: {  	v8 =	vmul.f32 v13, v0;
	[tilespmem:s8+$0x40] =	vst v10;
	v10 =	vmul.f32 v9, v3  }
0x2fa: {  	v9 =	vmul.f32 v13, v1;
	[tilespmem:s8+$0x70] =	vst v11;
	v12 =	vmul.f32 v15, v0  }
0x2fb: {  	v11 =	vmul.f32 v13, v6;
	[tilespmem:s8+$0x60] =	vst v10;
	v14 =	vmul.f32 v15, v1  }
0x2fc: {  	v10 =	vmul.f32 v13, v7;
	v16 =	vmul.f32 v15, v7;
	[tilespmem:s8+$0x80] =	vst v12  }
0x2fd: {  	s11 =	simm.s32 $0x67B;
	v18 =	vmul.f32 v15, v6;
	v17 =	vmul.f32 v15, v5;
	[tilespmem:s8+$0x90] =	vst v14  }
0x2fe: {  	v12 =	vmul.f32 v13, v5;
	v14 =	vmul.f32 v13, v2;
	[tilespmem:s8+$0xA0] =	vst v16;
	v16 =	vmov s11  }
0x2ff: {  	s9 =	simm.s32 $0x0;
	v13 =	vmul.f32 v13, v3;
	[tilespmem:s8+$0xB0] =	vst v18;
	v18 =	vmul.f32 v15, v2  }
.LBB2_20:
0x300: {  	s11 =	sadd.s32 $0x67C, s9;
	[tilespmem:s8+$0xC0] =	vst v17;
	v17 =	vmul.f32 v15, v3;
	s10 =	smov.u32 s9  }
0x301: {  	v15 =	vmul.f32 v15, v4;
	v19 =	vmov s11;
	[tilespmem:s8+$0xD0] =	vst v18  }
0x302: {  	s9 =	sadd.s32 $0x4, s9;
	s11 =	sadd.s32 $0x67E, s10;
	v18 =	vand.u32 $0xFFFFFFFC, v19;
	[tilespmem:s8+$0xE0] =	vst v17  }
0x303: {  	p0 =	slt.u32 s9, $0xB4;
	v17 =	vbroadcast v18, $0x0;
	v18 =	vmov s11;
	[tilespmem:s8+$0xF0] =	vst v15;
	v15 =	vld.idx.msk [tilespmem:v16+s31+$0x0], $0xffff  }
0x304: {  	v16 =	vand.u32 $0xFFFFFFFE, v18;
	[tilespmem:s8+$0x100] =	vst v8  }
0x305: {  	v8 =	vbroadcast v16, $0x0;
	[tilespmem:s8+$0x110] =	vst v9  }
0x306: {  	[tilespmem:s8+$0x120] =	vst v10  }
0x307: {  	[tilespmem:s8+$0x130] =	vst v11  }
0x308: {  	[tilespmem:s8+$0x140] =	vst v12  }
0x309: {  	v9 =	vmul.f32 v15, v0;
	v16 =	vld.idx.msk [tilespmem:v17+s31+$0x0], $0xffff;
	[tilespmem:s8+$0x150] =	vst v14  }
0x30a: {  	s11 =	sadd.s32 $0x67D, s10;
	v10 =	vmul.f32 v15, v1;
	[tilespmem:s8+$0x160] =	vst v13  }
0x30b: {  	v11 =	vmov s11;
	v13 =	vld.idx.msk [tilespmem:v8+s31+$0x0], $0xffff;
	[tilespmem:s8+$0x180] =	vst v9;
	v8 =	vmul.f32 v15, v7  }
0x30c: {  	v9 =	vand.u32 $0xFFFFFFFD, v11;
	[tilespmem:s8+$0x190] =	vst v10;
	v10 =	vmul.f32 v15, v6  }
0x30d: {  	v14 =	vbroadcast v9, $0x0;
	[tilespmem:s8+$0x1A0] =	vst v8;
	v8 =	vmul.f32 v15, v5  }
0x30e: {  	v9 =	vmul.f32 v15, v2;
	[tilespmem:s8+$0x1B0] =	vst v10;
	v10 =	vmul.f32 v15, v3  }
0x30f: {  	v11 =	vmul.f32 v15, v4;
	v17 =	vmul.f32 v16, v0;
	[tilespmem:s8+$0x1C0] =	vst v8  }
0x310: {  	v18 =	vmul.f32 v16, v1;
	v19 =	vmul.f32 v16, v7;
	[tilespmem:s8+$0x1D0] =	vst v9  }
0x311: {  	v8 =	vmul.f32 v13, v0;
	v15 =	vmul.f32 v13, v4;
	[tilespmem:s8+$0x1E0] =	vst v10  }
0x312: {  	v9 =	vmul.f32 v13, v1;
	v10 =	vmul.f32 v13, v7;
	[tilespmem:s8+$0x1F0] =	vst v11;
	s8 =	sadd.s32 $0x200, s8  }
0x313: {  	v12 =	vmul.f32 v13, v5;
	v11 =	vmul.f32 v13, v6;
	[tilespmem:s8+$0x170] =	vst v15  }
0x314: {  	[tilespmem:s8+$0x0] =	vst v17;
	v15 =	vld.idx.msk [tilespmem:v14+s31+$0x0], $0xffff;
	v14 =	vmul.f32 v13, v2;
	v13 =	vmul.f32 v13, v3  }
0x315: {  	v17 =	vmul.f32 v16, v6;
	[tilespmem:s8+$0x10] =	vst v18  }
0x316: {  	v18 =	vmul.f32 v16, v5;
	[tilespmem:s8+$0x20] =	vst v19  }
0x317: {  	[tilespmem:s8+$0x30] =	vst v17;
	v17 =	vmul.f32 v16, v2  }
0x318: {  	[tilespmem:s8+$0x40] =	vst v18;
	v18 =	vmul.f32 v16, v3  }
0x319: {  	v16 =	vmul.f32 v16, v4;
	[tilespmem:s8+$0x50] =	vst v17  }
0x31a: {  	v17 =	vmul.f32 v15, v0;
	[tilespmem:s8+$0x60] =	vst v18  }
.Ltmp9:
0x31b: {  	[tilespmem:s8+$0x70] =	vst v16;
	v16 =	vmul.f32 v15, v1;
	(pc) =	sbr.rel @p0 .LBB2_20-.Ltmp9, $4  }
0x31c: {  	[tilespmem:s8+$0x80] =	vst v17;
	v17 =	vmul.f32 v15, v7  }
0x31d: {  	s10 =	sadd.s32 $0x67F, s10;
	v18 =	vmul.f32 v15, v6;
	[tilespmem:s8+$0x90] =	vst v16  }
0x31e: {  	v16 =	vmov s10;
	[tilespmem:s8+$0xA0] =	vst v17;
	v17 =	vmul.f32 v15, v5  }
0x31f: {  	[tilespmem:s8+$0xB0] =	vst v18;
	v18 =	vmul.f32 v15, v2  }
0x320: {  	[tilespmem:s8+$0xC0] =	vst v17  }
0x321: {  	[tilespmem:s8+$0x100] =	vst v8  }
0x322: {  	v17 =	vmul.f32 v15, v3;
	v15 =	vmul.f32 v15, v4;
	[tilespmem:s8+$0x110] =	vst v9  }
0x323: {  	[tilespmem:s8+$0x120] =	vst v10  }
0x324: {  	[tilespmem:s8+$0xF0] =	vst v15;
	v15 =	vld.idx.msk [tilespmem:v16+s31+$0x0], $0xffff  }
0x325: {  	[tilespmem:s8+$0x130] =	vst v11  }
0x326: {  	[tilespmem:s8+$0x140] =	vst v12  }
0x327: {  	[tilespmem:s8+$0x150] =	vst v14  }
0x328: {  	[tilespmem:s8+$0x160] =	vst v13  }
0x329: {  	[tilespmem:s8+$0xD0] =	vst v18;
	v8 =	vmul.f32 v15, v0  }
0x32a: {  	[tilespmem:s8+$0xE0] =	vst v17;
	v9 =	vmul.f32 v15, v1  }
0x32b: {  	[tilespmem:s8+$0x180] =	vst v8;
	v8 =	vmul.f32 v15, v7  }
0x32c: {  	[tilespmem:s8+$0x190] =	vst v9;
	v9 =	vmul.f32 v15, v6  }
0x32d: {  	[tilespmem:s8+$0x1A0] =	vst v8;
	v8 =	vmul.f32 v15, v5  }
0x32e: {  	s9 =	simm.s32 $0x732;
	[tilespmem:s8+$0x1B0] =	vst v9;
	v9 =	vmul.f32 v15, v2  }
0x32f: {  	s10 =	simm.s32 $0x730;
	v10 =	vmul.f32 v15, v3;
	[tilespmem:s8+$0x1C0] =	vst v8;
	v8 =	vmov s9  }
0x330: {  	v11 =	vmul.f32 v15, v4;
	[tilespmem:s8+$0x1D0] =	vst v9;
	v9 =	vmov s10;
	v8 =	vand.u32 $0xFFFFFFFE, v8  }
0x331: {  	[tilespmem:s8+$0x1E0] =	vst v10;
	v9 =	vand.u32 $0xFFFFFFFC, v9;
	v8 =	vbroadcast v8, $0x0  }
0x332: {  	[tilespmem:s8+$0x1F0] =	vst v11;
	v9 =	vbroadcast v9, $0x0  }
0x333: {  	[hbm4b:s16+s4] =	stream.linear.scatter [tilespmem:s2], [sflag:$0x3], $0x5C00, $0x38;
	[tilespmem:$0x1C700] =	vst v63  }
0x334: {  	_ =	swait.ge [sflag:s30], $0x5C00  }
0x335: {  	[sflag:s30] =	ssyncset.done $0x0  }
0x336: {  	[sflag:s30] =	ssyncadd.s32 $0xFFFFA400  }
0x337: {  	s10 =	simm.s32 $0x731;
	v13 =	vld.idx.msk [tilespmem:v8+s31+$0x0], $0xffff  }
0x338: {  	v9 =	vld.idx.msk [tilespmem:v9+s31+$0x0], $0xffff;
	v8 =	vmov s10  }
0x339: {  	v8 =	vand.u32 $0xFFFFFFFD, v8  }
0x33a: {  	v8 =	vbroadcast v8, $0x0;
	_ =	sdelay $0x1  }
0x33b: {  	v10 =	vmul.f32 v13, v4  }
0x33c: {  	s8 =	simm.s32 $0x11000;
	v11 =	vmul.f32 v9, v0  }
0x33d: {  	v12 =	vmul.f32 v9, v1;
	[tilespmem:s8+$0x70] =	vst v10  }
0x33e: {  	v10 =	vmul.f32 v9, v7;
	[tilespmem:s8+$0xFFFFFF00] =	vst v11  }
0x33f: {  	[tilespmem:s8+$0xFFFFFF10] =	vst v12;
	v11 =	vmul.f32 v9, v2;
	v15 =	vld.idx.msk [tilespmem:v8+s31+$0x0], $0xffff  }
0x340: {  	v8 =	vmul.f32 v9, v6;
	[tilespmem:s8+$0xFFFFFF20] =	vst v10  }
0x341: {  	v10 =	vmul.f32 v9, v5;
	[tilespmem:s8+$0xFFFFFF50] =	vst v11  }
0x342: {  	v11 =	vmul.f32 v9, v4;
	[tilespmem:s8+$0xFFFFFF30] =	vst v8  }
0x343: {  	v8 =	vmul.f32 v13, v0;
	[tilespmem:s8+$0xFFFFFF40] =	vst v10;
	v10 =	vmul.f32 v9, v3  }
0x344: {  	v9 =	vmul.f32 v13, v1;
	[tilespmem:s8+$0xFFFFFF70] =	vst v11;
	v12 =	vmul.f32 v15, v0  }
0x345: {  	v11 =	vmul.f32 v13, v6;
	[tilespmem:s8+$0xFFFFFF60] =	vst v10;
	v14 =	vmul.f32 v15, v1  }
0x346: {  	v10 =	vmul.f32 v13, v7;
	v16 =	vmul.f32 v15, v7;
	[tilespmem:s8+$0xFFFFFF80] =	vst v12  }
0x347: {  	s11 =	simm.s32 $0x733;
	v18 =	vmul.f32 v15, v6;
	v17 =	vmul.f32 v15, v5;
	[tilespmem:s8+$0xFFFFFF90] =	vst v14  }
0x348: {  	v12 =	vmul.f32 v13, v5;
	v14 =	vmul.f32 v13, v2;
	[tilespmem:s8+$0xFFFFFFA0] =	vst v16;
	v16 =	vmov s11  }
0x349: {  	s9 =	simm.s32 $0x0;
	v13 =	vmul.f32 v13, v3;
	[tilespmem:s8+$0xFFFFFFB0] =	vst v18;
	v18 =	vmul.f32 v15, v2  }
.LBB2_22:
0x34a: {  	s11 =	sadd.s32 $0x734, s9;
	[tilespmem:s8+$0xFFFFFFC0] =	vst v17;
	v17 =	vmul.f32 v15, v3;
	s10 =	smov.u32 s9  }
0x34b: {  	v15 =	vmul.f32 v15, v4;
	v19 =	vmov s11;
	[tilespmem:s8+$0xFFFFFFD0] =	vst v18  }
0x34c: {  	s9 =	sadd.s32 $0x4, s9;
	s11 =	sadd.s32 $0x736, s10;
	v18 =	vand.u32 $0xFFFFFFFC, v19;
	[tilespmem:s8+$0xFFFFFFE0] =	vst v17  }
0x34d: {  	p0 =	slt.u32 s9, $0xB4;
	v17 =	vbroadcast v18, $0x0;
	v18 =	vmov s11;
	[tilespmem:s8+$0xFFFFFFF0] =	vst v15;
	v15 =	vld.idx.msk [tilespmem:v16+s31+$0x0], $0xffff  }
0x34e: {  	v16 =	vand.u32 $0xFFFFFFFE, v18;
	[tilespmem:s8+$0x0] =	vst v8  }
0x34f: {  	v8 =	vbroadcast v16, $0x0;
	[tilespmem:s8+$0x10] =	vst v9  }
0x350: {  	[tilespmem:s8+$0x20] =	vst v10  }
0x351: {  	[tilespmem:s8+$0x30] =	vst v11  }
0x352: {  	[tilespmem:s8+$0x40] =	vst v12  }
0x353: {  	v9 =	vmul.f32 v15, v0;
	v16 =	vld.idx.msk [tilespmem:v17+s31+$0x0], $0xffff;
	[tilespmem:s8+$0x50] =	vst v14  }
0x354: {  	s11 =	sadd.s32 $0x735, s10;
	v10 =	vmul.f32 v15, v1;
	[tilespmem:s8+$0x60] =	vst v13  }
0x355: {  	v11 =	vmov s11;
	v13 =	vld.idx.msk [tilespmem:v8+s31+$0x0], $0xffff;
	[tilespmem:s8+$0x80] =	vst v9;
	v8 =	vmul.f32 v15, v7  }
0x356: {  	v9 =	vand.u32 $0xFFFFFFFD, v11;
	[tilespmem:s8+$0x90] =	vst v10;
	v10 =	vmul.f32 v15, v6  }
0x357: {  	v14 =	vbroadcast v9, $0x0;
	[tilespmem:s8+$0xA0] =	vst v8;
	v8 =	vmul.f32 v15, v5  }
0x358: {  	v9 =	vmul.f32 v15, v2;
	[tilespmem:s8+$0xB0] =	vst v10;
	v10 =	vmul.f32 v15, v3  }
0x359: {  	v11 =	vmul.f32 v15, v4;
	v17 =	vmul.f32 v16, v0;
	[tilespmem:s8+$0xC0] =	vst v8  }
0x35a: {  	v18 =	vmul.f32 v16, v1;
	v19 =	vmul.f32 v16, v7;
	[tilespmem:s8+$0xD0] =	vst v9  }
0x35b: {  	v8 =	vmul.f32 v13, v0;
	v15 =	vmul.f32 v13, v4;
	[tilespmem:s8+$0xE0] =	vst v10  }
0x35c: {  	v9 =	vmul.f32 v13, v1;
	v10 =	vmul.f32 v13, v7;
	[tilespmem:s8+$0xF0] =	vst v11;
	s8 =	sadd.s32 $0x200, s8  }
0x35d: {  	v12 =	vmul.f32 v13, v5;
	v11 =	vmul.f32 v13, v6;
	[tilespmem:s8+$0x70] =	vst v15  }
0x35e: {  	[tilespmem:s8+$0xFFFFFF00] =	vst v17;
	v15 =	vld.idx.msk [tilespmem:v14+s31+$0x0], $0xffff;
	v14 =	vmul.f32 v13, v2;
	v13 =	vmul.f32 v13, v3  }
0x35f: {  	v17 =	vmul.f32 v16, v6;
	[tilespmem:s8+$0xFFFFFF10] =	vst v18  }
0x360: {  	v18 =	vmul.f32 v16, v5;
	[tilespmem:s8+$0xFFFFFF20] =	vst v19  }
0x361: {  	[tilespmem:s8+$0xFFFFFF30] =	vst v17;
	v17 =	vmul.f32 v16, v2  }
0x362: {  	[tilespmem:s8+$0xFFFFFF40] =	vst v18;
	v18 =	vmul.f32 v16, v3  }
0x363: {  	v16 =	vmul.f32 v16, v4;
	[tilespmem:s8+$0xFFFFFF50] =	vst v17  }
0x364: {  	v17 =	vmul.f32 v15, v0;
	[tilespmem:s8+$0xFFFFFF60] =	vst v18  }
.Ltmp10:
0x365: {  	[tilespmem:s8+$0xFFFFFF70] =	vst v16;
	v16 =	vmul.f32 v15, v1;
	(pc) =	sbr.rel @p0 .LBB2_22-.Ltmp10, $4  }
0x366: {  	[tilespmem:s8+$0xFFFFFF80] =	vst v17;
	v17 =	vmul.f32 v15, v7  }
0x367: {  	s10 =	sadd.s32 $0x737, s10;
	v18 =	vmul.f32 v15, v6;
	[tilespmem:s8+$0xFFFFFF90] =	vst v16  }
0x368: {  	v16 =	vmov s10;
	[tilespmem:s8+$0xFFFFFFA0] =	vst v17;
	v17 =	vmul.f32 v15, v5  }
0x369: {  	[tilespmem:s8+$0xFFFFFFB0] =	vst v18;
	v18 =	vmul.f32 v15, v2  }
0x36a: {  	[tilespmem:s8+$0xFFFFFFC0] =	vst v17  }
0x36b: {  	[tilespmem:s8+$0x0] =	vst v8  }
0x36c: {  	v17 =	vmul.f32 v15, v3;
	v15 =	vmul.f32 v15, v4;
	[tilespmem:s8+$0x10] =	vst v9  }
0x36d: {  	[tilespmem:s8+$0x20] =	vst v10  }
0x36e: {  	[tilespmem:s8+$0xFFFFFFF0] =	vst v15;
	v15 =	vld.idx.msk [tilespmem:v16+s31+$0x0], $0xffff  }
0x36f: {  	[tilespmem:s8+$0x30] =	vst v11  }
0x370: {  	[tilespmem:s8+$0x40] =	vst v12  }
0x371: {  	[tilespmem:s8+$0x50] =	vst v14  }
0x372: {  	[tilespmem:s8+$0x60] =	vst v13  }
0x373: {  	[tilespmem:s8+$0xFFFFFFD0] =	vst v18;
	v8 =	vmul.f32 v15, v0  }
0x374: {  	[tilespmem:s8+$0xFFFFFFE0] =	vst v17;
	v9 =	vmul.f32 v15, v1  }
0x375: {  	[tilespmem:s8+$0x80] =	vst v8;
	v8 =	vmul.f32 v15, v7  }
0x376: {  	[tilespmem:s8+$0x90] =	vst v9;
	v9 =	vmul.f32 v15, v6  }
0x377: {  	[tilespmem:s8+$0xA0] =	vst v8;
	v8 =	vmul.f32 v15, v5  }
0x378: {  	s9 =	simm.s32 $0x7EA;
	[tilespmem:s8+$0xB0] =	vst v9;
	v9 =	vmul.f32 v15, v2  }
0x379: {  	s10 =	simm.s32 $0x7E8;
	v10 =	vmul.f32 v15, v3;
	[tilespmem:s8+$0xC0] =	vst v8;
	v8 =	vmov s9  }
0x37a: {  	v11 =	vmul.f32 v15, v4;
	[tilespmem:s8+$0xD0] =	vst v9;
	v9 =	vmov s10;
	v8 =	vand.u32 $0xFFFFFFFE, v8  }
0x37b: {  	[tilespmem:s8+$0xE0] =	vst v10;
	v9 =	vand.u32 $0xFFFFFFFC, v9;
	v8 =	vbroadcast v8, $0x0  }
0x37c: {  	[tilespmem:s8+$0xF0] =	vst v11;
	v9 =	vbroadcast v9, $0x0  }
0x37d: {  	[hbm4b:s17+s4] =	stream.linear.scatter [tilespmem:s1], [sflag:$0x2], $0x5C00, $0x38;
	[tilespmem:$0x1C700] =	vst v63  }
0x37e: {  	_ =	swait.ge [sflag:s29], $0x5C00  }
0x37f: {  	[sflag:s29] =	ssyncset.done $0x0  }
0x380: {  	[sflag:s29] =	ssyncadd.s32 $0xFFFFA400  }
0x381: {  	s10 =	simm.s32 $0x7E9;
	v13 =	vld.idx.msk [tilespmem:v8+s31+$0x0], $0xffff  }
0x382: {  	v9 =	vld.idx.msk [tilespmem:v9+s31+$0x0], $0xffff;
	v8 =	vmov s10  }
0x383: {  	v8 =	vand.u32 $0xFFFFFFFD, v8  }
0x384: {  	v8 =	vbroadcast v8, $0x0;
	_ =	sdelay $0x1  }
0x385: {  	v10 =	vmul.f32 v13, v4  }
0x386: {  	s8 =	simm.s32 $0x16B00;
	v11 =	vmul.f32 v9, v0  }
0x387: {  	v12 =	vmul.f32 v9, v1;
	[tilespmem:s8+$0x170] =	vst v10  }
0x388: {  	v10 =	vmul.f32 v9, v7;
	[tilespmem:s8+$0x0] =	vst v11  }
0x389: {  	[tilespmem:s8+$0x10] =	vst v12;
	v11 =	vmul.f32 v9, v2;
	v15 =	vld.idx.msk [tilespmem:v8+s31+$0x0], $0xffff  }
0x38a: {  	v8 =	vmul.f32 v9, v6;
	[tilespmem:s8+$0x20] =	vst v10  }
0x38b: {  	v10 =	vmul.f32 v9, v5;
	[tilespmem:s8+$0x50] =	vst v11  }
0x38c: {  	v11 =	vmul.f32 v9, v4;
	[tilespmem:s8+$0x30] =	vst v8  }
0x38d: {  	v8 =	vmul.f32 v13, v0;
	[tilespmem:s8+$0x40] =	vst v10;
	v10 =	vmul.f32 v9, v3  }
0x38e: {  	v9 =	vmul.f32 v13, v1;
	[tilespmem:s8+$0x70] =	vst v11;
	v12 =	vmul.f32 v15, v0  }
0x38f: {  	v11 =	vmul.f32 v13, v6;
	[tilespmem:s8+$0x60] =	vst v10;
	v14 =	vmul.f32 v15, v1  }
0x390: {  	v10 =	vmul.f32 v13, v7;
	v16 =	vmul.f32 v15, v7;
	[tilespmem:s8+$0x80] =	vst v12  }
0x391: {  	s11 =	simm.s32 $0x7EB;
	v18 =	vmul.f32 v15, v6;
	v17 =	vmul.f32 v15, v5;
	[tilespmem:s8+$0x90] =	vst v14  }
0x392: {  	v12 =	vmul.f32 v13, v5;
	v14 =	vmul.f32 v13, v2;
	[tilespmem:s8+$0xA0] =	vst v16;
	v16 =	vmov s11  }
0x393: {  	s9 =	simm.s32 $0x0;
	v13 =	vmul.f32 v13, v3;
	[tilespmem:s8+$0xB0] =	vst v18;
	v18 =	vmul.f32 v15, v2  }
.LBB2_24:
0x394: {  	s11 =	sadd.s32 $0x7EC, s9;
	[tilespmem:s8+$0xC0] =	vst v17;
	v17 =	vmul.f32 v15, v3;
	s10 =	smov.u32 s9  }
0x395: {  	v15 =	vmul.f32 v15, v4;
	v19 =	vmov s11;
	[tilespmem:s8+$0xD0] =	vst v18  }
0x396: {  	s9 =	sadd.s32 $0x4, s9;
	s11 =	sadd.s32 $0x7EE, s10;
	v18 =	vand.u32 $0xFFFFFFFC, v19;
	[tilespmem:s8+$0xE0] =	vst v17  }
0x397: {  	p0 =	slt.u32 s9, $0xB4;
	v17 =	vbroadcast v18, $0x0;
	v18 =	vmov s11;
	[tilespmem:s8+$0xF0] =	vst v15;
	v15 =	vld.idx.msk [tilespmem:v16+s31+$0x0], $0xffff  }
0x398: {  	v16 =	vand.u32 $0xFFFFFFFE, v18;
	[tilespmem:s8+$0x100] =	vst v8  }
0x399: {  	v8 =	vbroadcast v16, $0x0;
	[tilespmem:s8+$0x110] =	vst v9  }
0x39a: {  	[tilespmem:s8+$0x120] =	vst v10  }
0x39b: {  	[tilespmem:s8+$0x130] =	vst v11  }
0x39c: {  	[tilespmem:s8+$0x140] =	vst v12  }
0x39d: {  	v9 =	vmul.f32 v15, v0;
	v16 =	vld.idx.msk [tilespmem:v17+s31+$0x0], $0xffff;
	[tilespmem:s8+$0x150] =	vst v14  }
0x39e: {  	s11 =	sadd.s32 $0x7ED, s10;
	v10 =	vmul.f32 v15, v1;
	[tilespmem:s8+$0x160] =	vst v13  }
0x39f: {  	v11 =	vmov s11;
	v13 =	vld.idx.msk [tilespmem:v8+s31+$0x0], $0xffff;
	[tilespmem:s8+$0x180] =	vst v9;
	v8 =	vmul.f32 v15, v7  }
0x3a0: {  	v9 =	vand.u32 $0xFFFFFFFD, v11;
	[tilespmem:s8+$0x190] =	vst v10;
	v10 =	vmul.f32 v15, v6  }
0x3a1: {  	v14 =	vbroadcast v9, $0x0;
	[tilespmem:s8+$0x1A0] =	vst v8;
	v8 =	vmul.f32 v15, v5  }
0x3a2: {  	v9 =	vmul.f32 v15, v2;
	[tilespmem:s8+$0x1B0] =	vst v10;
	v10 =	vmul.f32 v15, v3  }
0x3a3: {  	v11 =	vmul.f32 v15, v4;
	v17 =	vmul.f32 v16, v0;
	[tilespmem:s8+$0x1C0] =	vst v8  }
0x3a4: {  	v18 =	vmul.f32 v16, v1;
	v19 =	vmul.f32 v16, v7;
	[tilespmem:s8+$0x1D0] =	vst v9  }
0x3a5: {  	v8 =	vmul.f32 v13, v0;
	v15 =	vmul.f32 v13, v4;
	[tilespmem:s8+$0x1E0] =	vst v10  }
0x3a6: {  	v9 =	vmul.f32 v13, v1;
	v10 =	vmul.f32 v13, v7;
	[tilespmem:s8+$0x1F0] =	vst v11;
	s8 =	sadd.s32 $0x200, s8  }
0x3a7: {  	v12 =	vmul.f32 v13, v5;
	v11 =	vmul.f32 v13, v6;
	[tilespmem:s8+$0x170] =	vst v15  }
0x3a8: {  	[tilespmem:s8+$0x0] =	vst v17;
	v15 =	vld.idx.msk [tilespmem:v14+s31+$0x0], $0xffff;
	v14 =	vmul.f32 v13, v2;
	v13 =	vmul.f32 v13, v3  }
0x3a9: {  	v17 =	vmul.f32 v16, v6;
	[tilespmem:s8+$0x10] =	vst v18  }
0x3aa: {  	v18 =	vmul.f32 v16, v5;
	[tilespmem:s8+$0x20] =	vst v19  }
0x3ab: {  	[tilespmem:s8+$0x30] =	vst v17;
	v17 =	vmul.f32 v16, v2  }
0x3ac: {  	[tilespmem:s8+$0x40] =	vst v18;
	v18 =	vmul.f32 v16, v3  }
0x3ad: {  	v16 =	vmul.f32 v16, v4;
	[tilespmem:s8+$0x50] =	vst v17  }
0x3ae: {  	v17 =	vmul.f32 v15, v0;
	[tilespmem:s8+$0x60] =	vst v18  }
.Ltmp11:
0x3af: {  	[tilespmem:s8+$0x70] =	vst v16;
	v16 =	vmul.f32 v15, v1;
	(pc) =	sbr.rel @p0 .LBB2_24-.Ltmp11, $4  }
0x3b0: {  	[tilespmem:s8+$0x80] =	vst v17;
	v17 =	vmul.f32 v15, v7  }
0x3b1: {  	s10 =	sadd.s32 $0x7EF, s10;
	v18 =	vmul.f32 v15, v6;
	[tilespmem:s8+$0x90] =	vst v16  }
0x3b2: {  	v16 =	vmov s10;
	[tilespmem:s8+$0xA0] =	vst v17;
	v17 =	vmul.f32 v15, v5  }
0x3b3: {  	[tilespmem:s8+$0xB0] =	vst v18;
	v18 =	vmul.f32 v15, v2  }
0x3b4: {  	[tilespmem:s8+$0xC0] =	vst v17  }
0x3b5: {  	[tilespmem:s8+$0x100] =	vst v8  }
0x3b6: {  	v17 =	vmul.f32 v15, v3;
	v15 =	vmul.f32 v15, v4;
	[tilespmem:s8+$0x110] =	vst v9  }
0x3b7: {  	[tilespmem:s8+$0x120] =	vst v10  }
0x3b8: {  	[tilespmem:s8+$0xF0] =	vst v15;
	v15 =	vld.idx.msk [tilespmem:v16+s31+$0x0], $0xffff  }
0x3b9: {  	[tilespmem:s8+$0x130] =	vst v11  }
0x3ba: {  	[tilespmem:s8+$0x140] =	vst v12  }
0x3bb: {  	[tilespmem:s8+$0x150] =	vst v14  }
0x3bc: {  	[tilespmem:s8+$0x160] =	vst v13  }
0x3bd: {  	[tilespmem:s8+$0xD0] =	vst v18;
	v8 =	vmul.f32 v15, v0  }
0x3be: {  	[tilespmem:s8+$0xE0] =	vst v17;
	v9 =	vmul.f32 v15, v1  }
0x3bf: {  	[tilespmem:s8+$0x180] =	vst v8;
	v8 =	vmul.f32 v15, v7  }
0x3c0: {  	[tilespmem:s8+$0x190] =	vst v9;
	v9 =	vmul.f32 v15, v6  }
0x3c1: {  	[tilespmem:s8+$0x1A0] =	vst v8;
	v8 =	vmul.f32 v15, v5  }
0x3c2: {  	s9 =	simm.s32 $0x8A2;
	[tilespmem:s8+$0x1B0] =	vst v9;
	v9 =	vmul.f32 v15, v2  }
0x3c3: {  	s10 =	simm.s32 $0x8A0;
	v10 =	vmul.f32 v15, v3;
	[tilespmem:s8+$0x1C0] =	vst v8;
	v8 =	vmov s9  }
0x3c4: {  	v11 =	vmul.f32 v15, v4;
	[tilespmem:s8+$0x1D0] =	vst v9;
	v9 =	vmov s10;
	v8 =	vand.u32 $0xFFFFFFFE, v8  }
0x3c5: {  	[tilespmem:s8+$0x1E0] =	vst v10;
	v9 =	vand.u32 $0xFFFFFFFC, v9;
	v8 =	vbroadcast v8, $0x0  }
0x3c6: {  	[tilespmem:s8+$0x1F0] =	vst v11;
	v9 =	vbroadcast v9, $0x0  }
0x3c7: {  	[hbm4b:s18+s4] =	stream.linear.scatter [tilespmem:s2], [sflag:$0x3], $0x5C00, $0x38;
	[tilespmem:$0x1C700] =	vst v63  }
0x3c8: {  	_ =	swait.ge [sflag:s30], $0x5C00  }
0x3c9: {  	[sflag:s30] =	ssyncset.done $0x0  }
0x3ca: {  	[sflag:s30] =	ssyncadd.s32 $0xFFFFA400  }
0x3cb: {  	s10 =	simm.s32 $0x8A1;
	v13 =	vld.idx.msk [tilespmem:v8+s31+$0x0], $0xffff  }
0x3cc: {  	v9 =	vld.idx.msk [tilespmem:v9+s31+$0x0], $0xffff;
	v8 =	vmov s10  }
0x3cd: {  	v8 =	vand.u32 $0xFFFFFFFD, v8  }
0x3ce: {  	v8 =	vbroadcast v8, $0x0;
	_ =	sdelay $0x1  }
0x3cf: {  	v10 =	vmul.f32 v13, v4  }
0x3d0: {  	s8 =	simm.s32 $0x11000;
	v11 =	vmul.f32 v9, v0  }
0x3d1: {  	v12 =	vmul.f32 v9, v1;
	[tilespmem:s8+$0x70] =	vst v10  }
0x3d2: {  	v10 =	vmul.f32 v9, v7;
	[tilespmem:s8+$0xFFFFFF00] =	vst v11  }
0x3d3: {  	[tilespmem:s8+$0xFFFFFF10] =	vst v12;
	v11 =	vmul.f32 v9, v2;
	v15 =	vld.idx.msk [tilespmem:v8+s31+$0x0], $0xffff  }
0x3d4: {  	v8 =	vmul.f32 v9, v6;
	[tilespmem:s8+$0xFFFFFF20] =	vst v10  }
0x3d5: {  	v10 =	vmul.f32 v9, v5;
	[tilespmem:s8+$0xFFFFFF50] =	vst v11  }
0x3d6: {  	v11 =	vmul.f32 v9, v4;
	[tilespmem:s8+$0xFFFFFF30] =	vst v8  }
0x3d7: {  	v8 =	vmul.f32 v13, v0;
	[tilespmem:s8+$0xFFFFFF40] =	vst v10;
	v10 =	vmul.f32 v9, v3  }
0x3d8: {  	v9 =	vmul.f32 v13, v1;
	[tilespmem:s8+$0xFFFFFF70] =	vst v11;
	v12 =	vmul.f32 v15, v0  }
0x3d9: {  	v11 =	vmul.f32 v13, v6;
	[tilespmem:s8+$0xFFFFFF60] =	vst v10;
	v14 =	vmul.f32 v15, v1  }
0x3da: {  	v10 =	vmul.f32 v13, v7;
	v16 =	vmul.f32 v15, v7;
	[tilespmem:s8+$0xFFFFFF80] =	vst v12  }
0x3db: {  	s11 =	simm.s32 $0x8A3;
	v18 =	vmul.f32 v15, v6;
	v17 =	vmul.f32 v15, v5;
	[tilespmem:s8+$0xFFFFFF90] =	vst v14  }
0x3dc: {  	v12 =	vmul.f32 v13, v5;
	v14 =	vmul.f32 v13, v2;
	[tilespmem:s8+$0xFFFFFFA0] =	vst v16;
	v16 =	vmov s11  }
0x3dd: {  	s9 =	simm.s32 $0x0;
	v13 =	vmul.f32 v13, v3;
	[tilespmem:s8+$0xFFFFFFB0] =	vst v18;
	v18 =	vmul.f32 v15, v2  }
.LBB2_26:
0x3de: {  	s11 =	sadd.s32 $0x8A4, s9;
	[tilespmem:s8+$0xFFFFFFC0] =	vst v17;
	v17 =	vmul.f32 v15, v3;
	s10 =	smov.u32 s9  }
0x3df: {  	v15 =	vmul.f32 v15, v4;
	v19 =	vmov s11;
	[tilespmem:s8+$0xFFFFFFD0] =	vst v18  }
0x3e0: {  	s9 =	sadd.s32 $0x4, s9;
	s11 =	sadd.s32 $0x8A6, s10;
	v18 =	vand.u32 $0xFFFFFFFC, v19;
	[tilespmem:s8+$0xFFFFFFE0] =	vst v17  }
0x3e1: {  	p0 =	slt.u32 s9, $0xB4;
	v17 =	vbroadcast v18, $0x0;
	v18 =	vmov s11;
	[tilespmem:s8+$0xFFFFFFF0] =	vst v15;
	v15 =	vld.idx.msk [tilespmem:v16+s31+$0x0], $0xffff  }
0x3e2: {  	v16 =	vand.u32 $0xFFFFFFFE, v18;
	[tilespmem:s8+$0x0] =	vst v8  }
0x3e3: {  	v8 =	vbroadcast v16, $0x0;
	[tilespmem:s8+$0x10] =	vst v9  }
0x3e4: {  	[tilespmem:s8+$0x20] =	vst v10  }
0x3e5: {  	[tilespmem:s8+$0x30] =	vst v11  }
0x3e6: {  	[tilespmem:s8+$0x40] =	vst v12  }
0x3e7: {  	v9 =	vmul.f32 v15, v0;
	v16 =	vld.idx.msk [tilespmem:v17+s31+$0x0], $0xffff;
	[tilespmem:s8+$0x50] =	vst v14  }
0x3e8: {  	s11 =	sadd.s32 $0x8A5, s10;
	v10 =	vmul.f32 v15, v1;
	[tilespmem:s8+$0x60] =	vst v13  }
0x3e9: {  	v11 =	vmov s11;
	v13 =	vld.idx.msk [tilespmem:v8+s31+$0x0], $0xffff;
	[tilespmem:s8+$0x80] =	vst v9;
	v8 =	vmul.f32 v15, v7  }
0x3ea: {  	v9 =	vand.u32 $0xFFFFFFFD, v11;
	[tilespmem:s8+$0x90] =	vst v10;
	v10 =	vmul.f32 v15, v6  }
0x3eb: {  	v14 =	vbroadcast v9, $0x0;
	[tilespmem:s8+$0xA0] =	vst v8;
	v8 =	vmul.f32 v15, v5  }
0x3ec: {  	v9 =	vmul.f32 v15, v2;
	[tilespmem:s8+$0xB0] =	vst v10;
	v10 =	vmul.f32 v15, v3  }
0x3ed: {  	v11 =	vmul.f32 v15, v4;
	v17 =	vmul.f32 v16, v0;
	[tilespmem:s8+$0xC0] =	vst v8  }
0x3ee: {  	v18 =	vmul.f32 v16, v1;
	v19 =	vmul.f32 v16, v7;
	[tilespmem:s8+$0xD0] =	vst v9  }
0x3ef: {  	v8 =	vmul.f32 v13, v0;
	v15 =	vmul.f32 v13, v4;
	[tilespmem:s8+$0xE0] =	vst v10  }
0x3f0: {  	v9 =	vmul.f32 v13, v1;
	v10 =	vmul.f32 v13, v7;
	[tilespmem:s8+$0xF0] =	vst v11;
	s8 =	sadd.s32 $0x200, s8  }
0x3f1: {  	v12 =	vmul.f32 v13, v5;
	v11 =	vmul.f32 v13, v6;
	[tilespmem:s8+$0x70] =	vst v15  }
0x3f2: {  	[tilespmem:s8+$0xFFFFFF00] =	vst v17;
	v15 =	vld.idx.msk [tilespmem:v14+s31+$0x0], $0xffff;
	v14 =	vmul.f32 v13, v2;
	v13 =	vmul.f32 v13, v3  }
0x3f3: {  	v17 =	vmul.f32 v16, v6;
	[tilespmem:s8+$0xFFFFFF10] =	vst v18  }
0x3f4: {  	v18 =	vmul.f32 v16, v5;
	[tilespmem:s8+$0xFFFFFF20] =	vst v19  }
0x3f5: {  	[tilespmem:s8+$0xFFFFFF30] =	vst v17;
	v17 =	vmul.f32 v16, v2  }
0x3f6: {  	[tilespmem:s8+$0xFFFFFF40] =	vst v18;
	v18 =	vmul.f32 v16, v3  }
0x3f7: {  	v16 =	vmul.f32 v16, v4;
	[tilespmem:s8+$0xFFFFFF50] =	vst v17  }
0x3f8: {  	v17 =	vmul.f32 v15, v0;
	[tilespmem:s8+$0xFFFFFF60] =	vst v18  }
.Ltmp12:
0x3f9: {  	[tilespmem:s8+$0xFFFFFF70] =	vst v16;
	v16 =	vmul.f32 v15, v1;
	(pc) =	sbr.rel @p0 .LBB2_26-.Ltmp12, $4  }
0x3fa: {  	[tilespmem:s8+$0xFFFFFF80] =	vst v17;
	v17 =	vmul.f32 v15, v7  }
0x3fb: {  	s10 =	sadd.s32 $0x8A7, s10;
	v18 =	vmul.f32 v15, v6;
	[tilespmem:s8+$0xFFFFFF90] =	vst v16  }
0x3fc: {  	v16 =	vmov s10;
	[tilespmem:s8+$0xFFFFFFA0] =	vst v17;
	v17 =	vmul.f32 v15, v5  }
0x3fd: {  	[tilespmem:s8+$0xFFFFFFB0] =	vst v18;
	v18 =	vmul.f32 v15, v2  }
0x3fe: {  	[tilespmem:s8+$0xFFFFFFC0] =	vst v17  }
0x3ff: {  	[tilespmem:s8+$0x0] =	vst v8  }
0x400: {  	v17 =	vmul.f32 v15, v3;
	v15 =	vmul.f32 v15, v4;
	[tilespmem:s8+$0x10] =	vst v9  }
0x401: {  	[tilespmem:s8+$0x20] =	vst v10  }
0x402: {  	[tilespmem:s8+$0xFFFFFFF0] =	vst v15;
	v15 =	vld.idx.msk [tilespmem:v16+s31+$0x0], $0xffff  }
0x403: {  	[tilespmem:s8+$0x30] =	vst v11  }
0x404: {  	[tilespmem:s8+$0x40] =	vst v12  }
0x405: {  	[tilespmem:s8+$0x50] =	vst v14  }
0x406: {  	[tilespmem:s8+$0x60] =	vst v13  }
0x407: {  	[tilespmem:s8+$0xFFFFFFD0] =	vst v18;
	v8 =	vmul.f32 v15, v0  }
0x408: {  	[tilespmem:s8+$0xFFFFFFE0] =	vst v17;
	v9 =	vmul.f32 v15, v1  }
0x409: {  	[tilespmem:s8+$0x80] =	vst v8;
	v8 =	vmul.f32 v15, v7  }
0x40a: {  	[tilespmem:s8+$0x90] =	vst v9;
	v9 =	vmul.f32 v15, v6  }
0x40b: {  	[tilespmem:s8+$0xA0] =	vst v8;
	v8 =	vmul.f32 v15, v5  }
0x40c: {  	s9 =	simm.s32 $0x95A;
	[tilespmem:s8+$0xB0] =	vst v9;
	v9 =	vmul.f32 v15, v2  }
0x40d: {  	s10 =	simm.s32 $0x958;
	v10 =	vmul.f32 v15, v3;
	[tilespmem:s8+$0xC0] =	vst v8;
	v8 =	vmov s9  }
0x40e: {  	v11 =	vmul.f32 v15, v4;
	[tilespmem:s8+$0xD0] =	vst v9;
	v9 =	vmov s10;
	v8 =	vand.u32 $0xFFFFFFFE, v8  }
0x40f: {  	[tilespmem:s8+$0xE0] =	vst v10;
	v9 =	vand.u32 $0xFFFFFFFC, v9;
	v8 =	vbroadcast v8, $0x0  }
0x410: {  	[tilespmem:s8+$0xF0] =	vst v11;
	v9 =	vbroadcast v9, $0x0  }
0x411: {  	[hbm4b:s19+s4] =	stream.linear.scatter [tilespmem:s1], [sflag:$0x2], $0x5C00, $0x38;
	[tilespmem:$0x1C700] =	vst v63  }
0x412: {  	_ =	swait.ge [sflag:s29], $0x5C00  }
0x413: {  	[sflag:s29] =	ssyncset.done $0x0  }
0x414: {  	[sflag:s29] =	ssyncadd.s32 $0xFFFFA400  }
0x415: {  	s10 =	simm.s32 $0x959;
	v13 =	vld.idx.msk [tilespmem:v8+s31+$0x0], $0xffff  }
0x416: {  	v9 =	vld.idx.msk [tilespmem:v9+s31+$0x0], $0xffff;
	v8 =	vmov s10  }
0x417: {  	v8 =	vand.u32 $0xFFFFFFFD, v8  }
0x418: {  	v8 =	vbroadcast v8, $0x0;
	_ =	sdelay $0x1  }
0x419: {  	v10 =	vmul.f32 v13, v4  }
0x41a: {  	s8 =	simm.s32 $0x16B00;
	v11 =	vmul.f32 v9, v0  }
0x41b: {  	v12 =	vmul.f32 v9, v1;
	[tilespmem:s8+$0x170] =	vst v10  }
0x41c: {  	v10 =	vmul.f32 v9, v7;
	[tilespmem:s8+$0x0] =	vst v11  }
0x41d: {  	[tilespmem:s8+$0x10] =	vst v12;
	v11 =	vmul.f32 v9, v2;
	v15 =	vld.idx.msk [tilespmem:v8+s31+$0x0], $0xffff  }
0x41e: {  	v8 =	vmul.f32 v9, v6;
	[tilespmem:s8+$0x20] =	vst v10  }
0x41f: {  	v10 =	vmul.f32 v9, v5;
	[tilespmem:s8+$0x50] =	vst v11  }
0x420: {  	v11 =	vmul.f32 v9, v4;
	[tilespmem:s8+$0x30] =	vst v8  }
0x421: {  	v8 =	vmul.f32 v13, v0;
	[tilespmem:s8+$0x40] =	vst v10;
	v10 =	vmul.f32 v9, v3  }
0x422: {  	v9 =	vmul.f32 v13, v1;
	[tilespmem:s8+$0x70] =	vst v11;
	v12 =	vmul.f32 v15, v0  }
0x423: {  	v11 =	vmul.f32 v13, v6;
	[tilespmem:s8+$0x60] =	vst v10;
	v14 =	vmul.f32 v15, v1  }
0x424: {  	v10 =	vmul.f32 v13, v7;
	v16 =	vmul.f32 v15, v7;
	[tilespmem:s8+$0x80] =	vst v12  }
0x425: {  	s11 =	simm.s32 $0x95B;
	v18 =	vmul.f32 v15, v6;
	v17 =	vmul.f32 v15, v5;
	[tilespmem:s8+$0x90] =	vst v14  }
0x426: {  	v12 =	vmul.f32 v13, v5;
	v14 =	vmul.f32 v13, v2;
	[tilespmem:s8+$0xA0] =	vst v16;
	v16 =	vmov s11  }
0x427: {  	s9 =	simm.s32 $0x0;
	v13 =	vmul.f32 v13, v3;
	[tilespmem:s8+$0xB0] =	vst v18;
	v18 =	vmul.f32 v15, v2  }
.LBB2_28:
0x428: {  	s11 =	sadd.s32 $0x95C, s9;
	[tilespmem:s8+$0xC0] =	vst v17;
	v17 =	vmul.f32 v15, v3;
	s10 =	smov.u32 s9  }
0x429: {  	v15 =	vmul.f32 v15, v4;
	v19 =	vmov s11;
	[tilespmem:s8+$0xD0] =	vst v18  }
0x42a: {  	s9 =	sadd.s32 $0x4, s9;
	s11 =	sadd.s32 $0x95E, s10;
	v18 =	vand.u32 $0xFFFFFFFC, v19;
	[tilespmem:s8+$0xE0] =	vst v17  }
0x42b: {  	p0 =	slt.u32 s9, $0xB4;
	v17 =	vbroadcast v18, $0x0;
	v18 =	vmov s11;
	[tilespmem:s8+$0xF0] =	vst v15;
	v15 =	vld.idx.msk [tilespmem:v16+s31+$0x0], $0xffff  }
0x42c: {  	v16 =	vand.u32 $0xFFFFFFFE, v18;
	[tilespmem:s8+$0x100] =	vst v8  }
0x42d: {  	v8 =	vbroadcast v16, $0x0;
	[tilespmem:s8+$0x110] =	vst v9  }
0x42e: {  	[tilespmem:s8+$0x120] =	vst v10  }
0x42f: {  	[tilespmem:s8+$0x130] =	vst v11  }
0x430: {  	[tilespmem:s8+$0x140] =	vst v12  }
0x431: {  	v9 =	vmul.f32 v15, v0;
	v16 =	vld.idx.msk [tilespmem:v17+s31+$0x0], $0xffff;
	[tilespmem:s8+$0x150] =	vst v14  }
0x432: {  	s11 =	sadd.s32 $0x95D, s10;
	v10 =	vmul.f32 v15, v1;
	[tilespmem:s8+$0x160] =	vst v13  }
0x433: {  	v11 =	vmov s11;
	v13 =	vld.idx.msk [tilespmem:v8+s31+$0x0], $0xffff;
	[tilespmem:s8+$0x180] =	vst v9;
	v8 =	vmul.f32 v15, v7  }
0x434: {  	v9 =	vand.u32 $0xFFFFFFFD, v11;
	[tilespmem:s8+$0x190] =	vst v10;
	v10 =	vmul.f32 v15, v6  }
0x435: {  	v14 =	vbroadcast v9, $0x0;
	[tilespmem:s8+$0x1A0] =	vst v8;
	v8 =	vmul.f32 v15, v5  }
0x436: {  	v9 =	vmul.f32 v15, v2;
	[tilespmem:s8+$0x1B0] =	vst v10;
	v10 =	vmul.f32 v15, v3  }
0x437: {  	v11 =	vmul.f32 v15, v4;
	v17 =	vmul.f32 v16, v0;
	[tilespmem:s8+$0x1C0] =	vst v8  }
0x438: {  	v18 =	vmul.f32 v16, v1;
	v19 =	vmul.f32 v16, v7;
	[tilespmem:s8+$0x1D0] =	vst v9  }
0x439: {  	v8 =	vmul.f32 v13, v0;
	v15 =	vmul.f32 v13, v4;
	[tilespmem:s8+$0x1E0] =	vst v10  }
0x43a: {  	v9 =	vmul.f32 v13, v1;
	v10 =	vmul.f32 v13, v7;
	[tilespmem:s8+$0x1F0] =	vst v11;
	s8 =	sadd.s32 $0x200, s8  }
0x43b: {  	v12 =	vmul.f32 v13, v5;
	v11 =	vmul.f32 v13, v6;
	[tilespmem:s8+$0x170] =	vst v15  }
0x43c: {  	[tilespmem:s8+$0x0] =	vst v17;
	v15 =	vld.idx.msk [tilespmem:v14+s31+$0x0], $0xffff;
	v14 =	vmul.f32 v13, v2;
	v13 =	vmul.f32 v13, v3  }
0x43d: {  	v17 =	vmul.f32 v16, v6;
	[tilespmem:s8+$0x10] =	vst v18  }
0x43e: {  	v18 =	vmul.f32 v16, v5;
	[tilespmem:s8+$0x20] =	vst v19  }
0x43f: {  	[tilespmem:s8+$0x30] =	vst v17;
	v17 =	vmul.f32 v16, v2  }
0x440: {  	[tilespmem:s8+$0x40] =	vst v18;
	v18 =	vmul.f32 v16, v3  }
0x441: {  	v16 =	vmul.f32 v16, v4;
	[tilespmem:s8+$0x50] =	vst v17  }
0x442: {  	v17 =	vmul.f32 v15, v0;
	[tilespmem:s8+$0x60] =	vst v18  }
.Ltmp13:
0x443: {  	[tilespmem:s8+$0x70] =	vst v16;
	v16 =	vmul.f32 v15, v1;
	(pc) =	sbr.rel @p0 .LBB2_28-.Ltmp13, $4  }
0x444: {  	[tilespmem:s8+$0x80] =	vst v17;
	v17 =	vmul.f32 v15, v7  }
0x445: {  	s10 =	sadd.s32 $0x95F, s10;
	v18 =	vmul.f32 v15, v6;
	[tilespmem:s8+$0x90] =	vst v16  }
0x446: {  	v16 =	vmov s10;
	[tilespmem:s8+$0xA0] =	vst v17;
	v17 =	vmul.f32 v15, v5  }
0x447: {  	[tilespmem:s8+$0xB0] =	vst v18;
	v18 =	vmul.f32 v15, v2  }
0x448: {  	[tilespmem:s8+$0xC0] =	vst v17  }
0x449: {  	[tilespmem:s8+$0x100] =	vst v8  }
0x44a: {  	v17 =	vmul.f32 v15, v3;
	v15 =	vmul.f32 v15, v4;
	[tilespmem:s8+$0x110] =	vst v9  }
0x44b: {  	[tilespmem:s8+$0x120] =	vst v10  }
0x44c: {  	[tilespmem:s8+$0xF0] =	vst v15;
	v15 =	vld.idx.msk [tilespmem:v16+s31+$0x0], $0xffff  }
0x44d: {  	[tilespmem:s8+$0x130] =	vst v11  }
0x44e: {  	[tilespmem:s8+$0x140] =	vst v12  }
0x44f: {  	[tilespmem:s8+$0x150] =	vst v14  }
0x450: {  	[tilespmem:s8+$0x160] =	vst v13  }
0x451: {  	[tilespmem:s8+$0xD0] =	vst v18;
	v8 =	vmul.f32 v15, v0  }
0x452: {  	[tilespmem:s8+$0xE0] =	vst v17;
	v9 =	vmul.f32 v15, v1  }
0x453: {  	[tilespmem:s8+$0x180] =	vst v8;
	v8 =	vmul.f32 v15, v7  }
0x454: {  	[tilespmem:s8+$0x190] =	vst v9;
	v9 =	vmul.f32 v15, v6  }
0x455: {  	[tilespmem:s8+$0x1A0] =	vst v8;
	v8 =	vmul.f32 v15, v5  }
0x456: {  	s9 =	simm.s32 $0xA12;
	[tilespmem:s8+$0x1B0] =	vst v9;
	v9 =	vmul.f32 v15, v2  }
0x457: {  	s10 =	simm.s32 $0xA10;
	v10 =	vmul.f32 v15, v3;
	[tilespmem:s8+$0x1C0] =	vst v8;
	v8 =	vmov s9  }
0x458: {  	v11 =	vmul.f32 v15, v4;
	[tilespmem:s8+$0x1D0] =	vst v9;
	v9 =	vmov s10;
	v8 =	vand.u32 $0xFFFFFFFE, v8  }
0x459: {  	[tilespmem:s8+$0x1E0] =	vst v10;
	v9 =	vand.u32 $0xFFFFFFFC, v9;
	v8 =	vbroadcast v8, $0x0  }
0x45a: {  	[tilespmem:s8+$0x1F0] =	vst v11;
	v9 =	vbroadcast v9, $0x0  }
0x45b: {  	[hbm4b:s20+s4] =	stream.linear.scatter [tilespmem:s2], [sflag:$0x3], $0x5C00, $0x38;
	[tilespmem:$0x1C700] =	vst v63  }
0x45c: {  	_ =	swait.ge [sflag:s30], $0x5C00  }
0x45d: {  	[sflag:s30] =	ssyncset.done $0x0  }
0x45e: {  	[sflag:s30] =	ssyncadd.s32 $0xFFFFA400  }
0x45f: {  	s10 =	simm.s32 $0xA11;
	v13 =	vld.idx.msk [tilespmem:v8+s31+$0x0], $0xffff  }
0x460: {  	v9 =	vld.idx.msk [tilespmem:v9+s31+$0x0], $0xffff;
	v8 =	vmov s10  }
0x461: {  	v8 =	vand.u32 $0xFFFFFFFD, v8  }
0x462: {  	v8 =	vbroadcast v8, $0x0;
	_ =	sdelay $0x1  }
0x463: {  	v10 =	vmul.f32 v13, v4  }
0x464: {  	s8 =	simm.s32 $0x11000;
	v11 =	vmul.f32 v9, v0  }
0x465: {  	v12 =	vmul.f32 v9, v1;
	[tilespmem:s8+$0x70] =	vst v10  }
0x466: {  	v10 =	vmul.f32 v9, v7;
	[tilespmem:s8+$0xFFFFFF00] =	vst v11  }
0x467: {  	[tilespmem:s8+$0xFFFFFF10] =	vst v12;
	v11 =	vmul.f32 v9, v2;
	v15 =	vld.idx.msk [tilespmem:v8+s31+$0x0], $0xffff  }
0x468: {  	v8 =	vmul.f32 v9, v6;
	[tilespmem:s8+$0xFFFFFF20] =	vst v10  }
0x469: {  	v10 =	vmul.f32 v9, v5;
	[tilespmem:s8+$0xFFFFFF50] =	vst v11  }
0x46a: {  	v11 =	vmul.f32 v9, v4;
	[tilespmem:s8+$0xFFFFFF30] =	vst v8  }
0x46b: {  	v8 =	vmul.f32 v13, v0;
	[tilespmem:s8+$0xFFFFFF40] =	vst v10;
	v10 =	vmul.f32 v9, v3  }
0x46c: {  	v9 =	vmul.f32 v13, v1;
	[tilespmem:s8+$0xFFFFFF70] =	vst v11;
	v12 =	vmul.f32 v15, v0  }
0x46d: {  	v11 =	vmul.f32 v13, v6;
	[tilespmem:s8+$0xFFFFFF60] =	vst v10;
	v14 =	vmul.f32 v15, v1  }
0x46e: {  	v10 =	vmul.f32 v13, v7;
	v16 =	vmul.f32 v15, v7;
	[tilespmem:s8+$0xFFFFFF80] =	vst v12  }
0x46f: {  	s11 =	simm.s32 $0xA13;
	v18 =	vmul.f32 v15, v6;
	v17 =	vmul.f32 v15, v5;
	[tilespmem:s8+$0xFFFFFF90] =	vst v14  }
0x470: {  	v12 =	vmul.f32 v13, v5;
	v14 =	vmul.f32 v13, v2;
	[tilespmem:s8+$0xFFFFFFA0] =	vst v16;
	v16 =	vmov s11  }
0x471: {  	s9 =	simm.s32 $0x0;
	v13 =	vmul.f32 v13, v3;
	[tilespmem:s8+$0xFFFFFFB0] =	vst v18;
	v18 =	vmul.f32 v15, v2  }
.LBB2_30:
0x472: {  	s11 =	sadd.s32 $0xA14, s9;
	[tilespmem:s8+$0xFFFFFFC0] =	vst v17;
	v17 =	vmul.f32 v15, v3;
	s10 =	smov.u32 s9  }
0x473: {  	v15 =	vmul.f32 v15, v4;
	v19 =	vmov s11;
	[tilespmem:s8+$0xFFFFFFD0] =	vst v18  }
0x474: {  	s9 =	sadd.s32 $0x4, s9;
	s11 =	sadd.s32 $0xA16, s10;
	v18 =	vand.u32 $0xFFFFFFFC, v19;
	[tilespmem:s8+$0xFFFFFFE0] =	vst v17  }
0x475: {  	p0 =	slt.u32 s9, $0xB4;
	v17 =	vbroadcast v18, $0x0;
	v18 =	vmov s11;
	[tilespmem:s8+$0xFFFFFFF0] =	vst v15;
	v15 =	vld.idx.msk [tilespmem:v16+s31+$0x0], $0xffff  }
0x476: {  	v16 =	vand.u32 $0xFFFFFFFE, v18;
	[tilespmem:s8+$0x0] =	vst v8  }
0x477: {  	v8 =	vbroadcast v16, $0x0;
	[tilespmem:s8+$0x10] =	vst v9  }
0x478: {  	[tilespmem:s8+$0x20] =	vst v10  }
0x479: {  	[tilespmem:s8+$0x30] =	vst v11  }
0x47a: {  	[tilespmem:s8+$0x40] =	vst v12  }
0x47b: {  	v9 =	vmul.f32 v15, v0;
	v16 =	vld.idx.msk [tilespmem:v17+s31+$0x0], $0xffff;
	[tilespmem:s8+$0x50] =	vst v14  }
0x47c: {  	s11 =	sadd.s32 $0xA15, s10;
	v10 =	vmul.f32 v15, v1;
	[tilespmem:s8+$0x60] =	vst v13  }
0x47d: {  	v11 =	vmov s11;
	v13 =	vld.idx.msk [tilespmem:v8+s31+$0x0], $0xffff;
	[tilespmem:s8+$0x80] =	vst v9;
	v8 =	vmul.f32 v15, v7  }
0x47e: {  	v9 =	vand.u32 $0xFFFFFFFD, v11;
	[tilespmem:s8+$0x90] =	vst v10;
	v10 =	vmul.f32 v15, v6  }
0x47f: {  	v14 =	vbroadcast v9, $0x0;
	[tilespmem:s8+$0xA0] =	vst v8;
	v8 =	vmul.f32 v15, v5  }
0x480: {  	v9 =	vmul.f32 v15, v2;
	[tilespmem:s8+$0xB0] =	vst v10;
	v10 =	vmul.f32 v15, v3  }
0x481: {  	v11 =	vmul.f32 v15, v4;
	v17 =	vmul.f32 v16, v0;
	[tilespmem:s8+$0xC0] =	vst v8  }
0x482: {  	v18 =	vmul.f32 v16, v1;
	v19 =	vmul.f32 v16, v7;
	[tilespmem:s8+$0xD0] =	vst v9  }
0x483: {  	v8 =	vmul.f32 v13, v0;
	v15 =	vmul.f32 v13, v4;
	[tilespmem:s8+$0xE0] =	vst v10  }
0x484: {  	v9 =	vmul.f32 v13, v1;
	v10 =	vmul.f32 v13, v7;
	[tilespmem:s8+$0xF0] =	vst v11;
	s8 =	sadd.s32 $0x200, s8  }
0x485: {  	v12 =	vmul.f32 v13, v5;
	v11 =	vmul.f32 v13, v6;
	[tilespmem:s8+$0x70] =	vst v15  }
0x486: {  	[tilespmem:s8+$0xFFFFFF00] =	vst v17;
	v15 =	vld.idx.msk [tilespmem:v14+s31+$0x0], $0xffff;
	v14 =	vmul.f32 v13, v2;
	v13 =	vmul.f32 v13, v3  }
0x487: {  	v17 =	vmul.f32 v16, v6;
	[tilespmem:s8+$0xFFFFFF10] =	vst v18  }
0x488: {  	v18 =	vmul.f32 v16, v5;
	[tilespmem:s8+$0xFFFFFF20] =	vst v19  }
0x489: {  	[tilespmem:s8+$0xFFFFFF30] =	vst v17;
	v17 =	vmul.f32 v16, v2  }
0x48a: {  	[tilespmem:s8+$0xFFFFFF40] =	vst v18;
	v18 =	vmul.f32 v16, v3  }
0x48b: {  	v16 =	vmul.f32 v16, v4;
	[tilespmem:s8+$0xFFFFFF50] =	vst v17  }
0x48c: {  	v17 =	vmul.f32 v15, v0;
	[tilespmem:s8+$0xFFFFFF60] =	vst v18  }
.Ltmp14:
0x48d: {  	[tilespmem:s8+$0xFFFFFF70] =	vst v16;
	v16 =	vmul.f32 v15, v1;
	(pc) =	sbr.rel @p0 .LBB2_30-.Ltmp14, $4  }
0x48e: {  	[tilespmem:s8+$0xFFFFFF80] =	vst v17;
	v17 =	vmul.f32 v15, v7  }
0x48f: {  	s10 =	sadd.s32 $0xA17, s10;
	v18 =	vmul.f32 v15, v6;
	[tilespmem:s8+$0xFFFFFF90] =	vst v16  }
0x490: {  	v16 =	vmov s10;
	[tilespmem:s8+$0xFFFFFFA0] =	vst v17;
	v17 =	vmul.f32 v15, v5  }
0x491: {  	[tilespmem:s8+$0xFFFFFFB0] =	vst v18;
	v18 =	vmul.f32 v15, v2  }
0x492: {  	[tilespmem:s8+$0xFFFFFFC0] =	vst v17  }
0x493: {  	[tilespmem:s8+$0x0] =	vst v8  }
0x494: {  	v17 =	vmul.f32 v15, v3;
	v15 =	vmul.f32 v15, v4;
	[tilespmem:s8+$0x10] =	vst v9  }
0x495: {  	[tilespmem:s8+$0x20] =	vst v10  }
0x496: {  	[tilespmem:s8+$0xFFFFFFF0] =	vst v15;
	v15 =	vld.idx.msk [tilespmem:v16+s31+$0x0], $0xffff  }
0x497: {  	[tilespmem:s8+$0x30] =	vst v11  }
0x498: {  	[tilespmem:s8+$0x40] =	vst v12  }
0x499: {  	[tilespmem:s8+$0x50] =	vst v14  }
0x49a: {  	[tilespmem:s8+$0x60] =	vst v13  }
0x49b: {  	[tilespmem:s8+$0xFFFFFFD0] =	vst v18;
	v8 =	vmul.f32 v15, v0  }
0x49c: {  	[tilespmem:s8+$0xFFFFFFE0] =	vst v17;
	v9 =	vmul.f32 v15, v1  }
0x49d: {  	[tilespmem:s8+$0x80] =	vst v8;
	v8 =	vmul.f32 v15, v7  }
0x49e: {  	[tilespmem:s8+$0x90] =	vst v9;
	v9 =	vmul.f32 v15, v6  }
0x49f: {  	[tilespmem:s8+$0xA0] =	vst v8;
	v8 =	vmul.f32 v15, v5  }
0x4a0: {  	s9 =	simm.s32 $0xACA;
	[tilespmem:s8+$0xB0] =	vst v9;
	v9 =	vmul.f32 v15, v2  }
0x4a1: {  	s10 =	simm.s32 $0xAC8;
	v10 =	vmul.f32 v15, v3;
	[tilespmem:s8+$0xC0] =	vst v8;
	v8 =	vmov s9  }
0x4a2: {  	v11 =	vmul.f32 v15, v4;
	[tilespmem:s8+$0xD0] =	vst v9;
	v9 =	vmov s10;
	v8 =	vand.u32 $0xFFFFFFFE, v8  }
0x4a3: {  	[tilespmem:s8+$0xE0] =	vst v10;
	v9 =	vand.u32 $0xFFFFFFFC, v9;
	v8 =	vbroadcast v8, $0x0  }
0x4a4: {  	[tilespmem:s8+$0xF0] =	vst v11;
	v9 =	vbroadcast v9, $0x0  }
0x4a5: {  	[hbm4b:s21+s4] =	stream.linear.scatter [tilespmem:s1], [sflag:$0x2], $0x5C00, $0x38;
	[tilespmem:$0x1C700] =	vst v63  }
0x4a6: {  	_ =	swait.ge [sflag:s29], $0x5C00  }
0x4a7: {  	[sflag:s29] =	ssyncset.done $0x0  }
0x4a8: {  	[sflag:s29] =	ssyncadd.s32 $0xFFFFA400  }
0x4a9: {  	s10 =	simm.s32 $0xAC9;
	v13 =	vld.idx.msk [tilespmem:v8+s31+$0x0], $0xffff  }
0x4aa: {  	v9 =	vld.idx.msk [tilespmem:v9+s31+$0x0], $0xffff;
	v8 =	vmov s10  }
0x4ab: {  	v8 =	vand.u32 $0xFFFFFFFD, v8  }
0x4ac: {  	v8 =	vbroadcast v8, $0x0;
	_ =	sdelay $0x1  }
0x4ad: {  	v10 =	vmul.f32 v13, v4  }
0x4ae: {  	s8 =	simm.s32 $0x16B00;
	v11 =	vmul.f32 v9, v0  }
0x4af: {  	v12 =	vmul.f32 v9, v1;
	[tilespmem:s8+$0x170] =	vst v10  }
0x4b0: {  	v10 =	vmul.f32 v9, v7;
	[tilespmem:s8+$0x0] =	vst v11  }
0x4b1: {  	[tilespmem:s8+$0x10] =	vst v12;
	v11 =	vmul.f32 v9, v2;
	v15 =	vld.idx.msk [tilespmem:v8+s31+$0x0], $0xffff  }
0x4b2: {  	v8 =	vmul.f32 v9, v6;
	[tilespmem:s8+$0x20] =	vst v10  }
0x4b3: {  	v10 =	vmul.f32 v9, v5;
	[tilespmem:s8+$0x50] =	vst v11  }
0x4b4: {  	v11 =	vmul.f32 v9, v4;
	[tilespmem:s8+$0x30] =	vst v8  }
0x4b5: {  	v8 =	vmul.f32 v13, v0;
	[tilespmem:s8+$0x40] =	vst v10;
	v10 =	vmul.f32 v9, v3  }
0x4b6: {  	v9 =	vmul.f32 v13, v1;
	[tilespmem:s8+$0x70] =	vst v11;
	v12 =	vmul.f32 v15, v0  }
0x4b7: {  	v11 =	vmul.f32 v13, v6;
	[tilespmem:s8+$0x60] =	vst v10;
	v14 =	vmul.f32 v15, v1  }
0x4b8: {  	v10 =	vmul.f32 v13, v7;
	v16 =	vmul.f32 v15, v7;
	[tilespmem:s8+$0x80] =	vst v12  }
0x4b9: {  	s11 =	simm.s32 $0xACB;
	v18 =	vmul.f32 v15, v6;
	v17 =	vmul.f32 v15, v5;
	[tilespmem:s8+$0x90] =	vst v14  }
0x4ba: {  	v12 =	vmul.f32 v13, v5;
	v14 =	vmul.f32 v13, v2;
	[tilespmem:s8+$0xA0] =	vst v16;
	v16 =	vmov s11  }
0x4bb: {  	s9 =	simm.s32 $0x0;
	v13 =	vmul.f32 v13, v3;
	[tilespmem:s8+$0xB0] =	vst v18;
	v18 =	vmul.f32 v15, v2  }
.LBB2_32:
0x4bc: {  	s11 =	sadd.s32 $0xACC, s9;
	[tilespmem:s8+$0xC0] =	vst v17;
	v17 =	vmul.f32 v15, v3;
	s10 =	smov.u32 s9  }
0x4bd: {  	v15 =	vmul.f32 v15, v4;
	v19 =	vmov s11;
	[tilespmem:s8+$0xD0] =	vst v18  }
0x4be: {  	s9 =	sadd.s32 $0x4, s9;
	s11 =	sadd.s32 $0xACE, s10;
	v18 =	vand.u32 $0xFFFFFFFC, v19;
	[tilespmem:s8+$0xE0] =	vst v17  }
0x4bf: {  	p0 =	slt.u32 s9, $0xB4;
	v17 =	vbroadcast v18, $0x0;
	v18 =	vmov s11;
	[tilespmem:s8+$0xF0] =	vst v15;
	v15 =	vld.idx.msk [tilespmem:v16+s31+$0x0], $0xffff  }
0x4c0: {  	v16 =	vand.u32 $0xFFFFFFFE, v18;
	[tilespmem:s8+$0x100] =	vst v8  }
0x4c1: {  	v8 =	vbroadcast v16, $0x0;
	[tilespmem:s8+$0x110] =	vst v9  }
0x4c2: {  	[tilespmem:s8+$0x120] =	vst v10  }
0x4c3: {  	[tilespmem:s8+$0x130] =	vst v11  }
0x4c4: {  	[tilespmem:s8+$0x140] =	vst v12  }
0x4c5: {  	v9 =	vmul.f32 v15, v0;
	v16 =	vld.idx.msk [tilespmem:v17+s31+$0x0], $0xffff;
	[tilespmem:s8+$0x150] =	vst v14  }
0x4c6: {  	s11 =	sadd.s32 $0xACD, s10;
	v10 =	vmul.f32 v15, v1;
	[tilespmem:s8+$0x160] =	vst v13  }
0x4c7: {  	v11 =	vmov s11;
	v13 =	vld.idx.msk [tilespmem:v8+s31+$0x0], $0xffff;
	[tilespmem:s8+$0x180] =	vst v9;
	v8 =	vmul.f32 v15, v7  }
0x4c8: {  	v9 =	vand.u32 $0xFFFFFFFD, v11;
	[tilespmem:s8+$0x190] =	vst v10;
	v10 =	vmul.f32 v15, v6  }
0x4c9: {  	v14 =	vbroadcast v9, $0x0;
	[tilespmem:s8+$0x1A0] =	vst v8;
	v8 =	vmul.f32 v15, v5  }
0x4ca: {  	v9 =	vmul.f32 v15, v2;
	[tilespmem:s8+$0x1B0] =	vst v10;
	v10 =	vmul.f32 v15, v3  }
0x4cb: {  	v11 =	vmul.f32 v15, v4;
	v17 =	vmul.f32 v16, v0;
	[tilespmem:s8+$0x1C0] =	vst v8  }
0x4cc: {  	v18 =	vmul.f32 v16, v1;
	v19 =	vmul.f32 v16, v7;
	[tilespmem:s8+$0x1D0] =	vst v9  }
0x4cd: {  	v8 =	vmul.f32 v13, v0;
	v15 =	vmul.f32 v13, v4;
	[tilespmem:s8+$0x1E0] =	vst v10  }
0x4ce: {  	v9 =	vmul.f32 v13, v1;
	v10 =	vmul.f32 v13, v7;
	[tilespmem:s8+$0x1F0] =	vst v11;
	s8 =	sadd.s32 $0x200, s8  }
0x4cf: {  	v12 =	vmul.f32 v13, v5;
	v11 =	vmul.f32 v13, v6;
	[tilespmem:s8+$0x170] =	vst v15  }
0x4d0: {  	[tilespmem:s8+$0x0] =	vst v17;
	v15 =	vld.idx.msk [tilespmem:v14+s31+$0x0], $0xffff;
	v14 =	vmul.f32 v13, v2;
	v13 =	vmul.f32 v13, v3  }
0x4d1: {  	v17 =	vmul.f32 v16, v6;
	[tilespmem:s8+$0x10] =	vst v18  }
0x4d2: {  	v18 =	vmul.f32 v16, v5;
	[tilespmem:s8+$0x20] =	vst v19  }
0x4d3: {  	[tilespmem:s8+$0x30] =	vst v17;
	v17 =	vmul.f32 v16, v2  }
0x4d4: {  	[tilespmem:s8+$0x40] =	vst v18;
	v18 =	vmul.f32 v16, v3  }
0x4d5: {  	v16 =	vmul.f32 v16, v4;
	[tilespmem:s8+$0x50] =	vst v17  }
0x4d6: {  	v17 =	vmul.f32 v15, v0;
	[tilespmem:s8+$0x60] =	vst v18  }
.Ltmp15:
0x4d7: {  	[tilespmem:s8+$0x70] =	vst v16;
	v16 =	vmul.f32 v15, v1;
	(pc) =	sbr.rel @p0 .LBB2_32-.Ltmp15, $4  }
0x4d8: {  	[tilespmem:s8+$0x80] =	vst v17;
	v17 =	vmul.f32 v15, v7  }
0x4d9: {  	s10 =	sadd.s32 $0xACF, s10;
	v18 =	vmul.f32 v15, v6;
	[tilespmem:s8+$0x90] =	vst v16  }
0x4da: {  	v16 =	vmov s10;
	[tilespmem:s8+$0xA0] =	vst v17;
	v17 =	vmul.f32 v15, v5  }
0x4db: {  	[tilespmem:s8+$0xB0] =	vst v18;
	v18 =	vmul.f32 v15, v2  }
0x4dc: {  	[tilespmem:s8+$0xC0] =	vst v17  }
0x4dd: {  	[tilespmem:s8+$0x100] =	vst v8  }
0x4de: {  	v17 =	vmul.f32 v15, v3;
	v15 =	vmul.f32 v15, v4;
	[tilespmem:s8+$0x110] =	vst v9  }
0x4df: {  	[tilespmem:s8+$0x120] =	vst v10  }
0x4e0: {  	[tilespmem:s8+$0xF0] =	vst v15;
	v15 =	vld.idx.msk [tilespmem:v16+s31+$0x0], $0xffff  }
0x4e1: {  	[tilespmem:s8+$0x130] =	vst v11  }
0x4e2: {  	[tilespmem:s8+$0x140] =	vst v12  }
0x4e3: {  	[tilespmem:s8+$0x150] =	vst v14  }
0x4e4: {  	[tilespmem:s8+$0x160] =	vst v13  }
0x4e5: {  	[tilespmem:s8+$0xD0] =	vst v18;
	v8 =	vmul.f32 v15, v0  }
0x4e6: {  	[tilespmem:s8+$0xE0] =	vst v17;
	v9 =	vmul.f32 v15, v1  }
0x4e7: {  	[tilespmem:s8+$0x180] =	vst v8;
	v8 =	vmul.f32 v15, v7  }
0x4e8: {  	[tilespmem:s8+$0x190] =	vst v9;
	v9 =	vmul.f32 v15, v6  }
0x4e9: {  	[tilespmem:s8+$0x1A0] =	vst v8;
	v8 =	vmul.f32 v15, v5  }
0x4ea: {  	s9 =	simm.s32 $0xB82;
	[tilespmem:s8+$0x1B0] =	vst v9;
	v9 =	vmul.f32 v15, v2  }
0x4eb: {  	s10 =	simm.s32 $0xB80;
	v10 =	vmul.f32 v15, v3;
	[tilespmem:s8+$0x1C0] =	vst v8;
	v8 =	vmov s9  }
0x4ec: {  	v11 =	vmul.f32 v15, v4;
	[tilespmem:s8+$0x1D0] =	vst v9;
	v9 =	vmov s10;
	v8 =	vand.u32 $0xFFFFFFFE, v8  }
0x4ed: {  	[tilespmem:s8+$0x1E0] =	vst v10;
	v9 =	vand.u32 $0xFFFFFFFC, v9;
	v8 =	vbroadcast v8, $0x0  }
0x4ee: {  	[tilespmem:s8+$0x1F0] =	vst v11;
	v9 =	vbroadcast v9, $0x0  }
0x4ef: {  	[hbm4b:s22+s4] =	stream.linear.scatter [tilespmem:s2], [sflag:$0x3], $0x5C00, $0x38;
	[tilespmem:$0x1C700] =	vst v63  }
0x4f0: {  	_ =	swait.ge [sflag:s30], $0x5C00  }
0x4f1: {  	[sflag:s30] =	ssyncset.done $0x0  }
0x4f2: {  	[sflag:s30] =	ssyncadd.s32 $0xFFFFA400  }
0x4f3: {  	s10 =	simm.s32 $0xB81;
	v13 =	vld.idx.msk [tilespmem:v8+s31+$0x0], $0xffff  }
0x4f4: {  	v9 =	vld.idx.msk [tilespmem:v9+s31+$0x0], $0xffff;
	v8 =	vmov s10  }
0x4f5: {  	v8 =	vand.u32 $0xFFFFFFFD, v8  }
0x4f6: {  	v8 =	vbroadcast v8, $0x0;
	_ =	sdelay $0x1  }
0x4f7: {  	v10 =	vmul.f32 v13, v4  }
0x4f8: {  	s8 =	simm.s32 $0x11000;
	v11 =	vmul.f32 v9, v0  }
0x4f9: {  	v12 =	vmul.f32 v9, v1;
	[tilespmem:s8+$0x70] =	vst v10  }
0x4fa: {  	v10 =	vmul.f32 v9, v7;
	[tilespmem:s8+$0xFFFFFF00] =	vst v11  }
0x4fb: {  	[tilespmem:s8+$0xFFFFFF10] =	vst v12;
	v11 =	vmul.f32 v9, v2;
	v15 =	vld.idx.msk [tilespmem:v8+s31+$0x0], $0xffff  }
0x4fc: {  	v8 =	vmul.f32 v9, v6;
	[tilespmem:s8+$0xFFFFFF20] =	vst v10  }
0x4fd: {  	v10 =	vmul.f32 v9, v5;
	[tilespmem:s8+$0xFFFFFF50] =	vst v11  }
0x4fe: {  	v11 =	vmul.f32 v9, v4;
	[tilespmem:s8+$0xFFFFFF30] =	vst v8  }
0x4ff: {  	v8 =	vmul.f32 v13, v0;
	[tilespmem:s8+$0xFFFFFF40] =	vst v10;
	v10 =	vmul.f32 v9, v3  }
0x500: {  	v9 =	vmul.f32 v13, v1;
	[tilespmem:s8+$0xFFFFFF70] =	vst v11;
	v12 =	vmul.f32 v15, v0  }
0x501: {  	v11 =	vmul.f32 v13, v6;
	[tilespmem:s8+$0xFFFFFF60] =	vst v10;
	v14 =	vmul.f32 v15, v1  }
0x502: {  	v10 =	vmul.f32 v13, v7;
	v16 =	vmul.f32 v15, v7;
	[tilespmem:s8+$0xFFFFFF80] =	vst v12  }
0x503: {  	s11 =	simm.s32 $0xB83;
	v18 =	vmul.f32 v15, v6;
	v17 =	vmul.f32 v15, v5;
	[tilespmem:s8+$0xFFFFFF90] =	vst v14  }
0x504: {  	v12 =	vmul.f32 v13, v5;
	v14 =	vmul.f32 v13, v2;
	[tilespmem:s8+$0xFFFFFFA0] =	vst v16;
	v16 =	vmov s11  }
0x505: {  	s9 =	simm.s32 $0x0;
	v13 =	vmul.f32 v13, v3;
	[tilespmem:s8+$0xFFFFFFB0] =	vst v18;
	v18 =	vmul.f32 v15, v2  }
.LBB2_34:
0x506: {  	s11 =	sadd.s32 $0xB84, s9;
	[tilespmem:s8+$0xFFFFFFC0] =	vst v17;
	v17 =	vmul.f32 v15, v3;
	s10 =	smov.u32 s9  }
0x507: {  	v15 =	vmul.f32 v15, v4;
	v19 =	vmov s11;
	[tilespmem:s8+$0xFFFFFFD0] =	vst v18  }
0x508: {  	s9 =	sadd.s32 $0x4, s9;
	s11 =	sadd.s32 $0xB86, s10;
	v18 =	vand.u32 $0xFFFFFFFC, v19;
	[tilespmem:s8+$0xFFFFFFE0] =	vst v17  }
0x509: {  	p0 =	slt.u32 s9, $0xB4;
	v17 =	vbroadcast v18, $0x0;
	v18 =	vmov s11;
	[tilespmem:s8+$0xFFFFFFF0] =	vst v15;
	v15 =	vld.idx.msk [tilespmem:v16+s31+$0x0], $0xffff  }
0x50a: {  	v16 =	vand.u32 $0xFFFFFFFE, v18;
	[tilespmem:s8+$0x0] =	vst v8  }
0x50b: {  	v8 =	vbroadcast v16, $0x0;
	[tilespmem:s8+$0x10] =	vst v9  }
0x50c: {  	[tilespmem:s8+$0x20] =	vst v10  }
0x50d: {  	[tilespmem:s8+$0x30] =	vst v11  }
0x50e: {  	[tilespmem:s8+$0x40] =	vst v12  }
0x50f: {  	v9 =	vmul.f32 v15, v0;
	v16 =	vld.idx.msk [tilespmem:v17+s31+$0x0], $0xffff;
	[tilespmem:s8+$0x50] =	vst v14  }
0x510: {  	s11 =	sadd.s32 $0xB85, s10;
	v10 =	vmul.f32 v15, v1;
	[tilespmem:s8+$0x60] =	vst v13  }
0x511: {  	v11 =	vmov s11;
	v13 =	vld.idx.msk [tilespmem:v8+s31+$0x0], $0xffff;
	[tilespmem:s8+$0x80] =	vst v9;
	v8 =	vmul.f32 v15, v7  }
0x512: {  	v9 =	vand.u32 $0xFFFFFFFD, v11;
	[tilespmem:s8+$0x90] =	vst v10;
	v10 =	vmul.f32 v15, v6  }
0x513: {  	v14 =	vbroadcast v9, $0x0;
	[tilespmem:s8+$0xA0] =	vst v8;
	v8 =	vmul.f32 v15, v5  }
0x514: {  	v9 =	vmul.f32 v15, v2;
	[tilespmem:s8+$0xB0] =	vst v10;
	v10 =	vmul.f32 v15, v3  }
0x515: {  	v11 =	vmul.f32 v15, v4;
	v17 =	vmul.f32 v16, v0;
	[tilespmem:s8+$0xC0] =	vst v8  }
0x516: {  	v18 =	vmul.f32 v16, v1;
	v19 =	vmul.f32 v16, v7;
	[tilespmem:s8+$0xD0] =	vst v9  }
0x517: {  	v8 =	vmul.f32 v13, v0;
	v15 =	vmul.f32 v13, v4;
	[tilespmem:s8+$0xE0] =	vst v10  }
0x518: {  	v9 =	vmul.f32 v13, v1;
	v10 =	vmul.f32 v13, v7;
	[tilespmem:s8+$0xF0] =	vst v11;
	s8 =	sadd.s32 $0x200, s8  }
0x519: {  	v12 =	vmul.f32 v13, v5;
	v11 =	vmul.f32 v13, v6;
	[tilespmem:s8+$0x70] =	vst v15  }
0x51a: {  	[tilespmem:s8+$0xFFFFFF00] =	vst v17;
	v15 =	vld.idx.msk [tilespmem:v14+s31+$0x0], $0xffff;
	v14 =	vmul.f32 v13, v2;
	v13 =	vmul.f32 v13, v3  }
0x51b: {  	v17 =	vmul.f32 v16, v6;
	[tilespmem:s8+$0xFFFFFF10] =	vst v18  }
0x51c: {  	v18 =	vmul.f32 v16, v5;
	[tilespmem:s8+$0xFFFFFF20] =	vst v19  }
0x51d: {  	[tilespmem:s8+$0xFFFFFF30] =	vst v17;
	v17 =	vmul.f32 v16, v2  }
0x51e: {  	[tilespmem:s8+$0xFFFFFF40] =	vst v18;
	v18 =	vmul.f32 v16, v3  }
0x51f: {  	v16 =	vmul.f32 v16, v4;
	[tilespmem:s8+$0xFFFFFF50] =	vst v17  }
0x520: {  	v17 =	vmul.f32 v15, v0;
	[tilespmem:s8+$0xFFFFFF60] =	vst v18  }
.Ltmp16:
0x521: {  	[tilespmem:s8+$0xFFFFFF70] =	vst v16;
	v16 =	vmul.f32 v15, v1;
	(pc) =	sbr.rel @p0 .LBB2_34-.Ltmp16, $4  }
0x522: {  	[tilespmem:s8+$0xFFFFFF80] =	vst v17;
	v17 =	vmul.f32 v15, v7  }
0x523: {  	s10 =	sadd.s32 $0xB87, s10;
	v18 =	vmul.f32 v15, v6;
	[tilespmem:s8+$0xFFFFFF90] =	vst v16  }
0x524: {  	v16 =	vmov s10;
	[tilespmem:s8+$0xFFFFFFA0] =	vst v17;
	v17 =	vmul.f32 v15, v5  }
0x525: {  	[tilespmem:s8+$0xFFFFFFB0] =	vst v18;
	v18 =	vmul.f32 v15, v2  }
0x526: {  	[tilespmem:s8+$0xFFFFFFC0] =	vst v17  }
0x527: {  	[tilespmem:s8+$0x0] =	vst v8  }
0x528: {  	v60 =	vmul.f32 v15, v3;
	v15 =	vmul.f32 v15, v4;
	[tilespmem:s8+$0x10] =	vst v9  }
0x529: {  	[tilespmem:s8+$0x20] =	vst v10  }
0x52a: {  	[tilespmem:s8+$0xFFFFFFF0] =	vst v15;
	v15 =	vld.idx.msk [tilespmem:v16+s31+$0x0], $0xffff  }
0x52b: {  	[tilespmem:s8+$0x30] =	vst v11  }
0x52c: {  	[tilespmem:s8+$0x40] =	vst v12  }
0x52d: {  	[tilespmem:s8+$0x50] =	vst v14  }
0x52e: {  	[tilespmem:s8+$0x60] =	vst v13  }
0x52f: {  	[tilespmem:s8+$0xFFFFFFD0] =	vst v18;
	v8 =	vmul.f32 v15, v0  }
0x530: {  	[tilespmem:s8+$0xFFFFFFE0] =	vst v60;
	v9 =	vmul.f32 v15, v1  }
0x531: {  	v10 =	vmul.f32 v15, v3;
	[tilespmem:s8+$0x80] =	vst v8  }
0x532: {  	v8 =	vmul.f32 v15, v7;
	[tilespmem:s8+$0x90] =	vst v9  }
0x533: {  	v9 =	vmul.f32 v15, v6;
	[tilespmem:s8+$0xE0] =	vst v10  }
0x534: {  	[tilespmem:s8+$0xA0] =	vst v8;
	v8 =	vmul.f32 v15, v5  }
0x535: {  	[tilespmem:s8+$0xB0] =	vst v9;
	v9 =	vmul.f32 v15, v2  }
0x536: {  	[tilespmem:s8+$0xC0] =	vst v8;
	v8 =	vmul.f32 v15, v4  }
0x537: {  	[tilespmem:s8+$0xD0] =	vst v9  }
0x538: {  	[tilespmem:s8+$0xF0] =	vst v8  }
0x539: {  	[hbm4b:s24+s4] =	stream.linear.scatter [tilespmem:s1], [sflag:$0x2], $0x5C00, $0x38;
	[tilespmem:$0x1C700] =	vst v63  }
0x53a: {  	_ =	swait.ge [sflag:s5], $0x4000  }
0x53b: {  	[sflag:s5] =	ssyncset.done $0x0  }
0x53c: {  	[sflag:s5] =	ssyncadd.s32 $0xFFFFC000  }
0x53d: {  	_ =	swait.ge [sflag:s5], $0x4000  }
0x53e: {  	[sflag:s5] =	ssyncset.done $0x0  }
0x53f: {  	[sflag:s5] =	ssyncadd.s32 $0xFFFFC000  }
0x540: {  	_ =	swait.ge [sflag:s5], $0x4000  }
0x541: {  	[sflag:s5] =	ssyncset.done $0x0  }
0x542: {  	[sflag:s5] =	ssyncadd.s32 $0xFFFFC000  }
0x543: {  	_ =	swait.ge [sflag:s5], $0x4000  }
0x544: {  	[sflag:s5] =	ssyncset.done $0x0  }
0x545: {  	s8 =	simm.s32 $0x300;
	[sflag:s5] =	ssyncadd.s32 $0xFFFFC000  }
0x546: {  	v8 =	vld [tilespmem:s8+$0xF0]  }
0x547: {  	v9 =	vld [tilespmem:s8+$0xFFFFFF10]  }
0x548: {  	v10 =	vld [tilespmem:s8+$0xFFFFFF20]  }
0x549: {  	v14 =	vld [tilespmem:s8+$0xFFFFFF60]  }
0x54a: {  	v15 =	vld [tilespmem:s8+$0xFFFFFF70]  }
0x54b: {  	v11 =	vld [tilespmem:s8+$0xFFFFFF30];
	v8 =	vmul.f32 v8, v4  }
0x54c: {  	v12 =	vld [tilespmem:s8+$0xFFFFFF40];
	v9 =	vmul.f32 v9, v1  }
0x54d: {  	v13 =	vld [tilespmem:s8+$0xFFFFFF50];
	v10 =	vmul.f32 v10, v7;
	[tilespmem:s8+$0xF0] =	vst v8  }
0x54e: {  	v61 =	vld [tilespmem:s8+$0xFFFFFF80];
	v14 =	vmul.f32 v14, v3;
	[tilespmem:s8+$0xFFFFFF10] =	vst v9  }
0x54f: {  	v15 =	vmul.f32 v15, v4;
	v8 =	vld [tilespmem:s8+$0xFFFFFF90];
	[tilespmem:s8+$0xFFFFFF20] =	vst v10  }
0x550: {  	v9 =	vmul.f32 v11, v6;
	v11 =	vld [tilespmem:s8+$0xFFFFFFA0];
	[tilespmem:s8+$0xFFFFFF60] =	vst v14  }
0x551: {  	v10 =	vmul.f32 v12, v5;
	v12 =	vld [tilespmem:s8+$0xFFFFFFB0];
	[tilespmem:s8+$0xFFFFFF70] =	vst v15  }
0x552: {  	[tilespmem:s8+$0xFFFFFF30] =	vst v9;
	v9 =	vmul.f32 v13, v2;
	v13 =	vld [tilespmem:s8+$0xFFFFFFC0]  }
0x553: {  	v62 =	vld [tilespmem:s8+$0xFFFFFFD0];
	[tilespmem:s8+$0xFFFFFF40] =	vst v10;
	v10 =	vmul.f32 v61, v0  }
0x554: {  	[tilespmem:s8+$0xFFFFFF50] =	vst v9;
	v9 =	vld [tilespmem:s8+$0xFFFFFFE0];
	v8 =	vmul.f32 v8, v1  }
0x555: {  	[tilespmem:s8+$0xFFFFFF80] =	vst v10;
	v10 =	vld [tilespmem:s8+$0xFFFFFFF0];
	v11 =	vmul.f32 v11, v7  }
0x556: {  	v14 =	vld [tilespmem:s8+$0x0];
	[tilespmem:s8+$0xFFFFFF90] =	vst v8;
	v8 =	vmul.f32 v12, v6  }
0x557: {  	v12 =	vld [tilespmem:s8+$0x10];
	[tilespmem:s8+$0xFFFFFFA0] =	vst v11;
	v11 =	vmul.f32 v13, v5  }
0x558: {  	v13 =	vld [tilespmem:s8+$0x20];
	[tilespmem:s8+$0xFFFFFFB0] =	vst v8;
	v8 =	vmul.f32 v62, v2  }
0x559: {  	v15 =	vld [tilespmem:s8+$0x30];
	[tilespmem:s8+$0xFFFFFFC0] =	vst v11;
	v9 =	vmul.f32 v9, v3  }
0x55a: {  	v11 =	vld [tilespmem:s8+$0x40];
	v10 =	vmul.f32 v10, v4;
	[tilespmem:s8+$0xFFFFFFD0] =	vst v8  }
0x55b: {  	v8 =	vmul.f32 v14, v0;
	v14 =	vld [tilespmem:s8+$0x50];
	[tilespmem:s8+$0xFFFFFFE0] =	vst v9  }
0x55c: {  	v9 =	vld [tilespmem:s8+$0x60];
	[tilespmem:s8+$0xFFFFFFF0] =	vst v10;
	v12 =	vmul.f32 v12, v1  }
0x55d: {  	v10 =	vld [tilespmem:s8+$0x70];
	[tilespmem:s8+$0x0] =	vst v8;
	v8 =	vmul.f32 v13, v7  }
0x55e: {  	v13 =	vld [tilespmem:s8+$0x80];
	[tilespmem:s8+$0x10] =	vst v12;
	v12 =	vmul.f32 v15, v6  }
0x55f: {  	v15 =	vld [tilespmem:s8+$0x90];
	[tilespmem:s8+$0x20] =	vst v8;
	v8 =	vmul.f32 v11, v5  }
0x560: {  	[tilespmem:s8+$0x30] =	vst v12;
	v11 =	vmul.f32 v14, v2;
	v14 =	vld [tilespmem:s8+$0xA0]  }
0x561: {  	v12 =	vmul.f32 v9, v3;
	[tilespmem:s8+$0x40] =	vst v8;
	v8 =	vld [tilespmem:s8+$0xB0]  }
0x562: {  	v9 =	vld [tilespmem:s8+$0xC0];
	[tilespmem:s8+$0x50] =	vst v11;
	v11 =	vmul.f32 v10, v4  }
0x563: {  	[tilespmem:s8+$0x60] =	vst v12;
	v63 =	vmul.f32 v13, v0;
	v10 =	vld [tilespmem:s8+$0xD0]  }
0x564: {  	v13 =	vmul.f32 v15, v1;
	[tilespmem:s8+$0x70] =	vst v11;
	v11 =	vld [tilespmem:s8+$0xE0]  }
0x565: {  	s9 =	simm.s32 $0x0;
	s10 =	simm.s32 $0x500;
	v12 =	vld [tilespmem:s8+$0xFFFFFF00];
	[tilespmem:s8+$0x80] =	vst v63;
	v14 =	vmul.f32 v14, v7  }
.LBB2_36:
0x566: {  	v15 =	vld [tilespmem:s10+$0xF0];
	s9 =	sadd.s32 $0x4, s9;
	[tilespmem:s8+$0x90] =	vst v13;
	v8 =	vmul.f32 v8, v6  }
0x567: {  	v13 =	vld [tilespmem:s10+$0xFFFFFF10];
	p0 =	slt.u32 s9, $0x1FC;
	[tilespmem:s8+$0xA0] =	vst v14;
	v9 =	vmul.f32 v9, v5  }
0x568: {  	v14 =	vld [tilespmem:s10+$0xFFFFFF20];
	[tilespmem:s8+$0xB0] =	vst v8;
	v8 =	vmul.f32 v10, v2  }
0x569: {  	v10 =	vld [tilespmem:s10+$0xFFFFFF30];
	[tilespmem:s8+$0xC0] =	vst v9;
	v9 =	vmul.f32 v11, v3  }
0x56a: {  	v11 =	vld [tilespmem:s10+$0xFFFFFF40];
	v12 =	vmul.f32 v12, v0;
	[tilespmem:s8+$0xD0] =	vst v8  }
0x56b: {  	v8 =	vld [tilespmem:s10+$0xFFFFFF50];
	v15 =	vmul.f32 v15, v4;
	[tilespmem:s8+$0xE0] =	vst v9  }
0x56c: {  	v9 =	vmul.f32 v13, v1;
	v13 =	vld [tilespmem:s10+$0xFFFFFF60];
	[tilespmem:s8+$0xFFFFFF00] =	vst v12;
	s8 =	smov.u32 s10  }
0x56d: {  	v12 =	vmul.f32 v14, v7;
	v14 =	vld [tilespmem:s10+$0xFFFFFF70];
	[tilespmem:s10+$0xF0] =	vst v15  }
0x56e: {  	[tilespmem:s10+$0xFFFFFF10] =	vst v9;
	v9 =	vmul.f32 v10, v6;
	v10 =	vld [tilespmem:s10+$0xFFFFFF80]  }
0x56f: {  	[tilespmem:s10+$0xFFFFFF20] =	vst v12;
	v11 =	vmul.f32 v11, v5;
	v12 =	vld [tilespmem:s10+$0xFFFFFF90]  }
0x570: {  	[tilespmem:s10+$0xFFFFFF30] =	vst v9;
	v8 =	vmul.f32 v8, v2;
	v9 =	vld [tilespmem:s10+$0xFFFFFFA0]  }
0x571: {  	[tilespmem:s10+$0xFFFFFF40] =	vst v11;
	v11 =	vmul.f32 v13, v3;
	v13 =	vld [tilespmem:s10+$0xFFFFFFB0]  }
0x572: {  	[tilespmem:s10+$0xFFFFFF50] =	vst v8;
	v8 =	vmul.f32 v14, v4;
	v14 =	vld [tilespmem:s10+$0xFFFFFFC0]  }
0x573: {  	[tilespmem:s10+$0xFFFFFF60] =	vst v11;
	v10 =	vmul.f32 v10, v0;
	v11 =	vld [tilespmem:s10+$0xFFFFFFD0]  }
0x574: {  	[tilespmem:s10+$0xFFFFFF70] =	vst v8;
	v8 =	vmul.f32 v12, v1;
	v12 =	vld [tilespmem:s10+$0xFFFFFFE0]  }
0x575: {  	[tilespmem:s10+$0xFFFFFF80] =	vst v10;
	v9 =	vmul.f32 v9, v7;
	v10 =	vld [tilespmem:s10+$0xFFFFFFF0]  }
0x576: {  	[tilespmem:s10+$0xFFFFFF90] =	vst v8;
	v8 =	vmul.f32 v13, v6;
	v13 =	vld [tilespmem:s10+$0x0]  }
0x577: {  	[tilespmem:s10+$0xFFFFFFA0] =	vst v9;
	v9 =	vmul.f32 v14, v5;
	v14 =	vld [tilespmem:s10+$0x10]  }
0x578: {  	[tilespmem:s10+$0xFFFFFFB0] =	vst v8;
	v8 =	vmul.f32 v11, v2;
	v11 =	vld [tilespmem:s10+$0x20]  }
0x579: {  	[tilespmem:s10+$0xFFFFFFC0] =	vst v9;
	v9 =	vmul.f32 v12, v3;
	v12 =	vld [tilespmem:s10+$0x30]  }
0x57a: {  	[tilespmem:s10+$0xFFFFFFD0] =	vst v8;
	v8 =	vmul.f32 v10, v4;
	v10 =	vld [tilespmem:s10+$0x40]  }
0x57b: {  	[tilespmem:s10+$0xFFFFFFE0] =	vst v9;
	v9 =	vmul.f32 v13, v0;
	v13 =	vld [tilespmem:s10+$0x50]  }
0x57c: {  	[tilespmem:s10+$0xFFFFFFF0] =	vst v8;
	v8 =	vmul.f32 v14, v1;
	v14 =	vld [tilespmem:s10+$0x60]  }
0x57d: {  	[tilespmem:s10+$0x0] =	vst v9;
	v9 =	vmul.f32 v11, v7;
	v11 =	vld [tilespmem:s10+$0x70]  }
0x57e: {  	[tilespmem:s10+$0x10] =	vst v8;
	v8 =	vmul.f32 v12, v6;
	v12 =	vld [tilespmem:s10+$0x80]  }
0x57f: {  	[tilespmem:s10+$0x20] =	vst v9;
	v9 =	vmul.f32 v10, v5;
	v15 =	vld [tilespmem:s10+$0x90]  }
0x580: {  	[tilespmem:s10+$0x30] =	vst v8;
	v10 =	vmul.f32 v13, v2;
	v16 =	vld [tilespmem:s10+$0xA0]  }
.Ltmp17:
0x581: {  	[tilespmem:s10+$0x40] =	vst v9;
	v13 =	vmul.f32 v14, v3;
	v8 =	vld [tilespmem:s10+$0xB0];
	(pc) =	sbr.rel @p0 .LBB2_36-.Ltmp17, $4  }
0x582: {  	[tilespmem:s10+$0x50] =	vst v10;
	v11 =	vmul.f32 v11, v4;
	v9 =	vld [tilespmem:s10+$0xC0]  }
0x583: {  	[tilespmem:s10+$0x60] =	vst v13;
	v14 =	vmul.f32 v12, v0;
	v10 =	vld [tilespmem:s10+$0xD0]  }
0x584: {  	[tilespmem:s10+$0x70] =	vst v11;
	v13 =	vmul.f32 v15, v1;
	v11 =	vld [tilespmem:s10+$0xE0]  }
0x585: {  	s10 =	sadd.s32 $0x200, s10;
	v12 =	vld [tilespmem:s8+$0xFFFFFF00];
	[tilespmem:s8+$0x80] =	vst v14;
	v14 =	vmul.f32 v16, v7  }
0x586: {  	[tilespmem:s8+$0x90] =	vst v13;
	v1 =	vmul.f32 v8, v6  }
0x587: {  	[tilespmem:s8+$0xA0] =	vst v14;
	v4 =	vmul.f32 v9, v5  }
0x588: {  	[tilespmem:s8+$0xB0] =	vst v1;
	v62 =	vmul.f32 v10, v2  }
0x589: {  	[tilespmem:s8+$0xC0] =	vst v4;
	v63 =	vmul.f32 v11, v3  }
0x58a: {  	v0 =	vmul.f32 v12, v0;
	[tilespmem:s8+$0xD0] =	vst v62  }
0x58b: {  	[tilespmem:s8+$0xE0] =	vst v63  }
0x58c: {  	s9 =	simm.s32 $0x200;
	[tilespmem:s8+$0xFFFFFF00] =	vst v0  }
0x58d: {  	[hbm4b:s23+s4] =	stream.linear.scatter [tilespmem:s9], [sflag:$0x5], $0x10000, $0x38;
	[tilespmem:$0x1C700] =	vst v63  }
0x58e: {  	_ =	swait.ge [sflag:s26], $0x10000  }
0x58f: {  	[sflag:s26] =	ssyncset.done $0x0  }
0x590: {  	s6 =	sadd.s32 $0x1, s6;
	[sflag:s26] =	ssyncadd.s32 $0xFFFF0000  }
0x591: {  	p0 =	sne.s32 s6, s25;
	_ =	swait.ge [sflag:s30], $0x5C00  }
.Ltmp18:
0x592: {  	[sflag:s30] =	ssyncset.done $0x0;
	(pc) =	sbr.rel @p0 .LBB2_1-.Ltmp18, $4  }
0x593: {  	[sflag:s30] =	ssyncadd.s32 $0xFFFFA400  }
0x594: {  	_ =	swait.ge [sflag:s29], $0x5C00  }
0x595: {  	[sflag:s29] =	ssyncset.done $0x0  }
0x596: {  	[sflag:s29] =	ssyncadd.s32 $0xFFFFA400  }
0x597: {  	_ =	sfence.sel $0x180000  }
0x598: {  	[bflag:$0x0] =	sbarrier.arrive $0xFFFF  }
0x599: {  	_ =	strace $0x90000047  }
0x59a: {  	s0 =	stileid.u32;
	[bflag:$0x2] =	sbarrier.arrive $0xFFFF  }
0x59b: {  	p0 =	sne.s32 s0, $0x0;
	s0 =	rddreg [dreg:$0x6]  }
0x59c: {  	s0 =	sadd.s32 @!p0 $0x100000, s0  }
0x59d: {  	[sflag:s0] =	ssyncadd.tile.s32 @!p0 $0x1;
	_ =	shalt  }
.Lfunc_end2:
_tile_overlayer_lowered:
.L_overlay_start_2:
0x59e: {  	(tag) =	ssettag $0x2  }
0x59f: {  	s0 =	rddreg [dreg:$0x0];
	s2 =	stileid.u32  }
0x5a0: {  	s1 =	rddreg [dreg:$0x1];
	p0 =	sne.s32 s2, $0x0  }
0x5a1: {  	s3 =	rddreg [dreg:$0x2];
	[bflag:$0x3] =	sbarrier.arrive $0xFFFF;
	s2 =	simm.s32 @!p0 $0x1C05  }
0x5a2: {  	[timem:s3], [sflag:s2] =	dma.local @!p0 [hbm:s0], s1  }
0x5a3: {  	s0 =	simm.s32 @!p0 $0x5  }
0x5a4: {  	_ =	swait.ge @!p0 [sflag:s0], s1  }
0x5a5: {  	s1 =	ssub.s32 @!p0 $0x0, s1;
	[sflag:s0] =	ssyncset.done @!p0 $0x0  }
0x5a6: {  	[sflag:s0] =	ssyncadd.s32 @!p0 s1  }
0x5a7: {  	[bflag:$0x3] =	sbarrier.arrive $0xFFFF  }
0x5a8: {  	_ =	shalt  }

</sc_bundles>
